<compile_context>
chip_gen: v7x
topology: tpu7x:2x2x1
jax: 0.10.2.dev20260603
libtpu: 0.0.44.dev20260713+nightly
codegen_flags: <defaults>
</compile_context>

<pallas_src>
import functools

import jax
import jax.numpy as jnp
from jax import lax
from jax.experimental import pallas as pl
from jax.experimental.pallas import tpu as pltpu
from jax.experimental.pallas import tpu_sc as plsc

N = 10000
F = 128
FH = 80
HF = F // 2
NINC = 320000
NC = 2
NS = 16
NW = NC * NS
CH = 128
RND = 40
NRND = 2
NCHW = RND * NRND
NPAD = NW * NCHW * CH
ACC_ROWS = 10016
TROWS = ACC_ROWS // NS
PAD = N

_mesh = plsc.VectorSubcoreMesh(core_axis_name="c", subcore_axis_name="s",
                               num_cores=NC, num_subcores=NS)



@functools.partial(
    pl.kernel,
    out_type=jax.ShapeDtypeStruct((NC, 2, ACC_ROWS, FH), jnp.float32),
    mesh=_mesh,
    scratch_types=[
        pltpu.VMEM((RND, CH), jnp.int32),
        pltpu.VMEM((RND, CH), jnp.int32),
        pltpu.VMEM((CH, FH), jnp.float32),
        pltpu.VMEM((CH, FH), jnp.float32),
        pltpu.VMEM_SHARED((ACC_ROWS, FH), jnp.float32),
        pltpu.VMEM_SHARED((ACC_ROWS, FH), jnp.float32),
        pltpu.SemaphoreType.DMA,
        pltpu.SemaphoreType.DMA,
    ],
    compiler_params=pltpu.CompilerParams(use_tc_tiling_on_sc=False),
)
def _sc_seg_sum(tbl, gidx, sidx, zblk, out, gi, si, rows_a, rows_b,
                tsp, acc, sem_a, sem_b):
    c = lax.axis_index("c")
    s = lax.axis_index("s")
    w = c * NS + s
    r0 = s * TROWS

    st = pltpu.async_copy(tbl.at[0, pl.ds(r0, TROWS)],
                          tsp.at[pl.ds(r0, TROWS)], sem_a)
    zr = pltpu.async_copy(zblk, acc.at[pl.ds(r0, TROWS)], sem_b)
    st.wait()
    zr.wait()
    plsc.subcore_barrier()

    for h in range(2):
        def round_body(r, carry):
            row0 = (w * NRND + r) * RND
            pltpu.sync_copy(gidx.at[pl.ds(row0, RND)], gi)
            pltpu.sync_copy(sidx.at[pl.ds(row0, RND)], si)
            pltpu.async_copy(tsp.at[gi.at[0]], rows_a, sem_a)

            def body(j, carry2):
                c0 = 2 * j
                pltpu.async_copy(tsp.at[gi.at[c0 + 1]], rows_b, sem_b)
                pltpu.make_async_copy(tsp.at[gi.at[c0]], rows_a, sem_a).wait()
                pltpu.sync_copy(rows_a, acc.at[si.at[c0]], add=True)
                pltpu.async_copy(tsp.at[gi.at[c0 + 2]], rows_a, sem_a)
                pltpu.make_async_copy(tsp.at[gi.at[c0 + 1]], rows_b, sem_b).wait()
                pltpu.sync_copy(rows_b, acc.at[si.at[c0 + 1]], add=True)
                return carry2

            lax.fori_loop(0, RND // 2 - 1, body, 0)
            pltpu.async_copy(tsp.at[gi.at[RND - 1]], rows_b, sem_b)
            pltpu.make_async_copy(tsp.at[gi.at[RND - 2]], rows_a, sem_a).wait()
            pltpu.sync_copy(rows_a, acc.at[si.at[RND - 2]], add=True)
            pltpu.make_async_copy(tsp.at[gi.at[RND - 1]], rows_b, sem_b).wait()
            pltpu.sync_copy(rows_b, acc.at[si.at[RND - 1]], add=True)
            return carry

        lax.fori_loop(0, NRND, round_body, 0)
        plsc.subcore_barrier()
        co = pltpu.async_copy(acc.at[pl.ds(r0, TROWS)],
                              out.at[c, h, pl.ds(r0, TROWS)], sem_a)
        if h == 0:
            st = pltpu.async_copy(tbl.at[1, pl.ds(r0, TROWS)],
                                  tsp.at[pl.ds(r0, TROWS)], sem_b)
        co.wait()
        if h == 0:
            zr = pltpu.async_copy(zblk, acc.at[pl.ds(r0, TROWS)], sem_a)
            st.wait()
            zr.wait()
            plsc.subcore_barrier()



R = 1000


def _ln_leaky(h, g, b):
    mu = jnp.mean(h, axis=-1, keepdims=True)
    var = jnp.mean((h - mu) ** 2, axis=-1, keepdims=True)
    h = (h - mu) / jnp.sqrt(var + 1e-5) * g + b
    return jnp.where(h >= 0, h, 0.2 * h)


def _pack_halves(feats, extra):
    z = jnp.zeros((feats.shape[0], FH - HF - 1), jnp.float32)
    ta = jnp.concatenate([feats[:, :HF], extra, z], axis=1)
    tb = jnp.concatenate([feats[:, HF:], jnp.zeros_like(extra), z], axis=1)
    return jnp.stack([ta, tb])


def _unpack_sums(sp):
    qa = sp[0, 0] + sp[1, 0]
    qb = sp[0, 1] + sp[1, 1]
    return jnp.concatenate([qa[:, :HF], qb[:, :HF]], axis=1), qa[:, HF:HF + 1]


def _tc_pre_body(x_ref, w1_ref, wb_ref, bb_ref, gb_ref, beb_ref,
                 t1_ref, zb_ref):
    xb = x_ref[...]
    xw1 = jnp.dot(xb, w1_ref[...], preferred_element_type=jnp.float32)
    t1_ref[...] = _pack_halves(xw1, jnp.ones((xw1.shape[0], 1), jnp.float32))
    h = jnp.dot(xb, wb_ref[...], preferred_element_type=jnp.float32) + bb_ref[...]
    zb_ref[...] = _ln_leaky(h, gb_ref[...], beb_ref[...])


def _tc_scale_body(sp_ref, hw_ref, t_ref):
    q, bcnt = _unpack_sums(sp_ref[...])
    binv = jnp.where(bcnt > 0, 1.0 / jnp.where(bcnt > 0, bcnt, 1.0), 0.0)
    t_ref[...] = _pack_halves(binv * q, hw_ref[...])


def _tc_z1_body(sp_ref, b1_ref, g1_ref, be1_ref, w2_ref, z1_ref, t3_ref):
    q, d = _unpack_sums(sp_ref[...])
    dinv = jnp.where(d > 0, 1.0 / jnp.where(d > 0, d, 1.0), 0.0)
    h = dinv * q + b1_ref[...]
    z1 = _ln_leaky(h, g1_ref[...], be1_ref[...])
    z1_ref[...] = z1
    xw2 = jnp.dot(z1, w2_ref[...], preferred_element_type=jnp.float32)
    t3_ref[...] = _pack_halves(xw2, jnp.ones((xw2.shape[0], 1), jnp.float32))


def _tc_tail_body(sp_ref, b2_ref, g2_ref, be2_ref, z1_ref, zb_ref,
                  wg1_ref, bg1_ref, wg2_ref, bg2_ref, wc_ref, bc_ref, out_ref):
    q, d = _unpack_sums(sp_ref[...])
    dinv = jnp.where(d > 0, 1.0 / jnp.where(d > 0, d, 1.0), 0.0)
    h = dinv * q + b2_ref[...]
    z2 = _ln_leaky(h, g2_ref[...], be2_ref[...])
    zsp = z1_ref[...] + z2
    zb = zb_ref[...]
    comb = jnp.concatenate([zsp, zb], axis=1)
    se = jax.nn.relu(jnp.dot(comb, wg1_ref[...], preferred_element_type=jnp.float32)
                     + bg1_ref[...])
    gate = jax.nn.sigmoid(jnp.dot(se, wg2_ref[...], preferred_element_type=jnp.float32)
                          + bg2_ref[...])
    fused = gate * zsp + (1.0 - gate) * zb
    out_ref[...] = jnp.dot(fused, wc_ref[...], preferred_element_type=jnp.float32) + bc_ref[...]


def _row_spec(width):
    return pl.BlockSpec((R, width), lambda i: (i, 0))


def _tbl_spec():
    return pl.BlockSpec((2, R, FH), lambda i: (0, i, 0))


def _part_spec():
    return pl.BlockSpec((NC, 2, R, FH), lambda i: (0, 0, i, 0))


def _full_spec(shape):
    nd = len(shape)
    return pl.BlockSpec(shape, lambda i: (0,) * nd)



def kernel(x, edge_index, edge_weight, W1, b1, g1, be1, W2, b2, g2, be2,
           Wb, bb, gb, beb, Wg1, bg1, Wg2, bg2, Wc, bc):
    node = edge_index[0]
    he = edge_index[1]
    padlen = NPAD - NINC
    node_g = jnp.pad(node, (0, padlen)).reshape(NW * NCHW, CH)
    he_g = jnp.pad(he, (0, padlen)).reshape(NW * NCHW, CH)
    node_s = jnp.pad(node, (0, padlen), constant_values=PAD).reshape(NW * NCHW, CH)
    he_s = jnp.pad(he, (0, padlen), constant_values=PAD).reshape(NW * NCHW, CH)
    zblk = jnp.zeros((TROWS, FH), jnp.float32)
    hw_col = edge_weight.reshape(N, 1)

    grid = (N // R,)
    t1, zb = pl.pallas_call(
        _tc_pre_body,
        grid=grid,
        in_specs=[_row_spec(F), _full_spec((F, F)), _full_spec((F, F)),
                  _full_spec((F,)), _full_spec((F,)), _full_spec((F,))],
        out_specs=[_tbl_spec(), _row_spec(F)],
        out_shape=[jax.ShapeDtypeStruct((2, ACC_ROWS, FH), jnp.float32),
                   jax.ShapeDtypeStruct((N, F), jnp.float32)],
    )(x, W1, Wb, bb, gb, beb)

    def sc_pass(tbl, gidx, sidx):
        return _sc_seg_sum(tbl, gidx, sidx, zblk)

    def tc_scale(spart):
        return pl.pallas_call(
            _tc_scale_body,
            grid=grid,
            in_specs=[_part_spec(), _row_spec(1)],
            out_specs=_tbl_spec(),
            out_shape=jax.ShapeDtypeStruct((2, ACC_ROWS, FH), jnp.float32),
        )(spart, hw_col)

    s1 = sc_pass(t1, node_g, he_s)
    t2 = tc_scale(s1)
    s2 = sc_pass(t2, he_g, node_s)
    z1, t3 = pl.pallas_call(
        _tc_z1_body,
        grid=grid,
        in_specs=[_part_spec(), _full_spec((F,)), _full_spec((F,)),
                  _full_spec((F,)), _full_spec((F, F))],
        out_specs=[_row_spec(F), _tbl_spec()],
        out_shape=[jax.ShapeDtypeStruct((N, F), jnp.float32),
                   jax.ShapeDtypeStruct((2, ACC_ROWS, FH), jnp.float32)],
    )(s2, b1, g1, be1, W2)

    s3 = sc_pass(t3, node_g, he_s)
    t4 = tc_scale(s3)
    s4 = sc_pass(t4, he_g, node_s)

    out = pl.pallas_call(
        _tc_tail_body,
        grid=grid,
        in_specs=[_part_spec(), _full_spec((F,)), _full_spec((F,)),
                  _full_spec((F,)), _row_spec(F), _row_spec(F),
                  _full_spec((2 * F, F // 2)), _full_spec((F // 2,)),
                  _full_spec((F // 2, F)), _full_spec((F,)),
                  _full_spec((F, 1)), _full_spec((1,))],
        out_specs=pl.BlockSpec((R, 1), lambda i: (i, 0)),
        out_shape=jax.ShapeDtypeStruct((N, 1), jnp.float32),
    )(s4, b2, g2, be2, z1, zb, Wg1, bg1, Wg2, bg2, Wc, bc)
    return out

# --- scband reference (transcript-rebuilt; emitter-appended) ---
"""Pipeline reference for scband-sthgnn-22136261443792 (READ-ONLY COPY).

The authoritative reference and input builder live on the scoring server;
editing this copy changes nothing except your own understanding.
"""

import jax, jax.numpy as jnp
import numpy as np

N_NODES = 10000
N_HE = 10000
N_INC = 320000
IN_CH = 128
HID = 128

def _glorot(key, shape):
    lim = np.sqrt(6.0 / (shape[0] + shape[1]))
    return jax.random.uniform(key, shape, jnp.float32, -lim, lim)

def setup_inputs(seed: int = 0):
    key = jax.random.key(seed)
    ks = jax.random.split(key, 16)
    inp = {}
    inp['x'] = jax.random.normal(ks[0], (N_NODES, IN_CH), dtype=jnp.float32)
    inp['edge_index'] = jax.random.randint(ks[1], (2, N_INC), 0, N_NODES, dtype=jnp.int32)
    inp['edge_weight'] = jax.random.uniform(ks[2], (N_HE,), jnp.float32, 0.1, 1.0)
    inp['W1'] = _glorot(ks[3], (IN_CH, HID)); inp['b1'] = jnp.zeros((HID,), jnp.float32)
    inp['g1'] = jnp.ones((HID,), jnp.float32); inp['be1'] = jnp.zeros((HID,), jnp.float32)
    inp['W2'] = _glorot(ks[4], (HID, HID)); inp['b2'] = jnp.zeros((HID,), jnp.float32)
    inp['g2'] = jnp.ones((HID,), jnp.float32); inp['be2'] = jnp.zeros((HID,), jnp.float32)
    inp['Wb'] = _glorot(ks[5], (IN_CH, HID)); inp['bb'] = jnp.zeros((HID,), jnp.float32)
    inp['gb'] = jnp.ones((HID,), jnp.float32); inp['beb'] = jnp.zeros((HID,), jnp.float32)
    inp['Wg1'] = _glorot(ks[6], (2 * HID, HID // 2)); inp['bg1'] = jnp.zeros((HID // 2,), jnp.float32)
    inp['Wg2'] = _glorot(ks[7], (HID // 2, HID)); inp['bg2'] = jnp.zeros((HID,), jnp.float32)
    inp['Wc'] = _glorot(ks[8], (HID, 1)); inp['bc'] = jnp.zeros((1,), jnp.float32)
    return inp

def _layer_norm(h, g, b):
    mu = jnp.mean(h, axis=-1, keepdims=True)
    var = jnp.mean((h - mu) ** 2, axis=-1, keepdims=True)
    return (h - mu) / jnp.sqrt(var + 1e-5) * g + b

def _leaky_relu(h):
    return jnp.where(h >= 0, h, 0.2 * h)

def _hconv(x, edge_index, hw, W, b):
    # Faithful to PyG HypergraphConv (heads=1, no attention):
    # X' = D^{-1} H B H^T (X Theta) + bias, with D built from hyperedge_weight.
    node = edge_index[0]
    he = edge_index[1]
    xw = x @ W
    D = jax.ops.segment_sum(hw[he], node, num_segments=N_NODES)
    Dinv = jnp.where(D > 0, 1.0 / jnp.where(D > 0, D, 1.0), 0.0)
    B = jax.ops.segment_sum(jnp.ones((edge_index.shape[1],), jnp.float32), he, num_segments=N_HE)
    Binv = jnp.where(B > 0, 1.0 / jnp.where(B > 0, B, 1.0), 0.0)
    # node -> hyperedge aggregation (message weighted by norm at dst = B)
    m = jax.ops.segment_sum(Binv[he][:, None] * xw[node], he, num_segments=N_HE)
    # hyperedge -> node aggregation (message weighted by norm at dst = D)
    out = jax.ops.segment_sum(Dinv[node][:, None] * m[he], node, num_segments=N_NODES)
    return out + b

def reference(x, edge_index, edge_weight, W1, b1, g1, be1, W2, b2, g2, be2, Wb, bb, gb, beb, Wg1, bg1, Wg2, bg2, Wc, bc):
    # eval mode: no bernoulli edge dropout, dropout inactive; temp_dim == 0 branch
    z1 = _leaky_relu(_layer_norm(_hconv(x, edge_index, edge_weight, W1, b1), g1, be1))
    z2 = _leaky_relu(_layer_norm(_hconv(z1, edge_index, edge_weight, W2, b2), g2, be2))
    z_spatial = z1 + z2
    z_behavioral = _leaky_relu(_layer_norm(x @ Wb + bb, gb, beb))
    combined = jnp.concatenate([z_spatial, z_behavioral], axis=1)
    se = jax.nn.relu(combined @ Wg1 + bg1)
    gate = jax.nn.sigmoid(se @ Wg2 + bg2)
    z_fused = gate * z_spatial + (1.0 - gate) * z_behavioral
    return z_fused @ Wc + bc

if __name__ == "__main__":
    import jax
    _d = setup_inputs()
    print(jax.jit(kernel)(*tuple(_d.values())))

</pallas_src>

<mosaic_0001>
#map = affine_map<(d0, d1) -> (0, 0, 0)>
#map1 = affine_map<(d0, d1) -> (0, 0)>
#map2 = affine_map<(d0, d1) -> (0, 0, 0, 0)>
module attributes {stable_mosaic.version = 14 : i64} {
  func.func @_sc_seg_sum(%arg0: i32, %arg1: i32, %arg2: memref<2x10016x80xf32, #tpu.memory_space<hbm>>, %arg3: memref<2560x128xi32, #tpu.memory_space<hbm>>, %arg4: memref<2560x128xi32, #tpu.memory_space<hbm>>, %arg5: memref<626x80xf32, #tpu.memory_space<hbm>>, %arg6: memref<2x2x10016x80xf32, #tpu.memory_space<hbm>>, %arg7: memref<40x128xi32, #tpu.memory_space<vmem>>, %arg8: memref<40x128xi32, #tpu.memory_space<vmem>>, %arg9: memref<128x80xf32, #tpu.memory_space<vmem>>, %arg10: memref<128x80xf32, #tpu.memory_space<vmem>>, %arg11: memref<10016x80xf32, #tpu.memory_space<vmem_shared>>, %arg12: memref<10016x80xf32, #tpu.memory_space<vmem_shared>>, %arg13: memref<!tpu.dma_semaphore, #tpu.memory_space<semaphore_mem>>, %arg14: memref<!tpu.dma_semaphore, #tpu.memory_space<semaphore_mem>>) attributes {dimension_semantics = [#tpu.dimension_semantics<core_parallel>, #tpu.dimension_semantics<subcore_parallel>], iteration_bounds = array<i64: 2, 16>, scalar_prefetch = 0 : i64, scratch_operands = 8 : i64, tpu.core_type = #tpu.core_type<sc_vector_subcore>, window_params = [{transform_indices = #map}, {transform_indices = #map1}, {transform_indices = #map1}, {transform_indices = #map1}, {transform_indices = #map2}]} {
    %mul3A = arith.constant 16 : i32
    %mul3A_0 = arith.muli %arg0, %mul3A : i32
    %add3A = arith.addi %mul3A_0, %arg1 : i32
    %mul3A_1 = arith.constant 626 : i32
    %mul3A_2 = arith.muli %arg1, %mul3A_1 : i32
    %dma_start3A = arith.constant 0 : i32
    %dma_start3A_3 = arith.constant 0 : i32
    %dma_start3A_4 = tpu.memref_slice %arg11[%mul3A_2, %dma_start3A_3] : memref<10016x80xf32, #tpu.memory_space<vmem_shared>> -> memref<626x80xf32, #tpu.memory_space<vmem_shared>>
    %dma_start3A_5 = arith.constant 0 : i32
    %dma_start3A_6 = tpu.memref_slice %arg2[%dma_start3A, %mul3A_2, %dma_start3A_5] : memref<2x10016x80xf32, #tpu.memory_space<hbm>> -> memref<1x626x80xf32, #tpu.memory_space<hbm>>
    %dma_start3A_7 = tpu.memref_squeeze %dma_start3A_6 : memref<1x626x80xf32, #tpu.memory_space<hbm>> -> memref<626x80xf32, #tpu.memory_space<hbm>>
    tpu.enqueue_dma source(%dma_start3A_7 : memref<626x80xf32, #tpu.memory_space<hbm>>) target(%dma_start3A_4 : memref<626x80xf32, #tpu.memory_space<vmem_shared>>) target_semaphore(%arg13 : memref<!tpu.dma_semaphore, #tpu.memory_space<semaphore_mem>>)
    %dma_start3A_8 = arith.constant 0 : i32
    %dma_start3A_9 = tpu.memref_slice %arg12[%mul3A_2, %dma_start3A_8] : memref<10016x80xf32, #tpu.memory_space<vmem_shared>> -> memref<626x80xf32, #tpu.memory_space<vmem_shared>>
    tpu.enqueue_dma source(%arg5 : memref<626x80xf32, #tpu.memory_space<hbm>>) target(%dma_start3A_9 : memref<626x80xf32, #tpu.memory_space<vmem_shared>>) target_semaphore(%arg14 : memref<!tpu.dma_semaphore, #tpu.memory_space<semaphore_mem>>)
    %dma_wait3A = arith.constant 0 : i32
    %dma_wait3A_10 = arith.constant 0 : i32
    %dma_wait3A_11 = tpu.memref_slice %arg11[%mul3A_2, %dma_wait3A_10] : memref<10016x80xf32, #tpu.memory_space<vmem_shared>> -> memref<626x80xf32, #tpu.memory_space<vmem_shared>>
    %dma_wait3A_12 = arith.constant 0 : i32
    %dma_wait3A_13 = tpu.memref_slice %arg2[%dma_wait3A, %mul3A_2, %dma_wait3A_12] : memref<2x10016x80xf32, #tpu.memory_space<hbm>> -> memref<1x626x80xf32, #tpu.memory_space<hbm>>
    %dma_wait3A_14 = tpu.memref_squeeze %dma_wait3A_13 : memref<1x626x80xf32, #tpu.memory_space<hbm>> -> memref<626x80xf32, #tpu.memory_space<hbm>>
    tpu.wait_dma2 semaphore(%arg13 : memref<!tpu.dma_semaphore, #tpu.memory_space<semaphore_mem>>) src(%dma_wait3A_14 : memref<626x80xf32, #tpu.memory_space<hbm>>) dst(%dma_wait3A_11 : memref<626x80xf32, #tpu.memory_space<vmem_shared>>)
    %dma_wait3A_15 = arith.constant 0 : i32
    %dma_wait3A_16 = tpu.memref_slice %arg12[%mul3A_2, %dma_wait3A_15] : memref<10016x80xf32, #tpu.memory_space<vmem_shared>> -> memref<626x80xf32, #tpu.memory_space<vmem_shared>>
    tpu.wait_dma2 semaphore(%arg14 : memref<!tpu.dma_semaphore, #tpu.memory_space<semaphore_mem>>) src(%arg5 : memref<626x80xf32, #tpu.memory_space<hbm>>) dst(%dma_wait3A_16 : memref<626x80xf32, #tpu.memory_space<vmem_shared>>)
    %barrier3A = arith.constant 0 : index
    tpu.barrier barrier_id(%barrier3A)
    %scan3A = arith.constant 0 : i32
    %scan3A_17 = arith.constant 0 : i32
    %scan3A_18 = arith.constant 2 : i32
    %scan3A_19 = arith.addi %scan3A_17, %scan3A_18 : i32
    %scan3A_20 = arith.constant 1 : i32
    scf.for %scan3A_71 = %scan3A_17 to %scan3A_19 step %scan3A_20  : i32 {
      %mul3A_72 = arith.constant 2 : i32
      %mul3A_73 = arith.muli %add3A, %mul3A_72 : i32
      %add3A_74 = arith.addi %mul3A_73, %scan3A_71 : i32
      %mul3A_75 = arith.constant 40 : i32
      %mul3A_76 = arith.muli %add3A_74, %mul3A_75 : i32
      "tpu.region"() ({
        %run_scoped3A_112 = tpu.sem_alloc : memref<!tpu.dma_semaphore, #tpu.memory_space<semaphore_mem>>
        %dma_start3A_113 = arith.constant 0 : i32
        %dma_start3A_114 = tpu.memref_slice %arg3[%mul3A_76, %dma_start3A_113] : memref<2560x128xi32, #tpu.memory_space<hbm>> -> memref<40x128xi32, #tpu.memory_space<hbm>>
        %dma_start3A_115 = arith.constant 0 : i32
        %dma_start3A_116 = tpu.memref_slice %arg3[%mul3A_76, %dma_start3A_115] : memref<2560x128xi32, #tpu.memory_space<hbm>> -> memref<40x128xi32, #tpu.memory_space<hbm>>
        tpu.enqueue_dma source(%dma_start3A_116 : memref<40x128xi32, #tpu.memory_space<hbm>>) target(%arg7 : memref<40x128xi32, #tpu.memory_space<vmem>>) target_semaphore(%run_scoped3A_112 : memref<!tpu.dma_semaphore, #tpu.memory_space<semaphore_mem>>)
        %dma_wait3A_117 = arith.constant 0 : i32
        %dma_wait3A_118 = tpu.memref_slice %arg3[%mul3A_76, %dma_wait3A_117] : memref<2560x128xi32, #tpu.memory_space<hbm>> -> memref<40x128xi32, #tpu.memory_space<hbm>>
        %dma_wait3A_119 = arith.constant 0 : i32
        %dma_wait3A_120 = tpu.memref_slice %arg3[%mul3A_76, %dma_wait3A_119] : memref<2560x128xi32, #tpu.memory_space<hbm>> -> memref<40x128xi32, #tpu.memory_space<hbm>>
        tpu.wait_dma2 semaphore(%run_scoped3A_112 : memref<!tpu.dma_semaphore, #tpu.memory_space<semaphore_mem>>) src(%dma_wait3A_120 : memref<40x128xi32, #tpu.memory_space<hbm>>) dst(%arg7 : memref<40x128xi32, #tpu.memory_space<vmem>>)
        tpu.yield
      }) : () -> ()
      "tpu.region"() ({
        %run_scoped3A_112 = tpu.sem_alloc : memref<!tpu.dma_semaphore, #tpu.memory_space<semaphore_mem>>
        %dma_start3A_113 = arith.constant 0 : i32
        %dma_start3A_114 = tpu.memref_slice %arg4[%mul3A_76, %dma_start3A_113] : memref<2560x128xi32, #tpu.memory_space<hbm>> -> memref<40x128xi32, #tpu.memory_space<hbm>>
        %dma_start3A_115 = arith.constant 0 : i32
        %dma_start3A_116 = tpu.memref_slice %arg4[%mul3A_76, %dma_start3A_115] : memref<2560x128xi32, #tpu.memory_space<hbm>> -> memref<40x128xi32, #tpu.memory_space<hbm>>
        tpu.enqueue_dma source(%dma_start3A_116 : memref<40x128xi32, #tpu.memory_space<hbm>>) target(%arg8 : memref<40x128xi32, #tpu.memory_space<vmem>>) target_semaphore(%run_scoped3A_112 : memref<!tpu.dma_semaphore, #tpu.memory_space<semaphore_mem>>)
        %dma_wait3A_117 = arith.constant 0 : i32
        %dma_wait3A_118 = tpu.memref_slice %arg4[%mul3A_76, %dma_wait3A_117] : memref<2560x128xi32, #tpu.memory_space<hbm>> -> memref<40x128xi32, #tpu.memory_space<hbm>>
        %dma_wait3A_119 = arith.constant 0 : i32
        %dma_wait3A_120 = tpu.memref_slice %arg4[%mul3A_76, %dma_wait3A_119] : memref<2560x128xi32, #tpu.memory_space<hbm>> -> memref<40x128xi32, #tpu.memory_space<hbm>>
        tpu.wait_dma2 semaphore(%run_scoped3A_112 : memref<!tpu.dma_semaphore, #tpu.memory_space<semaphore_mem>>) src(%dma_wait3A_120 : memref<40x128xi32, #tpu.memory_space<hbm>>) dst(%arg8 : memref<40x128xi32, #tpu.memory_space<vmem>>)
        tpu.yield
      }) : () -> ()
      %dma_start3A_77 = arith.constant 0 : i32
      %dma_start3A_78 = arith.constant 0 : i32
      %dma_start3A_79 = tpu.memref_slice %arg7[%dma_start3A_77, %dma_start3A_78] : memref<40x128xi32, #tpu.memory_space<vmem>> -> memref<1x128xi32, #tpu.memory_space<vmem>>
      %dma_start3A_80 = tpu.memref_squeeze %dma_start3A_79 : memref<1x128xi32, #tpu.memory_space<vmem>> -> memref<128xi32, #tpu.memory_space<vmem>>
      %dma_start3A_81 = arith.constant 0 : i32
      %dma_start3A_82 = arith.constant 0 : i32
      %dma_start3A_83 = tpu.memref_slice %arg11[%dma_start3A_81, %dma_start3A_82] : memref<10016x80xf32, #tpu.memory_space<vmem_shared>> -> memref<10016x80xf32, #tpu.memory_space<vmem_shared>>
      tpu.enqueue_indirect_dma source(%dma_start3A_83 : memref<10016x80xf32, #tpu.memory_space<vmem_shared>>) target(%arg9 : memref<128x80xf32, #tpu.memory_space<vmem>>) offsets(%dma_start3A_80 : memref<128xi32, #tpu.memory_space<vmem>>) semaphore(%arg13 : memref<!tpu.dma_semaphore, #tpu.memory_space<semaphore_mem>>)
      %scan3A_84 = arith.constant 0 : i32
      %scan3A_85 = arith.constant 0 : i32
      %scan3A_86 = arith.constant 19 : i32
      %scan3A_87 = arith.addi %scan3A_85, %scan3A_86 : i32
      %scan3A_88 = arith.constant 1 : i32
      scf.for %scan3A_112 = %scan3A_85 to %scan3A_87 step %scan3A_88  : i32 {
        %mul3A_113 = arith.constant 2 : i32
        %mul3A_114 = arith.muli %mul3A_113, %scan3A_112 : i32
        %add3A_115 = arith.constant 1 : i32
        %add3A_116 = arith.addi %mul3A_114, %add3A_115 : i32
        %dma_start3A_117 = arith.constant 0 : i32
        %dma_start3A_118 = tpu.memref_slice %arg7[%add3A_116, %dma_start3A_117] : memref<40x128xi32, #tpu.memory_space<vmem>> -> memref<1x128xi32, #tpu.memory_space<vmem>>
        %dma_start3A_119 = tpu.memref_squeeze %dma_start3A_118 : memref<1x128xi32, #tpu.memory_space<vmem>> -> memref<128xi32, #tpu.memory_space<vmem>>
        %dma_start3A_120 = arith.constant 0 : i32
        %dma_start3A_121 = arith.constant 0 : i32
        %dma_start3A_122 = tpu.memref_slice %arg11[%dma_start3A_120, %dma_start3A_121] : memref<10016x80xf32, #tpu.memory_space<vmem_shared>> -> memref<10016x80xf32, #tpu.memory_space<vmem_shared>>
        tpu.enqueue_indirect_dma source(%dma_start3A_122 : memref<10016x80xf32, #tpu.memory_space<vmem_shared>>) target(%arg10 : memref<128x80xf32, #tpu.memory_space<vmem>>) offsets(%dma_start3A_119 : memref<128xi32, #tpu.memory_space<vmem>>) semaphore(%arg14 : memref<!tpu.dma_semaphore, #tpu.memory_space<semaphore_mem>>)
        %dma_wait3A_123 = arith.constant 0 : i32
        %dma_wait3A_124 = tpu.memref_slice %arg7[%mul3A_114, %dma_wait3A_123] : memref<40x128xi32, #tpu.memory_space<vmem>> -> memref<1x128xi32, #tpu.memory_space<vmem>>
        %dma_wait3A_125 = tpu.memref_squeeze %dma_wait3A_124 : memref<1x128xi32, #tpu.memory_space<vmem>> -> memref<128xi32, #tpu.memory_space<vmem>>
        %dma_wait3A_126 = arith.constant 0 : i32
        %dma_wait3A_127 = arith.constant 0 : i32
        %dma_wait3A_128 = tpu.memref_slice %arg11[%dma_wait3A_126, %dma_wait3A_127] : memref<10016x80xf32, #tpu.memory_space<vmem_shared>> -> memref<10016x80xf32, #tpu.memory_space<vmem_shared>>
        tpu.wait_indirect_dma semaphore(%arg13 : memref<!tpu.dma_semaphore, #tpu.memory_space<semaphore_mem>>) src(%dma_wait3A_128 : memref<10016x80xf32, #tpu.memory_space<vmem_shared>>) dst(%arg9 : memref<128x80xf32, #tpu.memory_space<vmem>>)
        "tpu.region"() ({
          %run_scoped3A_147 = tpu.sem_alloc : memref<!tpu.dma_semaphore, #tpu.memory_space<semaphore_mem>>
          %dma_start3A_148 = arith.constant 0 : i32
          %dma_start3A_149 = tpu.memref_slice %arg8[%mul3A_114, %dma_start3A_148] : memref<40x128xi32, #tpu.memory_space<vmem>> -> memref<1x128xi32, #tpu.memory_space<vmem>>
          %dma_start3A_150 = tpu.memref_squeeze %dma_start3A_149 : memref<1x128xi32, #tpu.memory_space<vmem>> -> memref<128xi32, #tpu.memory_space<vmem>>
          %dma_start3A_151 = arith.constant 0 : i32
          %dma_start3A_152 = arith.constant 0 : i32
          %dma_start3A_153 = tpu.memref_slice %arg12[%dma_start3A_151, %dma_start3A_152] : memref<10016x80xf32, #tpu.memory_space<vmem_shared>> -> memref<10016x80xf32, #tpu.memory_space<vmem_shared>>
          tpu.enqueue_indirect_dma source(%arg9 : memref<128x80xf32, #tpu.memory_space<vmem>>) target(%dma_start3A_153 : memref<10016x80xf32, #tpu.memory_space<vmem_shared>>) offsets(%dma_start3A_150 : memref<128xi32, #tpu.memory_space<vmem>>) semaphore(%run_scoped3A_147 : memref<!tpu.dma_semaphore, #tpu.memory_space<semaphore_mem>>) {add = true}
          %dma_wait3A_154 = arith.constant 0 : i32
          %dma_wait3A_155 = tpu.memref_slice %arg8[%mul3A_114, %dma_wait3A_154] : memref<40x128xi32, #tpu.memory_space<vmem>> -> memref<1x128xi32, #tpu.memory_space<vmem>>
          %dma_wait3A_156 = tpu.memref_squeeze %dma_wait3A_155 : memref<1x128xi32, #tpu.memory_space<vmem>> -> memref<128xi32, #tpu.memory_space<vmem>>
          %dma_wait3A_157 = arith.constant 0 : i32
          %dma_wait3A_158 = arith.constant 0 : i32
          %dma_wait3A_159 = tpu.memref_slice %arg12[%dma_wait3A_157, %dma_wait3A_158] : memref<10016x80xf32, #tpu.memory_space<vmem_shared>> -> memref<10016x80xf32, #tpu.memory_space<vmem_shared>>
          tpu.wait_indirect_dma semaphore(%run_scoped3A_147 : memref<!tpu.dma_semaphore, #tpu.memory_space<semaphore_mem>>) src(%arg9 : memref<128x80xf32, #tpu.memory_space<vmem>>) dst(%dma_wait3A_159 : memref<10016x80xf32, #tpu.memory_space<vmem_shared>>)
          tpu.yield
        }) : () -> ()
        %add3A_129 = arith.constant 2 : i32
        %add3A_130 = arith.addi %mul3A_114, %add3A_129 : i32
        %dma_start3A_131 = arith.constant 0 : i32
        %dma_start3A_132 = tpu.memref_slice %arg7[%add3A_130, %dma_start3A_131] : memref<40x128xi32, #tpu.memory_space<vmem>> -> memref<1x128xi32, #tpu.memory_space<vmem>>
        %dma_start3A_133 = tpu.memref_squeeze %dma_start3A_132 : memref<1x128xi32, #tpu.memory_space<vmem>> -> memref<128xi32, #tpu.memory_space<vmem>>
        %dma_start3A_134 = arith.constant 0 : i32
        %dma_start3A_135 = arith.constant 0 : i32
        %dma_start3A_136 = tpu.memref_slice %arg11[%dma_start3A_134, %dma_start3A_135] : memref<10016x80xf32, #tpu.memory_space<vmem_shared>> -> memref<10016x80xf32, #tpu.memory_space<vmem_shared>>
        tpu.enqueue_indirect_dma source(%dma_start3A_136 : memref<10016x80xf32, #tpu.memory_space<vmem_shared>>) target(%arg9 : memref<128x80xf32, #tpu.memory_space<vmem>>) offsets(%dma_start3A_133 : memref<128xi32, #tpu.memory_space<vmem>>) semaphore(%arg13 : memref<!tpu.dma_semaphore, #tpu.memory_space<semaphore_mem>>)
        %add3A_137 = arith.constant 1 : i32
        %add3A_138 = arith.addi %mul3A_114, %add3A_137 : i32
        %dma_wait3A_139 = arith.constant 0 : i32
        %dma_wait3A_140 = tpu.memref_slice %arg7[%add3A_138, %dma_wait3A_139] : memref<40x128xi32, #tpu.memory_space<vmem>> -> memref<1x128xi32, #tpu.memory_space<vmem>>
        %dma_wait3A_141 = tpu.memref_squeeze %dma_wait3A_140 : memref<1x128xi32, #tpu.memory_space<vmem>> -> memref<128xi32, #tpu.memory_space<vmem>>
        %dma_wait3A_142 = arith.constant 0 : i32
        %dma_wait3A_143 = arith.constant 0 : i32
        %dma_wait3A_144 = tpu.memref_slice %arg11[%dma_wait3A_142, %dma_wait3A_143] : memref<10016x80xf32, #tpu.memory_space<vmem_shared>> -> memref<10016x80xf32, #tpu.memory_space<vmem_shared>>
        tpu.wait_indirect_dma semaphore(%arg14 : memref<!tpu.dma_semaphore, #tpu.memory_space<semaphore_mem>>) src(%dma_wait3A_144 : memref<10016x80xf32, #tpu.memory_space<vmem_shared>>) dst(%arg10 : memref<128x80xf32, #tpu.memory_space<vmem>>)
        %add3A_145 = arith.constant 1 : i32
        %add3A_146 = arith.addi %mul3A_114, %add3A_145 : i32
        "tpu.region"() ({
          %run_scoped3A_147 = tpu.sem_alloc : memref<!tpu.dma_semaphore, #tpu.memory_space<semaphore_mem>>
          %dma_start3A_148 = arith.constant 0 : i32
          %dma_start3A_149 = tpu.memref_slice %arg8[%add3A_146, %dma_start3A_148] : memref<40x128xi32, #tpu.memory_space<vmem>> -> memref<1x128xi32, #tpu.memory_space<vmem>>
          %dma_start3A_150 = tpu.memref_squeeze %dma_start3A_149 : memref<1x128xi32, #tpu.memory_space<vmem>> -> memref<128xi32, #tpu.memory_space<vmem>>
          %dma_start3A_151 = arith.constant 0 : i32
          %dma_start3A_152 = arith.constant 0 : i32
          %dma_start3A_153 = tpu.memref_slice %arg12[%dma_start3A_151, %dma_start3A_152] : memref<10016x80xf32, #tpu.memory_space<vmem_shared>> -> memref<10016x80xf32, #tpu.memory_space<vmem_shared>>
          tpu.enqueue_indirect_dma source(%arg10 : memref<128x80xf32, #tpu.memory_space<vmem>>) target(%dma_start3A_153 : memref<10016x80xf32, #tpu.memory_space<vmem_shared>>) offsets(%dma_start3A_150 : memref<128xi32, #tpu.memory_space<vmem>>) semaphore(%run_scoped3A_147 : memref<!tpu.dma_semaphore, #tpu.memory_space<semaphore_mem>>) {add = true}
          %dma_wait3A_154 = arith.constant 0 : i32
          %dma_wait3A_155 = tpu.memref_slice %arg8[%add3A_146, %dma_wait3A_154] : memref<40x128xi32, #tpu.memory_space<vmem>> -> memref<1x128xi32, #tpu.memory_space<vmem>>
          %dma_wait3A_156 = tpu.memref_squeeze %dma_wait3A_155 : memref<1x128xi32, #tpu.memory_space<vmem>> -> memref<128xi32, #tpu.memory_space<vmem>>
          %dma_wait3A_157 = arith.constant 0 : i32
          %dma_wait3A_158 = arith.constant 0 : i32
          %dma_wait3A_159 = tpu.memref_slice %arg12[%dma_wait3A_157, %dma_wait3A_158] : memref<10016x80xf32, #tpu.memory_space<vmem_shared>> -> memref<10016x80xf32, #tpu.memory_space<vmem_shared>>
          tpu.wait_indirect_dma semaphore(%run_scoped3A_147 : memref<!tpu.dma_semaphore, #tpu.memory_space<semaphore_mem>>) src(%arg10 : memref<128x80xf32, #tpu.memory_space<vmem>>) dst(%dma_wait3A_159 : memref<10016x80xf32, #tpu.memory_space<vmem_shared>>)
          tpu.yield
        }) : () -> ()
      }
      %scan3A_89 = arith.constant 19 : i32
      %dma_start3A_90 = arith.constant 39 : i32
      %dma_start3A_91 = arith.constant 0 : i32
      %dma_start3A_92 = tpu.memref_slice %arg7[%dma_start3A_90, %dma_start3A_91] : memref<40x128xi32, #tpu.memory_space<vmem>> -> memref<1x128xi32, #tpu.memory_space<vmem>>
      %dma_start3A_93 = tpu.memref_squeeze %dma_start3A_92 : memref<1x128xi32, #tpu.memory_space<vmem>> -> memref<128xi32, #tpu.memory_space<vmem>>
      %dma_start3A_94 = arith.constant 0 : i32
      %dma_start3A_95 = arith.constant 0 : i32
      %dma_start3A_96 = tpu.memref_slice %arg11[%dma_start3A_94, %dma_start3A_95] : memref<10016x80xf32, #tpu.memory_space<vmem_shared>> -> memref<10016x80xf32, #tpu.memory_space<vmem_shared>>
      tpu.enqueue_indirect_dma source(%dma_start3A_96 : memref<10016x80xf32, #tpu.memory_space<vmem_shared>>) target(%arg10 : memref<128x80xf32, #tpu.memory_space<vmem>>) offsets(%dma_start3A_93 : memref<128xi32, #tpu.memory_space<vmem>>) semaphore(%arg14 : memref<!tpu.dma_semaphore, #tpu.memory_space<semaphore_mem>>)
      %dma_wait3A_97 = arith.constant 38 : i32
      %dma_wait3A_98 = arith.constant 0 : i32
      %dma_wait3A_99 = tpu.memref_slice %arg7[%dma_wait3A_97, %dma_wait3A_98] : memref<40x128xi32, #tpu.memory_space<vmem>> -> memref<1x128xi32, #tpu.memory_space<vmem>>
      %dma_wait3A_100 = tpu.memref_squeeze %dma_wait3A_99 : memref<1x128xi32, #tpu.memory_space<vmem>> -> memref<128xi32, #tpu.memory_space<vmem>>
      %dma_wait3A_101 = arith.constant 0 : i32
      %dma_wait3A_102 = arith.constant 0 : i32
      %dma_wait3A_103 = tpu.memref_slice %arg11[%dma_wait3A_101, %dma_wait3A_102] : memref<10016x80xf32, #tpu.memory_space<vmem_shared>> -> memref<10016x80xf32, #tpu.memory_space<vmem_shared>>
      tpu.wait_indirect_dma semaphore(%arg13 : memref<!tpu.dma_semaphore, #tpu.memory_space<semaphore_mem>>) src(%dma_wait3A_103 : memref<10016x80xf32, #tpu.memory_space<vmem_shared>>) dst(%arg9 : memref<128x80xf32, #tpu.memory_space<vmem>>)
      %run_scoped3A = arith.constant 38 : i32
      "tpu.region"() ({
        %run_scoped3A_112 = tpu.sem_alloc : memref<!tpu.dma_semaphore, #tpu.memory_space<semaphore_mem>>
        %dma_start3A_113 = arith.constant 0 : i32
        %dma_start3A_114 = tpu.memref_slice %arg8[%run_scoped3A, %dma_start3A_113] : memref<40x128xi32, #tpu.memory_space<vmem>> -> memref<1x128xi32, #tpu.memory_space<vmem>>
        %dma_start3A_115 = tpu.memref_squeeze %dma_start3A_114 : memref<1x128xi32, #tpu.memory_space<vmem>> -> memref<128xi32, #tpu.memory_space<vmem>>
        %dma_start3A_116 = arith.constant 0 : i32
        %dma_start3A_117 = arith.constant 0 : i32
        %dma_start3A_118 = tpu.memref_slice %arg12[%dma_start3A_116, %dma_start3A_117] : memref<10016x80xf32, #tpu.memory_space<vmem_shared>> -> memref<10016x80xf32, #tpu.memory_space<vmem_shared>>
        tpu.enqueue_indirect_dma source(%arg9 : memref<128x80xf32, #tpu.memory_space<vmem>>) target(%dma_start3A_118 : memref<10016x80xf32, #tpu.memory_space<vmem_shared>>) offsets(%dma_start3A_115 : memref<128xi32, #tpu.memory_space<vmem>>) semaphore(%run_scoped3A_112 : memref<!tpu.dma_semaphore, #tpu.memory_space<semaphore_mem>>) {add = true}
        %dma_wait3A_119 = arith.constant 0 : i32
        %dma_wait3A_120 = tpu.memref_slice %arg8[%run_scoped3A, %dma_wait3A_119] : memref<40x128xi32, #tpu.memory_space<vmem>> -> memref<1x128xi32, #tpu.memory_space<vmem>>
        %dma_wait3A_121 = tpu.memref_squeeze %dma_wait3A_120 : memref<1x128xi32, #tpu.memory_space<vmem>> -> memref<128xi32, #tpu.memory_space<vmem>>
        %dma_wait3A_122 = arith.constant 0 : i32
        %dma_wait3A_123 = arith.constant 0 : i32
        %dma_wait3A_124 = tpu.memref_slice %arg12[%dma_wait3A_122, %dma_wait3A_123] : memref<10016x80xf32, #tpu.memory_space<vmem_shared>> -> memref<10016x80xf32, #tpu.memory_space<vmem_shared>>
        tpu.wait_indirect_dma semaphore(%run_scoped3A_112 : memref<!tpu.dma_semaphore, #tpu.memory_space<semaphore_mem>>) src(%arg9 : memref<128x80xf32, #tpu.memory_space<vmem>>) dst(%dma_wait3A_124 : memref<10016x80xf32, #tpu.memory_space<vmem_shared>>)
        tpu.yield
      }) : () -> ()
      %dma_wait3A_104 = arith.constant 39 : i32
      %dma_wait3A_105 = arith.constant 0 : i32
      %dma_wait3A_106 = tpu.memref_slice %arg7[%dma_wait3A_104, %dma_wait3A_105] : memref<40x128xi32, #tpu.memory_space<vmem>> -> memref<1x128xi32, #tpu.memory_space<vmem>>
      %dma_wait3A_107 = tpu.memref_squeeze %dma_wait3A_106 : memref<1x128xi32, #tpu.memory_space<vmem>> -> memref<128xi32, #tpu.memory_space<vmem>>
      %dma_wait3A_108 = arith.constant 0 : i32
      %dma_wait3A_109 = arith.constant 0 : i32
      %dma_wait3A_110 = tpu.memref_slice %arg11[%dma_wait3A_108, %dma_wait3A_109] : memref<10016x80xf32, #tpu.memory_space<vmem_shared>> -> memref<10016x80xf32, #tpu.memory_space<vmem_shared>>
      tpu.wait_indirect_dma semaphore(%arg14 : memref<!tpu.dma_semaphore, #tpu.memory_space<semaphore_mem>>) src(%dma_wait3A_110 : memref<10016x80xf32, #tpu.memory_space<vmem_shared>>) dst(%arg10 : memref<128x80xf32, #tpu.memory_space<vmem>>)
      %run_scoped3A_111 = arith.constant 39 : i32
      "tpu.region"() ({
        %run_scoped3A_112 = tpu.sem_alloc : memref<!tpu.dma_semaphore, #tpu.memory_space<semaphore_mem>>
        %dma_start3A_113 = arith.constant 0 : i32
        %dma_start3A_114 = tpu.memref_slice %arg8[%run_scoped3A_111, %dma_start3A_113] : memref<40x128xi32, #tpu.memory_space<vmem>> -> memref<1x128xi32, #tpu.memory_space<vmem>>
        %dma_start3A_115 = tpu.memref_squeeze %dma_start3A_114 : memref<1x128xi32, #tpu.memory_space<vmem>> -> memref<128xi32, #tpu.memory_space<vmem>>
        %dma_start3A_116 = arith.constant 0 : i32
        %dma_start3A_117 = arith.constant 0 : i32
        %dma_start3A_118 = tpu.memref_slice %arg12[%dma_start3A_116, %dma_start3A_117] : memref<10016x80xf32, #tpu.memory_space<vmem_shared>> -> memref<10016x80xf32, #tpu.memory_space<vmem_shared>>
        tpu.enqueue_indirect_dma source(%arg10 : memref<128x80xf32, #tpu.memory_space<vmem>>) target(%dma_start3A_118 : memref<10016x80xf32, #tpu.memory_space<vmem_shared>>) offsets(%dma_start3A_115 : memref<128xi32, #tpu.memory_space<vmem>>) semaphore(%run_scoped3A_112 : memref<!tpu.dma_semaphore, #tpu.memory_space<semaphore_mem>>) {add = true}
        %dma_wait3A_119 = arith.constant 0 : i32
        %dma_wait3A_120 = tpu.memref_slice %arg8[%run_scoped3A_111, %dma_wait3A_119] : memref<40x128xi32, #tpu.memory_space<vmem>> -> memref<1x128xi32, #tpu.memory_space<vmem>>
        %dma_wait3A_121 = tpu.memref_squeeze %dma_wait3A_120 : memref<1x128xi32, #tpu.memory_space<vmem>> -> memref<128xi32, #tpu.memory_space<vmem>>
        %dma_wait3A_122 = arith.constant 0 : i32
        %dma_wait3A_123 = arith.constant 0 : i32
        %dma_wait3A_124 = tpu.memref_slice %arg12[%dma_wait3A_122, %dma_wait3A_123] : memref<10016x80xf32, #tpu.memory_space<vmem_shared>> -> memref<10016x80xf32, #tpu.memory_space<vmem_shared>>
        tpu.wait_indirect_dma semaphore(%run_scoped3A_112 : memref<!tpu.dma_semaphore, #tpu.memory_space<semaphore_mem>>) src(%arg10 : memref<128x80xf32, #tpu.memory_space<vmem>>) dst(%dma_wait3A_124 : memref<10016x80xf32, #tpu.memory_space<vmem_shared>>)
        tpu.yield
      }) : () -> ()
    }
    %scan3A_21 = arith.constant 2 : i32
    %barrier3A_22 = arith.constant 0 : index
    tpu.barrier barrier_id(%barrier3A_22)
    %dma_start3A_23 = arith.constant 0 : i32
    %dma_start3A_24 = arith.constant 0 : i32
    %dma_start3A_25 = tpu.memref_slice %arg6[%arg0, %dma_start3A_23, %mul3A_2, %dma_start3A_24] : memref<2x2x10016x80xf32, #tpu.memory_space<hbm>> -> memref<1x1x626x80xf32, #tpu.memory_space<hbm>>
    %dma_start3A_26 = tpu.memref_squeeze %dma_start3A_25 : memref<1x1x626x80xf32, #tpu.memory_space<hbm>> -> memref<626x80xf32, #tpu.memory_space<hbm>>
    %dma_start3A_27 = arith.constant 0 : i32
    %dma_start3A_28 = tpu.memref_slice %arg12[%mul3A_2, %dma_start3A_27] : memref<10016x80xf32, #tpu.memory_space<vmem_shared>> -> memref<626x80xf32, #tpu.memory_space<vmem_shared>>
    tpu.enqueue_dma source(%dma_start3A_28 : memref<626x80xf32, #tpu.memory_space<vmem_shared>>) target(%dma_start3A_26 : memref<626x80xf32, #tpu.memory_space<hbm>>) target_semaphore(%arg13 : memref<!tpu.dma_semaphore, #tpu.memory_space<semaphore_mem>>)
    %dma_start3A_29 = arith.constant 1 : i32
    %dma_start3A_30 = arith.constant 0 : i32
    %dma_start3A_31 = tpu.memref_slice %arg11[%mul3A_2, %dma_start3A_30] : memref<10016x80xf32, #tpu.memory_space<vmem_shared>> -> memref<626x80xf32, #tpu.memory_space<vmem_shared>>
    %dma_start3A_32 = arith.constant 0 : i32
    %dma_start3A_33 = tpu.memref_slice %arg2[%dma_start3A_29, %mul3A_2, %dma_start3A_32] : memref<2x10016x80xf32, #tpu.memory_space<hbm>> -> memref<1x626x80xf32, #tpu.memory_space<hbm>>
    %dma_start3A_34 = tpu.memref_squeeze %dma_start3A_33 : memref<1x626x80xf32, #tpu.memory_space<hbm>> -> memref<626x80xf32, #tpu.memory_space<hbm>>
    tpu.enqueue_dma source(%dma_start3A_34 : memref<626x80xf32, #tpu.memory_space<hbm>>) target(%dma_start3A_31 : memref<626x80xf32, #tpu.memory_space<vmem_shared>>) target_semaphore(%arg14 : memref<!tpu.dma_semaphore, #tpu.memory_space<semaphore_mem>>)
    %dma_wait3A_35 = arith.constant 0 : i32
    %dma_wait3A_36 = arith.constant 0 : i32
    %dma_wait3A_37 = tpu.memref_slice %arg6[%arg0, %dma_wait3A_35, %mul3A_2, %dma_wait3A_36] : memref<2x2x10016x80xf32, #tpu.memory_space<hbm>> -> memref<1x1x626x80xf32, #tpu.memory_space<hbm>>
    %dma_wait3A_38 = tpu.memref_squeeze %dma_wait3A_37 : memref<1x1x626x80xf32, #tpu.memory_space<hbm>> -> memref<626x80xf32, #tpu.memory_space<hbm>>
    %dma_wait3A_39 = arith.constant 0 : i32
    %dma_wait3A_40 = tpu.memref_slice %arg12[%mul3A_2, %dma_wait3A_39] : memref<10016x80xf32, #tpu.memory_space<vmem_shared>> -> memref<626x80xf32, #tpu.memory_space<vmem_shared>>
    tpu.wait_dma2 semaphore(%arg13 : memref<!tpu.dma_semaphore, #tpu.memory_space<semaphore_mem>>) src(%dma_wait3A_40 : memref<626x80xf32, #tpu.memory_space<vmem_shared>>) dst(%dma_wait3A_38 : memref<626x80xf32, #tpu.memory_space<hbm>>)
    %dma_start3A_41 = arith.constant 0 : i32
    %dma_start3A_42 = tpu.memref_slice %arg12[%mul3A_2, %dma_start3A_41] : memref<10016x80xf32, #tpu.memory_space<vmem_shared>> -> memref<626x80xf32, #tpu.memory_space<vmem_shared>>
    tpu.enqueue_dma source(%arg5 : memref<626x80xf32, #tpu.memory_space<hbm>>) target(%dma_start3A_42 : memref<626x80xf32, #tpu.memory_space<vmem_shared>>) target_semaphore(%arg13 : memref<!tpu.dma_semaphore, #tpu.memory_space<semaphore_mem>>)
    %dma_wait3A_43 = arith.constant 1 : i32
    %dma_wait3A_44 = arith.constant 0 : i32
    %dma_wait3A_45 = tpu.memref_slice %arg11[%mul3A_2, %dma_wait3A_44] : memref<10016x80xf32, #tpu.memory_space<vmem_shared>> -> memref<626x80xf32, #tpu.memory_space<vmem_shared>>
    %dma_wait3A_46 = arith.constant 0 : i32
    %dma_wait3A_47 = tpu.memref_slice %arg2[%dma_wait3A_43, %mul3A_2, %dma_wait3A_46] : memref<2x10016x80xf32, #tpu.memory_space<hbm>> -> memref<1x626x80xf32, #tpu.memory_space<hbm>>
    %dma_wait3A_48 = tpu.memref_squeeze %dma_wait3A_47 : memref<1x626x80xf32, #tpu.memory_space<hbm>> -> memref<626x80xf32, #tpu.memory_space<hbm>>
    tpu.wait_dma2 semaphore(%arg14 : memref<!tpu.dma_semaphore, #tpu.memory_space<semaphore_mem>>) src(%dma_wait3A_48 : memref<626x80xf32, #tpu.memory_space<hbm>>) dst(%dma_wait3A_45 : memref<626x80xf32, #tpu.memory_space<vmem_shared>>)
    %dma_wait3A_49 = arith.constant 0 : i32
    %dma_wait3A_50 = tpu.memref_slice %arg12[%mul3A_2, %dma_wait3A_49] : memref<10016x80xf32, #tpu.memory_space<vmem_shared>> -> memref<626x80xf32, #tpu.memory_space<vmem_shared>>
    tpu.wait_dma2 semaphore(%arg13 : memref<!tpu.dma_semaphore, #tpu.memory_space<semaphore_mem>>) src(%arg5 : memref<626x80xf32, #tpu.memory_space<hbm>>) dst(%dma_wait3A_50 : memref<626x80xf32, #tpu.memory_space<vmem_shared>>)
    %barrier3A_51 = arith.constant 0 : index
    tpu.barrier barrier_id(%barrier3A_51)
    %scan3A_52 = arith.constant 0 : i32
    %scan3A_53 = arith.constant 0 : i32
    %scan3A_54 = arith.constant 2 : i32
    %scan3A_55 = arith.addi %scan3A_53, %scan3A_54 : i32
    %scan3A_56 = arith.constant 1 : i32
    scf.for %scan3A_71 = %scan3A_53 to %scan3A_55 step %scan3A_56  : i32 {
      %mul3A_72 = arith.constant 2 : i32
      %mul3A_73 = arith.muli %add3A, %mul3A_72 : i32
      %add3A_74 = arith.addi %mul3A_73, %scan3A_71 : i32
      %mul3A_75 = arith.constant 40 : i32
      %mul3A_76 = arith.muli %add3A_74, %mul3A_75 : i32
      "tpu.region"() ({
        %run_scoped3A_112 = tpu.sem_alloc : memref<!tpu.dma_semaphore, #tpu.memory_space<semaphore_mem>>
        %dma_start3A_113 = arith.constant 0 : i32
        %dma_start3A_114 = tpu.memref_slice %arg3[%mul3A_76, %dma_start3A_113] : memref<2560x128xi32, #tpu.memory_space<hbm>> -> memref<40x128xi32, #tpu.memory_space<hbm>>
        %dma_start3A_115 = arith.constant 0 : i32
        %dma_start3A_116 = tpu.memref_slice %arg3[%mul3A_76, %dma_start3A_115] : memref<2560x128xi32, #tpu.memory_space<hbm>> -> memref<40x128xi32, #tpu.memory_space<hbm>>
        tpu.enqueue_dma source(%dma_start3A_116 : memref<40x128xi32, #tpu.memory_space<hbm>>) target(%arg7 : memref<40x128xi32, #tpu.memory_space<vmem>>) target_semaphore(%run_scoped3A_112 : memref<!tpu.dma_semaphore, #tpu.memory_space<semaphore_mem>>)
        %dma_wait3A_117 = arith.constant 0 : i32
        %dma_wait3A_118 = tpu.memref_slice %arg3[%mul3A_76, %dma_wait3A_117] : memref<2560x128xi32, #tpu.memory_space<hbm>> -> memref<40x128xi32, #tpu.memory_space<hbm>>
        %dma_wait3A_119 = arith.constant 0 : i32
        %dma_wait3A_120 = tpu.memref_slice %arg3[%mul3A_76, %dma_wait3A_119] : memref<2560x128xi32, #tpu.memory_space<hbm>> -> memref<40x128xi32, #tpu.memory_space<hbm>>
        tpu.wait_dma2 semaphore(%run_scoped3A_112 : memref<!tpu.dma_semaphore, #tpu.memory_space<semaphore_mem>>) src(%dma_wait3A_120 : memref<40x128xi32, #tpu.memory_space<hbm>>) dst(%arg7 : memref<40x128xi32, #tpu.memory_space<vmem>>)
        tpu.yield
      }) : () -> ()
      "tpu.region"() ({
        %run_scoped3A_112 = tpu.sem_alloc : memref<!tpu.dma_semaphore, #tpu.memory_space<semaphore_mem>>
        %dma_start3A_113 = arith.constant 0 : i32
        %dma_start3A_114 = tpu.memref_slice %arg4[%mul3A_76, %dma_start3A_113] : memref<2560x128xi32, #tpu.memory_space<hbm>> -> memref<40x128xi32, #tpu.memory_space<hbm>>
        %dma_start3A_115 = arith.constant 0 : i32
        %dma_start3A_116 = tpu.memref_slice %arg4[%mul3A_76, %dma_start3A_115] : memref<2560x128xi32, #tpu.memory_space<hbm>> -> memref<40x128xi32, #tpu.memory_space<hbm>>
        tpu.enqueue_dma source(%dma_start3A_116 : memref<40x128xi32, #tpu.memory_space<hbm>>) target(%arg8 : memref<40x128xi32, #tpu.memory_space<vmem>>) target_semaphore(%run_scoped3A_112 : memref<!tpu.dma_semaphore, #tpu.memory_space<semaphore_mem>>)
        %dma_wait3A_117 = arith.constant 0 : i32
        %dma_wait3A_118 = tpu.memref_slice %arg4[%mul3A_76, %dma_wait3A_117] : memref<2560x128xi32, #tpu.memory_space<hbm>> -> memref<40x128xi32, #tpu.memory_space<hbm>>
        %dma_wait3A_119 = arith.constant 0 : i32
        %dma_wait3A_120 = tpu.memref_slice %arg4[%mul3A_76, %dma_wait3A_119] : memref<2560x128xi32, #tpu.memory_space<hbm>> -> memref<40x128xi32, #tpu.memory_space<hbm>>
        tpu.wait_dma2 semaphore(%run_scoped3A_112 : memref<!tpu.dma_semaphore, #tpu.memory_space<semaphore_mem>>) src(%dma_wait3A_120 : memref<40x128xi32, #tpu.memory_space<hbm>>) dst(%arg8 : memref<40x128xi32, #tpu.memory_space<vmem>>)
        tpu.yield
      }) : () -> ()
      %dma_start3A_77 = arith.constant 0 : i32
      %dma_start3A_78 = arith.constant 0 : i32
      %dma_start3A_79 = tpu.memref_slice %arg7[%dma_start3A_77, %dma_start3A_78] : memref<40x128xi32, #tpu.memory_space<vmem>> -> memref<1x128xi32, #tpu.memory_space<vmem>>
      %dma_start3A_80 = tpu.memref_squeeze %dma_start3A_79 : memref<1x128xi32, #tpu.memory_space<vmem>> -> memref<128xi32, #tpu.memory_space<vmem>>
      %dma_start3A_81 = arith.constant 0 : i32
      %dma_start3A_82 = arith.constant 0 : i32
      %dma_start3A_83 = tpu.memref_slice %arg11[%dma_start3A_81, %dma_start3A_82] : memref<10016x80xf32, #tpu.memory_space<vmem_shared>> -> memref<10016x80xf32, #tpu.memory_space<vmem_shared>>
      tpu.enqueue_indirect_dma source(%dma_start3A_83 : memref<10016x80xf32, #tpu.memory_space<vmem_shared>>) target(%arg9 : memref<128x80xf32, #tpu.memory_space<vmem>>) offsets(%dma_start3A_80 : memref<128xi32, #tpu.memory_space<vmem>>) semaphore(%arg13 : memref<!tpu.dma_semaphore, #tpu.memory_space<semaphore_mem>>)
      %scan3A_84 = arith.constant 0 : i32
      %scan3A_85 = arith.constant 0 : i32
      %scan3A_86 = arith.constant 19 : i32
      %scan3A_87 = arith.addi %scan3A_85, %scan3A_86 : i32
      %scan3A_88 = arith.constant 1 : i32
      scf.for %scan3A_112 = %scan3A_85 to %scan3A_87 step %scan3A_88  : i32 {
        %mul3A_113 = arith.constant 2 : i32
        %mul3A_114 = arith.muli %mul3A_113, %scan3A_112 : i32
        %add3A_115 = arith.constant 1 : i32
        %add3A_116 = arith.addi %mul3A_114, %add3A_115 : i32
        %dma_start3A_117 = arith.constant 0 : i32
        %dma_start3A_118 = tpu.memref_slice %arg7[%add3A_116, %dma_start3A_117] : memref<40x128xi32, #tpu.memory_space<vmem>> -> memref<1x128xi32, #tpu.memory_space<vmem>>
        %dma_start3A_119 = tpu.memref_squeeze %dma_start3A_118 : memref<1x128xi32, #tpu.memory_space<vmem>> -> memref<128xi32, #tpu.memory_space<vmem>>
        %dma_start3A_120 = arith.constant 0 : i32
        %dma_start3A_121 = arith.constant 0 : i32
        %dma_start3A_122 = tpu.memref_slice %arg11[%dma_start3A_120, %dma_start3A_121] : memref<10016x80xf32, #tpu.memory_space<vmem_shared>> -> memref<10016x80xf32, #tpu.memory_space<vmem_shared>>
        tpu.enqueue_indirect_dma source(%dma_start3A_122 : memref<10016x80xf32, #tpu.memory_space<vmem_shared>>) target(%arg10 : memref<128x80xf32, #tpu.memory_space<vmem>>) offsets(%dma_start3A_119 : memref<128xi32, #tpu.memory_space<vmem>>) semaphore(%arg14 : memref<!tpu.dma_semaphore, #tpu.memory_space<semaphore_mem>>)
        %dma_wait3A_123 = arith.constant 0 : i32
        %dma_wait3A_124 = tpu.memref_slice %arg7[%mul3A_114, %dma_wait3A_123] : memref<40x128xi32, #tpu.memory_space<vmem>> -> memref<1x128xi32, #tpu.memory_space<vmem>>
        %dma_wait3A_125 = tpu.memref_squeeze %dma_wait3A_124 : memref<1x128xi32, #tpu.memory_space<vmem>> -> memref<128xi32, #tpu.memory_space<vmem>>
        %dma_wait3A_126 = arith.constant 0 : i32
        %dma_wait3A_127 = arith.constant 0 : i32
        %dma_wait3A_128 = tpu.memref_slice %arg11[%dma_wait3A_126, %dma_wait3A_127] : memref<10016x80xf32, #tpu.memory_space<vmem_shared>> -> memref<10016x80xf32, #tpu.memory_space<vmem_shared>>
        tpu.wait_indirect_dma semaphore(%arg13 : memref<!tpu.dma_semaphore, #tpu.memory_space<semaphore_mem>>) src(%dma_wait3A_128 : memref<10016x80xf32, #tpu.memory_space<vmem_shared>>) dst(%arg9 : memref<128x80xf32, #tpu.memory_space<vmem>>)
        "tpu.region"() ({
          %run_scoped3A_147 = tpu.sem_alloc : memref<!tpu.dma_semaphore, #tpu.memory_space<semaphore_mem>>
          %dma_start3A_148 = arith.constant 0 : i32
          %dma_start3A_149 = tpu.memref_slice %arg8[%mul3A_114, %dma_start3A_148] : memref<40x128xi32, #tpu.memory_space<vmem>> -> memref<1x128xi32, #tpu.memory_space<vmem>>
          %dma_start3A_150 = tpu.memref_squeeze %dma_start3A_149 : memref<1x128xi32, #tpu.memory_space<vmem>> -> memref<128xi32, #tpu.memory_space<vmem>>
          %dma_start3A_151 = arith.constant 0 : i32
          %dma_start3A_152 = arith.constant 0 : i32
          %dma_start3A_153 = tpu.memref_slice %arg12[%dma_start3A_151, %dma_start3A_152] : memref<10016x80xf32, #tpu.memory_space<vmem_shared>> -> memref<10016x80xf32, #tpu.memory_space<vmem_shared>>
          tpu.enqueue_indirect_dma source(%arg9 : memref<128x80xf32, #tpu.memory_space<vmem>>) target(%dma_start3A_153 : memref<10016x80xf32, #tpu.memory_space<vmem_shared>>) offsets(%dma_start3A_150 : memref<128xi32, #tpu.memory_space<vmem>>) semaphore(%run_scoped3A_147 : memref<!tpu.dma_semaphore, #tpu.memory_space<semaphore_mem>>) {add = true}
          %dma_wait3A_154 = arith.constant 0 : i32
          %dma_wait3A_155 = tpu.memref_slice %arg8[%mul3A_114, %dma_wait3A_154] : memref<40x128xi32, #tpu.memory_space<vmem>> -> memref<1x128xi32, #tpu.memory_space<vmem>>
          %dma_wait3A_156 = tpu.memref_squeeze %dma_wait3A_155 : memref<1x128xi32, #tpu.memory_space<vmem>> -> memref<128xi32, #tpu.memory_space<vmem>>
          %dma_wait3A_157 = arith.constant 0 : i32
          %dma_wait3A_158 = arith.constant 0 : i32
          %dma_wait3A_159 = tpu.memref_slice %arg12[%dma_wait3A_157, %dma_wait3A_158] : memref<10016x80xf32, #tpu.memory_space<vmem_shared>> -> memref<10016x80xf32, #tpu.memory_space<vmem_shared>>
          tpu.wait_indirect_dma semaphore(%run_scoped3A_147 : memref<!tpu.dma_semaphore, #tpu.memory_space<semaphore_mem>>) src(%arg9 : memref<128x80xf32, #tpu.memory_space<vmem>>) dst(%dma_wait3A_159 : memref<10016x80xf32, #tpu.memory_space<vmem_shared>>)
          tpu.yield
        }) : () -> ()
        %add3A_129 = arith.constant 2 : i32
        %add3A_130 = arith.addi %mul3A_114, %add3A_129 : i32
        %dma_start3A_131 = arith.constant 0 : i32
        %dma_start3A_132 = tpu.memref_slice %arg7[%add3A_130, %dma_start3A_131] : memref<40x128xi32, #tpu.memory_space<vmem>> -> memref<1x128xi32, #tpu.memory_space<vmem>>
        %dma_start3A_133 = tpu.memref_squeeze %dma_start3A_132 : memref<1x128xi32, #tpu.memory_space<vmem>> -> memref<128xi32, #tpu.memory_space<vmem>>
        %dma_start3A_134 = arith.constant 0 : i32
        %dma_start3A_135 = arith.constant 0 : i32
        %dma_start3A_136 = tpu.memref_slice %arg11[%dma_start3A_134, %dma_start3A_135] : memref<10016x80xf32, #tpu.memory_space<vmem_shared>> -> memref<10016x80xf32, #tpu.memory_space<vmem_shared>>
        tpu.enqueue_indirect_dma source(%dma_start3A_136 : memref<10016x80xf32, #tpu.memory_space<vmem_shared>>) target(%arg9 : memref<128x80xf32, #tpu.memory_space<vmem>>) offsets(%dma_start3A_133 : memref<128xi32, #tpu.memory_space<vmem>>) semaphore(%arg13 : memref<!tpu.dma_semaphore, #tpu.memory_space<semaphore_mem>>)
        %add3A_137 = arith.constant 1 : i32
        %add3A_138 = arith.addi %mul3A_114, %add3A_137 : i32
        %dma_wait3A_139 = arith.constant 0 : i32
        %dma_wait3A_140 = tpu.memref_slice %arg7[%add3A_138, %dma_wait3A_139] : memref<40x128xi32, #tpu.memory_space<vmem>> -> memref<1x128xi32, #tpu.memory_space<vmem>>
        %dma_wait3A_141 = tpu.memref_squeeze %dma_wait3A_140 : memref<1x128xi32, #tpu.memory_space<vmem>> -> memref<128xi32, #tpu.memory_space<vmem>>
        %dma_wait3A_142 = arith.constant 0 : i32
        %dma_wait3A_143 = arith.constant 0 : i32
        %dma_wait3A_144 = tpu.memref_slice %arg11[%dma_wait3A_142, %dma_wait3A_143] : memref<10016x80xf32, #tpu.memory_space<vmem_shared>> -> memref<10016x80xf32, #tpu.memory_space<vmem_shared>>
        tpu.wait_indirect_dma semaphore(%arg14 : memref<!tpu.dma_semaphore, #tpu.memory_space<semaphore_mem>>) src(%dma_wait3A_144 : memref<10016x80xf32, #tpu.memory_space<vmem_shared>>) dst(%arg10 : memref<128x80xf32, #tpu.memory_space<vmem>>)
        %add3A_145 = arith.constant 1 : i32
        %add3A_146 = arith.addi %mul3A_114, %add3A_145 : i32
        "tpu.region"() ({
          %run_scoped3A_147 = tpu.sem_alloc : memref<!tpu.dma_semaphore, #tpu.memory_space<semaphore_mem>>
          %dma_start3A_148 = arith.constant 0 : i32
          %dma_start3A_149 = tpu.memref_slice %arg8[%add3A_146, %dma_start3A_148] : memref<40x128xi32, #tpu.memory_space<vmem>> -> memref<1x128xi32, #tpu.memory_space<vmem>>
          %dma_start3A_150 = tpu.memref_squeeze %dma_start3A_149 : memref<1x128xi32, #tpu.memory_space<vmem>> -> memref<128xi32, #tpu.memory_space<vmem>>
          %dma_start3A_151 = arith.constant 0 : i32
          %dma_start3A_152 = arith.constant 0 : i32
          %dma_start3A_153 = tpu.memref_slice %arg12[%dma_start3A_151, %dma_start3A_152] : memref<10016x80xf32, #tpu.memory_space<vmem_shared>> -> memref<10016x80xf32, #tpu.memory_space<vmem_shared>>
          tpu.enqueue_indirect_dma source(%arg10 : memref<128x80xf32, #tpu.memory_space<vmem>>) target(%dma_start3A_153 : memref<10016x80xf32, #tpu.memory_space<vmem_shared>>) offsets(%dma_start3A_150 : memref<128xi32, #tpu.memory_space<vmem>>) semaphore(%run_scoped3A_147 : memref<!tpu.dma_semaphore, #tpu.memory_space<semaphore_mem>>) {add = true}
          %dma_wait3A_154 = arith.constant 0 : i32
          %dma_wait3A_155 = tpu.memref_slice %arg8[%add3A_146, %dma_wait3A_154] : memref<40x128xi32, #tpu.memory_space<vmem>> -> memref<1x128xi32, #tpu.memory_space<vmem>>
          %dma_wait3A_156 = tpu.memref_squeeze %dma_wait3A_155 : memref<1x128xi32, #tpu.memory_space<vmem>> -> memref<128xi32, #tpu.memory_space<vmem>>
          %dma_wait3A_157 = arith.constant 0 : i32
          %dma_wait3A_158 = arith.constant 0 : i32
          %dma_wait3A_159 = tpu.memref_slice %arg12[%dma_wait3A_157, %dma_wait3A_158] : memref<10016x80xf32, #tpu.memory_space<vmem_shared>> -> memref<10016x80xf32, #tpu.memory_space<vmem_shared>>
          tpu.wait_indirect_dma semaphore(%run_scoped3A_147 : memref<!tpu.dma_semaphore, #tpu.memory_space<semaphore_mem>>) src(%arg10 : memref<128x80xf32, #tpu.memory_space<vmem>>) dst(%dma_wait3A_159 : memref<10016x80xf32, #tpu.memory_space<vmem_shared>>)
          tpu.yield
        }) : () -> ()
      }
      %scan3A_89 = arith.constant 19 : i32
      %dma_start3A_90 = arith.constant 39 : i32
      %dma_start3A_91 = arith.constant 0 : i32
      %dma_start3A_92 = tpu.memref_slice %arg7[%dma_start3A_90, %dma_start3A_91] : memref<40x128xi32, #tpu.memory_space<vmem>> -> memref<1x128xi32, #tpu.memory_space<vmem>>
      %dma_start3A_93 = tpu.memref_squeeze %dma_start3A_92 : memref<1x128xi32, #tpu.memory_space<vmem>> -> memref<128xi32, #tpu.memory_space<vmem>>
      %dma_start3A_94 = arith.constant 0 : i32
      %dma_start3A_95 = arith.constant 0 : i32
      %dma_start3A_96 = tpu.memref_slice %arg11[%dma_start3A_94, %dma_start3A_95] : memref<10016x80xf32, #tpu.memory_space<vmem_shared>> -> memref<10016x80xf32, #tpu.memory_space<vmem_shared>>
      tpu.enqueue_indirect_dma source(%dma_start3A_96 : memref<10016x80xf32, #tpu.memory_space<vmem_shared>>) target(%arg10 : memref<128x80xf32, #tpu.memory_space<vmem>>) offsets(%dma_start3A_93 : memref<128xi32, #tpu.memory_space<vmem>>) semaphore(%arg14 : memref<!tpu.dma_semaphore, #tpu.memory_space<semaphore_mem>>)
      %dma_wait3A_97 = arith.constant 38 : i32
      %dma_wait3A_98 = arith.constant 0 : i32
      %dma_wait3A_99 = tpu.memref_slice %arg7[%dma_wait3A_97, %dma_wait3A_98] : memref<40x128xi32, #tpu.memory_space<vmem>> -> memref<1x128xi32, #tpu.memory_space<vmem>>
      %dma_wait3A_100 = tpu.memref_squeeze %dma_wait3A_99 : memref<1x128xi32, #tpu.memory_space<vmem>> -> memref<128xi32, #tpu.memory_space<vmem>>
      %dma_wait3A_101 = arith.constant 0 : i32
      %dma_wait3A_102 = arith.constant 0 : i32
      %dma_wait3A_103 = tpu.memref_slice %arg11[%dma_wait3A_101, %dma_wait3A_102] : memref<10016x80xf32, #tpu.memory_space<vmem_shared>> -> memref<10016x80xf32, #tpu.memory_space<vmem_shared>>
      tpu.wait_indirect_dma semaphore(%arg13 : memref<!tpu.dma_semaphore, #tpu.memory_space<semaphore_mem>>) src(%dma_wait3A_103 : memref<10016x80xf32, #tpu.memory_space<vmem_shared>>) dst(%arg9 : memref<128x80xf32, #tpu.memory_space<vmem>>)
      %run_scoped3A = arith.constant 38 : i32
      "tpu.region"() ({
        %run_scoped3A_112 = tpu.sem_alloc : memref<!tpu.dma_semaphore, #tpu.memory_space<semaphore_mem>>
        %dma_start3A_113 = arith.constant 0 : i32
        %dma_start3A_114 = tpu.memref_slice %arg8[%run_scoped3A, %dma_start3A_113] : memref<40x128xi32, #tpu.memory_space<vmem>> -> memref<1x128xi32, #tpu.memory_space<vmem>>
        %dma_start3A_115 = tpu.memref_squeeze %dma_start3A_114 : memref<1x128xi32, #tpu.memory_space<vmem>> -> memref<128xi32, #tpu.memory_space<vmem>>
        %dma_start3A_116 = arith.constant 0 : i32
        %dma_start3A_117 = arith.constant 0 : i32
        %dma_start3A_118 = tpu.memref_slice %arg12[%dma_start3A_116, %dma_start3A_117] : memref<10016x80xf32, #tpu.memory_space<vmem_shared>> -> memref<10016x80xf32, #tpu.memory_space<vmem_shared>>
        tpu.enqueue_indirect_dma source(%arg9 : memref<128x80xf32, #tpu.memory_space<vmem>>) target(%dma_start3A_118 : memref<10016x80xf32, #tpu.memory_space<vmem_shared>>) offsets(%dma_start3A_115 : memref<128xi32, #tpu.memory_space<vmem>>) semaphore(%run_scoped3A_112 : memref<!tpu.dma_semaphore, #tpu.memory_space<semaphore_mem>>) {add = true}
        %dma_wait3A_119 = arith.constant 0 : i32
        %dma_wait3A_120 = tpu.memref_slice %arg8[%run_scoped3A, %dma_wait3A_119] : memref<40x128xi32, #tpu.memory_space<vmem>> -> memref<1x128xi32, #tpu.memory_space<vmem>>
        %dma_wait3A_121 = tpu.memref_squeeze %dma_wait3A_120 : memref<1x128xi32, #tpu.memory_space<vmem>> -> memref<128xi32, #tpu.memory_space<vmem>>
        %dma_wait3A_122 = arith.constant 0 : i32
        %dma_wait3A_123 = arith.constant 0 : i32
        %dma_wait3A_124 = tpu.memref_slice %arg12[%dma_wait3A_122, %dma_wait3A_123] : memref<10016x80xf32, #tpu.memory_space<vmem_shared>> -> memref<10016x80xf32, #tpu.memory_space<vmem_shared>>
        tpu.wait_indirect_dma semaphore(%run_scoped3A_112 : memref<!tpu.dma_semaphore, #tpu.memory_space<semaphore_mem>>) src(%arg9 : memref<128x80xf32, #tpu.memory_space<vmem>>) dst(%dma_wait3A_124 : memref<10016x80xf32, #tpu.memory_space<vmem_shared>>)
        tpu.yield
      }) : () -> ()
      %dma_wait3A_104 = arith.constant 39 : i32
      %dma_wait3A_105 = arith.constant 0 : i32
      %dma_wait3A_106 = tpu.memref_slice %arg7[%dma_wait3A_104, %dma_wait3A_105] : memref<40x128xi32, #tpu.memory_space<vmem>> -> memref<1x128xi32, #tpu.memory_space<vmem>>
      %dma_wait3A_107 = tpu.memref_squeeze %dma_wait3A_106 : memref<1x128xi32, #tpu.memory_space<vmem>> -> memref<128xi32, #tpu.memory_space<vmem>>
      %dma_wait3A_108 = arith.constant 0 : i32
      %dma_wait3A_109 = arith.constant 0 : i32
      %dma_wait3A_110 = tpu.memref_slice %arg11[%dma_wait3A_108, %dma_wait3A_109] : memref<10016x80xf32, #tpu.memory_space<vmem_shared>> -> memref<10016x80xf32, #tpu.memory_space<vmem_shared>>
      tpu.wait_indirect_dma semaphore(%arg14 : memref<!tpu.dma_semaphore, #tpu.memory_space<semaphore_mem>>) src(%dma_wait3A_110 : memref<10016x80xf32, #tpu.memory_space<vmem_shared>>) dst(%arg10 : memref<128x80xf32, #tpu.memory_space<vmem>>)
      %run_scoped3A_111 = arith.constant 39 : i32
      "tpu.region"() ({
        %run_scoped3A_112 = tpu.sem_alloc : memref<!tpu.dma_semaphore, #tpu.memory_space<semaphore_mem>>
        %dma_start3A_113 = arith.constant 0 : i32
        %dma_start3A_114 = tpu.memref_slice %arg8[%run_scoped3A_111, %dma_start3A_113] : memref<40x128xi32, #tpu.memory_space<vmem>> -> memref<1x128xi32, #tpu.memory_space<vmem>>
        %dma_start3A_115 = tpu.memref_squeeze %dma_start3A_114 : memref<1x128xi32, #tpu.memory_space<vmem>> -> memref<128xi32, #tpu.memory_space<vmem>>
        %dma_start3A_116 = arith.constant 0 : i32
        %dma_start3A_117 = arith.constant 0 : i32
        %dma_start3A_118 = tpu.memref_slice %arg12[%dma_start3A_116, %dma_start3A_117] : memref<10016x80xf32, #tpu.memory_space<vmem_shared>> -> memref<10016x80xf32, #tpu.memory_space<vmem_shared>>
        tpu.enqueue_indirect_dma source(%arg10 : memref<128x80xf32, #tpu.memory_space<vmem>>) target(%dma_start3A_118 : memref<10016x80xf32, #tpu.memory_space<vmem_shared>>) offsets(%dma_start3A_115 : memref<128xi32, #tpu.memory_space<vmem>>) semaphore(%run_scoped3A_112 : memref<!tpu.dma_semaphore, #tpu.memory_space<semaphore_mem>>) {add = true}
        %dma_wait3A_119 = arith.constant 0 : i32
        %dma_wait3A_120 = tpu.memref_slice %arg8[%run_scoped3A_111, %dma_wait3A_119] : memref<40x128xi32, #tpu.memory_space<vmem>> -> memref<1x128xi32, #tpu.memory_space<vmem>>
        %dma_wait3A_121 = tpu.memref_squeeze %dma_wait3A_120 : memref<1x128xi32, #tpu.memory_space<vmem>> -> memref<128xi32, #tpu.memory_space<vmem>>
        %dma_wait3A_122 = arith.constant 0 : i32
        %dma_wait3A_123 = arith.constant 0 : i32
        %dma_wait3A_124 = tpu.memref_slice %arg12[%dma_wait3A_122, %dma_wait3A_123] : memref<10016x80xf32, #tpu.memory_space<vmem_shared>> -> memref<10016x80xf32, #tpu.memory_space<vmem_shared>>
        tpu.wait_indirect_dma semaphore(%run_scoped3A_112 : memref<!tpu.dma_semaphore, #tpu.memory_space<semaphore_mem>>) src(%arg10 : memref<128x80xf32, #tpu.memory_space<vmem>>) dst(%dma_wait3A_124 : memref<10016x80xf32, #tpu.memory_space<vmem_shared>>)
        tpu.yield
      }) : () -> ()
    }
    %scan3A_57 = arith.constant 2 : i32
    %barrier3A_58 = arith.constant 0 : index
    tpu.barrier barrier_id(%barrier3A_58)
    %dma_start3A_59 = arith.constant 1 : i32
    %dma_start3A_60 = arith.constant 0 : i32
    %dma_start3A_61 = tpu.memref_slice %arg6[%arg0, %dma_start3A_59, %mul3A_2, %dma_start3A_60] : memref<2x2x10016x80xf32, #tpu.memory_space<hbm>> -> memref<1x1x626x80xf32, #tpu.memory_space<hbm>>
    %dma_start3A_62 = tpu.memref_squeeze %dma_start3A_61 : memref<1x1x626x80xf32, #tpu.memory_space<hbm>> -> memref<626x80xf32, #tpu.memory_space<hbm>>
    %dma_start3A_63 = arith.constant 0 : i32
    %dma_start3A_64 = tpu.memref_slice %arg12[%mul3A_2, %dma_start3A_63] : memref<10016x80xf32, #tpu.memory_space<vmem_shared>> -> memref<626x80xf32, #tpu.memory_space<vmem_shared>>
    tpu.enqueue_dma source(%dma_start3A_64 : memref<626x80xf32, #tpu.memory_space<vmem_shared>>) target(%dma_start3A_62 : memref<626x80xf32, #tpu.memory_space<hbm>>) target_semaphore(%arg13 : memref<!tpu.dma_semaphore, #tpu.memory_space<semaphore_mem>>)
    %dma_wait3A_65 = arith.constant 1 : i32
    %dma_wait3A_66 = arith.constant 0 : i32
    %dma_wait3A_67 = tpu.memref_slice %arg6[%arg0, %dma_wait3A_65, %mul3A_2, %dma_wait3A_66] : memref<2x2x10016x80xf32, #tpu.memory_space<hbm>> -> memref<1x1x626x80xf32, #tpu.memory_space<hbm>>
    %dma_wait3A_68 = tpu.memref_squeeze %dma_wait3A_67 : memref<1x1x626x80xf32, #tpu.memory_space<hbm>> -> memref<626x80xf32, #tpu.memory_space<hbm>>
    %dma_wait3A_69 = arith.constant 0 : i32
    %dma_wait3A_70 = tpu.memref_slice %arg12[%mul3A_2, %dma_wait3A_69] : memref<10016x80xf32, #tpu.memory_space<vmem_shared>> -> memref<626x80xf32, #tpu.memory_space<vmem_shared>>
    tpu.wait_dma2 semaphore(%arg13 : memref<!tpu.dma_semaphore, #tpu.memory_space<semaphore_mem>>) src(%dma_wait3A_70 : memref<626x80xf32, #tpu.memory_space<vmem_shared>>) dst(%dma_wait3A_68 : memref<626x80xf32, #tpu.memory_space<hbm>>)
    return
  }
}

#map = affine_map<(d0, d1) -> (0, 0, 0)>
#map1 = affine_map<(d0, d1) -> (0, 0)>
#map2 = affine_map<(d0, d1) -> (0, 0, 0, 0)>
module attributes {stable_mosaic.version = 14 : i64} {
  func.func @_sc_seg_sum(%arg0: i32, %arg1: i32, %arg2: memref<2x10016x80xf32, #tpu.memory_space<hbm>>, %arg3: memref<2560x128xi32, #tpu.memory_space<hbm>>, %arg4: memref<2560x128xi32, #tpu.memory_space<hbm>>, %arg5: memref<626x80xf32, #tpu.memory_space<hbm>>, %arg6: memref<2x2x10016x80xf32, #tpu.memory_space<hbm>>, %arg7: memref<40x128xi32, #tpu.memory_space<vmem>>, %arg8: memref<40x128xi32, #tpu.memory_space<vmem>>, %arg9: memref<128x80xf32, #tpu.memory_space<vmem>>, %arg10: memref<128x80xf32, #tpu.memory_space<vmem>>, %arg11: memref<10016x80xf32, #tpu.memory_space<vmem_shared>>, %arg12: memref<10016x80xf32, #tpu.memory_space<vmem_shared>>, %arg13: memref<!tpu.dma_semaphore, #tpu.memory_space<semaphore_mem>>, %arg14: memref<!tpu.dma_semaphore, #tpu.memory_space<semaphore_mem>>) attributes {dimension_semantics = [#tpu.dimension_semantics<core_parallel>, #tpu.dimension_semantics<subcore_parallel>], iteration_bounds = array<i64: 2, 16>, scalar_prefetch = 0 : i64, scratch_operands = 8 : i64, tpu.core_type = #tpu.core_type<sc_vector_subcore>, window_params = [{transform_indices = #map}, {transform_indices = #map1}, {transform_indices = #map1}, {transform_indices = #map1}, {transform_indices = #map2}]} {
    %mul3A = arith.constant 16 : i32
    %mul3A_0 = arith.muli %arg0, %mul3A : i32
    %add3A = arith.addi %mul3A_0, %arg1 : i32
    %mul3A_1 = arith.constant 626 : i32
    %mul3A_2 = arith.muli %arg1, %mul3A_1 : i32
    %dma_start3A = arith.constant 0 : i32
    %dma_start3A_3 = arith.constant 0 : i32
    %dma_start3A_4 = tpu.memref_slice %arg11[%mul3A_2, %dma_start3A_3] : memref<10016x80xf32, #tpu.memory_space<vmem_shared>> -> memref<626x80xf32, #tpu.memory_space<vmem_shared>>
    %dma_start3A_5 = arith.constant 0 : i32
    %dma_start3A_6 = tpu.memref_slice %arg2[%dma_start3A, %mul3A_2, %dma_start3A_5] : memref<2x10016x80xf32, #tpu.memory_space<hbm>> -> memref<1x626x80xf32, #tpu.memory_space<hbm>>
    %dma_start3A_7 = tpu.memref_squeeze %dma_start3A_6 : memref<1x626x80xf32, #tpu.memory_space<hbm>> -> memref<626x80xf32, #tpu.memory_space<hbm>>
    tpu.enqueue_dma source(%dma_start3A_7 : memref<626x80xf32, #tpu.memory_space<hbm>>) target(%dma_start3A_4 : memref<626x80xf32, #tpu.memory_space<vmem_shared>>) target_semaphore(%arg13 : memref<!tpu.dma_semaphore, #tpu.memory_space<semaphore_mem>>)
    %dma_start3A_8 = arith.constant 0 : i32
    %dma_start3A_9 = tpu.memref_slice %arg12[%mul3A_2, %dma_start3A_8] : memref<10016x80xf32, #tpu.memory_space<vmem_shared>> -> memref<626x80xf32, #tpu.memory_space<vmem_shared>>
    tpu.enqueue_dma source(%arg5 : memref<626x80xf32, #tpu.memory_space<hbm>>) target(%dma_start3A_9 : memref<626x80xf32, #tpu.memory_space<vmem_shared>>) target_semaphore(%arg14 : memref<!tpu.dma_semaphore, #tpu.memory_space<semaphore_mem>>)
    %dma_wait3A = arith.constant 0 : i32
    %dma_wait3A_10 = arith.constant 0 : i32
    %dma_wait3A_11 = tpu.memref_slice %arg11[%mul3A_2, %dma_wait3A_10] : memref<10016x80xf32, #tpu.memory_space<vmem_shared>> -> memref<626x80xf32, #tpu.memory_space<vmem_shared>>
    %dma_wait3A_12 = arith.constant 0 : i32
    %dma_wait3A_13 = tpu.memref_slice %arg2[%dma_wait3A, %mul3A_2, %dma_wait3A_12] : memref<2x10016x80xf32, #tpu.memory_space<hbm>> -> memref<1x626x80xf32, #tpu.memory_space<hbm>>
    %dma_wait3A_14 = tpu.memref_squeeze %dma_wait3A_13 : memref<1x626x80xf32, #tpu.memory_space<hbm>> -> memref<626x80xf32, #tpu.memory_space<hbm>>
    tpu.wait_dma2 semaphore(%arg13 : memref<!tpu.dma_semaphore, #tpu.memory_space<semaphore_mem>>) src(%dma_wait3A_14 : memref<626x80xf32, #tpu.memory_space<hbm>>) dst(%dma_wait3A_11 : memref<626x80xf32, #tpu.memory_space<vmem_shared>>)
    %dma_wait3A_15 = arith.constant 0 : i32
    %dma_wait3A_16 = tpu.memref_slice %arg12[%mul3A_2, %dma_wait3A_15] : memref<10016x80xf32, #tpu.memory_space<vmem_shared>> -> memref<626x80xf32, #tpu.memory_space<vmem_shared>>
    tpu.wait_dma2 semaphore(%arg14 : memref<!tpu.dma_semaphore, #tpu.memory_space<semaphore_mem>>) src(%arg5 : memref<626x80xf32, #tpu.memory_space<hbm>>) dst(%dma_wait3A_16 : memref<626x80xf32, #tpu.memory_space<vmem_shared>>)
    %barrier3A = arith.constant 0 : index
    tpu.barrier barrier_id(%barrier3A)
    %scan3A = arith.constant 0 : i32
    %scan3A_17 = arith.constant 0 : i32
    %scan3A_18 = arith.constant 2 : i32
    %scan3A_19 = arith.addi %scan3A_17, %scan3A_18 : i32
    %scan3A_20 = arith.constant 1 : i32
    scf.for %scan3A_71 = %scan3A_17 to %scan3A_19 step %scan3A_20  : i32 {
      %mul3A_72 = arith.constant 2 : i32
      %mul3A_73 = arith.muli %add3A, %mul3A_72 : i32
      %add3A_74 = arith.addi %mul3A_73, %scan3A_71 : i32
      %mul3A_75 = arith.constant 40 : i32
      %mul3A_76 = arith.muli %add3A_74, %mul3A_75 : i32
      "tpu.region"() ({
        %run_scoped3A_112 = tpu.sem_alloc : memref<!tpu.dma_semaphore, #tpu.memory_space<semaphore_mem>>
        %dma_start3A_113 = arith.constant 0 : i32
        %dma_start3A_114 = tpu.memref_slice %arg3[%mul3A_76, %dma_start3A_113] : memref<2560x128xi32, #tpu.memory_space<hbm>> -> memref<40x128xi32, #tpu.memory_space<hbm>>
        %dma_start3A_115 = arith.constant 0 : i32
        %dma_start3A_116 = tpu.memref_slice %arg3[%mul3A_76, %dma_start3A_115] : memref<2560x128xi32, #tpu.memory_space<hbm>> -> memref<40x128xi32, #tpu.memory_space<hbm>>
        tpu.enqueue_dma source(%dma_start3A_116 : memref<40x128xi32, #tpu.memory_space<hbm>>) target(%arg7 : memref<40x128xi32, #tpu.memory_space<vmem>>) target_semaphore(%run_scoped3A_112 : memref<!tpu.dma_semaphore, #tpu.memory_space<semaphore_mem>>)
        %dma_wait3A_117 = arith.constant 0 : i32
        %dma_wait3A_118 = tpu.memref_slice %arg3[%mul3A_76, %dma_wait3A_117] : memref<2560x128xi32, #tpu.memory_space<hbm>> -> memref<40x128xi32, #tpu.memory_space<hbm>>
        %dma_wait3A_119 = arith.constant 0 : i32
        %dma_wait3A_120 = tpu.memref_slice %arg3[%mul3A_76, %dma_wait3A_119] : memref<2560x128xi32, #tpu.memory_space<hbm>> -> memref<40x128xi32, #tpu.memory_space<hbm>>
        tpu.wait_dma2 semaphore(%run_scoped3A_112 : memref<!tpu.dma_semaphore, #tpu.memory_space<semaphore_mem>>) src(%dma_wait3A_120 : memref<40x128xi32, #tpu.memory_space<hbm>>) dst(%arg7 : memref<40x128xi32, #tpu.memory_space<vmem>>)
        tpu.yield
      }) : () -> ()
      "tpu.region"() ({
        %run_scoped3A_112 = tpu.sem_alloc : memref<!tpu.dma_semaphore, #tpu.memory_space<semaphore_mem>>
        %dma_start3A_113 = arith.constant 0 : i32
        %dma_start3A_114 = tpu.memref_slice %arg4[%mul3A_76, %dma_start3A_113] : memref<2560x128xi32, #tpu.memory_space<hbm>> -> memref<40x128xi32, #tpu.memory_space<hbm>>
        %dma_start3A_115 = arith.constant 0 : i32
        %dma_start3A_116 = tpu.memref_slice %arg4[%mul3A_76, %dma_start3A_115] : memref<2560x128xi32, #tpu.memory_space<hbm>> -> memref<40x128xi32, #tpu.memory_space<hbm>>
        tpu.enqueue_dma source(%dma_start3A_116 : memref<40x128xi32, #tpu.memory_space<hbm>>) target(%arg8 : memref<40x128xi32, #tpu.memory_space<vmem>>) target_semaphore(%run_scoped3A_112 : memref<!tpu.dma_semaphore, #tpu.memory_space<semaphore_mem>>)
        %dma_wait3A_117 = arith.constant 0 : i32
        %dma_wait3A_118 = tpu.memref_slice %arg4[%mul3A_76, %dma_wait3A_117] : memref<2560x128xi32, #tpu.memory_space<hbm>> -> memref<40x128xi32, #tpu.memory_space<hbm>>
        %dma_wait3A_119 = arith.constant 0 : i32
        %dma_wait3A_120 = tpu.memref_slice %arg4[%mul3A_76, %dma_wait3A_119] : memref<2560x128xi32, #tpu.memory_space<hbm>> -> memref<40x128xi32, #tpu.memory_space<hbm>>
        tpu.wait_dma2 semaphore(%run_scoped3A_112 : memref<!tpu.dma_semaphore, #tpu.memory_space<semaphore_mem>>) src(%dma_wait3A_120 : memref<40x128xi32, #tpu.memory_space<hbm>>) dst(%arg8 : memref<40x128xi32, #tpu.memory_space<vmem>>)
        tpu.yield
      }) : () -> ()
      %dma_start3A_77 = arith.constant 0 : i32
      %dma_start3A_78 = arith.constant 0 : i32
      %dma_start3A_79 = tpu.memref_slice %arg7[%dma_start3A_77, %dma_start3A_78] : memref<40x128xi32, #tpu.memory_space<vmem>> -> memref<1x128xi32, #tpu.memory_space<vmem>>
      %dma_start3A_80 = tpu.memref_squeeze %dma_start3A_79 : memref<1x128xi32, #tpu.memory_space<vmem>> -> memref<128xi32, #tpu.memory_space<vmem>>
      %dma_start3A_81 = arith.constant 0 : i32
      %dma_start3A_82 = arith.constant 0 : i32
      %dma_start3A_83 = tpu.memref_slice %arg11[%dma_start3A_81, %dma_start3A_82] : memref<10016x80xf32, #tpu.memory_space<vmem_shared>> -> memref<10016x80xf32, #tpu.memory_space<vmem_shared>>
      tpu.enqueue_indirect_dma source(%dma_start3A_83 : memref<10016x80xf32, #tpu.memory_space<vmem_shared>>) target(%arg9 : memref<128x80xf32, #tpu.memory_space<vmem>>) offsets(%dma_start3A_80 : memref<128xi32, #tpu.memory_space<vmem>>) semaphore(%arg13 : memref<!tpu.dma_semaphore, #tpu.memory_space<semaphore_mem>>)
      %scan3A_84 = arith.constant 0 : i32
      %scan3A_85 = arith.constant 0 : i32
      %scan3A_86 = arith.constant 19 : i32
      %scan3A_87 = arith.addi %scan3A_85, %scan3A_86 : i32
      %scan3A_88 = arith.constant 1 : i32
      scf.for %scan3A_112 = %scan3A_85 to %scan3A_87 step %scan3A_88  : i32 {
        %mul3A_113 = arith.constant 2 : i32
        %mul3A_114 = arith.muli %mul3A_113, %scan3A_112 : i32
        %add3A_115 = arith.constant 1 : i32
        %add3A_116 = arith.addi %mul3A_114, %add3A_115 : i32
        %dma_start3A_117 = arith.constant 0 : i32
        %dma_start3A_118 = tpu.memref_slice %arg7[%add3A_116, %dma_start3A_117] : memref<40x128xi32, #tpu.memory_space<vmem>> -> memref<1x128xi32, #tpu.memory_space<vmem>>
        %dma_start3A_119 = tpu.memref_squeeze %dma_start3A_118 : memref<1x128xi32, #tpu.memory_space<vmem>> -> memref<128xi32, #tpu.memory_space<vmem>>
        %dma_start3A_120 = arith.constant 0 : i32
        %dma_start3A_121 = arith.constant 0 : i32
        %dma_start3A_122 = tpu.memref_slice %arg11[%dma_start3A_120, %dma_start3A_121] : memref<10016x80xf32, #tpu.memory_space<vmem_shared>> -> memref<10016x80xf32, #tpu.memory_space<vmem_shared>>
        tpu.enqueue_indirect_dma source(%dma_start3A_122 : memref<10016x80xf32, #tpu.memory_space<vmem_shared>>) target(%arg10 : memref<128x80xf32, #tpu.memory_space<vmem>>) offsets(%dma_start3A_119 : memref<128xi32, #tpu.memory_space<vmem>>) semaphore(%arg14 : memref<!tpu.dma_semaphore, #tpu.memory_space<semaphore_mem>>)
        %dma_wait3A_123 = arith.constant 0 : i32
        %dma_wait3A_124 = tpu.memref_slice %arg7[%mul3A_114, %dma_wait3A_123] : memref<40x128xi32, #tpu.memory_space<vmem>> -> memref<1x128xi32, #tpu.memory_space<vmem>>
        %dma_wait3A_125 = tpu.memref_squeeze %dma_wait3A_124 : memref<1x128xi32, #tpu.memory_space<vmem>> -> memref<128xi32, #tpu.memory_space<vmem>>
        %dma_wait3A_126 = arith.constant 0 : i32
        %dma_wait3A_127 = arith.constant 0 : i32
        %dma_wait3A_128 = tpu.memref_slice %arg11[%dma_wait3A_126, %dma_wait3A_127] : memref<10016x80xf32, #tpu.memory_space<vmem_shared>> -> memref<10016x80xf32, #tpu.memory_space<vmem_shared>>
        tpu.wait_indirect_dma semaphore(%arg13 : memref<!tpu.dma_semaphore, #tpu.memory_space<semaphore_mem>>) src(%dma_wait3A_128 : memref<10016x80xf32, #tpu.memory_space<vmem_shared>>) dst(%arg9 : memref<128x80xf32, #tpu.memory_space<vmem>>)
        "tpu.region"() ({
          %run_scoped3A_147 = tpu.sem_alloc : memref<!tpu.dma_semaphore, #tpu.memory_space<semaphore_mem>>
          %dma_start3A_148 = arith.constant 0 : i32
          %dma_start3A_149 = tpu.memref_slice %arg8[%mul3A_114, %dma_start3A_148] : memref<40x128xi32, #tpu.memory_space<vmem>> -> memref<1x128xi32, #tpu.memory_space<vmem>>
          %dma_start3A_150 = tpu.memref_squeeze %dma_start3A_149 : memref<1x128xi32, #tpu.memory_space<vmem>> -> memref<128xi32, #tpu.memory_space<vmem>>
          %dma_start3A_151 = arith.constant 0 : i32
          %dma_start3A_152 = arith.constant 0 : i32
          %dma_start3A_153 = tpu.memref_slice %arg12[%dma_start3A_151, %dma_start3A_152] : memref<10016x80xf32, #tpu.memory_space<vmem_shared>> -> memref<10016x80xf32, #tpu.memory_space<vmem_shared>>
          tpu.enqueue_indirect_dma source(%arg9 : memref<128x80xf32, #tpu.memory_space<vmem>>) target(%dma_start3A_153 : memref<10016x80xf32, #tpu.memory_space<vmem_shared>>) offsets(%dma_start3A_150 : memref<128xi32, #tpu.memory_space<vmem>>) semaphore(%run_scoped3A_147 : memref<!tpu.dma_semaphore, #tpu.memory_space<semaphore_mem>>) {add = true}
          %dma_wait3A_154 = arith.constant 0 : i32
          %dma_wait3A_155 = tpu.memref_slice %arg8[%mul3A_114, %dma_wait3A_154] : memref<40x128xi32, #tpu.memory_space<vmem>> -> memref<1x128xi32, #tpu.memory_space<vmem>>
          %dma_wait3A_156 = tpu.memref_squeeze %dma_wait3A_155 : memref<1x128xi32, #tpu.memory_space<vmem>> -> memref<128xi32, #tpu.memory_space<vmem>>
          %dma_wait3A_157 = arith.constant 0 : i32
          %dma_wait3A_158 = arith.constant 0 : i32
          %dma_wait3A_159 = tpu.memref_slice %arg12[%dma_wait3A_157, %dma_wait3A_158] : memref<10016x80xf32, #tpu.memory_space<vmem_shared>> -> memref<10016x80xf32, #tpu.memory_space<vmem_shared>>
          tpu.wait_indirect_dma semaphore(%run_scoped3A_147 : memref<!tpu.dma_semaphore, #tpu.memory_space<semaphore_mem>>) src(%arg9 : memref<128x80xf32, #tpu.memory_space<vmem>>) dst(%dma_wait3A_159 : memref<10016x80xf32, #tpu.memory_space<vmem_shared>>)
          tpu.yield
        }) : () -> ()
        %add3A_129 = arith.constant 2 : i32
        %add3A_130 = arith.addi %mul3A_114, %add3A_129 : i32
        %dma_start3A_131 = arith.constant 0 : i32
        %dma_start3A_132 = tpu.memref_slice %arg7[%add3A_130, %dma_start3A_131] : memref<40x128xi32, #tpu.memory_space<vmem>> -> memref<1x128xi32, #tpu.memory_space<vmem>>
        %dma_start3A_133 = tpu.memref_squeeze %dma_start3A_132 : memref<1x128xi32, #tpu.memory_space<vmem>> -> memref<128xi32, #tpu.memory_space<vmem>>
        %dma_start3A_134 = arith.constant 0 : i32
        %dma_start3A_135 = arith.constant 0 : i32
        %dma_start3A_136 = tpu.memref_slice %arg11[%dma_start3A_134, %dma_start3A_135] : memref<10016x80xf32, #tpu.memory_space<vmem_shared>> -> memref<10016x80xf32, #tpu.memory_space<vmem_shared>>
        tpu.enqueue_indirect_dma source(%dma_start3A_136 : memref<10016x80xf32, #tpu.memory_space<vmem_shared>>) target(%arg9 : memref<128x80xf32, #tpu.memory_space<vmem>>) offsets(%dma_start3A_133 : memref<128xi32, #tpu.memory_space<vmem>>) semaphore(%arg13 : memref<!tpu.dma_semaphore, #tpu.memory_space<semaphore_mem>>)
        %add3A_137 = arith.constant 1 : i32
        %add3A_138 = arith.addi %mul3A_114, %add3A_137 : i32
        %dma_wait3A_139 = arith.constant 0 : i32
        %dma_wait3A_140 = tpu.memref_slice %arg7[%add3A_138, %dma_wait3A_139] : memref<40x128xi32, #tpu.memory_space<vmem>> -> memref<1x128xi32, #tpu.memory_space<vmem>>
        %dma_wait3A_141 = tpu.memref_squeeze %dma_wait3A_140 : memref<1x128xi32, #tpu.memory_space<vmem>> -> memref<128xi32, #tpu.memory_space<vmem>>
        %dma_wait3A_142 = arith.constant 0 : i32
        %dma_wait3A_143 = arith.constant 0 : i32
        %dma_wait3A_144 = tpu.memref_slice %arg11[%dma_wait3A_142, %dma_wait3A_143] : memref<10016x80xf32, #tpu.memory_space<vmem_shared>> -> memref<10016x80xf32, #tpu.memory_space<vmem_shared>>
        tpu.wait_indirect_dma semaphore(%arg14 : memref<!tpu.dma_semaphore, #tpu.memory_space<semaphore_mem>>) src(%dma_wait3A_144 : memref<10016x80xf32, #tpu.memory_space<vmem_shared>>) dst(%arg10 : memref<128x80xf32, #tpu.memory_space<vmem>>)
        %add3A_145 = arith.constant 1 : i32
        %add3A_146 = arith.addi %mul3A_114, %add3A_145 : i32
        "tpu.region"() ({
          %run_scoped3A_147 = tpu.sem_alloc : memref<!tpu.dma_semaphore, #tpu.memory_space<semaphore_mem>>
          %dma_start3A_148 = arith.constant 0 : i32
          %dma_start3A_149 = tpu.memref_slice %arg8[%add3A_146, %dma_start3A_148] : memref<40x128xi32, #tpu.memory_space<vmem>> -> memref<1x128xi32, #tpu.memory_space<vmem>>
          %dma_start3A_150 = tpu.memref_squeeze %dma_start3A_149 : memref<1x128xi32, #tpu.memory_space<vmem>> -> memref<128xi32, #tpu.memory_space<vmem>>
          %dma_start3A_151 = arith.constant 0 : i32
          %dma_start3A_152 = arith.constant 0 : i32
          %dma_start3A_153 = tpu.memref_slice %arg12[%dma_start3A_151, %dma_start3A_152] : memref<10016x80xf32, #tpu.memory_space<vmem_shared>> -> memref<10016x80xf32, #tpu.memory_space<vmem_shared>>
          tpu.enqueue_indirect_dma source(%arg10 : memref<128x80xf32, #tpu.memory_space<vmem>>) target(%dma_start3A_153 : memref<10016x80xf32, #tpu.memory_space<vmem_shared>>) offsets(%dma_start3A_150 : memref<128xi32, #tpu.memory_space<vmem>>) semaphore(%run_scoped3A_147 : memref<!tpu.dma_semaphore, #tpu.memory_space<semaphore_mem>>) {add = true}
          %dma_wait3A_154 = arith.constant 0 : i32
          %dma_wait3A_155 = tpu.memref_slice %arg8[%add3A_146, %dma_wait3A_154] : memref<40x128xi32, #tpu.memory_space<vmem>> -> memref<1x128xi32, #tpu.memory_space<vmem>>
          %dma_wait3A_156 = tpu.memref_squeeze %dma_wait3A_155 : memref<1x128xi32, #tpu.memory_space<vmem>> -> memref<128xi32, #tpu.memory_space<vmem>>
          %dma_wait3A_157 = arith.constant 0 : i32
          %dma_wait3A_158 = arith.constant 0 : i32
          %dma_wait3A_159 = tpu.memref_slice %arg12[%dma_wait3A_157, %dma_wait3A_158] : memref<10016x80xf32, #tpu.memory_space<vmem_shared>> -> memref<10016x80xf32, #tpu.memory_space<vmem_shared>>
          tpu.wait_indirect_dma semaphore(%run_scoped3A_147 : memref<!tpu.dma_semaphore, #tpu.memory_space<semaphore_mem>>) src(%arg10 : memref<128x80xf32, #tpu.memory_space<vmem>>) dst(%dma_wait3A_159 : memref<10016x80xf32, #tpu.memory_space<vmem_shared>>)
          tpu.yield
        }) : () -> ()
      }
      %scan3A_89 = arith.constant 19 : i32
      %dma_start3A_90 = arith.constant 39 : i32
      %dma_start3A_91 = arith.constant 0 : i32
      %dma_start3A_92 = tpu.memref_slice %arg7[%dma_start3A_90, %dma_start3A_91] : memref<40x128xi32, #tpu.memory_space<vmem>> -> memref<1x128xi32, #tpu.memory_space<vmem>>
      %dma_start3A_93 = tpu.memref_squeeze %dma_start3A_92 : memref<1x128xi32, #tpu.memory_space<vmem>> -> memref<128xi32, #tpu.memory_space<vmem>>
      %dma_start3A_94 = arith.constant 0 : i32
      %dma_start3A_95 = arith.constant 0 : i32
      %dma_start3A_96 = tpu.memref_slice %arg11[%dma_start3A_94, %dma_start3A_95] : memref<10016x80xf32, #tpu.memory_space<vmem_shared>> -> memref<10016x80xf32, #tpu.memory_space<vmem_shared>>
      tpu.enqueue_indirect_dma source(%dma_start3A_96 : memref<10016x80xf32, #tpu.memory_space<vmem_shared>>) target(%arg10 : memref<128x80xf32, #tpu.memory_space<vmem>>) offsets(%dma_start3A_93 : memref<128xi32, #tpu.memory_space<vmem>>) semaphore(%arg14 : memref<!tpu.dma_semaphore, #tpu.memory_space<semaphore_mem>>)
      %dma_wait3A_97 = arith.constant 38 : i32
      %dma_wait3A_98 = arith.constant 0 : i32
      %dma_wait3A_99 = tpu.memref_slice %arg7[%dma_wait3A_97, %dma_wait3A_98] : memref<40x128xi32, #tpu.memory_space<vmem>> -> memref<1x128xi32, #tpu.memory_space<vmem>>
      %dma_wait3A_100 = tpu.memref_squeeze %dma_wait3A_99 : memref<1x128xi32, #tpu.memory_space<vmem>> -> memref<128xi32, #tpu.memory_space<vmem>>
      %dma_wait3A_101 = arith.constant 0 : i32
      %dma_wait3A_102 = arith.constant 0 : i32
      %dma_wait3A_103 = tpu.memref_slice %arg11[%dma_wait3A_101, %dma_wait3A_102] : memref<10016x80xf32, #tpu.memory_space<vmem_shared>> -> memref<10016x80xf32, #tpu.memory_space<vmem_shared>>
      tpu.wait_indirect_dma semaphore(%arg13 : memref<!tpu.dma_semaphore, #tpu.memory_space<semaphore_mem>>) src(%dma_wait3A_103 : memref<10016x80xf32, #tpu.memory_space<vmem_shared>>) dst(%arg9 : memref<128x80xf32, #tpu.memory_space<vmem>>)
      %run_scoped3A = arith.constant 38 : i32
      "tpu.region"() ({
        %run_scoped3A_112 = tpu.sem_alloc : memref<!tpu.dma_semaphore, #tpu.memory_space<semaphore_mem>>
        %dma_start3A_113 = arith.constant 0 : i32
        %dma_start3A_114 = tpu.memref_slice %arg8[%run_scoped3A, %dma_start3A_113] : memref<40x128xi32, #tpu.memory_space<vmem>> -> memref<1x128xi32, #tpu.memory_space<vmem>>
        %dma_start3A_115 = tpu.memref_squeeze %dma_start3A_114 : memref<1x128xi32, #tpu.memory_space<vmem>> -> memref<128xi32, #tpu.memory_space<vmem>>
        %dma_start3A_116 = arith.constant 0 : i32
        %dma_start3A_117 = arith.constant 0 : i32
        %dma_start3A_118 = tpu.memref_slice %arg12[%dma_start3A_116, %dma_start3A_117] : memref<10016x80xf32, #tpu.memory_space<vmem_shared>> -> memref<10016x80xf32, #tpu.memory_space<vmem_shared>>
        tpu.enqueue_indirect_dma source(%arg9 : memref<128x80xf32, #tpu.memory_space<vmem>>) target(%dma_start3A_118 : memref<10016x80xf32, #tpu.memory_space<vmem_shared>>) offsets(%dma_start3A_115 : memref<128xi32, #tpu.memory_space<vmem>>) semaphore(%run_scoped3A_112 : memref<!tpu.dma_semaphore, #tpu.memory_space<semaphore_mem>>) {add = true}
        %dma_wait3A_119 = arith.constant 0 : i32
        %dma_wait3A_120 = tpu.memref_slice %arg8[%run_scoped3A, %dma_wait3A_119] : memref<40x128xi32, #tpu.memory_space<vmem>> -> memref<1x128xi32, #tpu.memory_space<vmem>>
        %dma_wait3A_121 = tpu.memref_squeeze %dma_wait3A_120 : memref<1x128xi32, #tpu.memory_space<vmem>> -> memref<128xi32, #tpu.memory_space<vmem>>
        %dma_wait3A_122 = arith.constant 0 : i32
        %dma_wait3A_123 = arith.constant 0 : i32
        %dma_wait3A_124 = tpu.memref_slice %arg12[%dma_wait3A_122, %dma_wait3A_123] : memref<10016x80xf32, #tpu.memory_space<vmem_shared>> -> memref<10016x80xf32, #tpu.memory_space<vmem_shared>>
        tpu.wait_indirect_dma semaphore(%run_scoped3A_112 : memref<!tpu.dma_semaphore, #tpu.memory_space<semaphore_mem>>) src(%arg9 : memref<128x80xf32, #tpu.memory_space<vmem>>) dst(%dma_wait3A_124 : memref<10016x80xf32, #tpu.memory_space<vmem_shared>>)
        tpu.yield
      }) : () -> ()
      %dma_wait3A_104 = arith.constant 39 : i32
      %dma_wait3A_105 = arith.constant 0 : i32
      %dma_wait3A_106 = tpu.memref_slice %arg7[%dma_wait3A_104, %dma_wait3A_105] : memref<40x128xi32, #tpu.memory_space<vmem>> -> memref<1x128xi32, #tpu.memory_space<vmem>>
      %dma_wait3A_107 = tpu.memref_squeeze %dma_wait3A_106 : memref<1x128xi32, #tpu.memory_space<vmem>> -> memref<128xi32, #tpu.memory_space<vmem>>
      %dma_wait3A_108 = arith.constant 0 : i32
      %dma_wait3A_109 = arith.constant 0 : i32
      %dma_wait3A_110 = tpu.memref_slice %arg11[%dma_wait3A_108, %dma_wait3A_109] : memref<10016x80xf32, #tpu.memory_space<vmem_shared>> -> memref<10016x80xf32, #tpu.memory_space<vmem_shared>>
      tpu.wait_indirect_dma semaphore(%arg14 : memref<!tpu.dma_semaphore, #tpu.memory_space<semaphore_mem>>) src(%dma_wait3A_110 : memref<10016x80xf32, #tpu.memory_space<vmem_shared>>) dst(%arg10 : memref<128x80xf32, #tpu.memory_space<vmem>>)
      %run_scoped3A_111 = arith.constant 39 : i32
      "tpu.region"() ({
        %run_scoped3A_112 = tpu.sem_alloc : memref<!tpu.dma_semaphore, #tpu.memory_space<semaphore_mem>>
        %dma_start3A_113 = arith.constant 0 : i32
        %dma_start3A_114 = tpu.memref_slice %arg8[%run_scoped3A_111, %dma_start3A_113] : memref<40x128xi32, #tpu.memory_space<vmem>> -> memref<1x128xi32, #tpu.memory_space<vmem>>
        %dma_start3A_115 = tpu.memref_squeeze %dma_start3A_114 : memref<1x128xi32, #tpu.memory_space<vmem>> -> memref<128xi32, #tpu.memory_space<vmem>>
        %dma_start3A_116 = arith.constant 0 : i32
        %dma_start3A_117 = arith.constant 0 : i32
        %dma_start3A_118 = tpu.memref_slice %arg12[%dma_start3A_116, %dma_start3A_117] : memref<10016x80xf32, #tpu.memory_space<vmem_shared>> -> memref<10016x80xf32, #tpu.memory_space<vmem_shared>>
        tpu.enqueue_indirect_dma source(%arg10 : memref<128x80xf32, #tpu.memory_space<vmem>>) target(%dma_start3A_118 : memref<10016x80xf32, #tpu.memory_space<vmem_shared>>) offsets(%dma_start3A_115 : memref<128xi32, #tpu.memory_space<vmem>>) semaphore(%run_scoped3A_112 : memref<!tpu.dma_semaphore, #tpu.memory_space<semaphore_mem>>) {add = true}
        %dma_wait3A_119 = arith.constant 0 : i32
        %dma_wait3A_120 = tpu.memref_slice %arg8[%run_scoped3A_111, %dma_wait3A_119] : memref<40x128xi32, #tpu.memory_space<vmem>> -> memref<1x128xi32, #tpu.memory_space<vmem>>
        %dma_wait3A_121 = tpu.memref_squeeze %dma_wait3A_120 : memref<1x128xi32, #tpu.memory_space<vmem>> -> memref<128xi32, #tpu.memory_space<vmem>>
        %dma_wait3A_122 = arith.constant 0 : i32
        %dma_wait3A_123 = arith.constant 0 : i32
        %dma_wait3A_124 = tpu.memref_slice %arg12[%dma_wait3A_122, %dma_wait3A_123] : memref<10016x80xf32, #tpu.memory_space<vmem_shared>> -> memref<10016x80xf32, #tpu.memory_space<vmem_shared>>
        tpu.wait_indirect_dma semaphore(%run_scoped3A_112 : memref<!tpu.dma_semaphore, #tpu.memory_space<semaphore_mem>>) src(%arg10 : memref<128x80xf32, #tpu.memory_space<vmem>>) dst(%dma_wait3A_124 : memref<10016x80xf32, #tpu.memory_space<vmem_shared>>)
        tpu.yield
      }) : () -> ()
    }
    %scan3A_21 = arith.constant 2 : i32
    %barrier3A_22 = arith.constant 0 : index
    tpu.barrier barrier_id(%barrier3A_22)
    %dma_start3A_23 = arith.constant 0 : i32
    %dma_start3A_24 = arith.constant 0 : i32
    %dma_start3A_25 = tpu.memref_slice %arg6[%arg0, %dma_start3A_23, %mul3A_2, %dma_start3A_24] : memref<2x2x10016x80xf32, #tpu.memory_space<hbm>> -> memref<1x1x626x80xf32, #tpu.memory_space<hbm>>
    %dma_start3A_26 = tpu.memref_squeeze %dma_start3A_25 : memref<1x1x626x80xf32, #tpu.memory_space<hbm>> -> memref<626x80xf32, #tpu.memory_space<hbm>>
    %dma_start3A_27 = arith.constant 0 : i32
    %dma_start3A_28 = tpu.memref_slice %arg12[%mul3A_2, %dma_start3A_27] : memref<10016x80xf32, #tpu.memory_space<vmem_shared>> -> memref<626x80xf32, #tpu.memory_space<vmem_shared>>
    tpu.enqueue_dma source(%dma_start3A_28 : memref<626x80xf32, #tpu.memory_space<vmem_shared>>) target(%dma_start3A_26 : memref<626x80xf32, #tpu.memory_space<hbm>>) target_semaphore(%arg13 : memref<!tpu.dma_semaphore, #tpu.memory_space<semaphore_mem>>)
    %dma_start3A_29 = arith.constant 1 : i32
    %dma_start3A_30 = arith.constant 0 : i32
    %dma_start3A_31 = tpu.memref_slice %arg11[%mul3A_2, %dma_start3A_30] : memref<10016x80xf32, #tpu.memory_space<vmem_shared>> -> memref<626x80xf32, #tpu.memory_space<vmem_shared>>
    %dma_start3A_32 = arith.constant 0 : i32
    %dma_start3A_33 = tpu.memref_slice %arg2[%dma_start3A_29, %mul3A_2, %dma_start3A_32] : memref<2x10016x80xf32, #tpu.memory_space<hbm>> -> memref<1x626x80xf32, #tpu.memory_space<hbm>>
    %dma_start3A_34 = tpu.memref_squeeze %dma_start3A_33 : memref<1x626x80xf32, #tpu.memory_space<hbm>> -> memref<626x80xf32, #tpu.memory_space<hbm>>
    tpu.enqueue_dma source(%dma_start3A_34 : memref<626x80xf32, #tpu.memory_space<hbm>>) target(%dma_start3A_31 : memref<626x80xf32, #tpu.memory_space<vmem_shared>>) target_semaphore(%arg14 : memref<!tpu.dma_semaphore, #tpu.memory_space<semaphore_mem>>)
    %dma_wait3A_35 = arith.constant 0 : i32
    %dma_wait3A_36 = arith.constant 0 : i32
    %dma_wait3A_37 = tpu.memref_slice %arg6[%arg0, %dma_wait3A_35, %mul3A_2, %dma_wait3A_36] : memref<2x2x10016x80xf32, #tpu.memory_space<hbm>> -> memref<1x1x626x80xf32, #tpu.memory_space<hbm>>
    %dma_wait3A_38 = tpu.memref_squeeze %dma_wait3A_37 : memref<1x1x626x80xf32, #tpu.memory_space<hbm>> -> memref<626x80xf32, #tpu.memory_space<hbm>>
    %dma_wait3A_39 = arith.constant 0 : i32
    %dma_wait3A_40 = tpu.memref_slice %arg12[%mul3A_2, %dma_wait3A_39] : memref<10016x80xf32, #tpu.memory_space<vmem_shared>> -> memref<626x80xf32, #tpu.memory_space<vmem_shared>>
    tpu.wait_dma2 semaphore(%arg13 : memref<!tpu.dma_semaphore, #tpu.memory_space<semaphore_mem>>) src(%dma_wait3A_40 : memref<626x80xf32, #tpu.memory_space<vmem_shared>>) dst(%dma_wait3A_38 : memref<626x80xf32, #tpu.memory_space<hbm>>)
    %dma_start3A_41 = arith.constant 0 : i32
    %dma_start3A_42 = tpu.memref_slice %arg12[%mul3A_2, %dma_start3A_41] : memref<10016x80xf32, #tpu.memory_space<vmem_shared>> -> memref<626x80xf32, #tpu.memory_space<vmem_shared>>
    tpu.enqueue_dma source(%arg5 : memref<626x80xf32, #tpu.memory_space<hbm>>) target(%dma_start3A_42 : memref<626x80xf32, #tpu.memory_space<vmem_shared>>) target_semaphore(%arg13 : memref<!tpu.dma_semaphore, #tpu.memory_space<semaphore_mem>>)
    %dma_wait3A_43 = arith.constant 1 : i32
    %dma_wait3A_44 = arith.constant 0 : i32
    %dma_wait3A_45 = tpu.memref_slice %arg11[%mul3A_2, %dma_wait3A_44] : memref<10016x80xf32, #tpu.memory_space<vmem_shared>> -> memref<626x80xf32, #tpu.memory_space<vmem_shared>>
    %dma_wait3A_46 = arith.constant 0 : i32
    %dma_wait3A_47 = tpu.memref_slice %arg2[%dma_wait3A_43, %mul3A_2, %dma_wait3A_46] : memref<2x10016x80xf32, #tpu.memory_space<hbm>> -> memref<1x626x80xf32, #tpu.memory_space<hbm>>
    %dma_wait3A_48 = tpu.memref_squeeze %dma_wait3A_47 : memref<1x626x80xf32, #tpu.memory_space<hbm>> -> memref<626x80xf32, #tpu.memory_space<hbm>>
    tpu.wait_dma2 semaphore(%arg14 : memref<!tpu.dma_semaphore, #tpu.memory_space<semaphore_mem>>) src(%dma_wait3A_48 : memref<626x80xf32, #tpu.memory_space<hbm>>) dst(%dma_wait3A_45 : memref<626x80xf32, #tpu.memory_space<vmem_shared>>)
    %dma_wait3A_49 = arith.constant 0 : i32
    %dma_wait3A_50 = tpu.memref_slice %arg12[%mul3A_2, %dma_wait3A_49] : memref<10016x80xf32, #tpu.memory_space<vmem_shared>> -> memref<626x80xf32, #tpu.memory_space<vmem_shared>>
    tpu.wait_dma2 semaphore(%arg13 : memref<!tpu.dma_semaphore, #tpu.memory_space<semaphore_mem>>) src(%arg5 : memref<626x80xf32, #tpu.memory_space<hbm>>) dst(%dma_wait3A_50 : memref<626x80xf32, #tpu.memory_space<vmem_shared>>)
    %barrier3A_51 = arith.constant 0 : index
    tpu.barrier barrier_id(%barrier3A_51)
    %scan3A_52 = arith.constant 0 : i32
    %scan3A_53 = arith.constant 0 : i32
    %scan3A_54 = arith.constant 2 : i32
    %scan3A_55 = arith.addi %scan3A_53, %scan3A_54 : i32
    %scan3A_56 = arith.constant 1 : i32
    scf.for %scan3A_71 = %scan3A_53 to %scan3A_55 step %scan3A_56  : i32 {
      %mul3A_72 = arith.constant 2 : i32
      %mul3A_73 = arith.muli %add3A, %mul3A_72 : i32
      %add3A_74 = arith.addi %mul3A_73, %scan3A_71 : i32
      %mul3A_75 = arith.constant 40 : i32
      %mul3A_76 = arith.muli %add3A_74, %mul3A_75 : i32
      "tpu.region"() ({
        %run_scoped3A_112 = tpu.sem_alloc : memref<!tpu.dma_semaphore, #tpu.memory_space<semaphore_mem>>
        %dma_start3A_113 = arith.constant 0 : i32
        %dma_start3A_114 = tpu.memref_slice %arg3[%mul3A_76, %dma_start3A_113] : memref<2560x128xi32, #tpu.memory_space<hbm>> -> memref<40x128xi32, #tpu.memory_space<hbm>>
        %dma_start3A_115 = arith.constant 0 : i32
        %dma_start3A_116 = tpu.memref_slice %arg3[%mul3A_76, %dma_start3A_115] : memref<2560x128xi32, #tpu.memory_space<hbm>> -> memref<40x128xi32, #tpu.memory_space<hbm>>
        tpu.enqueue_dma source(%dma_start3A_116 : memref<40x128xi32, #tpu.memory_space<hbm>>) target(%arg7 : memref<40x128xi32, #tpu.memory_space<vmem>>) target_semaphore(%run_scoped3A_112 : memref<!tpu.dma_semaphore, #tpu.memory_space<semaphore_mem>>)
        %dma_wait3A_117 = arith.constant 0 : i32
        %dma_wait3A_118 = tpu.memref_slice %arg3[%mul3A_76, %dma_wait3A_117] : memref<2560x128xi32, #tpu.memory_space<hbm>> -> memref<40x128xi32, #tpu.memory_space<hbm>>
        %dma_wait3A_119 = arith.constant 0 : i32
        %dma_wait3A_120 = tpu.memref_slice %arg3[%mul3A_76, %dma_wait3A_119] : memref<2560x128xi32, #tpu.memory_space<hbm>> -> memref<40x128xi32, #tpu.memory_space<hbm>>
        tpu.wait_dma2 semaphore(%run_scoped3A_112 : memref<!tpu.dma_semaphore, #tpu.memory_space<semaphore_mem>>) src(%dma_wait3A_120 : memref<40x128xi32, #tpu.memory_space<hbm>>) dst(%arg7 : memref<40x128xi32, #tpu.memory_space<vmem>>)
        tpu.yield
      }) : () -> ()
      "tpu.region"() ({
        %run_scoped3A_112 = tpu.sem_alloc : memref<!tpu.dma_semaphore, #tpu.memory_space<semaphore_mem>>
        %dma_start3A_113 = arith.constant 0 : i32
        %dma_start3A_114 = tpu.memref_slice %arg4[%mul3A_76, %dma_start3A_113] : memref<2560x128xi32, #tpu.memory_space<hbm>> -> memref<40x128xi32, #tpu.memory_space<hbm>>
        %dma_start3A_115 = arith.constant 0 : i32
        %dma_start3A_116 = tpu.memref_slice %arg4[%mul3A_76, %dma_start3A_115] : memref<2560x128xi32, #tpu.memory_space<hbm>> -> memref<40x128xi32, #tpu.memory_space<hbm>>
        tpu.enqueue_dma source(%dma_start3A_116 : memref<40x128xi32, #tpu.memory_space<hbm>>) target(%arg8 : memref<40x128xi32, #tpu.memory_space<vmem>>) target_semaphore(%run_scoped3A_112 : memref<!tpu.dma_semaphore, #tpu.memory_space<semaphore_mem>>)
        %dma_wait3A_117 = arith.constant 0 : i32
        %dma_wait3A_118 = tpu.memref_slice %arg4[%mul3A_76, %dma_wait3A_117] : memref<2560x128xi32, #tpu.memory_space<hbm>> -> memref<40x128xi32, #tpu.memory_space<hbm>>
        %dma_wait3A_119 = arith.constant 0 : i32
        %dma_wait3A_120 = tpu.memref_slice %arg4[%mul3A_76, %dma_wait3A_119] : memref<2560x128xi32, #tpu.memory_space<hbm>> -> memref<40x128xi32, #tpu.memory_space<hbm>>
        tpu.wait_dma2 semaphore(%run_scoped3A_112 : memref<!tpu.dma_semaphore, #tpu.memory_space<semaphore_mem>>) src(%dma_wait3A_120 : memref<40x128xi32, #tpu.memory_space<hbm>>) dst(%arg8 : memref<40x128xi32, #tpu.memory_space<vmem>>)
        tpu.yield
      }) : () -> ()
      %dma_start3A_77 = arith.constant 0 : i32
      %dma_start3A_78 = arith.constant 0 : i32
      %dma_start3A_79 = tpu.memref_slice %arg7[%dma_start3A_77, %dma_start3A_78] : memref<40x128xi32, #tpu.memory_space<vmem>> -> memref<1x128xi32, #tpu.memory_space<vmem>>
      %dma_start3A_80 = tpu.memref_squeeze %dma_start3A_79 : memref<1x128xi32, #tpu.memory_space<vmem>> -> memref<128xi32, #tpu.memory_space<vmem>>
      %dma_start3A_81 = arith.constant 0 : i32
      %dma_start3A_82 = arith.constant 0 : i32
      %dma_start3A_83 = tpu.memref_slice %arg11[%dma_start3A_81, %dma_start3A_82] : memref<10016x80xf32, #tpu.memory_space<vmem_shared>> -> memref<10016x80xf32, #tpu.memory_space<vmem_shared>>
      tpu.enqueue_indirect_dma source(%dma_start3A_83 : memref<10016x80xf32, #tpu.memory_space<vmem_shared>>) target(%arg9 : memref<128x80xf32, #tpu.memory_space<vmem>>) offsets(%dma_start3A_80 : memref<128xi32, #tpu.memory_space<vmem>>) semaphore(%arg13 : memref<!tpu.dma_semaphore, #tpu.memory_space<semaphore_mem>>)
      %scan3A_84 = arith.constant 0 : i32
      %scan3A_85 = arith.constant 0 : i32
      %scan3A_86 = arith.constant 19 : i32
      %scan3A_87 = arith.addi %scan3A_85, %scan3A_86 : i32
      %scan3A_88 = arith.constant 1 : i32
      scf.for %scan3A_112 = %scan3A_85 to %scan3A_87 step %scan3A_88  : i32 {
        %mul3A_113 = arith.constant 2 : i32
        %mul3A_114 = arith.muli %mul3A_113, %scan3A_112 : i32
        %add3A_115 = arith.constant 1 : i32
        %add3A_116 = arith.addi %mul3A_114, %add3A_115 : i32
        %dma_start3A_117 = arith.constant 0 : i32
        %dma_start3A_118 = tpu.memref_slice %arg7[%add3A_116, %dma_start3A_117] : memref<40x128xi32, #tpu.memory_space<vmem>> -> memref<1x128xi32, #tpu.memory_space<vmem>>
        %dma_start3A_119 = tpu.memref_squeeze %dma_start3A_118 : memref<1x128xi32, #tpu.memory_space<vmem>> -> memref<128xi32, #tpu.memory_space<vmem>>
        %dma_start3A_120 = arith.constant 0 : i32
        %dma_start3A_121 = arith.constant 0 : i32
        %dma_start3A_122 = tpu.memref_slice %arg11[%dma_start3A_120, %dma_start3A_121] : memref<10016x80xf32, #tpu.memory_space<vmem_shared>> -> memref<10016x80xf32, #tpu.memory_space<vmem_shared>>
        tpu.enqueue_indirect_dma source(%dma_start3A_122 : memref<10016x80xf32, #tpu.memory_space<vmem_shared>>) target(%arg10 : memref<128x80xf32, #tpu.memory_space<vmem>>) offsets(%dma_start3A_119 : memref<128xi32, #tpu.memory_space<vmem>>) semaphore(%arg14 : memref<!tpu.dma_semaphore, #tpu.memory_space<semaphore_mem>>)
        %dma_wait3A_123 = arith.constant 0 : i32
        %dma_wait3A_124 = tpu.memref_slice %arg7[%mul3A_114, %dma_wait3A_123] : memref<40x128xi32, #tpu.memory_space<vmem>> -> memref<1x128xi32, #tpu.memory_space<vmem>>
        %dma_wait3A_125 = tpu.memref_squeeze %dma_wait3A_124 : memref<1x128xi32, #tpu.memory_space<vmem>> -> memref<128xi32, #tpu.memory_space<vmem>>
        %dma_wait3A_126 = arith.constant 0 : i32
        %dma_wait3A_127 = arith.constant 0 : i32
        %dma_wait3A_128 = tpu.memref_slice %arg11[%dma_wait3A_126, %dma_wait3A_127] : memref<10016x80xf32, #tpu.memory_space<vmem_shared>> -> memref<10016x80xf32, #tpu.memory_space<vmem_shared>>
        tpu.wait_indirect_dma semaphore(%arg13 : memref<!tpu.dma_semaphore, #tpu.memory_space<semaphore_mem>>) src(%dma_wait3A_128 : memref<10016x80xf32, #tpu.memory_space<vmem_shared>>) dst(%arg9 : memref<128x80xf32, #tpu.memory_space<vmem>>)
        "tpu.region"() ({
          %run_scoped3A_147 = tpu.sem_alloc : memref<!tpu.dma_semaphore, #tpu.memory_space<semaphore_mem>>
          %dma_start3A_148 = arith.constant 0 : i32
          %dma_start3A_149 = tpu.memref_slice %arg8[%mul3A_114, %dma_start3A_148] : memref<40x128xi32, #tpu.memory_space<vmem>> -> memref<1x128xi32, #tpu.memory_space<vmem>>
          %dma_start3A_150 = tpu.memref_squeeze %dma_start3A_149 : memref<1x128xi32, #tpu.memory_space<vmem>> -> memref<128xi32, #tpu.memory_space<vmem>>
          %dma_start3A_151 = arith.constant 0 : i32
          %dma_start3A_152 = arith.constant 0 : i32
          %dma_start3A_153 = tpu.memref_slice %arg12[%dma_start3A_151, %dma_start3A_152] : memref<10016x80xf32, #tpu.memory_space<vmem_shared>> -> memref<10016x80xf32, #tpu.memory_space<vmem_shared>>
          tpu.enqueue_indirect_dma source(%arg9 : memref<128x80xf32, #tpu.memory_space<vmem>>) target(%dma_start3A_153 : memref<10016x80xf32, #tpu.memory_space<vmem_shared>>) offsets(%dma_start3A_150 : memref<128xi32, #tpu.memory_space<vmem>>) semaphore(%run_scoped3A_147 : memref<!tpu.dma_semaphore, #tpu.memory_space<semaphore_mem>>) {add = true}
          %dma_wait3A_154 = arith.constant 0 : i32
          %dma_wait3A_155 = tpu.memref_slice %arg8[%mul3A_114, %dma_wait3A_154] : memref<40x128xi32, #tpu.memory_space<vmem>> -> memref<1x128xi32, #tpu.memory_space<vmem>>
          %dma_wait3A_156 = tpu.memref_squeeze %dma_wait3A_155 : memref<1x128xi32, #tpu.memory_space<vmem>> -> memref<128xi32, #tpu.memory_space<vmem>>
          %dma_wait3A_157 = arith.constant 0 : i32
          %dma_wait3A_158 = arith.constant 0 : i32
          %dma_wait3A_159 = tpu.memref_slice %arg12[%dma_wait3A_157, %dma_wait3A_158] : memref<10016x80xf32, #tpu.memory_space<vmem_shared>> -> memref<10016x80xf32, #tpu.memory_space<vmem_shared>>
          tpu.wait_indirect_dma semaphore(%run_scoped3A_147 : memref<!tpu.dma_semaphore, #tpu.memory_space<semaphore_mem>>) src(%arg9 : memref<128x80xf32, #tpu.memory_space<vmem>>) dst(%dma_wait3A_159 : memref<10016x80xf32, #tpu.memory_space<vmem_shared>>)
          tpu.yield
        }) : () -> ()
        %add3A_129 = arith.constant 2 : i32
        %add3A_130 = arith.addi %mul3A_114, %add3A_129 : i32
        %dma_start3A_131 = arith.constant 0 : i32
        %dma_start3A_132 = tpu.memref_slice %arg7[%add3A_130, %dma_start3A_131] : memref<40x128xi32, #tpu.memory_space<vmem>> -> memref<1x128xi32, #tpu.memory_space<vmem>>
        %dma_start3A_133 = tpu.memref_squeeze %dma_start3A_132 : memref<1x128xi32, #tpu.memory_space<vmem>> -> memref<128xi32, #tpu.memory_space<vmem>>
        %dma_start3A_134 = arith.constant 0 : i32
        %dma_start3A_135 = arith.constant 0 : i32
        %dma_start3A_136 = tpu.memref_slice %arg11[%dma_start3A_134, %dma_start3A_135] : memref<10016x80xf32, #tpu.memory_space<vmem_shared>> -> memref<10016x80xf32, #tpu.memory_space<vmem_shared>>
        tpu.enqueue_indirect_dma source(%dma_start3A_136 : memref<10016x80xf32, #tpu.memory_space<vmem_shared>>) target(%arg9 : memref<128x80xf32, #tpu.memory_space<vmem>>) offsets(%dma_start3A_133 : memref<128xi32, #tpu.memory_space<vmem>>) semaphore(%arg13 : memref<!tpu.dma_semaphore, #tpu.memory_space<semaphore_mem>>)
        %add3A_137 = arith.constant 1 : i32
        %add3A_138 = arith.addi %mul3A_114, %add3A_137 : i32
        %dma_wait3A_139 = arith.constant 0 : i32
        %dma_wait3A_140 = tpu.memref_slice %arg7[%add3A_138, %dma_wait3A_139] : memref<40x128xi32, #tpu.memory_space<vmem>> -> memref<1x128xi32, #tpu.memory_space<vmem>>
        %dma_wait3A_141 = tpu.memref_squeeze %dma_wait3A_140 : memref<1x128xi32, #tpu.memory_space<vmem>> -> memref<128xi32, #tpu.memory_space<vmem>>
        %dma_wait3A_142 = arith.constant 0 : i32
        %dma_wait3A_143 = arith.constant 0 : i32
        %dma_wait3A_144 = tpu.memref_slice %arg11[%dma_wait3A_142, %dma_wait3A_143] : memref<10016x80xf32, #tpu.memory_space<vmem_shared>> -> memref<10016x80xf32, #tpu.memory_space<vmem_shared>>
        tpu.wait_indirect_dma semaphore(%arg14 : memref<!tpu.dma_semaphore, #tpu.memory_space<semaphore_mem>>) src(%dma_wait3A_144 : memref<10016x80xf32, #tpu.memory_space<vmem_shared>>) dst(%arg10 : memref<128x80xf32, #tpu.memory_space<vmem>>)
        %add3A_145 = arith.constant 1 : i32
        %add3A_146 = arith.addi %mul3A_114, %add3A_145 : i32
        "tpu.region"() ({
          %run_scoped3A_147 = tpu.sem_alloc : memref<!tpu.dma_semaphore, #tpu.memory_space<semaphore_mem>>
          %dma_start3A_148 = arith.constant 0 : i32
          %dma_start3A_149 = tpu.memref_slice %arg8[%add3A_146, %dma_start3A_148] : memref<40x128xi32, #tpu.memory_space<vmem>> -> memref<1x128xi32, #tpu.memory_space<vmem>>
          %dma_start3A_150 = tpu.memref_squeeze %dma_start3A_149 : memref<1x128xi32, #tpu.memory_space<vmem>> -> memref<128xi32, #tpu.memory_space<vmem>>
          %dma_start3A_151 = arith.constant 0 : i32
          %dma_start3A_152 = arith.constant 0 : i32
          %dma_start3A_153 = tpu.memref_slice %arg12[%dma_start3A_151, %dma_start3A_152] : memref<10016x80xf32, #tpu.memory_space<vmem_shared>> -> memref<10016x80xf32, #tpu.memory_space<vmem_shared>>
          tpu.enqueue_indirect_dma source(%arg10 : memref<128x80xf32, #tpu.memory_space<vmem>>) target(%dma_start3A_153 : memref<10016x80xf32, #tpu.memory_space<vmem_shared>>) offsets(%dma_start3A_150 : memref<128xi32, #tpu.memory_space<vmem>>) semaphore(%run_scoped3A_147 : memref<!tpu.dma_semaphore, #tpu.memory_space<semaphore_mem>>) {add = true}
          %dma_wait3A_154 = arith.constant 0 : i32
          %dma_wait3A_155 = tpu.memref_slice %arg8[%add3A_146, %dma_wait3A_154] : memref<40x128xi32, #tpu.memory_space<vmem>> -> memref<1x128xi32, #tpu.memory_space<vmem>>
          %dma_wait3A_156 = tpu.memref_squeeze %dma_wait3A_155 : memref<1x128xi32, #tpu.memory_space<vmem>> -> memref<128xi32, #tpu.memory_space<vmem>>
          %dma_wait3A_157 = arith.constant 0 : i32
          %dma_wait3A_158 = arith.constant 0 : i32
          %dma_wait3A_159 = tpu.memref_slice %arg12[%dma_wait3A_157, %dma_wait3A_158] : memref<10016x80xf32, #tpu.memory_space<vmem_shared>> -> memref<10016x80xf32, #tpu.memory_space<vmem_shared>>
          tpu.wait_indirect_dma semaphore(%run_scoped3A_147 : memref<!tpu.dma_semaphore, #tpu.memory_space<semaphore_mem>>) src(%arg10 : memref<128x80xf32, #tpu.memory_space<vmem>>) dst(%dma_wait3A_159 : memref<10016x80xf32, #tpu.memory_space<vmem_shared>>)
          tpu.yield
        }) : () -> ()
      }
      %scan3A_89 = arith.constant 19 : i32
      %dma_start3A_90 = arith.constant 39 : i32
      %dma_start3A_91 = arith.constant 0 : i32
      %dma_start3A_92 = tpu.memref_slice %arg7[%dma_start3A_90, %dma_start3A_91] : memref<40x128xi32, #tpu.memory_space<vmem>> -> memref<1x128xi32, #tpu.memory_space<vmem>>
      %dma_start3A_93 = tpu.memref_squeeze %dma_start3A_92 : memref<1x128xi32, #tpu.memory_space<vmem>> -> memref<128xi32, #tpu.memory_space<vmem>>
      %dma_start3A_94 = arith.constant 0 : i32
      %dma_start3A_95 = arith.constant 0 : i32
      %dma_start3A_96 = tpu.memref_slice %arg11[%dma_start3A_94, %dma_start3A_95] : memref<10016x80xf32, #tpu.memory_space<vmem_shared>> -> memref<10016x80xf32, #tpu.memory_space<vmem_shared>>
      tpu.enqueue_indirect_dma source(%dma_start3A_96 : memref<10016x80xf32, #tpu.memory_space<vmem_shared>>) target(%arg10 : memref<128x80xf32, #tpu.memory_space<vmem>>) offsets(%dma_start3A_93 : memref<128xi32, #tpu.memory_space<vmem>>) semaphore(%arg14 : memref<!tpu.dma_semaphore, #tpu.memory_space<semaphore_mem>>)
      %dma_wait3A_97 = arith.constant 38 : i32
      %dma_wait3A_98 = arith.constant 0 : i32
      %dma_wait3A_99 = tpu.memref_slice %arg7[%dma_wait3A_97, %dma_wait3A_98] : memref<40x128xi32, #tpu.memory_space<vmem>> -> memref<1x128xi32, #tpu.memory_space<vmem>>
      %dma_wait3A_100 = tpu.memref_squeeze %dma_wait3A_99 : memref<1x128xi32, #tpu.memory_space<vmem>> -> memref<128xi32, #tpu.memory_space<vmem>>
      %dma_wait3A_101 = arith.constant 0 : i32
      %dma_wait3A_102 = arith.constant 0 : i32
      %dma_wait3A_103 = tpu.memref_slice %arg11[%dma_wait3A_101, %dma_wait3A_102] : memref<10016x80xf32, #tpu.memory_space<vmem_shared>> -> memref<10016x80xf32, #tpu.memory_space<vmem_shared>>
      tpu.wait_indirect_dma semaphore(%arg13 : memref<!tpu.dma_semaphore, #tpu.memory_space<semaphore_mem>>) src(%dma_wait3A_103 : memref<10016x80xf32, #tpu.memory_space<vmem_shared>>) dst(%arg9 : memref<128x80xf32, #tpu.memory_space<vmem>>)
      %run_scoped3A = arith.constant 38 : i32
      "tpu.region"() ({
        %run_scoped3A_112 = tpu.sem_alloc : memref<!tpu.dma_semaphore, #tpu.memory_space<semaphore_mem>>
        %dma_start3A_113 = arith.constant 0 : i32
        %dma_start3A_114 = tpu.memref_slice %arg8[%run_scoped3A, %dma_start3A_113] : memref<40x128xi32, #tpu.memory_space<vmem>> -> memref<1x128xi32, #tpu.memory_space<vmem>>
        %dma_start3A_115 = tpu.memref_squeeze %dma_start3A_114 : memref<1x128xi32, #tpu.memory_space<vmem>> -> memref<128xi32, #tpu.memory_space<vmem>>
        %dma_start3A_116 = arith.constant 0 : i32
        %dma_start3A_117 = arith.constant 0 : i32
        %dma_start3A_118 = tpu.memref_slice %arg12[%dma_start3A_116, %dma_start3A_117] : memref<10016x80xf32, #tpu.memory_space<vmem_shared>> -> memref<10016x80xf32, #tpu.memory_space<vmem_shared>>
        tpu.enqueue_indirect_dma source(%arg9 : memref<128x80xf32, #tpu.memory_space<vmem>>) target(%dma_start3A_118 : memref<10016x80xf32, #tpu.memory_space<vmem_shared>>) offsets(%dma_start3A_115 : memref<128xi32, #tpu.memory_space<vmem>>) semaphore(%run_scoped3A_112 : memref<!tpu.dma_semaphore, #tpu.memory_space<semaphore_mem>>) {add = true}
        %dma_wait3A_119 = arith.constant 0 : i32
        %dma_wait3A_120 = tpu.memref_slice %arg8[%run_scoped3A, %dma_wait3A_119] : memref<40x128xi32, #tpu.memory_space<vmem>> -> memref<1x128xi32, #tpu.memory_space<vmem>>
        %dma_wait3A_121 = tpu.memref_squeeze %dma_wait3A_120 : memref<1x128xi32, #tpu.memory_space<vmem>> -> memref<128xi32, #tpu.memory_space<vmem>>
        %dma_wait3A_122 = arith.constant 0 : i32
        %dma_wait3A_123 = arith.constant 0 : i32
        %dma_wait3A_124 = tpu.memref_slice %arg12[%dma_wait3A_122, %dma_wait3A_123] : memref<10016x80xf32, #tpu.memory_space<vmem_shared>> -> memref<10016x80xf32, #tpu.memory_space<vmem_shared>>
        tpu.wait_indirect_dma semaphore(%run_scoped3A_112 : memref<!tpu.dma_semaphore, #tpu.memory_space<semaphore_mem>>) src(%arg9 : memref<128x80xf32, #tpu.memory_space<vmem>>) dst(%dma_wait3A_124 : memref<10016x80xf32, #tpu.memory_space<vmem_shared>>)
        tpu.yield
      }) : () -> ()
      %dma_wait3A_104 = arith.constant 39 : i32
      %dma_wait3A_105 = arith.constant 0 : i32
      %dma_wait3A_106 = tpu.memref_slice %arg7[%dma_wait3A_104, %dma_wait3A_105] : memref<40x128xi32, #tpu.memory_space<vmem>> -> memref<1x128xi32, #tpu.memory_space<vmem>>
      %dma_wait3A_107 = tpu.memref_squeeze %dma_wait3A_106 : memref<1x128xi32, #tpu.memory_space<vmem>> -> memref<128xi32, #tpu.memory_space<vmem>>
      %dma_wait3A_108 = arith.constant 0 : i32
      %dma_wait3A_109 = arith.constant 0 : i32
      %dma_wait3A_110 = tpu.memref_slice %arg11[%dma_wait3A_108, %dma_wait3A_109] : memref<10016x80xf32, #tpu.memory_space<vmem_shared>> -> memref<10016x80xf32, #tpu.memory_space<vmem_shared>>
      tpu.wait_indirect_dma semaphore(%arg14 : memref<!tpu.dma_semaphore, #tpu.memory_space<semaphore_mem>>) src(%dma_wait3A_110 : memref<10016x80xf32, #tpu.memory_space<vmem_shared>>) dst(%arg10 : memref<128x80xf32, #tpu.memory_space<vmem>>)
      %run_scoped3A_111 = arith.constant 39 : i32
      "tpu.region"() ({
        %run_scoped3A_112 = tpu.sem_alloc : memref<!tpu.dma_semaphore, #tpu.memory_space<semaphore_mem>>
        %dma_start3A_113 = arith.constant 0 : i32
        %dma_start3A_114 = tpu.memref_slice %arg8[%run_scoped3A_111, %dma_start3A_113] : memref<40x128xi32, #tpu.memory_space<vmem>> -> memref<1x128xi32, #tpu.memory_space<vmem>>
        %dma_start3A_115 = tpu.memref_squeeze %dma_start3A_114 : memref<1x128xi32, #tpu.memory_space<vmem>> -> memref<128xi32, #tpu.memory_space<vmem>>
        %dma_start3A_116 = arith.constant 0 : i32
        %dma_start3A_117 = arith.constant 0 : i32
        %dma_start3A_118 = tpu.memref_slice %arg12[%dma_start3A_116, %dma_start3A_117] : memref<10016x80xf32, #tpu.memory_space<vmem_shared>> -> memref<10016x80xf32, #tpu.memory_space<vmem_shared>>
        tpu.enqueue_indirect_dma source(%arg10 : memref<128x80xf32, #tpu.memory_space<vmem>>) target(%dma_start3A_118 : memref<10016x80xf32, #tpu.memory_space<vmem_shared>>) offsets(%dma_start3A_115 : memref<128xi32, #tpu.memory_space<vmem>>) semaphore(%run_scoped3A_112 : memref<!tpu.dma_semaphore, #tpu.memory_space<semaphore_mem>>) {add = true}
        %dma_wait3A_119 = arith.constant 0 : i32
        %dma_wait3A_120 = tpu.memref_slice %arg8[%run_scoped3A_111, %dma_wait3A_119] : memref<40x128xi32, #tpu.memory_space<vmem>> -> memref<1x128xi32, #tpu.memory_space<vmem>>
        %dma_wait3A_121 = tpu.memref_squeeze %dma_wait3A_120 : memref<1x128xi32, #tpu.memory_space<vmem>> -> memref<128xi32, #tpu.memory_space<vmem>>
        %dma_wait3A_122 = arith.constant 0 : i32
        %dma_wait3A_123 = arith.constant 0 : i32
        %dma_wait3A_124 = tpu.memref_slice %arg12[%dma_wait3A_122, %dma_wait3A_123] : memref<10016x80xf32, #tpu.memory_space<vmem_shared>> -> memref<10016x80xf32, #tpu.memory_space<vmem_shared>>
        tpu.wait_indirect_dma semaphore(%run_scoped3A_112 : memref<!tpu.dma_semaphore, #tpu.memory_space<semaphore_mem>>) src(%arg10 : memref<128x80xf32, #tpu.memory_space<vmem>>) dst(%dma_wait3A_124 : memref<10016x80xf32, #tpu.memory_space<vmem_shared>>)
        tpu.yield
      }) : () -> ()
    }
    %scan3A_57 = arith.constant 2 : i32
    %barrier3A_58 = arith.constant 0 : index
    tpu.barrier barrier_id(%barrier3A_58)
    %dma_start3A_59 = arith.constant 1 : i32
    %dma_start3A_60 = arith.constant 0 : i32
    %dma_start3A_61 = tpu.memref_slice %arg6[%arg0, %dma_start3A_59, %mul3A_2, %dma_start3A_60] : memref<2x2x10016x80xf32, #tpu.memory_space<hbm>> -> memref<1x1x626x80xf32, #tpu.memory_space<hbm>>
    %dma_start3A_62 = tpu.memref_squeeze %dma_start3A_61 : memref<1x1x626x80xf32, #tpu.memory_space<hbm>> -> memref<626x80xf32, #tpu.memory_space<hbm>>
    %dma_start3A_63 = arith.constant 0 : i32
    %dma_start3A_64 = tpu.memref_slice %arg12[%mul3A_2, %dma_start3A_63] : memref<10016x80xf32, #tpu.memory_space<vmem_shared>> -> memref<626x80xf32, #tpu.memory_space<vmem_shared>>
    tpu.enqueue_dma source(%dma_start3A_64 : memref<626x80xf32, #tpu.memory_space<vmem_shared>>) target(%dma_start3A_62 : memref<626x80xf32, #tpu.memory_space<hbm>>) target_semaphore(%arg13 : memref<!tpu.dma_semaphore, #tpu.memory_space<semaphore_mem>>)
    %dma_wait3A_65 = arith.constant 1 : i32
    %dma_wait3A_66 = arith.constant 0 : i32
    %dma_wait3A_67 = tpu.memref_slice %arg6[%arg0, %dma_wait3A_65, %mul3A_2, %dma_wait3A_66] : memref<2x2x10016x80xf32, #tpu.memory_space<hbm>> -> memref<1x1x626x80xf32, #tpu.memory_space<hbm>>
    %dma_wait3A_68 = tpu.memref_squeeze %dma_wait3A_67 : memref<1x1x626x80xf32, #tpu.memory_space<hbm>> -> memref<626x80xf32, #tpu.memory_space<hbm>>
    %dma_wait3A_69 = arith.constant 0 : i32
    %dma_wait3A_70 = tpu.memref_slice %arg12[%mul3A_2, %dma_wait3A_69] : memref<10016x80xf32, #tpu.memory_space<vmem_shared>> -> memref<626x80xf32, #tpu.memory_space<vmem_shared>>
    tpu.wait_dma2 semaphore(%arg13 : memref<!tpu.dma_semaphore, #tpu.memory_space<semaphore_mem>>) src(%dma_wait3A_70 : memref<626x80xf32, #tpu.memory_space<vmem_shared>>) dst(%dma_wait3A_68 : memref<626x80xf32, #tpu.memory_space<hbm>>)
    return
  }
}

#map = affine_map<(d0, d1) -> (0, 0, 0)>
#map1 = affine_map<(d0, d1) -> (0, 0)>
#map2 = affine_map<(d0, d1) -> (0, 0, 0, 0)>
module attributes {stable_mosaic.version = 14 : i64} {
  func.func @_sc_seg_sum(%arg0: i32, %arg1: i32, %arg2: memref<2x10016x80xf32, #tpu.memory_space<hbm>>, %arg3: memref<2560x128xi32, #tpu.memory_space<hbm>>, %arg4: memref<2560x128xi32, #tpu.memory_space<hbm>>, %arg5: memref<626x80xf32, #tpu.memory_space<hbm>>, %arg6: memref<2x2x10016x80xf32, #tpu.memory_space<hbm>>, %arg7: memref<40x128xi32, #tpu.memory_space<vmem>>, %arg8: memref<40x128xi32, #tpu.memory_space<vmem>>, %arg9: memref<128x80xf32, #tpu.memory_space<vmem>>, %arg10: memref<128x80xf32, #tpu.memory_space<vmem>>, %arg11: memref<10016x80xf32, #tpu.memory_space<vmem_shared>>, %arg12: memref<10016x80xf32, #tpu.memory_space<vmem_shared>>, %arg13: memref<!tpu.dma_semaphore, #tpu.memory_space<semaphore_mem>>, %arg14: memref<!tpu.dma_semaphore, #tpu.memory_space<semaphore_mem>>) attributes {dimension_semantics = [#tpu.dimension_semantics<core_parallel>, #tpu.dimension_semantics<subcore_parallel>], iteration_bounds = array<i64: 2, 16>, scalar_prefetch = 0 : i64, scratch_operands = 8 : i64, tpu.core_type = #tpu.core_type<sc_vector_subcore>, window_params = [{transform_indices = #map}, {transform_indices = #map1}, {transform_indices = #map1}, {transform_indices = #map1}, {transform_indices = #map2}]} {
    %mul3A = arith.constant 16 : i32
    %mul3A_0 = arith.muli %arg0, %mul3A : i32
    %add3A = arith.addi %mul3A_0, %arg1 : i32
    %mul3A_1 = arith.constant 626 : i32
    %mul3A_2 = arith.muli %arg1, %mul3A_1 : i32
    %dma_start3A = arith.constant 0 : i32
    %dma_start3A_3 = arith.constant 0 : i32
    %dma_start3A_4 = tpu.memref_slice %arg11[%mul3A_2, %dma_start3A_3] : memref<10016x80xf32, #tpu.memory_space<vmem_shared>> -> memref<626x80xf32, #tpu.memory_space<vmem_shared>>
    %dma_start3A_5 = arith.constant 0 : i32
    %dma_start3A_6 = tpu.memref_slice %arg2[%dma_start3A, %mul3A_2, %dma_start3A_5] : memref<2x10016x80xf32, #tpu.memory_space<hbm>> -> memref<1x626x80xf32, #tpu.memory_space<hbm>>
    %dma_start3A_7 = tpu.memref_squeeze %dma_start3A_6 : memref<1x626x80xf32, #tpu.memory_space<hbm>> -> memref<626x80xf32, #tpu.memory_space<hbm>>
    tpu.enqueue_dma source(%dma_start3A_7 : memref<626x80xf32, #tpu.memory_space<hbm>>) target(%dma_start3A_4 : memref<626x80xf32, #tpu.memory_space<vmem_shared>>) target_semaphore(%arg13 : memref<!tpu.dma_semaphore, #tpu.memory_space<semaphore_mem>>)
    %dma_start3A_8 = arith.constant 0 : i32
    %dma_start3A_9 = tpu.memref_slice %arg12[%mul3A_2, %dma_start3A_8] : memref<10016x80xf32, #tpu.memory_space<vmem_shared>> -> memref<626x80xf32, #tpu.memory_space<vmem_shared>>
    tpu.enqueue_dma source(%arg5 : memref<626x80xf32, #tpu.memory_space<hbm>>) target(%dma_start3A_9 : memref<626x80xf32, #tpu.memory_space<vmem_shared>>) target_semaphore(%arg14 : memref<!tpu.dma_semaphore, #tpu.memory_space<semaphore_mem>>)
    %dma_wait3A = arith.constant 0 : i32
    %dma_wait3A_10 = arith.constant 0 : i32
    %dma_wait3A_11 = tpu.memref_slice %arg11[%mul3A_2, %dma_wait3A_10] : memref<10016x80xf32, #tpu.memory_space<vmem_shared>> -> memref<626x80xf32, #tpu.memory_space<vmem_shared>>
    %dma_wait3A_12 = arith.constant 0 : i32
    %dma_wait3A_13 = tpu.memref_slice %arg2[%dma_wait3A, %mul3A_2, %dma_wait3A_12] : memref<2x10016x80xf32, #tpu.memory_space<hbm>> -> memref<1x626x80xf32, #tpu.memory_space<hbm>>
    %dma_wait3A_14 = tpu.memref_squeeze %dma_wait3A_13 : memref<1x626x80xf32, #tpu.memory_space<hbm>> -> memref<626x80xf32, #tpu.memory_space<hbm>>
    tpu.wait_dma2 semaphore(%arg13 : memref<!tpu.dma_semaphore, #tpu.memory_space<semaphore_mem>>) src(%dma_wait3A_14 : memref<626x80xf32, #tpu.memory_space<hbm>>) dst(%dma_wait3A_11 : memref<626x80xf32, #tpu.memory_space<vmem_shared>>)
    %dma_wait3A_15 = arith.constant 0 : i32
    %dma_wait3A_16 = tpu.memref_slice %arg12[%mul3A_2, %dma_wait3A_15] : memref<10016x80xf32, #tpu.memory_space<vmem_shared>> -> memref<626x80xf32, #tpu.memory_space<vmem_shared>>
    tpu.wait_dma2 semaphore(%arg14 : memref<!tpu.dma_semaphore, #tpu.memory_space<semaphore_mem>>) src(%arg5 : memref<626x80xf32, #tpu.memory_space<hbm>>) dst(%dma_wait3A_16 : memref<626x80xf32, #tpu.memory_space<vmem_shared>>)
    %barrier3A = arith.constant 0 : index
    tpu.barrier barrier_id(%barrier3A)
    %scan3A = arith.constant 0 : i32
    %scan3A_17 = arith.constant 0 : i32
    %scan3A_18 = arith.constant 2 : i32
    %scan3A_19 = arith.addi %scan3A_17, %scan3A_18 : i32
    %scan3A_20 = arith.constant 1 : i32
    scf.for %scan3A_71 = %scan3A_17 to %scan3A_19 step %scan3A_20  : i32 {
      %mul3A_72 = arith.constant 2 : i32
      %mul3A_73 = arith.muli %add3A, %mul3A_72 : i32
      %add3A_74 = arith.addi %mul3A_73, %scan3A_71 : i32
      %mul3A_75 = arith.constant 40 : i32
      %mul3A_76 = arith.muli %add3A_74, %mul3A_75 : i32
      "tpu.region"() ({
        %run_scoped3A_112 = tpu.sem_alloc : memref<!tpu.dma_semaphore, #tpu.memory_space<semaphore_mem>>
        %dma_start3A_113 = arith.constant 0 : i32
        %dma_start3A_114 = tpu.memref_slice %arg3[%mul3A_76, %dma_start3A_113] : memref<2560x128xi32, #tpu.memory_space<hbm>> -> memref<40x128xi32, #tpu.memory_space<hbm>>
        %dma_start3A_115 = arith.constant 0 : i32
        %dma_start3A_116 = tpu.memref_slice %arg3[%mul3A_76, %dma_start3A_115] : memref<2560x128xi32, #tpu.memory_space<hbm>> -> memref<40x128xi32, #tpu.memory_space<hbm>>
        tpu.enqueue_dma source(%dma_start3A_116 : memref<40x128xi32, #tpu.memory_space<hbm>>) target(%arg7 : memref<40x128xi32, #tpu.memory_space<vmem>>) target_semaphore(%run_scoped3A_112 : memref<!tpu.dma_semaphore, #tpu.memory_space<semaphore_mem>>)
        %dma_wait3A_117 = arith.constant 0 : i32
        %dma_wait3A_118 = tpu.memref_slice %arg3[%mul3A_76, %dma_wait3A_117] : memref<2560x128xi32, #tpu.memory_space<hbm>> -> memref<40x128xi32, #tpu.memory_space<hbm>>
        %dma_wait3A_119 = arith.constant 0 : i32
        %dma_wait3A_120 = tpu.memref_slice %arg3[%mul3A_76, %dma_wait3A_119] : memref<2560x128xi32, #tpu.memory_space<hbm>> -> memref<40x128xi32, #tpu.memory_space<hbm>>
        tpu.wait_dma2 semaphore(%run_scoped3A_112 : memref<!tpu.dma_semaphore, #tpu.memory_space<semaphore_mem>>) src(%dma_wait3A_120 : memref<40x128xi32, #tpu.memory_space<hbm>>) dst(%arg7 : memref<40x128xi32, #tpu.memory_space<vmem>>)
        tpu.yield
      }) : () -> ()
      "tpu.region"() ({
        %run_scoped3A_112 = tpu.sem_alloc : memref<!tpu.dma_semaphore, #tpu.memory_space<semaphore_mem>>
        %dma_start3A_113 = arith.constant 0 : i32
        %dma_start3A_114 = tpu.memref_slice %arg4[%mul3A_76, %dma_start3A_113] : memref<2560x128xi32, #tpu.memory_space<hbm>> -> memref<40x128xi32, #tpu.memory_space<hbm>>
        %dma_start3A_115 = arith.constant 0 : i32
        %dma_start3A_116 = tpu.memref_slice %arg4[%mul3A_76, %dma_start3A_115] : memref<2560x128xi32, #tpu.memory_space<hbm>> -> memref<40x128xi32, #tpu.memory_space<hbm>>
        tpu.enqueue_dma source(%dma_start3A_116 : memref<40x128xi32, #tpu.memory_space<hbm>>) target(%arg8 : memref<40x128xi32, #tpu.memory_space<vmem>>) target_semaphore(%run_scoped3A_112 : memref<!tpu.dma_semaphore, #tpu.memory_space<semaphore_mem>>)
        %dma_wait3A_117 = arith.constant 0 : i32
        %dma_wait3A_118 = tpu.memref_slice %arg4[%mul3A_76, %dma_wait3A_117] : memref<2560x128xi32, #tpu.memory_space<hbm>> -> memref<40x128xi32, #tpu.memory_space<hbm>>
        %dma_wait3A_119 = arith.constant 0 : i32
        %dma_wait3A_120 = tpu.memref_slice %arg4[%mul3A_76, %dma_wait3A_119] : memref<2560x128xi32, #tpu.memory_space<hbm>> -> memref<40x128xi32, #tpu.memory_space<hbm>>
        tpu.wait_dma2 semaphore(%run_scoped3A_112 : memref<!tpu.dma_semaphore, #tpu.memory_space<semaphore_mem>>) src(%dma_wait3A_120 : memref<40x128xi32, #tpu.memory_space<hbm>>) dst(%arg8 : memref<40x128xi32, #tpu.memory_space<vmem>>)
        tpu.yield
      }) : () -> ()
      %dma_start3A_77 = arith.constant 0 : i32
      %dma_start3A_78 = arith.constant 0 : i32
      %dma_start3A_79 = tpu.memref_slice %arg7[%dma_start3A_77, %dma_start3A_78] : memref<40x128xi32, #tpu.memory_space<vmem>> -> memref<1x128xi32, #tpu.memory_space<vmem>>
      %dma_start3A_80 = tpu.memref_squeeze %dma_start3A_79 : memref<1x128xi32, #tpu.memory_space<vmem>> -> memref<128xi32, #tpu.memory_space<vmem>>
      %dma_start3A_81 = arith.constant 0 : i32
      %dma_start3A_82 = arith.constant 0 : i32
      %dma_start3A_83 = tpu.memref_slice %arg11[%dma_start3A_81, %dma_start3A_82] : memref<10016x80xf32, #tpu.memory_space<vmem_shared>> -> memref<10016x80xf32, #tpu.memory_space<vmem_shared>>
      tpu.enqueue_indirect_dma source(%dma_start3A_83 : memref<10016x80xf32, #tpu.memory_space<vmem_shared>>) target(%arg9 : memref<128x80xf32, #tpu.memory_space<vmem>>) offsets(%dma_start3A_80 : memref<128xi32, #tpu.memory_space<vmem>>) semaphore(%arg13 : memref<!tpu.dma_semaphore, #tpu.memory_space<semaphore_mem>>)
      %scan3A_84 = arith.constant 0 : i32
      %scan3A_85 = arith.constant 0 : i32
      %scan3A_86 = arith.constant 19 : i32
      %scan3A_87 = arith.addi %scan3A_85, %scan3A_86 : i32
      %scan3A_88 = arith.constant 1 : i32
      scf.for %scan3A_112 = %scan3A_85 to %scan3A_87 step %scan3A_88  : i32 {
        %mul3A_113 = arith.constant 2 : i32
        %mul3A_114 = arith.muli %mul3A_113, %scan3A_112 : i32
        %add3A_115 = arith.constant 1 : i32
        %add3A_116 = arith.addi %mul3A_114, %add3A_115 : i32
        %dma_start3A_117 = arith.constant 0 : i32
        %dma_start3A_118 = tpu.memref_slice %arg7[%add3A_116, %dma_start3A_117] : memref<40x128xi32, #tpu.memory_space<vmem>> -> memref<1x128xi32, #tpu.memory_space<vmem>>
        %dma_start3A_119 = tpu.memref_squeeze %dma_start3A_118 : memref<1x128xi32, #tpu.memory_space<vmem>> -> memref<128xi32, #tpu.memory_space<vmem>>
        %dma_start3A_120 = arith.constant 0 : i32
        %dma_start3A_121 = arith.constant 0 : i32
        %dma_start3A_122 = tpu.memref_slice %arg11[%dma_start3A_120, %dma_start3A_121] : memref<10016x80xf32, #tpu.memory_space<vmem_shared>> -> memref<10016x80xf32, #tpu.memory_space<vmem_shared>>
        tpu.enqueue_indirect_dma source(%dma_start3A_122 : memref<10016x80xf32, #tpu.memory_space<vmem_shared>>) target(%arg10 : memref<128x80xf32, #tpu.memory_space<vmem>>) offsets(%dma_start3A_119 : memref<128xi32, #tpu.memory_space<vmem>>) semaphore(%arg14 : memref<!tpu.dma_semaphore, #tpu.memory_space<semaphore_mem>>)
        %dma_wait3A_123 = arith.constant 0 : i32
        %dma_wait3A_124 = tpu.memref_slice %arg7[%mul3A_114, %dma_wait3A_123] : memref<40x128xi32, #tpu.memory_space<vmem>> -> memref<1x128xi32, #tpu.memory_space<vmem>>
        %dma_wait3A_125 = tpu.memref_squeeze %dma_wait3A_124 : memref<1x128xi32, #tpu.memory_space<vmem>> -> memref<128xi32, #tpu.memory_space<vmem>>
        %dma_wait3A_126 = arith.constant 0 : i32
        %dma_wait3A_127 = arith.constant 0 : i32
        %dma_wait3A_128 = tpu.memref_slice %arg11[%dma_wait3A_126, %dma_wait3A_127] : memref<10016x80xf32, #tpu.memory_space<vmem_shared>> -> memref<10016x80xf32, #tpu.memory_space<vmem_shared>>
        tpu.wait_indirect_dma semaphore(%arg13 : memref<!tpu.dma_semaphore, #tpu.memory_space<semaphore_mem>>) src(%dma_wait3A_128 : memref<10016x80xf32, #tpu.memory_space<vmem_shared>>) dst(%arg9 : memref<128x80xf32, #tpu.memory_space<vmem>>)
        "tpu.region"() ({
          %run_scoped3A_147 = tpu.sem_alloc : memref<!tpu.dma_semaphore, #tpu.memory_space<semaphore_mem>>
          %dma_start3A_148 = arith.constant 0 : i32
          %dma_start3A_149 = tpu.memref_slice %arg8[%mul3A_114, %dma_start3A_148] : memref<40x128xi32, #tpu.memory_space<vmem>> -> memref<1x128xi32, #tpu.memory_space<vmem>>
          %dma_start3A_150 = tpu.memref_squeeze %dma_start3A_149 : memref<1x128xi32, #tpu.memory_space<vmem>> -> memref<128xi32, #tpu.memory_space<vmem>>
          %dma_start3A_151 = arith.constant 0 : i32
          %dma_start3A_152 = arith.constant 0 : i32
          %dma_start3A_153 = tpu.memref_slice %arg12[%dma_start3A_151, %dma_start3A_152] : memref<10016x80xf32, #tpu.memory_space<vmem_shared>> -> memref<10016x80xf32, #tpu.memory_space<vmem_shared>>
          tpu.enqueue_indirect_dma source(%arg9 : memref<128x80xf32, #tpu.memory_space<vmem>>) target(%dma_start3A_153 : memref<10016x80xf32, #tpu.memory_space<vmem_shared>>) offsets(%dma_start3A_150 : memref<128xi32, #tpu.memory_space<vmem>>) semaphore(%run_scoped3A_147 : memref<!tpu.dma_semaphore, #tpu.memory_space<semaphore_mem>>) {add = true}
          %dma_wait3A_154 = arith.constant 0 : i32
          %dma_wait3A_155 = tpu.memref_slice %arg8[%mul3A_114, %dma_wait3A_154] : memref<40x128xi32, #tpu.memory_space<vmem>> -> memref<1x128xi32, #tpu.memory_space<vmem>>
          %dma_wait3A_156 = tpu.memref_squeeze %dma_wait3A_155 : memref<1x128xi32, #tpu.memory_space<vmem>> -> memref<128xi32, #tpu.memory_space<vmem>>
          %dma_wait3A_157 = arith.constant 0 : i32
          %dma_wait3A_158 = arith.constant 0 : i32
          %dma_wait3A_159 = tpu.memref_slice %arg12[%dma_wait3A_157, %dma_wait3A_158] : memref<10016x80xf32, #tpu.memory_space<vmem_shared>> -> memref<10016x80xf32, #tpu.memory_space<vmem_shared>>
          tpu.wait_indirect_dma semaphore(%run_scoped3A_147 : memref<!tpu.dma_semaphore, #tpu.memory_space<semaphore_mem>>) src(%arg9 : memref<128x80xf32, #tpu.memory_space<vmem>>) dst(%dma_wait3A_159 : memref<10016x80xf32, #tpu.memory_space<vmem_shared>>)
          tpu.yield
        }) : () -> ()
        %add3A_129 = arith.constant 2 : i32
        %add3A_130 = arith.addi %mul3A_114, %add3A_129 : i32
        %dma_start3A_131 = arith.constant 0 : i32
        %dma_start3A_132 = tpu.memref_slice %arg7[%add3A_130, %dma_start3A_131] : memref<40x128xi32, #tpu.memory_space<vmem>> -> memref<1x128xi32, #tpu.memory_space<vmem>>
        %dma_start3A_133 = tpu.memref_squeeze %dma_start3A_132 : memref<1x128xi32, #tpu.memory_space<vmem>> -> memref<128xi32, #tpu.memory_space<vmem>>
        %dma_start3A_134 = arith.constant 0 : i32
        %dma_start3A_135 = arith.constant 0 : i32
        %dma_start3A_136 = tpu.memref_slice %arg11[%dma_start3A_134, %dma_start3A_135] : memref<10016x80xf32, #tpu.memory_space<vmem_shared>> -> memref<10016x80xf32, #tpu.memory_space<vmem_shared>>
        tpu.enqueue_indirect_dma source(%dma_start3A_136 : memref<10016x80xf32, #tpu.memory_space<vmem_shared>>) target(%arg9 : memref<128x80xf32, #tpu.memory_space<vmem>>) offsets(%dma_start3A_133 : memref<128xi32, #tpu.memory_space<vmem>>) semaphore(%arg13 : memref<!tpu.dma_semaphore, #tpu.memory_space<semaphore_mem>>)
        %add3A_137 = arith.constant 1 : i32
        %add3A_138 = arith.addi %mul3A_114, %add3A_137 : i32
        %dma_wait3A_139 = arith.constant 0 : i32
        %dma_wait3A_140 = tpu.memref_slice %arg7[%add3A_138, %dma_wait3A_139] : memref<40x128xi32, #tpu.memory_space<vmem>> -> memref<1x128xi32, #tpu.memory_space<vmem>>
        %dma_wait3A_141 = tpu.memref_squeeze %dma_wait3A_140 : memref<1x128xi32, #tpu.memory_space<vmem>> -> memref<128xi32, #tpu.memory_space<vmem>>
        %dma_wait3A_142 = arith.constant 0 : i32
        %dma_wait3A_143 = arith.constant 0 : i32
        %dma_wait3A_144 = tpu.memref_slice %arg11[%dma_wait3A_142, %dma_wait3A_143] : memref<10016x80xf32, #tpu.memory_space<vmem_shared>> -> memref<10016x80xf32, #tpu.memory_space<vmem_shared>>
        tpu.wait_indirect_dma semaphore(%arg14 : memref<!tpu.dma_semaphore, #tpu.memory_space<semaphore_mem>>) src(%dma_wait3A_144 : memref<10016x80xf32, #tpu.memory_space<vmem_shared>>) dst(%arg10 : memref<128x80xf32, #tpu.memory_space<vmem>>)
        %add3A_145 = arith.constant 1 : i32
        %add3A_146 = arith.addi %mul3A_114, %add3A_145 : i32
        "tpu.region"() ({
          %run_scoped3A_147 = tpu.sem_alloc : memref<!tpu.dma_semaphore, #tpu.memory_space<semaphore_mem>>
          %dma_start3A_148 = arith.constant 0 : i32
          %dma_start3A_149 = tpu.memref_slice %arg8[%add3A_146, %dma_start3A_148] : memref<40x128xi32, #tpu.memory_space<vmem>> -> memref<1x128xi32, #tpu.memory_space<vmem>>
          %dma_start3A_150 = tpu.memref_squeeze %dma_start3A_149 : memref<1x128xi32, #tpu.memory_space<vmem>> -> memref<128xi32, #tpu.memory_space<vmem>>
          %dma_start3A_151 = arith.constant 0 : i32
          %dma_start3A_152 = arith.constant 0 : i32
          %dma_start3A_153 = tpu.memref_slice %arg12[%dma_start3A_151, %dma_start3A_152] : memref<10016x80xf32, #tpu.memory_space<vmem_shared>> -> memref<10016x80xf32, #tpu.memory_space<vmem_shared>>
          tpu.enqueue_indirect_dma source(%arg10 : memref<128x80xf32, #tpu.memory_space<vmem>>) target(%dma_start3A_153 : memref<10016x80xf32, #tpu.memory_space<vmem_shared>>) offsets(%dma_start3A_150 : memref<128xi32, #tpu.memory_space<vmem>>) semaphore(%run_scoped3A_147 : memref<!tpu.dma_semaphore, #tpu.memory_space<semaphore_mem>>) {add = true}
          %dma_wait3A_154 = arith.constant 0 : i32
          %dma_wait3A_155 = tpu.memref_slice %arg8[%add3A_146, %dma_wait3A_154] : memref<40x128xi32, #tpu.memory_space<vmem>> -> memref<1x128xi32, #tpu.memory_space<vmem>>
          %dma_wait3A_156 = tpu.memref_squeeze %dma_wait3A_155 : memref<1x128xi32, #tpu.memory_space<vmem>> -> memref<128xi32, #tpu.memory_space<vmem>>
          %dma_wait3A_157 = arith.constant 0 : i32
          %dma_wait3A_158 = arith.constant 0 : i32
          %dma_wait3A_159 = tpu.memref_slice %arg12[%dma_wait3A_157, %dma_wait3A_158] : memref<10016x80xf32, #tpu.memory_space<vmem_shared>> -> memref<10016x80xf32, #tpu.memory_space<vmem_shared>>
          tpu.wait_indirect_dma semaphore(%run_scoped3A_147 : memref<!tpu.dma_semaphore, #tpu.memory_space<semaphore_mem>>) src(%arg10 : memref<128x80xf32, #tpu.memory_space<vmem>>) dst(%dma_wait3A_159 : memref<10016x80xf32, #tpu.memory_space<vmem_shared>>)
          tpu.yield
        }) : () -> ()
      }
      %scan3A_89 = arith.constant 19 : i32
      %dma_start3A_90 = arith.constant 39 : i32
      %dma_start3A_91 = arith.constant 0 : i32
      %dma_start3A_92 = tpu.memref_slice %arg7[%dma_start3A_90, %dma_start3A_91] : memref<40x128xi32, #tpu.memory_space<vmem>> -> memref<1x128xi32, #tpu.memory_space<vmem>>
      %dma_start3A_93 = tpu.memref_squeeze %dma_start3A_92 : memref<1x128xi32, #tpu.memory_space<vmem>> -> memref<128xi32, #tpu.memory_space<vmem>>
      %dma_start3A_94 = arith.constant 0 : i32
      %dma_start3A_95 = arith.constant 0 : i32
      %dma_start3A_96 = tpu.memref_slice %arg11[%dma_start3A_94, %dma_start3A_95] : memref<10016x80xf32, #tpu.memory_space<vmem_shared>> -> memref<10016x80xf32, #tpu.memory_space<vmem_shared>>
      tpu.enqueue_indirect_dma source(%dma_start3A_96 : memref<10016x80xf32, #tpu.memory_space<vmem_shared>>) target(%arg10 : memref<128x80xf32, #tpu.memory_space<vmem>>) offsets(%dma_start3A_93 : memref<128xi32, #tpu.memory_space<vmem>>) semaphore(%arg14 : memref<!tpu.dma_semaphore, #tpu.memory_space<semaphore_mem>>)
      %dma_wait3A_97 = arith.constant 38 : i32
      %dma_wait3A_98 = arith.constant 0 : i32
      %dma_wait3A_99 = tpu.memref_slice %arg7[%dma_wait3A_97, %dma_wait3A_98] : memref<40x128xi32, #tpu.memory_space<vmem>> -> memref<1x128xi32, #tpu.memory_space<vmem>>
      %dma_wait3A_100 = tpu.memref_squeeze %dma_wait3A_99 : memref<1x128xi32, #tpu.memory_space<vmem>> -> memref<128xi32, #tpu.memory_space<vmem>>
      %dma_wait3A_101 = arith.constant 0 : i32
      %dma_wait3A_102 = arith.constant 0 : i32
      %dma_wait3A_103 = tpu.memref_slice %arg11[%dma_wait3A_101, %dma_wait3A_102] : memref<10016x80xf32, #tpu.memory_space<vmem_shared>> -> memref<10016x80xf32, #tpu.memory_space<vmem_shared>>
      tpu.wait_indirect_dma semaphore(%arg13 : memref<!tpu.dma_semaphore, #tpu.memory_space<semaphore_mem>>) src(%dma_wait3A_103 : memref<10016x80xf32, #tpu.memory_space<vmem_shared>>) dst(%arg9 : memref<128x80xf32, #tpu.memory_space<vmem>>)
      %run_scoped3A = arith.constant 38 : i32
      "tpu.region"() ({
        %run_scoped3A_112 = tpu.sem_alloc : memref<!tpu.dma_semaphore, #tpu.memory_space<semaphore_mem>>
        %dma_start3A_113 = arith.constant 0 : i32
        %dma_start3A_114 = tpu.memref_slice %arg8[%run_scoped3A, %dma_start3A_113] : memref<40x128xi32, #tpu.memory_space<vmem>> -> memref<1x128xi32, #tpu.memory_space<vmem>>
        %dma_start3A_115 = tpu.memref_squeeze %dma_start3A_114 : memref<1x128xi32, #tpu.memory_space<vmem>> -> memref<128xi32, #tpu.memory_space<vmem>>
        %dma_start3A_116 = arith.constant 0 : i32
        %dma_start3A_117 = arith.constant 0 : i32
        %dma_start3A_118 = tpu.memref_slice %arg12[%dma_start3A_116, %dma_start3A_117] : memref<10016x80xf32, #tpu.memory_space<vmem_shared>> -> memref<10016x80xf32, #tpu.memory_space<vmem_shared>>
        tpu.enqueue_indirect_dma source(%arg9 : memref<128x80xf32, #tpu.memory_space<vmem>>) target(%dma_start3A_118 : memref<10016x80xf32, #tpu.memory_space<vmem_shared>>) offsets(%dma_start3A_115 : memref<128xi32, #tpu.memory_space<vmem>>) semaphore(%run_scoped3A_112 : memref<!tpu.dma_semaphore, #tpu.memory_space<semaphore_mem>>) {add = true}
        %dma_wait3A_119 = arith.constant 0 : i32
        %dma_wait3A_120 = tpu.memref_slice %arg8[%run_scoped3A, %dma_wait3A_119] : memref<40x128xi32, #tpu.memory_space<vmem>> -> memref<1x128xi32, #tpu.memory_space<vmem>>
        %dma_wait3A_121 = tpu.memref_squeeze %dma_wait3A_120 : memref<1x128xi32, #tpu.memory_space<vmem>> -> memref<128xi32, #tpu.memory_space<vmem>>
        %dma_wait3A_122 = arith.constant 0 : i32
        %dma_wait3A_123 = arith.constant 0 : i32
        %dma_wait3A_124 = tpu.memref_slice %arg12[%dma_wait3A_122, %dma_wait3A_123] : memref<10016x80xf32, #tpu.memory_space<vmem_shared>> -> memref<10016x80xf32, #tpu.memory_space<vmem_shared>>
        tpu.wait_indirect_dma semaphore(%run_scoped3A_112 : memref<!tpu.dma_semaphore, #tpu.memory_space<semaphore_mem>>) src(%arg9 : memref<128x80xf32, #tpu.memory_space<vmem>>) dst(%dma_wait3A_124 : memref<10016x80xf32, #tpu.memory_space<vmem_shared>>)
        tpu.yield
      }) : () -> ()
      %dma_wait3A_104 = arith.constant 39 : i32
      %dma_wait3A_105 = arith.constant 0 : i32
      %dma_wait3A_106 = tpu.memref_slice %arg7[%dma_wait3A_104, %dma_wait3A_105] : memref<40x128xi32, #tpu.memory_space<vmem>> -> memref<1x128xi32, #tpu.memory_space<vmem>>
      %dma_wait3A_107 = tpu.memref_squeeze %dma_wait3A_106 : memref<1x128xi32, #tpu.memory_space<vmem>> -> memref<128xi32, #tpu.memory_space<vmem>>
      %dma_wait3A_108 = arith.constant 0 : i32
      %dma_wait3A_109 = arith.constant 0 : i32
      %dma_wait3A_110 = tpu.memref_slice %arg11[%dma_wait3A_108, %dma_wait3A_109] : memref<10016x80xf32, #tpu.memory_space<vmem_shared>> -> memref<10016x80xf32, #tpu.memory_space<vmem_shared>>
      tpu.wait_indirect_dma semaphore(%arg14 : memref<!tpu.dma_semaphore, #tpu.memory_space<semaphore_mem>>) src(%dma_wait3A_110 : memref<10016x80xf32, #tpu.memory_space<vmem_shared>>) dst(%arg10 : memref<128x80xf32, #tpu.memory_space<vmem>>)
      %run_scoped3A_111 = arith.constant 39 : i32
      "tpu.region"() ({
        %run_scoped3A_112 = tpu.sem_alloc : memref<!tpu.dma_semaphore, #tpu.memory_space<semaphore_mem>>
        %dma_start3A_113 = arith.constant 0 : i32
        %dma_start3A_114 = tpu.memref_slice %arg8[%run_scoped3A_111, %dma_start3A_113] : memref<40x128xi32, #tpu.memory_space<vmem>> -> memref<1x128xi32, #tpu.memory_space<vmem>>
        %dma_start3A_115 = tpu.memref_squeeze %dma_start3A_114 : memref<1x128xi32, #tpu.memory_space<vmem>> -> memref<128xi32, #tpu.memory_space<vmem>>
        %dma_start3A_116 = arith.constant 0 : i32
        %dma_start3A_117 = arith.constant 0 : i32
        %dma_start3A_118 = tpu.memref_slice %arg12[%dma_start3A_116, %dma_start3A_117] : memref<10016x80xf32, #tpu.memory_space<vmem_shared>> -> memref<10016x80xf32, #tpu.memory_space<vmem_shared>>
        tpu.enqueue_indirect_dma source(%arg10 : memref<128x80xf32, #tpu.memory_space<vmem>>) target(%dma_start3A_118 : memref<10016x80xf32, #tpu.memory_space<vmem_shared>>) offsets(%dma_start3A_115 : memref<128xi32, #tpu.memory_space<vmem>>) semaphore(%run_scoped3A_112 : memref<!tpu.dma_semaphore, #tpu.memory_space<semaphore_mem>>) {add = true}
        %dma_wait3A_119 = arith.constant 0 : i32
        %dma_wait3A_120 = tpu.memref_slice %arg8[%run_scoped3A_111, %dma_wait3A_119] : memref<40x128xi32, #tpu.memory_space<vmem>> -> memref<1x128xi32, #tpu.memory_space<vmem>>
        %dma_wait3A_121 = tpu.memref_squeeze %dma_wait3A_120 : memref<1x128xi32, #tpu.memory_space<vmem>> -> memref<128xi32, #tpu.memory_space<vmem>>
        %dma_wait3A_122 = arith.constant 0 : i32
        %dma_wait3A_123 = arith.constant 0 : i32
        %dma_wait3A_124 = tpu.memref_slice %arg12[%dma_wait3A_122, %dma_wait3A_123] : memref<10016x80xf32, #tpu.memory_space<vmem_shared>> -> memref<10016x80xf32, #tpu.memory_space<vmem_shared>>
        tpu.wait_indirect_dma semaphore(%run_scoped3A_112 : memref<!tpu.dma_semaphore, #tpu.memory_space<semaphore_mem>>) src(%arg10 : memref<128x80xf32, #tpu.memory_space<vmem>>) dst(%dma_wait3A_124 : memref<10016x80xf32, #tpu.memory_space<vmem_shared>>)
        tpu.yield
      }) : () -> ()
    }
    %scan3A_21 = arith.constant 2 : i32
    %barrier3A_22 = arith.constant 0 : index
    tpu.barrier barrier_id(%barrier3A_22)
    %dma_start3A_23 = arith.constant 0 : i32
    %dma_start3A_24 = arith.constant 0 : i32
    %dma_start3A_25 = tpu.memref_slice %arg6[%arg0, %dma_start3A_23, %mul3A_2, %dma_start3A_24] : memref<2x2x10016x80xf32, #tpu.memory_space<hbm>> -> memref<1x1x626x80xf32, #tpu.memory_space<hbm>>
    %dma_start3A_26 = tpu.memref_squeeze %dma_start3A_25 : memref<1x1x626x80xf32, #tpu.memory_space<hbm>> -> memref<626x80xf32, #tpu.memory_space<hbm>>
    %dma_start3A_27 = arith.constant 0 : i32
    %dma_start3A_28 = tpu.memref_slice %arg12[%mul3A_2, %dma_start3A_27] : memref<10016x80xf32, #tpu.memory_space<vmem_shared>> -> memref<626x80xf32, #tpu.memory_space<vmem_shared>>
    tpu.enqueue_dma source(%dma_start3A_28 : memref<626x80xf32, #tpu.memory_space<vmem_shared>>) target(%dma_start3A_26 : memref<626x80xf32, #tpu.memory_space<hbm>>) target_semaphore(%arg13 : memref<!tpu.dma_semaphore, #tpu.memory_space<semaphore_mem>>)
    %dma_start3A_29 = arith.constant 1 : i32
    %dma_start3A_30 = arith.constant 0 : i32
    %dma_start3A_31 = tpu.memref_slice %arg11[%mul3A_2, %dma_start3A_30] : memref<10016x80xf32, #tpu.memory_space<vmem_shared>> -> memref<626x80xf32, #tpu.memory_space<vmem_shared>>
    %dma_start3A_32 = arith.constant 0 : i32
    %dma_start3A_33 = tpu.memref_slice %arg2[%dma_start3A_29, %mul3A_2, %dma_start3A_32] : memref<2x10016x80xf32, #tpu.memory_space<hbm>> -> memref<1x626x80xf32, #tpu.memory_space<hbm>>
    %dma_start3A_34 = tpu.memref_squeeze %dma_start3A_33 : memref<1x626x80xf32, #tpu.memory_space<hbm>> -> memref<626x80xf32, #tpu.memory_space<hbm>>
    tpu.enqueue_dma source(%dma_start3A_34 : memref<626x80xf32, #tpu.memory_space<hbm>>) target(%dma_start3A_31 : memref<626x80xf32, #tpu.memory_space<vmem_shared>>) target_semaphore(%arg14 : memref<!tpu.dma_semaphore, #tpu.memory_space<semaphore_mem>>)
    %dma_wait3A_35 = arith.constant 0 : i32
    %dma_wait3A_36 = arith.constant 0 : i32
    %dma_wait3A_37 = tpu.memref_slice %arg6[%arg0, %dma_wait3A_35, %mul3A_2, %dma_wait3A_36] : memref<2x2x10016x80xf32, #tpu.memory_space<hbm>> -> memref<1x1x626x80xf32, #tpu.memory_space<hbm>>
    %dma_wait3A_38 = tpu.memref_squeeze %dma_wait3A_37 : memref<1x1x626x80xf32, #tpu.memory_space<hbm>> -> memref<626x80xf32, #tpu.memory_space<hbm>>
    %dma_wait3A_39 = arith.constant 0 : i32
    %dma_wait3A_40 = tpu.memref_slice %arg12[%mul3A_2, %dma_wait3A_39] : memref<10016x80xf32, #tpu.memory_space<vmem_shared>> -> memref<626x80xf32, #tpu.memory_space<vmem_shared>>
    tpu.wait_dma2 semaphore(%arg13 : memref<!tpu.dma_semaphore, #tpu.memory_space<semaphore_mem>>) src(%dma_wait3A_40 : memref<626x80xf32, #tpu.memory_space<vmem_shared>>) dst(%dma_wait3A_38 : memref<626x80xf32, #tpu.memory_space<hbm>>)
    %dma_start3A_41 = arith.constant 0 : i32
    %dma_start3A_42 = tpu.memref_slice %arg12[%mul3A_2, %dma_start3A_41] : memref<10016x80xf32, #tpu.memory_space<vmem_shared>> -> memref<626x80xf32, #tpu.memory_space<vmem_shared>>
    tpu.enqueue_dma source(%arg5 : memref<626x80xf32, #tpu.memory_space<hbm>>) target(%dma_start3A_42 : memref<626x80xf32, #tpu.memory_space<vmem_shared>>) target_semaphore(%arg13 : memref<!tpu.dma_semaphore, #tpu.memory_space<semaphore_mem>>)
    %dma_wait3A_43 = arith.constant 1 : i32
    %dma_wait3A_44 = arith.constant 0 : i32
    %dma_wait3A_45 = tpu.memref_slice %arg11[%mul3A_2, %dma_wait3A_44] : memref<10016x80xf32, #tpu.memory_space<vmem_shared>> -> memref<626x80xf32, #tpu.memory_space<vmem_shared>>
    %dma_wait3A_46 = arith.constant 0 : i32
    %dma_wait3A_47 = tpu.memref_slice %arg2[%dma_wait3A_43, %mul3A_2, %dma_wait3A_46] : memref<2x10016x80xf32, #tpu.memory_space<hbm>> -> memref<1x626x80xf32, #tpu.memory_space<hbm>>
    %dma_wait3A_48 = tpu.memref_squeeze %dma_wait3A_47 : memref<1x626x80xf32, #tpu.memory_space<hbm>> -> memref<626x80xf32, #tpu.memory_space<hbm>>
    tpu.wait_dma2 semaphore(%arg14 : memref<!tpu.dma_semaphore, #tpu.memory_space<semaphore_mem>>) src(%dma_wait3A_48 : memref<626x80xf32, #tpu.memory_space<hbm>>) dst(%dma_wait3A_45 : memref<626x80xf32, #tpu.memory_space<vmem_shared>>)
    %dma_wait3A_49 = arith.constant 0 : i32
    %dma_wait3A_50 = tpu.memref_slice %arg12[%mul3A_2, %dma_wait3A_49] : memref<10016x80xf32, #tpu.memory_space<vmem_shared>> -> memref<626x80xf32, #tpu.memory_space<vmem_shared>>
    tpu.wait_dma2 semaphore(%arg13 : memref<!tpu.dma_semaphore, #tpu.memory_space<semaphore_mem>>) src(%arg5 : memref<626x80xf32, #tpu.memory_space<hbm>>) dst(%dma_wait3A_50 : memref<626x80xf32, #tpu.memory_space<vmem_shared>>)
    %barrier3A_51 = arith.constant 0 : index
    tpu.barrier barrier_id(%barrier3A_51)
    %scan3A_52 = arith.constant 0 : i32
    %scan3A_53 = arith.constant 0 : i32
    %scan3A_54 = arith.constant 2 : i32
    %scan3A_55 = arith.addi %scan3A_53, %scan3A_54 : i32
    %scan3A_56 = arith.constant 1 : i32
    scf.for %scan3A_71 = %scan3A_53 to %scan3A_55 step %scan3A_56  : i32 {
      %mul3A_72 = arith.constant 2 : i32
      %mul3A_73 = arith.muli %add3A, %mul3A_72 : i32
      %add3A_74 = arith.addi %mul3A_73, %scan3A_71 : i32
      %mul3A_75 = arith.constant 40 : i32
      %mul3A_76 = arith.muli %add3A_74, %mul3A_75 : i32
      "tpu.region"() ({
        %run_scoped3A_112 = tpu.sem_alloc : memref<!tpu.dma_semaphore, #tpu.memory_space<semaphore_mem>>
        %dma_start3A_113 = arith.constant 0 : i32
        %dma_start3A_114 = tpu.memref_slice %arg3[%mul3A_76, %dma_start3A_113] : memref<2560x128xi32, #tpu.memory_space<hbm>> -> memref<40x128xi32, #tpu.memory_space<hbm>>
        %dma_start3A_115 = arith.constant 0 : i32
        %dma_start3A_116 = tpu.memref_slice %arg3[%mul3A_76, %dma_start3A_115] : memref<2560x128xi32, #tpu.memory_space<hbm>> -> memref<40x128xi32, #tpu.memory_space<hbm>>
        tpu.enqueue_dma source(%dma_start3A_116 : memref<40x128xi32, #tpu.memory_space<hbm>>) target(%arg7 : memref<40x128xi32, #tpu.memory_space<vmem>>) target_semaphore(%run_scoped3A_112 : memref<!tpu.dma_semaphore, #tpu.memory_space<semaphore_mem>>)
        %dma_wait3A_117 = arith.constant 0 : i32
        %dma_wait3A_118 = tpu.memref_slice %arg3[%mul3A_76, %dma_wait3A_117] : memref<2560x128xi32, #tpu.memory_space<hbm>> -> memref<40x128xi32, #tpu.memory_space<hbm>>
        %dma_wait3A_119 = arith.constant 0 : i32
        %dma_wait3A_120 = tpu.memref_slice %arg3[%mul3A_76, %dma_wait3A_119] : memref<2560x128xi32, #tpu.memory_space<hbm>> -> memref<40x128xi32, #tpu.memory_space<hbm>>
        tpu.wait_dma2 semaphore(%run_scoped3A_112 : memref<!tpu.dma_semaphore, #tpu.memory_space<semaphore_mem>>) src(%dma_wait3A_120 : memref<40x128xi32, #tpu.memory_space<hbm>>) dst(%arg7 : memref<40x128xi32, #tpu.memory_space<vmem>>)
        tpu.yield
      }) : () -> ()
      "tpu.region"() ({
        %run_scoped3A_112 = tpu.sem_alloc : memref<!tpu.dma_semaphore, #tpu.memory_space<semaphore_mem>>
        %dma_start3A_113 = arith.constant 0 : i32
        %dma_start3A_114 = tpu.memref_slice %arg4[%mul3A_76, %dma_start3A_113] : memref<2560x128xi32, #tpu.memory_space<hbm>> -> memref<40x128xi32, #tpu.memory_space<hbm>>
        %dma_start3A_115 = arith.constant 0 : i32
        %dma_start3A_116 = tpu.memref_slice %arg4[%mul3A_76, %dma_start3A_115] : memref<2560x128xi32, #tpu.memory_space<hbm>> -> memref<40x128xi32, #tpu.memory_space<hbm>>
        tpu.enqueue_dma source(%dma_start3A_116 : memref<40x128xi32, #tpu.memory_space<hbm>>) target(%arg8 : memref<40x128xi32, #tpu.memory_space<vmem>>) target_semaphore(%run_scoped3A_112 : memref<!tpu.dma_semaphore, #tpu.memory_space<semaphore_mem>>)
        %dma_wait3A_117 = arith.constant 0 : i32
        %dma_wait3A_118 = tpu.memref_slice %arg4[%mul3A_76, %dma_wait3A_117] : memref<2560x128xi32, #tpu.memory_space<hbm>> -> memref<40x128xi32, #tpu.memory_space<hbm>>
        %dma_wait3A_119 = arith.constant 0 : i32
        %dma_wait3A_120 = tpu.memref_slice %arg4[%mul3A_76, %dma_wait3A_119] : memref<2560x128xi32, #tpu.memory_space<hbm>> -> memref<40x128xi32, #tpu.memory_space<hbm>>
        tpu.wait_dma2 semaphore(%run_scoped3A_112 : memref<!tpu.dma_semaphore, #tpu.memory_space<semaphore_mem>>) src(%dma_wait3A_120 : memref<40x128xi32, #tpu.memory_space<hbm>>) dst(%arg8 : memref<40x128xi32, #tpu.memory_space<vmem>>)
        tpu.yield
      }) : () -> ()
      %dma_start3A_77 = arith.constant 0 : i32
      %dma_start3A_78 = arith.constant 0 : i32
      %dma_start3A_79 = tpu.memref_slice %arg7[%dma_start3A_77, %dma_start3A_78] : memref<40x128xi32, #tpu.memory_space<vmem>> -> memref<1x128xi32, #tpu.memory_space<vmem>>
      %dma_start3A_80 = tpu.memref_squeeze %dma_start3A_79 : memref<1x128xi32, #tpu.memory_space<vmem>> -> memref<128xi32, #tpu.memory_space<vmem>>
      %dma_start3A_81 = arith.constant 0 : i32
      %dma_start3A_82 = arith.constant 0 : i32
      %dma_start3A_83 = tpu.memref_slice %arg11[%dma_start3A_81, %dma_start3A_82] : memref<10016x80xf32, #tpu.memory_space<vmem_shared>> -> memref<10016x80xf32, #tpu.memory_space<vmem_shared>>
      tpu.enqueue_indirect_dma source(%dma_start3A_83 : memref<10016x80xf32, #tpu.memory_space<vmem_shared>>) target(%arg9 : memref<128x80xf32, #tpu.memory_space<vmem>>) offsets(%dma_start3A_80 : memref<128xi32, #tpu.memory_space<vmem>>) semaphore(%arg13 : memref<!tpu.dma_semaphore, #tpu.memory_space<semaphore_mem>>)
      %scan3A_84 = arith.constant 0 : i32
      %scan3A_85 = arith.constant 0 : i32
      %scan3A_86 = arith.constant 19 : i32
      %scan3A_87 = arith.addi %scan3A_85, %scan3A_86 : i32
      %scan3A_88 = arith.constant 1 : i32
      scf.for %scan3A_112 = %scan3A_85 to %scan3A_87 step %scan3A_88  : i32 {
        %mul3A_113 = arith.constant 2 : i32
        %mul3A_114 = arith.muli %mul3A_113, %scan3A_112 : i32
        %add3A_115 = arith.constant 1 : i32
        %add3A_116 = arith.addi %mul3A_114, %add3A_115 : i32
        %dma_start3A_117 = arith.constant 0 : i32
        %dma_start3A_118 = tpu.memref_slice %arg7[%add3A_116, %dma_start3A_117] : memref<40x128xi32, #tpu.memory_space<vmem>> -> memref<1x128xi32, #tpu.memory_space<vmem>>
        %dma_start3A_119 = tpu.memref_squeeze %dma_start3A_118 : memref<1x128xi32, #tpu.memory_space<vmem>> -> memref<128xi32, #tpu.memory_space<vmem>>
        %dma_start3A_120 = arith.constant 0 : i32
        %dma_start3A_121 = arith.constant 0 : i32
        %dma_start3A_122 = tpu.memref_slice %arg11[%dma_start3A_120, %dma_start3A_121] : memref<10016x80xf32, #tpu.memory_space<vmem_shared>> -> memref<10016x80xf32, #tpu.memory_space<vmem_shared>>
        tpu.enqueue_indirect_dma source(%dma_start3A_122 : memref<10016x80xf32, #tpu.memory_space<vmem_shared>>) target(%arg10 : memref<128x80xf32, #tpu.memory_space<vmem>>) offsets(%dma_start3A_119 : memref<128xi32, #tpu.memory_space<vmem>>) semaphore(%arg14 : memref<!tpu.dma_semaphore, #tpu.memory_space<semaphore_mem>>)
        %dma_wait3A_123 = arith.constant 0 : i32
        %dma_wait3A_124 = tpu.memref_slice %arg7[%mul3A_114, %dma_wait3A_123] : memref<40x128xi32, #tpu.memory_space<vmem>> -> memref<1x128xi32, #tpu.memory_space<vmem>>
        %dma_wait3A_125 = tpu.memref_squeeze %dma_wait3A_124 : memref<1x128xi32, #tpu.memory_space<vmem>> -> memref<128xi32, #tpu.memory_space<vmem>>
        %dma_wait3A_126 = arith.constant 0 : i32
        %dma_wait3A_127 = arith.constant 0 : i32
        %dma_wait3A_128 = tpu.memref_slice %arg11[%dma_wait3A_126, %dma_wait3A_127] : memref<10016x80xf32, #tpu.memory_space<vmem_shared>> -> memref<10016x80xf32, #tpu.memory_space<vmem_shared>>
        tpu.wait_indirect_dma semaphore(%arg13 : memref<!tpu.dma_semaphore, #tpu.memory_space<semaphore_mem>>) src(%dma_wait3A_128 : memref<10016x80xf32, #tpu.memory_space<vmem_shared>>) dst(%arg9 : memref<128x80xf32, #tpu.memory_space<vmem>>)
        "tpu.region"() ({
          %run_scoped3A_147 = tpu.sem_alloc : memref<!tpu.dma_semaphore, #tpu.memory_space<semaphore_mem>>
          %dma_start3A_148 = arith.constant 0 : i32
          %dma_start3A_149 = tpu.memref_slice %arg8[%mul3A_114, %dma_start3A_148] : memref<40x128xi32, #tpu.memory_space<vmem>> -> memref<1x128xi32, #tpu.memory_space<vmem>>
          %dma_start3A_150 = tpu.memref_squeeze %dma_start3A_149 : memref<1x128xi32, #tpu.memory_space<vmem>> -> memref<128xi32, #tpu.memory_space<vmem>>
          %dma_start3A_151 = arith.constant 0 : i32
          %dma_start3A_152 = arith.constant 0 : i32
          %dma_start3A_153 = tpu.memref_slice %arg12[%dma_start3A_151, %dma_start3A_152] : memref<10016x80xf32, #tpu.memory_space<vmem_shared>> -> memref<10016x80xf32, #tpu.memory_space<vmem_shared>>
          tpu.enqueue_indirect_dma source(%arg9 : memref<128x80xf32, #tpu.memory_space<vmem>>) target(%dma_start3A_153 : memref<10016x80xf32, #tpu.memory_space<vmem_shared>>) offsets(%dma_start3A_150 : memref<128xi32, #tpu.memory_space<vmem>>) semaphore(%run_scoped3A_147 : memref<!tpu.dma_semaphore, #tpu.memory_space<semaphore_mem>>) {add = true}
          %dma_wait3A_154 = arith.constant 0 : i32
          %dma_wait3A_155 = tpu.memref_slice %arg8[%mul3A_114, %dma_wait3A_154] : memref<40x128xi32, #tpu.memory_space<vmem>> -> memref<1x128xi32, #tpu.memory_space<vmem>>
          %dma_wait3A_156 = tpu.memref_squeeze %dma_wait3A_155 : memref<1x128xi32, #tpu.memory_space<vmem>> -> memref<128xi32, #tpu.memory_space<vmem>>
          %dma_wait3A_157 = arith.constant 0 : i32
          %dma_wait3A_158 = arith.constant 0 : i32
          %dma_wait3A_159 = tpu.memref_slice %arg12[%dma_wait3A_157, %dma_wait3A_158] : memref<10016x80xf32, #tpu.memory_space<vmem_shared>> -> memref<10016x80xf32, #tpu.memory_space<vmem_shared>>
          tpu.wait_indirect_dma semaphore(%run_scoped3A_147 : memref<!tpu.dma_semaphore, #tpu.memory_space<semaphore_mem>>) src(%arg9 : memref<128x80xf32, #tpu.memory_space<vmem>>) dst(%dma_wait3A_159 : memref<10016x80xf32, #tpu.memory_space<vmem_shared>>)
          tpu.yield
        }) : () -> ()
        %add3A_129 = arith.constant 2 : i32
        %add3A_130 = arith.addi %mul3A_114, %add3A_129 : i32
        %dma_start3A_131 = arith.constant 0 : i32
        %dma_start3A_132 = tpu.memref_slice %arg7[%add3A_130, %dma_start3A_131] : memref<40x128xi32, #tpu.memory_space<vmem>> -> memref<1x128xi32, #tpu.memory_space<vmem>>
        %dma_start3A_133 = tpu.memref_squeeze %dma_start3A_132 : memref<1x128xi32, #tpu.memory_space<vmem>> -> memref<128xi32, #tpu.memory_space<vmem>>
        %dma_start3A_134 = arith.constant 0 : i32
        %dma_start3A_135 = arith.constant 0 : i32
        %dma_start3A_136 = tpu.memref_slice %arg11[%dma_start3A_134, %dma_start3A_135] : memref<10016x80xf32, #tpu.memory_space<vmem_shared>> -> memref<10016x80xf32, #tpu.memory_space<vmem_shared>>
        tpu.enqueue_indirect_dma source(%dma_start3A_136 : memref<10016x80xf32, #tpu.memory_space<vmem_shared>>) target(%arg9 : memref<128x80xf32, #tpu.memory_space<vmem>>) offsets(%dma_start3A_133 : memref<128xi32, #tpu.memory_space<vmem>>) semaphore(%arg13 : memref<!tpu.dma_semaphore, #tpu.memory_space<semaphore_mem>>)
        %add3A_137 = arith.constant 1 : i32
        %add3A_138 = arith.addi %mul3A_114, %add3A_137 : i32
        %dma_wait3A_139 = arith.constant 0 : i32
        %dma_wait3A_140 = tpu.memref_slice %arg7[%add3A_138, %dma_wait3A_139] : memref<40x128xi32, #tpu.memory_space<vmem>> -> memref<1x128xi32, #tpu.memory_space<vmem>>
        %dma_wait3A_141 = tpu.memref_squeeze %dma_wait3A_140 : memref<1x128xi32, #tpu.memory_space<vmem>> -> memref<128xi32, #tpu.memory_space<vmem>>
        %dma_wait3A_142 = arith.constant 0 : i32
        %dma_wait3A_143 = arith.constant 0 : i32
        %dma_wait3A_144 = tpu.memref_slice %arg11[%dma_wait3A_142, %dma_wait3A_143] : memref<10016x80xf32, #tpu.memory_space<vmem_shared>> -> memref<10016x80xf32, #tpu.memory_space<vmem_shared>>
        tpu.wait_indirect_dma semaphore(%arg14 : memref<!tpu.dma_semaphore, #tpu.memory_space<semaphore_mem>>) src(%dma_wait3A_144 : memref<10016x80xf32, #tpu.memory_space<vmem_shared>>) dst(%arg10 : memref<128x80xf32, #tpu.memory_space<vmem>>)
        %add3A_145 = arith.constant 1 : i32
        %add3A_146 = arith.addi %mul3A_114, %add3A_145 : i32
        "tpu.region"() ({
          %run_scoped3A_147 = tpu.sem_alloc : memref<!tpu.dma_semaphore, #tpu.memory_space<semaphore_mem>>
          %dma_start3A_148 = arith.constant 0 : i32
          %dma_start3A_149 = tpu.memref_slice %arg8[%add3A_146, %dma_start3A_148] : memref<40x128xi32, #tpu.memory_space<vmem>> -> memref<1x128xi32, #tpu.memory_space<vmem>>
          %dma_start3A_150 = tpu.memref_squeeze %dma_start3A_149 : memref<1x128xi32, #tpu.memory_space<vmem>> -> memref<128xi32, #tpu.memory_space<vmem>>
          %dma_start3A_151 = arith.constant 0 : i32
          %dma_start3A_152 = arith.constant 0 : i32
          %dma_start3A_153 = tpu.memref_slice %arg12[%dma_start3A_151, %dma_start3A_152] : memref<10016x80xf32, #tpu.memory_space<vmem_shared>> -> memref<10016x80xf32, #tpu.memory_space<vmem_shared>>
          tpu.enqueue_indirect_dma source(%arg10 : memref<128x80xf32, #tpu.memory_space<vmem>>) target(%dma_start3A_153 : memref<10016x80xf32, #tpu.memory_space<vmem_shared>>) offsets(%dma_start3A_150 : memref<128xi32, #tpu.memory_space<vmem>>) semaphore(%run_scoped3A_147 : memref<!tpu.dma_semaphore, #tpu.memory_space<semaphore_mem>>) {add = true}
          %dma_wait3A_154 = arith.constant 0 : i32
          %dma_wait3A_155 = tpu.memref_slice %arg8[%add3A_146, %dma_wait3A_154] : memref<40x128xi32, #tpu.memory_space<vmem>> -> memref<1x128xi32, #tpu.memory_space<vmem>>
          %dma_wait3A_156 = tpu.memref_squeeze %dma_wait3A_155 : memref<1x128xi32, #tpu.memory_space<vmem>> -> memref<128xi32, #tpu.memory_space<vmem>>
          %dma_wait3A_157 = arith.constant 0 : i32
          %dma_wait3A_158 = arith.constant 0 : i32
          %dma_wait3A_159 = tpu.memref_slice %arg12[%dma_wait3A_157, %dma_wait3A_158] : memref<10016x80xf32, #tpu.memory_space<vmem_shared>> -> memref<10016x80xf32, #tpu.memory_space<vmem_shared>>
          tpu.wait_indirect_dma semaphore(%run_scoped3A_147 : memref<!tpu.dma_semaphore, #tpu.memory_space<semaphore_mem>>) src(%arg10 : memref<128x80xf32, #tpu.memory_space<vmem>>) dst(%dma_wait3A_159 : memref<10016x80xf32, #tpu.memory_space<vmem_shared>>)
          tpu.yield
        }) : () -> ()
      }
      %scan3A_89 = arith.constant 19 : i32
      %dma_start3A_90 = arith.constant 39 : i32
      %dma_start3A_91 = arith.constant 0 : i32
      %dma_start3A_92 = tpu.memref_slice %arg7[%dma_start3A_90, %dma_start3A_91] : memref<40x128xi32, #tpu.memory_space<vmem>> -> memref<1x128xi32, #tpu.memory_space<vmem>>
      %dma_start3A_93 = tpu.memref_squeeze %dma_start3A_92 : memref<1x128xi32, #tpu.memory_space<vmem>> -> memref<128xi32, #tpu.memory_space<vmem>>
      %dma_start3A_94 = arith.constant 0 : i32
      %dma_start3A_95 = arith.constant 0 : i32
      %dma_start3A_96 = tpu.memref_slice %arg11[%dma_start3A_94, %dma_start3A_95] : memref<10016x80xf32, #tpu.memory_space<vmem_shared>> -> memref<10016x80xf32, #tpu.memory_space<vmem_shared>>
      tpu.enqueue_indirect_dma source(%dma_start3A_96 : memref<10016x80xf32, #tpu.memory_space<vmem_shared>>) target(%arg10 : memref<128x80xf32, #tpu.memory_space<vmem>>) offsets(%dma_start3A_93 : memref<128xi32, #tpu.memory_space<vmem>>) semaphore(%arg14 : memref<!tpu.dma_semaphore, #tpu.memory_space<semaphore_mem>>)
      %dma_wait3A_97 = arith.constant 38 : i32
      %dma_wait3A_98 = arith.constant 0 : i32
      %dma_wait3A_99 = tpu.memref_slice %arg7[%dma_wait3A_97, %dma_wait3A_98] : memref<40x128xi32, #tpu.memory_space<vmem>> -> memref<1x128xi32, #tpu.memory_space<vmem>>
      %dma_wait3A_100 = tpu.memref_squeeze %dma_wait3A_99 : memref<1x128xi32, #tpu.memory_space<vmem>> -> memref<128xi32, #tpu.memory_space<vmem>>
      %dma_wait3A_101 = arith.constant 0 : i32
      %dma_wait3A_102 = arith.constant 0 : i32
      %dma_wait3A_103 = tpu.memref_slice %arg11[%dma_wait3A_101, %dma_wait3A_102] : memref<10016x80xf32, #tpu.memory_space<vmem_shared>> -> memref<10016x80xf32, #tpu.memory_space<vmem_shared>>
      tpu.wait_indirect_dma semaphore(%arg13 : memref<!tpu.dma_semaphore, #tpu.memory_space<semaphore_mem>>) src(%dma_wait3A_103 : memref<10016x80xf32, #tpu.memory_space<vmem_shared>>) dst(%arg9 : memref<128x80xf32, #tpu.memory_space<vmem>>)
      %run_scoped3A = arith.constant 38 : i32
      "tpu.region"() ({
        %run_scoped3A_112 = tpu.sem_alloc : memref<!tpu.dma_semaphore, #tpu.memory_space<semaphore_mem>>
        %dma_start3A_113 = arith.constant 0 : i32
        %dma_start3A_114 = tpu.memref_slice %arg8[%run_scoped3A, %dma_start3A_113] : memref<40x128xi32, #tpu.memory_space<vmem>> -> memref<1x128xi32, #tpu.memory_space<vmem>>
        %dma_start3A_115 = tpu.memref_squeeze %dma_start3A_114 : memref<1x128xi32, #tpu.memory_space<vmem>> -> memref<128xi32, #tpu.memory_space<vmem>>
        %dma_start3A_116 = arith.constant 0 : i32
        %dma_start3A_117 = arith.constant 0 : i32
        %dma_start3A_118 = tpu.memref_slice %arg12[%dma_start3A_116, %dma_start3A_117] : memref<10016x80xf32, #tpu.memory_space<vmem_shared>> -> memref<10016x80xf32, #tpu.memory_space<vmem_shared>>
        tpu.enqueue_indirect_dma source(%arg9 : memref<128x80xf32, #tpu.memory_space<vmem>>) target(%dma_start3A_118 : memref<10016x80xf32, #tpu.memory_space<vmem_shared>>) offsets(%dma_start3A_115 : memref<128xi32, #tpu.memory_space<vmem>>) semaphore(%run_scoped3A_112 : memref<!tpu.dma_semaphore, #tpu.memory_space<semaphore_mem>>) {add = true}
        %dma_wait3A_119 = arith.constant 0 : i32
        %dma_wait3A_120 = tpu.memref_slice %arg8[%run_scoped3A, %dma_wait3A_119] : memref<40x128xi32, #tpu.memory_space<vmem>> -> memref<1x128xi32, #tpu.memory_space<vmem>>
        %dma_wait3A_121 = tpu.memref_squeeze %dma_wait3A_120 : memref<1x128xi32, #tpu.memory_space<vmem>> -> memref<128xi32, #tpu.memory_space<vmem>>
        %dma_wait3A_122 = arith.constant 0 : i32
        %dma_wait3A_123 = arith.constant 0 : i32
        %dma_wait3A_124 = tpu.memref_slice %arg12[%dma_wait3A_122, %dma_wait3A_123] : memref<10016x80xf32, #tpu.memory_space<vmem_shared>> -> memref<10016x80xf32, #tpu.memory_space<vmem_shared>>
        tpu.wait_indirect_dma semaphore(%run_scoped3A_112 : memref<!tpu.dma_semaphore, #tpu.memory_space<semaphore_mem>>) src(%arg9 : memref<128x80xf32, #tpu.memory_space<vmem>>) dst(%dma_wait3A_124 : memref<10016x80xf32, #tpu.memory_space<vmem_shared>>)
        tpu.yield
      }) : () -> ()
      %dma_wait3A_104 = arith.constant 39 : i32
      %dma_wait3A_105 = arith.constant 0 : i32
      %dma_wait3A_106 = tpu.memref_slice %arg7[%dma_wait3A_104, %dma_wait3A_105] : memref<40x128xi32, #tpu.memory_space<vmem>> -> memref<1x128xi32, #tpu.memory_space<vmem>>
      %dma_wait3A_107 = tpu.memref_squeeze %dma_wait3A_106 : memref<1x128xi32, #tpu.memory_space<vmem>> -> memref<128xi32, #tpu.memory_space<vmem>>
      %dma_wait3A_108 = arith.constant 0 : i32
      %dma_wait3A_109 = arith.constant 0 : i32
      %dma_wait3A_110 = tpu.memref_slice %arg11[%dma_wait3A_108, %dma_wait3A_109] : memref<10016x80xf32, #tpu.memory_space<vmem_shared>> -> memref<10016x80xf32, #tpu.memory_space<vmem_shared>>
      tpu.wait_indirect_dma semaphore(%arg14 : memref<!tpu.dma_semaphore, #tpu.memory_space<semaphore_mem>>) src(%dma_wait3A_110 : memref<10016x80xf32, #tpu.memory_space<vmem_shared>>) dst(%arg10 : memref<128x80xf32, #tpu.memory_space<vmem>>)
      %run_scoped3A_111 = arith.constant 39 : i32
      "tpu.region"() ({
        %run_scoped3A_112 = tpu.sem_alloc : memref<!tpu.dma_semaphore, #tpu.memory_space<semaphore_mem>>
        %dma_start3A_113 = arith.constant 0 : i32
        %dma_start3A_114 = tpu.memref_slice %arg8[%run_scoped3A_111, %dma_start3A_113] : memref<40x128xi32, #tpu.memory_space<vmem>> -> memref<1x128xi32, #tpu.memory_space<vmem>>
        %dma_start3A_115 = tpu.memref_squeeze %dma_start3A_114 : memref<1x128xi32, #tpu.memory_space<vmem>> -> memref<128xi32, #tpu.memory_space<vmem>>
        %dma_start3A_116 = arith.constant 0 : i32
        %dma_start3A_117 = arith.constant 0 : i32
        %dma_start3A_118 = tpu.memref_slice %arg12[%dma_start3A_116, %dma_start3A_117] : memref<10016x80xf32, #tpu.memory_space<vmem_shared>> -> memref<10016x80xf32, #tpu.memory_space<vmem_shared>>
        tpu.enqueue_indirect_dma source(%arg10 : memref<128x80xf32, #tpu.memory_space<vmem>>) target(%dma_start3A_118 : memref<10016x80xf32, #tpu.memory_space<vmem_shared>>) offsets(%dma_start3A_115 : memref<128xi32, #tpu.memory_space<vmem>>) semaphore(%run_scoped3A_112 : memref<!tpu.dma_semaphore, #tpu.memory_space<semaphore_mem>>) {add = true}
        %dma_wait3A_119 = arith.constant 0 : i32
        %dma_wait3A_120 = tpu.memref_slice %arg8[%run_scoped3A_111, %dma_wait3A_119] : memref<40x128xi32, #tpu.memory_space<vmem>> -> memref<1x128xi32, #tpu.memory_space<vmem>>
        %dma_wait3A_121 = tpu.memref_squeeze %dma_wait3A_120 : memref<1x128xi32, #tpu.memory_space<vmem>> -> memref<128xi32, #tpu.memory_space<vmem>>
        %dma_wait3A_122 = arith.constant 0 : i32
        %dma_wait3A_123 = arith.constant 0 : i32
        %dma_wait3A_124 = tpu.memref_slice %arg12[%dma_wait3A_122, %dma_wait3A_123] : memref<10016x80xf32, #tpu.memory_space<vmem_shared>> -> memref<10016x80xf32, #tpu.memory_space<vmem_shared>>
        tpu.wait_indirect_dma semaphore(%run_scoped3A_112 : memref<!tpu.dma_semaphore, #tpu.memory_space<semaphore_mem>>) src(%arg10 : memref<128x80xf32, #tpu.memory_space<vmem>>) dst(%dma_wait3A_124 : memref<10016x80xf32, #tpu.memory_space<vmem_shared>>)
        tpu.yield
      }) : () -> ()
    }
    %scan3A_57 = arith.constant 2 : i32
    %barrier3A_58 = arith.constant 0 : index
    tpu.barrier barrier_id(%barrier3A_58)
    %dma_start3A_59 = arith.constant 1 : i32
    %dma_start3A_60 = arith.constant 0 : i32
    %dma_start3A_61 = tpu.memref_slice %arg6[%arg0, %dma_start3A_59, %mul3A_2, %dma_start3A_60] : memref<2x2x10016x80xf32, #tpu.memory_space<hbm>> -> memref<1x1x626x80xf32, #tpu.memory_space<hbm>>
    %dma_start3A_62 = tpu.memref_squeeze %dma_start3A_61 : memref<1x1x626x80xf32, #tpu.memory_space<hbm>> -> memref<626x80xf32, #tpu.memory_space<hbm>>
    %dma_start3A_63 = arith.constant 0 : i32
    %dma_start3A_64 = tpu.memref_slice %arg12[%mul3A_2, %dma_start3A_63] : memref<10016x80xf32, #tpu.memory_space<vmem_shared>> -> memref<626x80xf32, #tpu.memory_space<vmem_shared>>
    tpu.enqueue_dma source(%dma_start3A_64 : memref<626x80xf32, #tpu.memory_space<vmem_shared>>) target(%dma_start3A_62 : memref<626x80xf32, #tpu.memory_space<hbm>>) target_semaphore(%arg13 : memref<!tpu.dma_semaphore, #tpu.memory_space<semaphore_mem>>)
    %dma_wait3A_65 = arith.constant 1 : i32
    %dma_wait3A_66 = arith.constant 0 : i32
    %dma_wait3A_67 = tpu.memref_slice %arg6[%arg0, %dma_wait3A_65, %mul3A_2, %dma_wait3A_66] : memref<2x2x10016x80xf32, #tpu.memory_space<hbm>> -> memref<1x1x626x80xf32, #tpu.memory_space<hbm>>
    %dma_wait3A_68 = tpu.memref_squeeze %dma_wait3A_67 : memref<1x1x626x80xf32, #tpu.memory_space<hbm>> -> memref<626x80xf32, #tpu.memory_space<hbm>>
    %dma_wait3A_69 = arith.constant 0 : i32
    %dma_wait3A_70 = tpu.memref_slice %arg12[%mul3A_2, %dma_wait3A_69] : memref<10016x80xf32, #tpu.memory_space<vmem_shared>> -> memref<626x80xf32, #tpu.memory_space<vmem_shared>>
    tpu.wait_dma2 semaphore(%arg13 : memref<!tpu.dma_semaphore, #tpu.memory_space<semaphore_mem>>) src(%dma_wait3A_70 : memref<626x80xf32, #tpu.memory_space<vmem_shared>>) dst(%dma_wait3A_68 : memref<626x80xf32, #tpu.memory_space<hbm>>)
    return
  }
}

#map = affine_map<(d0, d1) -> (0, 0, 0)>
#map1 = affine_map<(d0, d1) -> (0, 0)>
#map2 = affine_map<(d0, d1) -> (0, 0, 0, 0)>
module attributes {stable_mosaic.version = 14 : i64} {
  func.func @_sc_seg_sum(%arg0: i32, %arg1: i32, %arg2: memref<2x10016x80xf32, #tpu.memory_space<hbm>>, %arg3: memref<2560x128xi32, #tpu.memory_space<hbm>>, %arg4: memref<2560x128xi32, #tpu.memory_space<hbm>>, %arg5: memref<626x80xf32, #tpu.memory_space<hbm>>, %arg6: memref<2x2x10016x80xf32, #tpu.memory_space<hbm>>, %arg7: memref<40x128xi32, #tpu.memory_space<vmem>>, %arg8: memref<40x128xi32, #tpu.memory_space<vmem>>, %arg9: memref<128x80xf32, #tpu.memory_space<vmem>>, %arg10: memref<128x80xf32, #tpu.memory_space<vmem>>, %arg11: memref<10016x80xf32, #tpu.memory_space<vmem_shared>>, %arg12: memref<10016x80xf32, #tpu.memory_space<vmem_shared>>, %arg13: memref<!tpu.dma_semaphore, #tpu.memory_space<semaphore_mem>>, %arg14: memref<!tpu.dma_semaphore, #tpu.memory_space<semaphore_mem>>) attributes {dimension_semantics = [#tpu.dimension_semantics<core_parallel>, #tpu.dimension_semantics<subcore_parallel>], iteration_bounds = array<i64: 2, 16>, scalar_prefetch = 0 : i64, scratch_operands = 8 : i64, tpu.core_type = #tpu.core_type<sc_vector_subcore>, window_params = [{transform_indices = #map}, {transform_indices = #map1}, {transform_indices = #map1}, {transform_indices = #map1}, {transform_indices = #map2}]} {
    %mul3A = arith.constant 16 : i32
    %mul3A_0 = arith.muli %arg0, %mul3A : i32
    %add3A = arith.addi %mul3A_0, %arg1 : i32
    %mul3A_1 = arith.constant 626 : i32
    %mul3A_2 = arith.muli %arg1, %mul3A_1 : i32
    %dma_start3A = arith.constant 0 : i32
    %dma_start3A_3 = arith.constant 0 : i32
    %dma_start3A_4 = tpu.memref_slice %arg11[%mul3A_2, %dma_start3A_3] : memref<10016x80xf32, #tpu.memory_space<vmem_shared>> -> memref<626x80xf32, #tpu.memory_space<vmem_shared>>
    %dma_start3A_5 = arith.constant 0 : i32
    %dma_start3A_6 = tpu.memref_slice %arg2[%dma_start3A, %mul3A_2, %dma_start3A_5] : memref<2x10016x80xf32, #tpu.memory_space<hbm>> -> memref<1x626x80xf32, #tpu.memory_space<hbm>>
    %dma_start3A_7 = tpu.memref_squeeze %dma_start3A_6 : memref<1x626x80xf32, #tpu.memory_space<hbm>> -> memref<626x80xf32, #tpu.memory_space<hbm>>
    tpu.enqueue_dma source(%dma_start3A_7 : memref<626x80xf32, #tpu.memory_space<hbm>>) target(%dma_start3A_4 : memref<626x80xf32, #tpu.memory_space<vmem_shared>>) target_semaphore(%arg13 : memref<!tpu.dma_semaphore, #tpu.memory_space<semaphore_mem>>)
    %dma_start3A_8 = arith.constant 0 : i32
    %dma_start3A_9 = tpu.memref_slice %arg12[%mul3A_2, %dma_start3A_8] : memref<10016x80xf32, #tpu.memory_space<vmem_shared>> -> memref<626x80xf32, #tpu.memory_space<vmem_shared>>
    tpu.enqueue_dma source(%arg5 : memref<626x80xf32, #tpu.memory_space<hbm>>) target(%dma_start3A_9 : memref<626x80xf32, #tpu.memory_space<vmem_shared>>) target_semaphore(%arg14 : memref<!tpu.dma_semaphore, #tpu.memory_space<semaphore_mem>>)
    %dma_wait3A = arith.constant 0 : i32
    %dma_wait3A_10 = arith.constant 0 : i32
    %dma_wait3A_11 = tpu.memref_slice %arg11[%mul3A_2, %dma_wait3A_10] : memref<10016x80xf32, #tpu.memory_space<vmem_shared>> -> memref<626x80xf32, #tpu.memory_space<vmem_shared>>
    %dma_wait3A_12 = arith.constant 0 : i32
    %dma_wait3A_13 = tpu.memref_slice %arg2[%dma_wait3A, %mul3A_2, %dma_wait3A_12] : memref<2x10016x80xf32, #tpu.memory_space<hbm>> -> memref<1x626x80xf32, #tpu.memory_space<hbm>>
    %dma_wait3A_14 = tpu.memref_squeeze %dma_wait3A_13 : memref<1x626x80xf32, #tpu.memory_space<hbm>> -> memref<626x80xf32, #tpu.memory_space<hbm>>
    tpu.wait_dma2 semaphore(%arg13 : memref<!tpu.dma_semaphore, #tpu.memory_space<semaphore_mem>>) src(%dma_wait3A_14 : memref<626x80xf32, #tpu.memory_space<hbm>>) dst(%dma_wait3A_11 : memref<626x80xf32, #tpu.memory_space<vmem_shared>>)
    %dma_wait3A_15 = arith.constant 0 : i32
    %dma_wait3A_16 = tpu.memref_slice %arg12[%mul3A_2, %dma_wait3A_15] : memref<10016x80xf32, #tpu.memory_space<vmem_shared>> -> memref<626x80xf32, #tpu.memory_space<vmem_shared>>
    tpu.wait_dma2 semaphore(%arg14 : memref<!tpu.dma_semaphore, #tpu.memory_space<semaphore_mem>>) src(%arg5 : memref<626x80xf32, #tpu.memory_space<hbm>>) dst(%dma_wait3A_16 : memref<626x80xf32, #tpu.memory_space<vmem_shared>>)
    %barrier3A = arith.constant 0 : index
    tpu.barrier barrier_id(%barrier3A)
    %scan3A = arith.constant 0 : i32
    %scan3A_17 = arith.constant 0 : i32
    %scan3A_18 = arith.constant 2 : i32
    %scan3A_19 = arith.addi %scan3A_17, %scan3A_18 : i32
    %scan3A_20 = arith.constant 1 : i32
    scf.for %scan3A_71 = %scan3A_17 to %scan3A_19 step %scan3A_20  : i32 {
      %mul3A_72 = arith.constant 2 : i32
      %mul3A_73 = arith.muli %add3A, %mul3A_72 : i32
      %add3A_74 = arith.addi %mul3A_73, %scan3A_71 : i32
      %mul3A_75 = arith.constant 40 : i32
      %mul3A_76 = arith.muli %add3A_74, %mul3A_75 : i32
      "tpu.region"() ({
        %run_scoped3A_112 = tpu.sem_alloc : memref<!tpu.dma_semaphore, #tpu.memory_space<semaphore_mem>>
        %dma_start3A_113 = arith.constant 0 : i32
        %dma_start3A_114 = tpu.memref_slice %arg3[%mul3A_76, %dma_start3A_113] : memref<2560x128xi32, #tpu.memory_space<hbm>> -> memref<40x128xi32, #tpu.memory_space<hbm>>
        %dma_start3A_115 = arith.constant 0 : i32
        %dma_start3A_116 = tpu.memref_slice %arg3[%mul3A_76, %dma_start3A_115] : memref<2560x128xi32, #tpu.memory_space<hbm>> -> memref<40x128xi32, #tpu.memory_space<hbm>>
        tpu.enqueue_dma source(%dma_start3A_116 : memref<40x128xi32, #tpu.memory_space<hbm>>) target(%arg7 : memref<40x128xi32, #tpu.memory_space<vmem>>) target_semaphore(%run_scoped3A_112 : memref<!tpu.dma_semaphore, #tpu.memory_space<semaphore_mem>>)
        %dma_wait3A_117 = arith.constant 0 : i32
        %dma_wait3A_118 = tpu.memref_slice %arg3[%mul3A_76, %dma_wait3A_117] : memref<2560x128xi32, #tpu.memory_space<hbm>> -> memref<40x128xi32, #tpu.memory_space<hbm>>
        %dma_wait3A_119 = arith.constant 0 : i32
        %dma_wait3A_120 = tpu.memref_slice %arg3[%mul3A_76, %dma_wait3A_119] : memref<2560x128xi32, #tpu.memory_space<hbm>> -> memref<40x128xi32, #tpu.memory_space<hbm>>
        tpu.wait_dma2 semaphore(%run_scoped3A_112 : memref<!tpu.dma_semaphore, #tpu.memory_space<semaphore_mem>>) src(%dma_wait3A_120 : memref<40x128xi32, #tpu.memory_space<hbm>>) dst(%arg7 : memref<40x128xi32, #tpu.memory_space<vmem>>)
        tpu.yield
      }) : () -> ()
      "tpu.region"() ({
        %run_scoped3A_112 = tpu.sem_alloc : memref<!tpu.dma_semaphore, #tpu.memory_space<semaphore_mem>>
        %dma_start3A_113 = arith.constant 0 : i32
        %dma_start3A_114 = tpu.memref_slice %arg4[%mul3A_76, %dma_start3A_113] : memref<2560x128xi32, #tpu.memory_space<hbm>> -> memref<40x128xi32, #tpu.memory_space<hbm>>
        %dma_start3A_115 = arith.constant 0 : i32
        %dma_start3A_116 = tpu.memref_slice %arg4[%mul3A_76, %dma_start3A_115] : memref<2560x128xi32, #tpu.memory_space<hbm>> -> memref<40x128xi32, #tpu.memory_space<hbm>>
        tpu.enqueue_dma source(%dma_start3A_116 : memref<40x128xi32, #tpu.memory_space<hbm>>) target(%arg8 : memref<40x128xi32, #tpu.memory_space<vmem>>) target_semaphore(%run_scoped3A_112 : memref<!tpu.dma_semaphore, #tpu.memory_space<semaphore_mem>>)
        %dma_wait3A_117 = arith.constant 0 : i32
        %dma_wait3A_118 = tpu.memref_slice %arg4[%mul3A_76, %dma_wait3A_117] : memref<2560x128xi32, #tpu.memory_space<hbm>> -> memref<40x128xi32, #tpu.memory_space<hbm>>
        %dma_wait3A_119 = arith.constant 0 : i32
        %dma_wait3A_120 = tpu.memref_slice %arg4[%mul3A_76, %dma_wait3A_119] : memref<2560x128xi32, #tpu.memory_space<hbm>> -> memref<40x128xi32, #tpu.memory_space<hbm>>
        tpu.wait_dma2 semaphore(%run_scoped3A_112 : memref<!tpu.dma_semaphore, #tpu.memory_space<semaphore_mem>>) src(%dma_wait3A_120 : memref<40x128xi32, #tpu.memory_space<hbm>>) dst(%arg8 : memref<40x128xi32, #tpu.memory_space<vmem>>)
        tpu.yield
      }) : () -> ()
      %dma_start3A_77 = arith.constant 0 : i32
      %dma_start3A_78 = arith.constant 0 : i32
      %dma_start3A_79 = tpu.memref_slice %arg7[%dma_start3A_77, %dma_start3A_78] : memref<40x128xi32, #tpu.memory_space<vmem>> -> memref<1x128xi32, #tpu.memory_space<vmem>>
      %dma_start3A_80 = tpu.memref_squeeze %dma_start3A_79 : memref<1x128xi32, #tpu.memory_space<vmem>> -> memref<128xi32, #tpu.memory_space<vmem>>
      %dma_start3A_81 = arith.constant 0 : i32
      %dma_start3A_82 = arith.constant 0 : i32
      %dma_start3A_83 = tpu.memref_slice %arg11[%dma_start3A_81, %dma_start3A_82] : memref<10016x80xf32, #tpu.memory_space<vmem_shared>> -> memref<10016x80xf32, #tpu.memory_space<vmem_shared>>
      tpu.enqueue_indirect_dma source(%dma_start3A_83 : memref<10016x80xf32, #tpu.memory_space<vmem_shared>>) target(%arg9 : memref<128x80xf32, #tpu.memory_space<vmem>>) offsets(%dma_start3A_80 : memref<128xi32, #tpu.memory_space<vmem>>) semaphore(%arg13 : memref<!tpu.dma_semaphore, #tpu.memory_space<semaphore_mem>>)
      %scan3A_84 = arith.constant 0 : i32
      %scan3A_85 = arith.constant 0 : i32
      %scan3A_86 = arith.constant 19 : i32
      %scan3A_87 = arith.addi %scan3A_85, %scan3A_86 : i32
      %scan3A_88 = arith.constant 1 : i32
      scf.for %scan3A_112 = %scan3A_85 to %scan3A_87 step %scan3A_88  : i32 {
        %mul3A_113 = arith.constant 2 : i32
        %mul3A_114 = arith.muli %mul3A_113, %scan3A_112 : i32
        %add3A_115 = arith.constant 1 : i32
        %add3A_116 = arith.addi %mul3A_114, %add3A_115 : i32
        %dma_start3A_117 = arith.constant 0 : i32
        %dma_start3A_118 = tpu.memref_slice %arg7[%add3A_116, %dma_start3A_117] : memref<40x128xi32, #tpu.memory_space<vmem>> -> memref<1x128xi32, #tpu.memory_space<vmem>>
        %dma_start3A_119 = tpu.memref_squeeze %dma_start3A_118 : memref<1x128xi32, #tpu.memory_space<vmem>> -> memref<128xi32, #tpu.memory_space<vmem>>
        %dma_start3A_120 = arith.constant 0 : i32
        %dma_start3A_121 = arith.constant 0 : i32
        %dma_start3A_122 = tpu.memref_slice %arg11[%dma_start3A_120, %dma_start3A_121] : memref<10016x80xf32, #tpu.memory_space<vmem_shared>> -> memref<10016x80xf32, #tpu.memory_space<vmem_shared>>
        tpu.enqueue_indirect_dma source(%dma_start3A_122 : memref<10016x80xf32, #tpu.memory_space<vmem_shared>>) target(%arg10 : memref<128x80xf32, #tpu.memory_space<vmem>>) offsets(%dma_start3A_119 : memref<128xi32, #tpu.memory_space<vmem>>) semaphore(%arg14 : memref<!tpu.dma_semaphore, #tpu.memory_space<semaphore_mem>>)
        %dma_wait3A_123 = arith.constant 0 : i32
        %dma_wait3A_124 = tpu.memref_slice %arg7[%mul3A_114, %dma_wait3A_123] : memref<40x128xi32, #tpu.memory_space<vmem>> -> memref<1x128xi32, #tpu.memory_space<vmem>>
        %dma_wait3A_125 = tpu.memref_squeeze %dma_wait3A_124 : memref<1x128xi32, #tpu.memory_space<vmem>> -> memref<128xi32, #tpu.memory_space<vmem>>
        %dma_wait3A_126 = arith.constant 0 : i32
        %dma_wait3A_127 = arith.constant 0 : i32
        %dma_wait3A_128 = tpu.memref_slice %arg11[%dma_wait3A_126, %dma_wait3A_127] : memref<10016x80xf32, #tpu.memory_space<vmem_shared>> -> memref<10016x80xf32, #tpu.memory_space<vmem_shared>>
        tpu.wait_indirect_dma semaphore(%arg13 : memref<!tpu.dma_semaphore, #tpu.memory_space<semaphore_mem>>) src(%dma_wait3A_128 : memref<10016x80xf32, #tpu.memory_space<vmem_shared>>) dst(%arg9 : memref<128x80xf32, #tpu.memory_space<vmem>>)
        "tpu.region"() ({
          %run_scoped3A_147 = tpu.sem_alloc : memref<!tpu.dma_semaphore, #tpu.memory_space<semaphore_mem>>
          %dma_start3A_148 = arith.constant 0 : i32
          %dma_start3A_149 = tpu.memref_slice %arg8[%mul3A_114, %dma_start3A_148] : memref<40x128xi32, #tpu.memory_space<vmem>> -> memref<1x128xi32, #tpu.memory_space<vmem>>
          %dma_start3A_150 = tpu.memref_squeeze %dma_start3A_149 : memref<1x128xi32, #tpu.memory_space<vmem>> -> memref<128xi32, #tpu.memory_space<vmem>>
          %dma_start3A_151 = arith.constant 0 : i32
          %dma_start3A_152 = arith.constant 0 : i32
          %dma_start3A_153 = tpu.memref_slice %arg12[%dma_start3A_151, %dma_start3A_152] : memref<10016x80xf32, #tpu.memory_space<vmem_shared>> -> memref<10016x80xf32, #tpu.memory_space<vmem_shared>>
          tpu.enqueue_indirect_dma source(%arg9 : memref<128x80xf32, #tpu.memory_space<vmem>>) target(%dma_start3A_153 : memref<10016x80xf32, #tpu.memory_space<vmem_shared>>) offsets(%dma_start3A_150 : memref<128xi32, #tpu.memory_space<vmem>>) semaphore(%run_scoped3A_147 : memref<!tpu.dma_semaphore, #tpu.memory_space<semaphore_mem>>) {add = true}
          %dma_wait3A_154 = arith.constant 0 : i32
          %dma_wait3A_155 = tpu.memref_slice %arg8[%mul3A_114, %dma_wait3A_154] : memref<40x128xi32, #tpu.memory_space<vmem>> -> memref<1x128xi32, #tpu.memory_space<vmem>>
          %dma_wait3A_156 = tpu.memref_squeeze %dma_wait3A_155 : memref<1x128xi32, #tpu.memory_space<vmem>> -> memref<128xi32, #tpu.memory_space<vmem>>
          %dma_wait3A_157 = arith.constant 0 : i32
          %dma_wait3A_158 = arith.constant 0 : i32
          %dma_wait3A_159 = tpu.memref_slice %arg12[%dma_wait3A_157, %dma_wait3A_158] : memref<10016x80xf32, #tpu.memory_space<vmem_shared>> -> memref<10016x80xf32, #tpu.memory_space<vmem_shared>>
          tpu.wait_indirect_dma semaphore(%run_scoped3A_147 : memref<!tpu.dma_semaphore, #tpu.memory_space<semaphore_mem>>) src(%arg9 : memref<128x80xf32, #tpu.memory_space<vmem>>) dst(%dma_wait3A_159 : memref<10016x80xf32, #tpu.memory_space<vmem_shared>>)
          tpu.yield
        }) : () -> ()
        %add3A_129 = arith.constant 2 : i32
        %add3A_130 = arith.addi %mul3A_114, %add3A_129 : i32
        %dma_start3A_131 = arith.constant 0 : i32
        %dma_start3A_132 = tpu.memref_slice %arg7[%add3A_130, %dma_start3A_131] : memref<40x128xi32, #tpu.memory_space<vmem>> -> memref<1x128xi32, #tpu.memory_space<vmem>>
        %dma_start3A_133 = tpu.memref_squeeze %dma_start3A_132 : memref<1x128xi32, #tpu.memory_space<vmem>> -> memref<128xi32, #tpu.memory_space<vmem>>
        %dma_start3A_134 = arith.constant 0 : i32
        %dma_start3A_135 = arith.constant 0 : i32
        %dma_start3A_136 = tpu.memref_slice %arg11[%dma_start3A_134, %dma_start3A_135] : memref<10016x80xf32, #tpu.memory_space<vmem_shared>> -> memref<10016x80xf32, #tpu.memory_space<vmem_shared>>
        tpu.enqueue_indirect_dma source(%dma_start3A_136 : memref<10016x80xf32, #tpu.memory_space<vmem_shared>>) target(%arg9 : memref<128x80xf32, #tpu.memory_space<vmem>>) offsets(%dma_start3A_133 : memref<128xi32, #tpu.memory_space<vmem>>) semaphore(%arg13 : memref<!tpu.dma_semaphore, #tpu.memory_space<semaphore_mem>>)
        %add3A_137 = arith.constant 1 : i32
        %add3A_138 = arith.addi %mul3A_114, %add3A_137 : i32
        %dma_wait3A_139 = arith.constant 0 : i32
        %dma_wait3A_140 = tpu.memref_slice %arg7[%add3A_138, %dma_wait3A_139] : memref<40x128xi32, #tpu.memory_space<vmem>> -> memref<1x128xi32, #tpu.memory_space<vmem>>
        %dma_wait3A_141 = tpu.memref_squeeze %dma_wait3A_140 : memref<1x128xi32, #tpu.memory_space<vmem>> -> memref<128xi32, #tpu.memory_space<vmem>>
        %dma_wait3A_142 = arith.constant 0 : i32
        %dma_wait3A_143 = arith.constant 0 : i32
        %dma_wait3A_144 = tpu.memref_slice %arg11[%dma_wait3A_142, %dma_wait3A_143] : memref<10016x80xf32, #tpu.memory_space<vmem_shared>> -> memref<10016x80xf32, #tpu.memory_space<vmem_shared>>
        tpu.wait_indirect_dma semaphore(%arg14 : memref<!tpu.dma_semaphore, #tpu.memory_space<semaphore_mem>>) src(%dma_wait3A_144 : memref<10016x80xf32, #tpu.memory_space<vmem_shared>>) dst(%arg10 : memref<128x80xf32, #tpu.memory_space<vmem>>)
        %add3A_145 = arith.constant 1 : i32
        %add3A_146 = arith.addi %mul3A_114, %add3A_145 : i32
        "tpu.region"() ({
          %run_scoped3A_147 = tpu.sem_alloc : memref<!tpu.dma_semaphore, #tpu.memory_space<semaphore_mem>>
          %dma_start3A_148 = arith.constant 0 : i32
          %dma_start3A_149 = tpu.memref_slice %arg8[%add3A_146, %dma_start3A_148] : memref<40x128xi32, #tpu.memory_space<vmem>> -> memref<1x128xi32, #tpu.memory_space<vmem>>
          %dma_start3A_150 = tpu.memref_squeeze %dma_start3A_149 : memref<1x128xi32, #tpu.memory_space<vmem>> -> memref<128xi32, #tpu.memory_space<vmem>>
          %dma_start3A_151 = arith.constant 0 : i32
          %dma_start3A_152 = arith.constant 0 : i32
          %dma_start3A_153 = tpu.memref_slice %arg12[%dma_start3A_151, %dma_start3A_152] : memref<10016x80xf32, #tpu.memory_space<vmem_shared>> -> memref<10016x80xf32, #tpu.memory_space<vmem_shared>>
          tpu.enqueue_indirect_dma source(%arg10 : memref<128x80xf32, #tpu.memory_space<vmem>>) target(%dma_start3A_153 : memref<10016x80xf32, #tpu.memory_space<vmem_shared>>) offsets(%dma_start3A_150 : memref<128xi32, #tpu.memory_space<vmem>>) semaphore(%run_scoped3A_147 : memref<!tpu.dma_semaphore, #tpu.memory_space<semaphore_mem>>) {add = true}
          %dma_wait3A_154 = arith.constant 0 : i32
          %dma_wait3A_155 = tpu.memref_slice %arg8[%add3A_146, %dma_wait3A_154] : memref<40x128xi32, #tpu.memory_space<vmem>> -> memref<1x128xi32, #tpu.memory_space<vmem>>
          %dma_wait3A_156 = tpu.memref_squeeze %dma_wait3A_155 : memref<1x128xi32, #tpu.memory_space<vmem>> -> memref<128xi32, #tpu.memory_space<vmem>>
          %dma_wait3A_157 = arith.constant 0 : i32
          %dma_wait3A_158 = arith.constant 0 : i32
          %dma_wait3A_159 = tpu.memref_slice %arg12[%dma_wait3A_157, %dma_wait3A_158] : memref<10016x80xf32, #tpu.memory_space<vmem_shared>> -> memref<10016x80xf32, #tpu.memory_space<vmem_shared>>
          tpu.wait_indirect_dma semaphore(%run_scoped3A_147 : memref<!tpu.dma_semaphore, #tpu.memory_space<semaphore_mem>>) src(%arg10 : memref<128x80xf32, #tpu.memory_space<vmem>>) dst(%dma_wait3A_159 : memref<10016x80xf32, #tpu.memory_space<vmem_shared>>)
          tpu.yield
        }) : () -> ()
      }
      %scan3A_89 = arith.constant 19 : i32
      %dma_start3A_90 = arith.constant 39 : i32
      %dma_start3A_91 = arith.constant 0 : i32
      %dma_start3A_92 = tpu.memref_slice %arg7[%dma_start3A_90, %dma_start3A_91] : memref<40x128xi32, #tpu.memory_space<vmem>> -> memref<1x128xi32, #tpu.memory_space<vmem>>
      %dma_start3A_93 = tpu.memref_squeeze %dma_start3A_92 : memref<1x128xi32, #tpu.memory_space<vmem>> -> memref<128xi32, #tpu.memory_space<vmem>>
      %dma_start3A_94 = arith.constant 0 : i32
      %dma_start3A_95 = arith.constant 0 : i32
      %dma_start3A_96 = tpu.memref_slice %arg11[%dma_start3A_94, %dma_start3A_95] : memref<10016x80xf32, #tpu.memory_space<vmem_shared>> -> memref<10016x80xf32, #tpu.memory_space<vmem_shared>>
      tpu.enqueue_indirect_dma source(%dma_start3A_96 : memref<10016x80xf32, #tpu.memory_space<vmem_shared>>) target(%arg10 : memref<128x80xf32, #tpu.memory_space<vmem>>) offsets(%dma_start3A_93 : memref<128xi32, #tpu.memory_space<vmem>>) semaphore(%arg14 : memref<!tpu.dma_semaphore, #tpu.memory_space<semaphore_mem>>)
      %dma_wait3A_97 = arith.constant 38 : i32
      %dma_wait3A_98 = arith.constant 0 : i32
      %dma_wait3A_99 = tpu.memref_slice %arg7[%dma_wait3A_97, %dma_wait3A_98] : memref<40x128xi32, #tpu.memory_space<vmem>> -> memref<1x128xi32, #tpu.memory_space<vmem>>
      %dma_wait3A_100 = tpu.memref_squeeze %dma_wait3A_99 : memref<1x128xi32, #tpu.memory_space<vmem>> -> memref<128xi32, #tpu.memory_space<vmem>>
      %dma_wait3A_101 = arith.constant 0 : i32
      %dma_wait3A_102 = arith.constant 0 : i32
      %dma_wait3A_103 = tpu.memref_slice %arg11[%dma_wait3A_101, %dma_wait3A_102] : memref<10016x80xf32, #tpu.memory_space<vmem_shared>> -> memref<10016x80xf32, #tpu.memory_space<vmem_shared>>
      tpu.wait_indirect_dma semaphore(%arg13 : memref<!tpu.dma_semaphore, #tpu.memory_space<semaphore_mem>>) src(%dma_wait3A_103 : memref<10016x80xf32, #tpu.memory_space<vmem_shared>>) dst(%arg9 : memref<128x80xf32, #tpu.memory_space<vmem>>)
      %run_scoped3A = arith.constant 38 : i32
      "tpu.region"() ({
        %run_scoped3A_112 = tpu.sem_alloc : memref<!tpu.dma_semaphore, #tpu.memory_space<semaphore_mem>>
        %dma_start3A_113 = arith.constant 0 : i32
        %dma_start3A_114 = tpu.memref_slice %arg8[%run_scoped3A, %dma_start3A_113] : memref<40x128xi32, #tpu.memory_space<vmem>> -> memref<1x128xi32, #tpu.memory_space<vmem>>
        %dma_start3A_115 = tpu.memref_squeeze %dma_start3A_114 : memref<1x128xi32, #tpu.memory_space<vmem>> -> memref<128xi32, #tpu.memory_space<vmem>>
        %dma_start3A_116 = arith.constant 0 : i32
        %dma_start3A_117 = arith.constant 0 : i32
        %dma_start3A_118 = tpu.memref_slice %arg12[%dma_start3A_116, %dma_start3A_117] : memref<10016x80xf32, #tpu.memory_space<vmem_shared>> -> memref<10016x80xf32, #tpu.memory_space<vmem_shared>>
        tpu.enqueue_indirect_dma source(%arg9 : memref<128x80xf32, #tpu.memory_space<vmem>>) target(%dma_start3A_118 : memref<10016x80xf32, #tpu.memory_space<vmem_shared>>) offsets(%dma_start3A_115 : memref<128xi32, #tpu.memory_space<vmem>>) semaphore(%run_scoped3A_112 : memref<!tpu.dma_semaphore, #tpu.memory_space<semaphore_mem>>) {add = true}
        %dma_wait3A_119 = arith.constant 0 : i32
        %dma_wait3A_120 = tpu.memref_slice %arg8[%run_scoped3A, %dma_wait3A_119] : memref<40x128xi32, #tpu.memory_space<vmem>> -> memref<1x128xi32, #tpu.memory_space<vmem>>
        %dma_wait3A_121 = tpu.memref_squeeze %dma_wait3A_120 : memref<1x128xi32, #tpu.memory_space<vmem>> -> memref<128xi32, #tpu.memory_space<vmem>>
        %dma_wait3A_122 = arith.constant 0 : i32
        %dma_wait3A_123 = arith.constant 0 : i32
        %dma_wait3A_124 = tpu.memref_slice %arg12[%dma_wait3A_122, %dma_wait3A_123] : memref<10016x80xf32, #tpu.memory_space<vmem_shared>> -> memref<10016x80xf32, #tpu.memory_space<vmem_shared>>
        tpu.wait_indirect_dma semaphore(%run_scoped3A_112 : memref<!tpu.dma_semaphore, #tpu.memory_space<semaphore_mem>>) src(%arg9 : memref<128x80xf32, #tpu.memory_space<vmem>>) dst(%dma_wait3A_124 : memref<10016x80xf32, #tpu.memory_space<vmem_shared>>)
        tpu.yield
      }) : () -> ()
      %dma_wait3A_104 = arith.constant 39 : i32
      %dma_wait3A_105 = arith.constant 0 : i32
      %dma_wait3A_106 = tpu.memref_slice %arg7[%dma_wait3A_104, %dma_wait3A_105] : memref<40x128xi32, #tpu.memory_space<vmem>> -> memref<1x128xi32, #tpu.memory_space<vmem>>
      %dma_wait3A_107 = tpu.memref_squeeze %dma_wait3A_106 : memref<1x128xi32, #tpu.memory_space<vmem>> -> memref<128xi32, #tpu.memory_space<vmem>>
      %dma_wait3A_108 = arith.constant 0 : i32
      %dma_wait3A_109 = arith.constant 0 : i32
      %dma_wait3A_110 = tpu.memref_slice %arg11[%dma_wait3A_108, %dma_wait3A_109] : memref<10016x80xf32, #tpu.memory_space<vmem_shared>> -> memref<10016x80xf32, #tpu.memory_space<vmem_shared>>
      tpu.wait_indirect_dma semaphore(%arg14 : memref<!tpu.dma_semaphore, #tpu.memory_space<semaphore_mem>>) src(%dma_wait3A_110 : memref<10016x80xf32, #tpu.memory_space<vmem_shared>>) dst(%arg10 : memref<128x80xf32, #tpu.memory_space<vmem>>)
      %run_scoped3A_111 = arith.constant 39 : i32
      "tpu.region"() ({
        %run_scoped3A_112 = tpu.sem_alloc : memref<!tpu.dma_semaphore, #tpu.memory_space<semaphore_mem>>
        %dma_start3A_113 = arith.constant 0 : i32
        %dma_start3A_114 = tpu.memref_slice %arg8[%run_scoped3A_111, %dma_start3A_113] : memref<40x128xi32, #tpu.memory_space<vmem>> -> memref<1x128xi32, #tpu.memory_space<vmem>>
        %dma_start3A_115 = tpu.memref_squeeze %dma_start3A_114 : memref<1x128xi32, #tpu.memory_space<vmem>> -> memref<128xi32, #tpu.memory_space<vmem>>
        %dma_start3A_116 = arith.constant 0 : i32
        %dma_start3A_117 = arith.constant 0 : i32
        %dma_start3A_118 = tpu.memref_slice %arg12[%dma_start3A_116, %dma_start3A_117] : memref<10016x80xf32, #tpu.memory_space<vmem_shared>> -> memref<10016x80xf32, #tpu.memory_space<vmem_shared>>
        tpu.enqueue_indirect_dma source(%arg10 : memref<128x80xf32, #tpu.memory_space<vmem>>) target(%dma_start3A_118 : memref<10016x80xf32, #tpu.memory_space<vmem_shared>>) offsets(%dma_start3A_115 : memref<128xi32, #tpu.memory_space<vmem>>) semaphore(%run_scoped3A_112 : memref<!tpu.dma_semaphore, #tpu.memory_space<semaphore_mem>>) {add = true}
        %dma_wait3A_119 = arith.constant 0 : i32
        %dma_wait3A_120 = tpu.memref_slice %arg8[%run_scoped3A_111, %dma_wait3A_119] : memref<40x128xi32, #tpu.memory_space<vmem>> -> memref<1x128xi32, #tpu.memory_space<vmem>>
        %dma_wait3A_121 = tpu.memref_squeeze %dma_wait3A_120 : memref<1x128xi32, #tpu.memory_space<vmem>> -> memref<128xi32, #tpu.memory_space<vmem>>
        %dma_wait3A_122 = arith.constant 0 : i32
        %dma_wait3A_123 = arith.constant 0 : i32
        %dma_wait3A_124 = tpu.memref_slice %arg12[%dma_wait3A_122, %dma_wait3A_123] : memref<10016x80xf32, #tpu.memory_space<vmem_shared>> -> memref<10016x80xf32, #tpu.memory_space<vmem_shared>>
        tpu.wait_indirect_dma semaphore(%run_scoped3A_112 : memref<!tpu.dma_semaphore, #tpu.memory_space<semaphore_mem>>) src(%arg10 : memref<128x80xf32, #tpu.memory_space<vmem>>) dst(%dma_wait3A_124 : memref<10016x80xf32, #tpu.memory_space<vmem_shared>>)
        tpu.yield
      }) : () -> ()
    }
    %scan3A_21 = arith.constant 2 : i32
    %barrier3A_22 = arith.constant 0 : index
    tpu.barrier barrier_id(%barrier3A_22)
    %dma_start3A_23 = arith.constant 0 : i32
    %dma_start3A_24 = arith.constant 0 : i32
    %dma_start3A_25 = tpu.memref_slice %arg6[%arg0, %dma_start3A_23, %mul3A_2, %dma_start3A_24] : memref<2x2x10016x80xf32, #tpu.memory_space<hbm>> -> memref<1x1x626x80xf32, #tpu.memory_space<hbm>>
    %dma_start3A_26 = tpu.memref_squeeze %dma_start3A_25 : memref<1x1x626x80xf32, #tpu.memory_space<hbm>> -> memref<626x80xf32, #tpu.memory_space<hbm>>
    %dma_start3A_27 = arith.constant 0 : i32
    %dma_start3A_28 = tpu.memref_slice %arg12[%mul3A_2, %dma_start3A_27] : memref<10016x80xf32, #tpu.memory_space<vmem_shared>> -> memref<626x80xf32, #tpu.memory_space<vmem_shared>>
    tpu.enqueue_dma source(%dma_start3A_28 : memref<626x80xf32, #tpu.memory_space<vmem_shared>>) target(%dma_start3A_26 : memref<626x80xf32, #tpu.memory_space<hbm>>) target_semaphore(%arg13 : memref<!tpu.dma_semaphore, #tpu.memory_space<semaphore_mem>>)
    %dma_start3A_29 = arith.constant 1 : i32
    %dma_start3A_30 = arith.constant 0 : i32
    %dma_start3A_31 = tpu.memref_slice %arg11[%mul3A_2, %dma_start3A_30] : memref<10016x80xf32, #tpu.memory_space<vmem_shared>> -> memref<626x80xf32, #tpu.memory_space<vmem_shared>>
    %dma_start3A_32 = arith.constant 0 : i32
    %dma_start3A_33 = tpu.memref_slice %arg2[%dma_start3A_29, %mul3A_2, %dma_start3A_32] : memref<2x10016x80xf32, #tpu.memory_space<hbm>> -> memref<1x626x80xf32, #tpu.memory_space<hbm>>
    %dma_start3A_34 = tpu.memref_squeeze %dma_start3A_33 : memref<1x626x80xf32, #tpu.memory_space<hbm>> -> memref<626x80xf32, #tpu.memory_space<hbm>>
    tpu.enqueue_dma source(%dma_start3A_34 : memref<626x80xf32, #tpu.memory_space<hbm>>) target(%dma_start3A_31 : memref<626x80xf32, #tpu.memory_space<vmem_shared>>) target_semaphore(%arg14 : memref<!tpu.dma_semaphore, #tpu.memory_space<semaphore_mem>>)
    %dma_wait3A_35 = arith.constant 0 : i32
    %dma_wait3A_36 = arith.constant 0 : i32
    %dma_wait3A_37 = tpu.memref_slice %arg6[%arg0, %dma_wait3A_35, %mul3A_2, %dma_wait3A_36] : memref<2x2x10016x80xf32, #tpu.memory_space<hbm>> -> memref<1x1x626x80xf32, #tpu.memory_space<hbm>>
    %dma_wait3A_38 = tpu.memref_squeeze %dma_wait3A_37 : memref<1x1x626x80xf32, #tpu.memory_space<hbm>> -> memref<626x80xf32, #tpu.memory_space<hbm>>
    %dma_wait3A_39 = arith.constant 0 : i32
    %dma_wait3A_40 = tpu.memref_slice %arg12[%mul3A_2, %dma_wait3A_39] : memref<10016x80xf32, #tpu.memory_space<vmem_shared>> -> memref<626x80xf32, #tpu.memory_space<vmem_shared>>
    tpu.wait_dma2 semaphore(%arg13 : memref<!tpu.dma_semaphore, #tpu.memory_space<semaphore_mem>>) src(%dma_wait3A_40 : memref<626x80xf32, #tpu.memory_space<vmem_shared>>) dst(%dma_wait3A_38 : memref<626x80xf32, #tpu.memory_space<hbm>>)
    %dma_start3A_41 = arith.constant 0 : i32
    %dma_start3A_42 = tpu.memref_slice %arg12[%mul3A_2, %dma_start3A_41] : memref<10016x80xf32, #tpu.memory_space<vmem_shared>> -> memref<626x80xf32, #tpu.memory_space<vmem_shared>>
    tpu.enqueue_dma source(%arg5 : memref<626x80xf32, #tpu.memory_space<hbm>>) target(%dma_start3A_42 : memref<626x80xf32, #tpu.memory_space<vmem_shared>>) target_semaphore(%arg13 : memref<!tpu.dma_semaphore, #tpu.memory_space<semaphore_mem>>)
    %dma_wait3A_43 = arith.constant 1 : i32
    %dma_wait3A_44 = arith.constant 0 : i32
    %dma_wait3A_45 = tpu.memref_slice %arg11[%mul3A_2, %dma_wait3A_44] : memref<10016x80xf32, #tpu.memory_space<vmem_shared>> -> memref<626x80xf32, #tpu.memory_space<vmem_shared>>
    %dma_wait3A_46 = arith.constant 0 : i32
    %dma_wait3A_47 = tpu.memref_slice %arg2[%dma_wait3A_43, %mul3A_2, %dma_wait3A_46] : memref<2x10016x80xf32, #tpu.memory_space<hbm>> -> memref<1x626x80xf32, #tpu.memory_space<hbm>>
    %dma_wait3A_48 = tpu.memref_squeeze %dma_wait3A_47 : memref<1x626x80xf32, #tpu.memory_space<hbm>> -> memref<626x80xf32, #tpu.memory_space<hbm>>
    tpu.wait_dma2 semaphore(%arg14 : memref<!tpu.dma_semaphore, #tpu.memory_space<semaphore_mem>>) src(%dma_wait3A_48 : memref<626x80xf32, #tpu.memory_space<hbm>>) dst(%dma_wait3A_45 : memref<626x80xf32, #tpu.memory_space<vmem_shared>>)
    %dma_wait3A_49 = arith.constant 0 : i32
    %dma_wait3A_50 = tpu.memref_slice %arg12[%mul3A_2, %dma_wait3A_49] : memref<10016x80xf32, #tpu.memory_space<vmem_shared>> -> memref<626x80xf32, #tpu.memory_space<vmem_shared>>
    tpu.wait_dma2 semaphore(%arg13 : memref<!tpu.dma_semaphore, #tpu.memory_space<semaphore_mem>>) src(%arg5 : memref<626x80xf32, #tpu.memory_space<hbm>>) dst(%dma_wait3A_50 : memref<626x80xf32, #tpu.memory_space<vmem_shared>>)
    %barrier3A_51 = arith.constant 0 : index
    tpu.barrier barrier_id(%barrier3A_51)
    %scan3A_52 = arith.constant 0 : i32
    %scan3A_53 = arith.constant 0 : i32
    %scan3A_54 = arith.constant 2 : i32
    %scan3A_55 = arith.addi %scan3A_53, %scan3A_54 : i32
    %scan3A_56 = arith.constant 1 : i32
    scf.for %scan3A_71 = %scan3A_53 to %scan3A_55 step %scan3A_56  : i32 {
      %mul3A_72 = arith.constant 2 : i32
      %mul3A_73 = arith.muli %add3A, %mul3A_72 : i32
      %add3A_74 = arith.addi %mul3A_73, %scan3A_71 : i32
      %mul3A_75 = arith.constant 40 : i32
      %mul3A_76 = arith.muli %add3A_74, %mul3A_75 : i32
      "tpu.region"() ({
        %run_scoped3A_112 = tpu.sem_alloc : memref<!tpu.dma_semaphore, #tpu.memory_space<semaphore_mem>>
        %dma_start3A_113 = arith.constant 0 : i32
        %dma_start3A_114 = tpu.memref_slice %arg3[%mul3A_76, %dma_start3A_113] : memref<2560x128xi32, #tpu.memory_space<hbm>> -> memref<40x128xi32, #tpu.memory_space<hbm>>
        %dma_start3A_115 = arith.constant 0 : i32
        %dma_start3A_116 = tpu.memref_slice %arg3[%mul3A_76, %dma_start3A_115] : memref<2560x128xi32, #tpu.memory_space<hbm>> -> memref<40x128xi32, #tpu.memory_space<hbm>>
        tpu.enqueue_dma source(%dma_start3A_116 : memref<40x128xi32, #tpu.memory_space<hbm>>) target(%arg7 : memref<40x128xi32, #tpu.memory_space<vmem>>) target_semaphore(%run_scoped3A_112 : memref<!tpu.dma_semaphore, #tpu.memory_space<semaphore_mem>>)
        %dma_wait3A_117 = arith.constant 0 : i32
        %dma_wait3A_118 = tpu.memref_slice %arg3[%mul3A_76, %dma_wait3A_117] : memref<2560x128xi32, #tpu.memory_space<hbm>> -> memref<40x128xi32, #tpu.memory_space<hbm>>
        %dma_wait3A_119 = arith.constant 0 : i32
        %dma_wait3A_120 = tpu.memref_slice %arg3[%mul3A_76, %dma_wait3A_119] : memref<2560x128xi32, #tpu.memory_space<hbm>> -> memref<40x128xi32, #tpu.memory_space<hbm>>
        tpu.wait_dma2 semaphore(%run_scoped3A_112 : memref<!tpu.dma_semaphore, #tpu.memory_space<semaphore_mem>>) src(%dma_wait3A_120 : memref<40x128xi32, #tpu.memory_space<hbm>>) dst(%arg7 : memref<40x128xi32, #tpu.memory_space<vmem>>)
        tpu.yield
      }) : () -> ()
      "tpu.region"() ({
        %run_scoped3A_112 = tpu.sem_alloc : memref<!tpu.dma_semaphore, #tpu.memory_space<semaphore_mem>>
        %dma_start3A_113 = arith.constant 0 : i32
        %dma_start3A_114 = tpu.memref_slice %arg4[%mul3A_76, %dma_start3A_113] : memref<2560x128xi32, #tpu.memory_space<hbm>> -> memref<40x128xi32, #tpu.memory_space<hbm>>
        %dma_start3A_115 = arith.constant 0 : i32
        %dma_start3A_116 = tpu.memref_slice %arg4[%mul3A_76, %dma_start3A_115] : memref<2560x128xi32, #tpu.memory_space<hbm>> -> memref<40x128xi32, #tpu.memory_space<hbm>>
        tpu.enqueue_dma source(%dma_start3A_116 : memref<40x128xi32, #tpu.memory_space<hbm>>) target(%arg8 : memref<40x128xi32, #tpu.memory_space<vmem>>) target_semaphore(%run_scoped3A_112 : memref<!tpu.dma_semaphore, #tpu.memory_space<semaphore_mem>>)
        %dma_wait3A_117 = arith.constant 0 : i32
        %dma_wait3A_118 = tpu.memref_slice %arg4[%mul3A_76, %dma_wait3A_117] : memref<2560x128xi32, #tpu.memory_space<hbm>> -> memref<40x128xi32, #tpu.memory_space<hbm>>
        %dma_wait3A_119 = arith.constant 0 : i32
        %dma_wait3A_120 = tpu.memref_slice %arg4[%mul3A_76, %dma_wait3A_119] : memref<2560x128xi32, #tpu.memory_space<hbm>> -> memref<40x128xi32, #tpu.memory_space<hbm>>
        tpu.wait_dma2 semaphore(%run_scoped3A_112 : memref<!tpu.dma_semaphore, #tpu.memory_space<semaphore_mem>>) src(%dma_wait3A_120 : memref<40x128xi32, #tpu.memory_space<hbm>>) dst(%arg8 : memref<40x128xi32, #tpu.memory_space<vmem>>)
        tpu.yield
      }) : () -> ()
      %dma_start3A_77 = arith.constant 0 : i32
      %dma_start3A_78 = arith.constant 0 : i32
      %dma_start3A_79 = tpu.memref_slice %arg7[%dma_start3A_77, %dma_start3A_78] : memref<40x128xi32, #tpu.memory_space<vmem>> -> memref<1x128xi32, #tpu.memory_space<vmem>>
      %dma_start3A_80 = tpu.memref_squeeze %dma_start3A_79 : memref<1x128xi32, #tpu.memory_space<vmem>> -> memref<128xi32, #tpu.memory_space<vmem>>
      %dma_start3A_81 = arith.constant 0 : i32
      %dma_start3A_82 = arith.constant 0 : i32
      %dma_start3A_83 = tpu.memref_slice %arg11[%dma_start3A_81, %dma_start3A_82] : memref<10016x80xf32, #tpu.memory_space<vmem_shared>> -> memref<10016x80xf32, #tpu.memory_space<vmem_shared>>
      tpu.enqueue_indirect_dma source(%dma_start3A_83 : memref<10016x80xf32, #tpu.memory_space<vmem_shared>>) target(%arg9 : memref<128x80xf32, #tpu.memory_space<vmem>>) offsets(%dma_start3A_80 : memref<128xi32, #tpu.memory_space<vmem>>) semaphore(%arg13 : memref<!tpu.dma_semaphore, #tpu.memory_space<semaphore_mem>>)
      %scan3A_84 = arith.constant 0 : i32
      %scan3A_85 = arith.constant 0 : i32
      %scan3A_86 = arith.constant 19 : i32
      %scan3A_87 = arith.addi %scan3A_85, %scan3A_86 : i32
      %scan3A_88 = arith.constant 1 : i32
      scf.for %scan3A_112 = %scan3A_85 to %scan3A_87 step %scan3A_88  : i32 {
        %mul3A_113 = arith.constant 2 : i32
        %mul3A_114 = arith.muli %mul3A_113, %scan3A_112 : i32
        %add3A_115 = arith.constant 1 : i32
        %add3A_116 = arith.addi %mul3A_114, %add3A_115 : i32
        %dma_start3A_117 = arith.constant 0 : i32
        %dma_start3A_118 = tpu.memref_slice %arg7[%add3A_116, %dma_start3A_117] : memref<40x128xi32, #tpu.memory_space<vmem>> -> memref<1x128xi32, #tpu.memory_space<vmem>>
        %dma_start3A_119 = tpu.memref_squeeze %dma_start3A_118 : memref<1x128xi32, #tpu.memory_space<vmem>> -> memref<128xi32, #tpu.memory_space<vmem>>
        %dma_start3A_120 = arith.constant 0 : i32
        %dma_start3A_121 = arith.constant 0 : i32
        %dma_start3A_122 = tpu.memref_slice %arg11[%dma_start3A_120, %dma_start3A_121] : memref<10016x80xf32, #tpu.memory_space<vmem_shared>> -> memref<10016x80xf32, #tpu.memory_space<vmem_shared>>
        tpu.enqueue_indirect_dma source(%dma_start3A_122 : memref<10016x80xf32, #tpu.memory_space<vmem_shared>>) target(%arg10 : memref<128x80xf32, #tpu.memory_space<vmem>>) offsets(%dma_start3A_119 : memref<128xi32, #tpu.memory_space<vmem>>) semaphore(%arg14 : memref<!tpu.dma_semaphore, #tpu.memory_space<semaphore_mem>>)
        %dma_wait3A_123 = arith.constant 0 : i32
        %dma_wait3A_124 = tpu.memref_slice %arg7[%mul3A_114, %dma_wait3A_123] : memref<40x128xi32, #tpu.memory_space<vmem>> -> memref<1x128xi32, #tpu.memory_space<vmem>>
        %dma_wait3A_125 = tpu.memref_squeeze %dma_wait3A_124 : memref<1x128xi32, #tpu.memory_space<vmem>> -> memref<128xi32, #tpu.memory_space<vmem>>
        %dma_wait3A_126 = arith.constant 0 : i32
        %dma_wait3A_127 = arith.constant 0 : i32
        %dma_wait3A_128 = tpu.memref_slice %arg11[%dma_wait3A_126, %dma_wait3A_127] : memref<10016x80xf32, #tpu.memory_space<vmem_shared>> -> memref<10016x80xf32, #tpu.memory_space<vmem_shared>>
        tpu.wait_indirect_dma semaphore(%arg13 : memref<!tpu.dma_semaphore, #tpu.memory_space<semaphore_mem>>) src(%dma_wait3A_128 : memref<10016x80xf32, #tpu.memory_space<vmem_shared>>) dst(%arg9 : memref<128x80xf32, #tpu.memory_space<vmem>>)
        "tpu.region"() ({
          %run_scoped3A_147 = tpu.sem_alloc : memref<!tpu.dma_semaphore, #tpu.memory_space<semaphore_mem>>
          %dma_start3A_148 = arith.constant 0 : i32
          %dma_start3A_149 = tpu.memref_slice %arg8[%mul3A_114, %dma_start3A_148] : memref<40x128xi32, #tpu.memory_space<vmem>> -> memref<1x128xi32, #tpu.memory_space<vmem>>
          %dma_start3A_150 = tpu.memref_squeeze %dma_start3A_149 : memref<1x128xi32, #tpu.memory_space<vmem>> -> memref<128xi32, #tpu.memory_space<vmem>>
          %dma_start3A_151 = arith.constant 0 : i32
          %dma_start3A_152 = arith.constant 0 : i32
          %dma_start3A_153 = tpu.memref_slice %arg12[%dma_start3A_151, %dma_start3A_152] : memref<10016x80xf32, #tpu.memory_space<vmem_shared>> -> memref<10016x80xf32, #tpu.memory_space<vmem_shared>>
          tpu.enqueue_indirect_dma source(%arg9 : memref<128x80xf32, #tpu.memory_space<vmem>>) target(%dma_start3A_153 : memref<10016x80xf32, #tpu.memory_space<vmem_shared>>) offsets(%dma_start3A_150 : memref<128xi32, #tpu.memory_space<vmem>>) semaphore(%run_scoped3A_147 : memref<!tpu.dma_semaphore, #tpu.memory_space<semaphore_mem>>) {add = true}
          %dma_wait3A_154 = arith.constant 0 : i32
          %dma_wait3A_155 = tpu.memref_slice %arg8[%mul3A_114, %dma_wait3A_154] : memref<40x128xi32, #tpu.memory_space<vmem>> -> memref<1x128xi32, #tpu.memory_space<vmem>>
          %dma_wait3A_156 = tpu.memref_squeeze %dma_wait3A_155 : memref<1x128xi32, #tpu.memory_space<vmem>> -> memref<128xi32, #tpu.memory_space<vmem>>
          %dma_wait3A_157 = arith.constant 0 : i32
          %dma_wait3A_158 = arith.constant 0 : i32
          %dma_wait3A_159 = tpu.memref_slice %arg12[%dma_wait3A_157, %dma_wait3A_158] : memref<10016x80xf32, #tpu.memory_space<vmem_shared>> -> memref<10016x80xf32, #tpu.memory_space<vmem_shared>>
          tpu.wait_indirect_dma semaphore(%run_scoped3A_147 : memref<!tpu.dma_semaphore, #tpu.memory_space<semaphore_mem>>) src(%arg9 : memref<128x80xf32, #tpu.memory_space<vmem>>) dst(%dma_wait3A_159 : memref<10016x80xf32, #tpu.memory_space<vmem_shared>>)
          tpu.yield
        }) : () -> ()
        %add3A_129 = arith.constant 2 : i32
        %add3A_130 = arith.addi %mul3A_114, %add3A_129 : i32
        %dma_start3A_131 = arith.constant 0 : i32
        %dma_start3A_132 = tpu.memref_slice %arg7[%add3A_130, %dma_start3A_131] : memref<40x128xi32, #tpu.memory_space<vmem>> -> memref<1x128xi32, #tpu.memory_space<vmem>>
        %dma_start3A_133 = tpu.memref_squeeze %dma_start3A_132 : memref<1x128xi32, #tpu.memory_space<vmem>> -> memref<128xi32, #tpu.memory_space<vmem>>
        %dma_start3A_134 = arith.constant 0 : i32
        %dma_start3A_135 = arith.constant 0 : i32
        %dma_start3A_136 = tpu.memref_slice %arg11[%dma_start3A_134, %dma_start3A_135] : memref<10016x80xf32, #tpu.memory_space<vmem_shared>> -> memref<10016x80xf32, #tpu.memory_space<vmem_shared>>
        tpu.enqueue_indirect_dma source(%dma_start3A_136 : memref<10016x80xf32, #tpu.memory_space<vmem_shared>>) target(%arg9 : memref<128x80xf32, #tpu.memory_space<vmem>>) offsets(%dma_start3A_133 : memref<128xi32, #tpu.memory_space<vmem>>) semaphore(%arg13 : memref<!tpu.dma_semaphore, #tpu.memory_space<semaphore_mem>>)
        %add3A_137 = arith.constant 1 : i32
        %add3A_138 = arith.addi %mul3A_114, %add3A_137 : i32
        %dma_wait3A_139 = arith.constant 0 : i32
        %dma_wait3A_140 = tpu.memref_slice %arg7[%add3A_138, %dma_wait3A_139] : memref<40x128xi32, #tpu.memory_space<vmem>> -> memref<1x128xi32, #tpu.memory_space<vmem>>
        %dma_wait3A_141 = tpu.memref_squeeze %dma_wait3A_140 : memref<1x128xi32, #tpu.memory_space<vmem>> -> memref<128xi32, #tpu.memory_space<vmem>>
        %dma_wait3A_142 = arith.constant 0 : i32
        %dma_wait3A_143 = arith.constant 0 : i32
        %dma_wait3A_144 = tpu.memref_slice %arg11[%dma_wait3A_142, %dma_wait3A_143] : memref<10016x80xf32, #tpu.memory_space<vmem_shared>> -> memref<10016x80xf32, #tpu.memory_space<vmem_shared>>
        tpu.wait_indirect_dma semaphore(%arg14 : memref<!tpu.dma_semaphore, #tpu.memory_space<semaphore_mem>>) src(%dma_wait3A_144 : memref<10016x80xf32, #tpu.memory_space<vmem_shared>>) dst(%arg10 : memref<128x80xf32, #tpu.memory_space<vmem>>)
        %add3A_145 = arith.constant 1 : i32
        %add3A_146 = arith.addi %mul3A_114, %add3A_145 : i32
        "tpu.region"() ({
          %run_scoped3A_147 = tpu.sem_alloc : memref<!tpu.dma_semaphore, #tpu.memory_space<semaphore_mem>>
          %dma_start3A_148 = arith.constant 0 : i32
          %dma_start3A_149 = tpu.memref_slice %arg8[%add3A_146, %dma_start3A_148] : memref<40x128xi32, #tpu.memory_space<vmem>> -> memref<1x128xi32, #tpu.memory_space<vmem>>
          %dma_start3A_150 = tpu.memref_squeeze %dma_start3A_149 : memref<1x128xi32, #tpu.memory_space<vmem>> -> memref<128xi32, #tpu.memory_space<vmem>>
          %dma_start3A_151 = arith.constant 0 : i32
          %dma_start3A_152 = arith.constant 0 : i32
          %dma_start3A_153 = tpu.memref_slice %arg12[%dma_start3A_151, %dma_start3A_152] : memref<10016x80xf32, #tpu.memory_space<vmem_shared>> -> memref<10016x80xf32, #tpu.memory_space<vmem_shared>>
          tpu.enqueue_indirect_dma source(%arg10 : memref<128x80xf32, #tpu.memory_space<vmem>>) target(%dma_start3A_153 : memref<10016x80xf32, #tpu.memory_space<vmem_shared>>) offsets(%dma_start3A_150 : memref<128xi32, #tpu.memory_space<vmem>>) semaphore(%run_scoped3A_147 : memref<!tpu.dma_semaphore, #tpu.memory_space<semaphore_mem>>) {add = true}
          %dma_wait3A_154 = arith.constant 0 : i32
          %dma_wait3A_155 = tpu.memref_slice %arg8[%add3A_146, %dma_wait3A_154] : memref<40x128xi32, #tpu.memory_space<vmem>> -> memref<1x128xi32, #tpu.memory_space<vmem>>
          %dma_wait3A_156 = tpu.memref_squeeze %dma_wait3A_155 : memref<1x128xi32, #tpu.memory_space<vmem>> -> memref<128xi32, #tpu.memory_space<vmem>>
          %dma_wait3A_157 = arith.constant 0 : i32
          %dma_wait3A_158 = arith.constant 0 : i32
          %dma_wait3A_159 = tpu.memref_slice %arg12[%dma_wait3A_157, %dma_wait3A_158] : memref<10016x80xf32, #tpu.memory_space<vmem_shared>> -> memref<10016x80xf32, #tpu.memory_space<vmem_shared>>
          tpu.wait_indirect_dma semaphore(%run_scoped3A_147 : memref<!tpu.dma_semaphore, #tpu.memory_space<semaphore_mem>>) src(%arg10 : memref<128x80xf32, #tpu.memory_space<vmem>>) dst(%dma_wait3A_159 : memref<10016x80xf32, #tpu.memory_space<vmem_shared>>)
          tpu.yield
        }) : () -> ()
      }
      %scan3A_89 = arith.constant 19 : i32
      %dma_start3A_90 = arith.constant 39 : i32
      %dma_start3A_91 = arith.constant 0 : i32
      %dma_start3A_92 = tpu.memref_slice %arg7[%dma_start3A_90, %dma_start3A_91] : memref<40x128xi32, #tpu.memory_space<vmem>> -> memref<1x128xi32, #tpu.memory_space<vmem>>
      %dma_start3A_93 = tpu.memref_squeeze %dma_start3A_92 : memref<1x128xi32, #tpu.memory_space<vmem>> -> memref<128xi32, #tpu.memory_space<vmem>>
      %dma_start3A_94 = arith.constant 0 : i32
      %dma_start3A_95 = arith.constant 0 : i32
      %dma_start3A_96 = tpu.memref_slice %arg11[%dma_start3A_94, %dma_start3A_95] : memref<10016x80xf32, #tpu.memory_space<vmem_shared>> -> memref<10016x80xf32, #tpu.memory_space<vmem_shared>>
      tpu.enqueue_indirect_dma source(%dma_start3A_96 : memref<10016x80xf32, #tpu.memory_space<vmem_shared>>) target(%arg10 : memref<128x80xf32, #tpu.memory_space<vmem>>) offsets(%dma_start3A_93 : memref<128xi32, #tpu.memory_space<vmem>>) semaphore(%arg14 : memref<!tpu.dma_semaphore, #tpu.memory_space<semaphore_mem>>)
      %dma_wait3A_97 = arith.constant 38 : i32
      %dma_wait3A_98 = arith.constant 0 : i32
      %dma_wait3A_99 = tpu.memref_slice %arg7[%dma_wait3A_97, %dma_wait3A_98] : memref<40x128xi32, #tpu.memory_space<vmem>> -> memref<1x128xi32, #tpu.memory_space<vmem>>
      %dma_wait3A_100 = tpu.memref_squeeze %dma_wait3A_99 : memref<1x128xi32, #tpu.memory_space<vmem>> -> memref<128xi32, #tpu.memory_space<vmem>>
      %dma_wait3A_101 = arith.constant 0 : i32
      %dma_wait3A_102 = arith.constant 0 : i32
      %dma_wait3A_103 = tpu.memref_slice %arg11[%dma_wait3A_101, %dma_wait3A_102] : memref<10016x80xf32, #tpu.memory_space<vmem_shared>> -> memref<10016x80xf32, #tpu.memory_space<vmem_shared>>
      tpu.wait_indirect_dma semaphore(%arg13 : memref<!tpu.dma_semaphore, #tpu.memory_space<semaphore_mem>>) src(%dma_wait3A_103 : memref<10016x80xf32, #tpu.memory_space<vmem_shared>>) dst(%arg9 : memref<128x80xf32, #tpu.memory_space<vmem>>)
      %run_scoped3A = arith.constant 38 : i32
      "tpu.region"() ({
        %run_scoped3A_112 = tpu.sem_alloc : memref<!tpu.dma_semaphore, #tpu.memory_space<semaphore_mem>>
        %dma_start3A_113 = arith.constant 0 : i32
        %dma_start3A_114 = tpu.memref_slice %arg8[%run_scoped3A, %dma_start3A_113] : memref<40x128xi32, #tpu.memory_space<vmem>> -> memref<1x128xi32, #tpu.memory_space<vmem>>
        %dma_start3A_115 = tpu.memref_squeeze %dma_start3A_114 : memref<1x128xi32, #tpu.memory_space<vmem>> -> memref<128xi32, #tpu.memory_space<vmem>>
        %dma_start3A_116 = arith.constant 0 : i32
        %dma_start3A_117 = arith.constant 0 : i32
        %dma_start3A_118 = tpu.memref_slice %arg12[%dma_start3A_116, %dma_start3A_117] : memref<10016x80xf32, #tpu.memory_space<vmem_shared>> -> memref<10016x80xf32, #tpu.memory_space<vmem_shared>>
        tpu.enqueue_indirect_dma source(%arg9 : memref<128x80xf32, #tpu.memory_space<vmem>>) target(%dma_start3A_118 : memref<10016x80xf32, #tpu.memory_space<vmem_shared>>) offsets(%dma_start3A_115 : memref<128xi32, #tpu.memory_space<vmem>>) semaphore(%run_scoped3A_112 : memref<!tpu.dma_semaphore, #tpu.memory_space<semaphore_mem>>) {add = true}
        %dma_wait3A_119 = arith.constant 0 : i32
        %dma_wait3A_120 = tpu.memref_slice %arg8[%run_scoped3A, %dma_wait3A_119] : memref<40x128xi32, #tpu.memory_space<vmem>> -> memref<1x128xi32, #tpu.memory_space<vmem>>
        %dma_wait3A_121 = tpu.memref_squeeze %dma_wait3A_120 : memref<1x128xi32, #tpu.memory_space<vmem>> -> memref<128xi32, #tpu.memory_space<vmem>>
        %dma_wait3A_122 = arith.constant 0 : i32
        %dma_wait3A_123 = arith.constant 0 : i32
        %dma_wait3A_124 = tpu.memref_slice %arg12[%dma_wait3A_122, %dma_wait3A_123] : memref<10016x80xf32, #tpu.memory_space<vmem_shared>> -> memref<10016x80xf32, #tpu.memory_space<vmem_shared>>
        tpu.wait_indirect_dma semaphore(%run_scoped3A_112 : memref<!tpu.dma_semaphore, #tpu.memory_space<semaphore_mem>>) src(%arg9 : memref<128x80xf32, #tpu.memory_space<vmem>>) dst(%dma_wait3A_124 : memref<10016x80xf32, #tpu.memory_space<vmem_shared>>)
        tpu.yield
      }) : () -> ()
      %dma_wait3A_104 = arith.constant 39 : i32
      %dma_wait3A_105 = arith.constant 0 : i32
      %dma_wait3A_106 = tpu.memref_slice %arg7[%dma_wait3A_104, %dma_wait3A_105] : memref<40x128xi32, #tpu.memory_space<vmem>> -> memref<1x128xi32, #tpu.memory_space<vmem>>
      %dma_wait3A_107 = tpu.memref_squeeze %dma_wait3A_106 : memref<1x128xi32, #tpu.memory_space<vmem>> -> memref<128xi32, #tpu.memory_space<vmem>>
      %dma_wait3A_108 = arith.constant 0 : i32
      %dma_wait3A_109 = arith.constant 0 : i32
      %dma_wait3A_110 = tpu.memref_slice %arg11[%dma_wait3A_108, %dma_wait3A_109] : memref<10016x80xf32, #tpu.memory_space<vmem_shared>> -> memref<10016x80xf32, #tpu.memory_space<vmem_shared>>
      tpu.wait_indirect_dma semaphore(%arg14 : memref<!tpu.dma_semaphore, #tpu.memory_space<semaphore_mem>>) src(%dma_wait3A_110 : memref<10016x80xf32, #tpu.memory_space<vmem_shared>>) dst(%arg10 : memref<128x80xf32, #tpu.memory_space<vmem>>)
      %run_scoped3A_111 = arith.constant 39 : i32
      "tpu.region"() ({
        %run_scoped3A_112 = tpu.sem_alloc : memref<!tpu.dma_semaphore, #tpu.memory_space<semaphore_mem>>
        %dma_start3A_113 = arith.constant 0 : i32
        %dma_start3A_114 = tpu.memref_slice %arg8[%run_scoped3A_111, %dma_start3A_113] : memref<40x128xi32, #tpu.memory_space<vmem>> -> memref<1x128xi32, #tpu.memory_space<vmem>>
        %dma_start3A_115 = tpu.memref_squeeze %dma_start3A_114 : memref<1x128xi32, #tpu.memory_space<vmem>> -> memref<128xi32, #tpu.memory_space<vmem>>
        %dma_start3A_116 = arith.constant 0 : i32
        %dma_start3A_117 = arith.constant 0 : i32
        %dma_start3A_118 = tpu.memref_slice %arg12[%dma_start3A_116, %dma_start3A_117] : memref<10016x80xf32, #tpu.memory_space<vmem_shared>> -> memref<10016x80xf32, #tpu.memory_space<vmem_shared>>
        tpu.enqueue_indirect_dma source(%arg10 : memref<128x80xf32, #tpu.memory_space<vmem>>) target(%dma_start3A_118 : memref<10016x80xf32, #tpu.memory_space<vmem_shared>>) offsets(%dma_start3A_115 : memref<128xi32, #tpu.memory_space<vmem>>) semaphore(%run_scoped3A_112 : memref<!tpu.dma_semaphore, #tpu.memory_space<semaphore_mem>>) {add = true}
        %dma_wait3A_119 = arith.constant 0 : i32
        %dma_wait3A_120 = tpu.memref_slice %arg8[%run_scoped3A_111, %dma_wait3A_119] : memref<40x128xi32, #tpu.memory_space<vmem>> -> memref<1x128xi32, #tpu.memory_space<vmem>>
        %dma_wait3A_121 = tpu.memref_squeeze %dma_wait3A_120 : memref<1x128xi32, #tpu.memory_space<vmem>> -> memref<128xi32, #tpu.memory_space<vmem>>
        %dma_wait3A_122 = arith.constant 0 : i32
        %dma_wait3A_123 = arith.constant 0 : i32
        %dma_wait3A_124 = tpu.memref_slice %arg12[%dma_wait3A_122, %dma_wait3A_123] : memref<10016x80xf32, #tpu.memory_space<vmem_shared>> -> memref<10016x80xf32, #tpu.memory_space<vmem_shared>>
        tpu.wait_indirect_dma semaphore(%run_scoped3A_112 : memref<!tpu.dma_semaphore, #tpu.memory_space<semaphore_mem>>) src(%arg10 : memref<128x80xf32, #tpu.memory_space<vmem>>) dst(%dma_wait3A_124 : memref<10016x80xf32, #tpu.memory_space<vmem_shared>>)
        tpu.yield
      }) : () -> ()
    }
    %scan3A_57 = arith.constant 2 : i32
    %barrier3A_58 = arith.constant 0 : index
    tpu.barrier barrier_id(%barrier3A_58)
    %dma_start3A_59 = arith.constant 1 : i32
    %dma_start3A_60 = arith.constant 0 : i32
    %dma_start3A_61 = tpu.memref_slice %arg6[%arg0, %dma_start3A_59, %mul3A_2, %dma_start3A_60] : memref<2x2x10016x80xf32, #tpu.memory_space<hbm>> -> memref<1x1x626x80xf32, #tpu.memory_space<hbm>>
    %dma_start3A_62 = tpu.memref_squeeze %dma_start3A_61 : memref<1x1x626x80xf32, #tpu.memory_space<hbm>> -> memref<626x80xf32, #tpu.memory_space<hbm>>
    %dma_start3A_63 = arith.constant 0 : i32
    %dma_start3A_64 = tpu.memref_slice %arg12[%mul3A_2, %dma_start3A_63] : memref<10016x80xf32, #tpu.memory_space<vmem_shared>> -> memref<626x80xf32, #tpu.memory_space<vmem_shared>>
    tpu.enqueue_dma source(%dma_start3A_64 : memref<626x80xf32, #tpu.memory_space<vmem_shared>>) target(%dma_start3A_62 : memref<626x80xf32, #tpu.memory_space<hbm>>) target_semaphore(%arg13 : memref<!tpu.dma_semaphore, #tpu.memory_space<semaphore_mem>>)
    %dma_wait3A_65 = arith.constant 1 : i32
    %dma_wait3A_66 = arith.constant 0 : i32
    %dma_wait3A_67 = tpu.memref_slice %arg6[%arg0, %dma_wait3A_65, %mul3A_2, %dma_wait3A_66] : memref<2x2x10016x80xf32, #tpu.memory_space<hbm>> -> memref<1x1x626x80xf32, #tpu.memory_space<hbm>>
    %dma_wait3A_68 = tpu.memref_squeeze %dma_wait3A_67 : memref<1x1x626x80xf32, #tpu.memory_space<hbm>> -> memref<626x80xf32, #tpu.memory_space<hbm>>
    %dma_wait3A_69 = arith.constant 0 : i32
    %dma_wait3A_70 = tpu.memref_slice %arg12[%mul3A_2, %dma_wait3A_69] : memref<10016x80xf32, #tpu.memory_space<vmem_shared>> -> memref<626x80xf32, #tpu.memory_space<vmem_shared>>
    tpu.wait_dma2 semaphore(%arg13 : memref<!tpu.dma_semaphore, #tpu.memory_space<semaphore_mem>>) src(%dma_wait3A_70 : memref<626x80xf32, #tpu.memory_space<vmem_shared>>) dst(%dma_wait3A_68 : memref<626x80xf32, #tpu.memory_space<hbm>>)
    return
  }
}

module attributes {stable_mosaic.version = 14 : i64} {
  func.func @_tc_pre_body(%arg0: i32, %arg1: memref<1000x128xf32, #tpu.memory_space<vmem>>, %arg2: memref<128x128xf32, #tpu.memory_space<vmem>>, %arg3: memref<128x128xf32, #tpu.memory_space<vmem>>, %arg4: memref<128xf32, #tpu.memory_space<vmem>>, %arg5: memref<128xf32, #tpu.memory_space<vmem>>, %arg6: memref<128xf32, #tpu.memory_space<vmem>>, %arg7: memref<2x1000x80xf32, #tpu.memory_space<vmem>>, %arg8: memref<1000x128xf32, #tpu.memory_space<vmem>>) attributes {dimension_semantics = [#tpu.dimension_semantics<arbitrary>], iteration_bounds = array<i64: 10>, scalar_prefetch = 0 : i64, scratch_operands = 0 : i64, tpu.core_type = #tpu.core_type<tc>, window_params = [{transform_indices = @transform_0, window_bounds = array<i64: 1000, 128>}, {pipeline_mode = #tpu.pipeline_mode<synchronous>, transform_indices = @transform_1, window_bounds = array<i64: 128, 128>}, {pipeline_mode = #tpu.pipeline_mode<synchronous>, transform_indices = @transform_2, window_bounds = array<i64: 128, 128>}, {pipeline_mode = #tpu.pipeline_mode<synchronous>, transform_indices = @transform_3, window_bounds = array<i64: 128>}, {pipeline_mode = #tpu.pipeline_mode<synchronous>, transform_indices = @transform_4, window_bounds = array<i64: 128>}, {pipeline_mode = #tpu.pipeline_mode<synchronous>, transform_indices = @transform_5, window_bounds = array<i64: 128>}, {transform_indices = @transform_6, window_bounds = array<i64: 2, 1000, 80>}, {transform_indices = @transform_7, window_bounds = array<i64: 1000, 128>}]} {
    %get3A = arith.constant 0 : index
    %get3A_0 = arith.constant 0 : index
    %get3A_1 = vector.load %arg1[%get3A, %get3A_0] : memref<1000x128xf32, #tpu.memory_space<vmem>>, vector<1000x128xf32>
    %get3A_2 = arith.constant 0 : index
    %get3A_3 = arith.constant 0 : index
    %get3A_4 = vector.load %arg2[%get3A_2, %get3A_3] : memref<128x128xf32, #tpu.memory_space<vmem>>, vector<128x128xf32>
    %dot_general3A = arith.constant dense<0.000000e+00> : vector<1000x128xf32>
    %dot_general3A_5 = tpu.matmul %get3A_1, %get3A_4, %dot_general3A {dimension_numbers = #tpu.dot_dimension_numbers<[1], [0], [0], [1], [0, 0, 1, 1], [], []>, transpose_lhs_hint = false} : vector<1000x128xf32>, vector<128x128xf32>, vector<1000x128xf32> -> vector<1000x128xf32>
    %broadcast_in_dim3A = arith.constant 1.000000e+00 : f32
    %broadcast_in_dim3A_6 = vector.broadcast %broadcast_in_dim3A : f32 to vector<1000x1xf32>
    %broadcast_in_dim3A_7 = arith.constant 0.000000e+00 : f32
    %broadcast_in_dim3A_8 = vector.broadcast %broadcast_in_dim3A_7 : f32 to vector<1000x15xf32>
    %slice3A = vector.extract_strided_slice %dot_general3A_5 {offsets = [0, 0], sizes = [1000, 64], strides = [1, 1]} : vector<1000x128xf32> to vector<1000x64xf32>
    %concatenate3A = tpu.concatenate %slice3A, %broadcast_in_dim3A_6, %broadcast_in_dim3A_8 in 1 : vector<1000x64xf32>, vector<1000x1xf32>, vector<1000x15xf32> -> vector<1000x80xf32>
    %slice3A_9 = vector.extract_strided_slice %dot_general3A_5 {offsets = [0, 64], sizes = [1000, 64], strides = [1, 1]} : vector<1000x128xf32> to vector<1000x64xf32>
    %broadcast_in_dim3A_10 = arith.constant 0.000000e+00 : f32
    %broadcast_in_dim3A_11 = vector.broadcast %broadcast_in_dim3A_10 : f32 to vector<1000x1xf32>
    %concatenate3A_12 = tpu.concatenate %slice3A_9, %broadcast_in_dim3A_11, %broadcast_in_dim3A_8 in 1 : vector<1000x64xf32>, vector<1000x1xf32>, vector<1000x15xf32> -> vector<1000x80xf32>
    %stack3A = vector.shape_cast %concatenate3A : vector<1000x80xf32> to vector<1x1000x80xf32>
    %stack3A_13 = vector.shape_cast %concatenate3A_12 : vector<1000x80xf32> to vector<1x1000x80xf32>
    %stack3A_14 = tpu.concatenate %stack3A, %stack3A_13 in 0 : vector<1x1000x80xf32>, vector<1x1000x80xf32> -> vector<2x1000x80xf32>
    %swap3A = arith.constant 0 : index
    %swap3A_15 = arith.constant 0 : index
    %swap3A_16 = arith.constant 0 : index
    %swap3A_17 = vector.load %arg7[%swap3A, %swap3A_15, %swap3A_16] : memref<2x1000x80xf32, #tpu.memory_space<vmem>>, vector<2x1000x80xf32>
    tpu.vector_store %arg7[%swap3A, %swap3A_15, %swap3A_16], %stack3A_14 {strides = array<i32>} : memref<2x1000x80xf32, #tpu.memory_space<vmem>>, vector<2x1000x80xf32>,
    %get3A_18 = arith.constant 0 : index
    %get3A_19 = arith.constant 0 : index
    %get3A_20 = vector.load %arg3[%get3A_18, %get3A_19] : memref<128x128xf32, #tpu.memory_space<vmem>>, vector<128x128xf32>
    %dot_general3A_21 = arith.constant dense<0.000000e+00> : vector<1000x128xf32>
    %dot_general3A_22 = tpu.matmul %get3A_1, %get3A_20, %dot_general3A_21 {dimension_numbers = #tpu.dot_dimension_numbers<[1], [0], [0], [1], [0, 0, 1, 1], [], []>, transpose_lhs_hint = false} : vector<1000x128xf32>, vector<128x128xf32>, vector<1000x128xf32> -> vector<1000x128xf32>
    %get3A_23 = arith.constant 0 : index
    %get3A_24 = vector.load %arg4[%get3A_23] : memref<128xf32, #tpu.memory_space<vmem>>, vector<128xf32>
    %broadcast_in_dim3A_25 = vector.shape_cast %get3A_24 : vector<128xf32> to vector<1x128xf32>
    %add3A = vector.broadcast %broadcast_in_dim3A_25 : vector<1x128xf32> to vector<1000x128xf32>
    %add3A_26 = arith.addf %dot_general3A_22, %add3A : vector<1000x128xf32>
    %get3A_27 = arith.constant 0 : index
    %get3A_28 = vector.load %arg5[%get3A_27] : memref<128xf32, #tpu.memory_space<vmem>>, vector<128xf32>
    %get3A_29 = arith.constant 0 : index
    %get3A_30 = vector.load %arg6[%get3A_29] : memref<128xf32, #tpu.memory_space<vmem>>, vector<128xf32>
    %reduce_sum3A = arith.constant dense<0.000000e+00> : vector<1000xf32>
    %reduce_sum3A_31 = vector.multi_reduction <add>, %add3A_26, %reduce_sum3A [1] : vector<1000x128xf32> to vector<1000xf32>
    %broadcast_in_dim3A_32 = vector.shape_cast %reduce_sum3A_31 : vector<1000xf32> to vector<1000x1xf32>
    %div3A = arith.constant 1.280000e+02 : f32
    %div3A_33 = vector.broadcast %div3A : f32 to vector<1000x1xf32>
    %div3A_34 = arith.divf %broadcast_in_dim3A_32, %div3A_33 : vector<1000x1xf32>
    %sub3A = vector.broadcast %div3A_34 : vector<1000x1xf32> to vector<1000x128xf32>
    %sub3A_35 = arith.subf %add3A_26, %sub3A : vector<1000x128xf32>
    %integer_pow3A = arith.mulf %sub3A_35, %sub3A_35 : vector<1000x128xf32>
    %reduce_sum3A_36 = arith.constant dense<0.000000e+00> : vector<1000xf32>
    %reduce_sum3A_37 = vector.multi_reduction <add>, %integer_pow3A, %reduce_sum3A_36 [1] : vector<1000x128xf32> to vector<1000xf32>
    %broadcast_in_dim3A_38 = vector.shape_cast %reduce_sum3A_37 : vector<1000xf32> to vector<1000x1xf32>
    %div3A_39 = arith.constant 1.280000e+02 : f32
    %div3A_40 = vector.broadcast %div3A_39 : f32 to vector<1000x1xf32>
    %div3A_41 = arith.divf %broadcast_in_dim3A_38, %div3A_40 : vector<1000x1xf32>
    %sub3A_42 = vector.broadcast %div3A_34 : vector<1000x1xf32> to vector<1000x128xf32>
    %sub3A_43 = arith.subf %add3A_26, %sub3A_42 : vector<1000x128xf32>
    %add3A_44 = arith.constant 9.99999974E-6 : f32
    %add3A_45 = vector.broadcast %add3A_44 : f32 to vector<1000x1xf32>
    %add3A_46 = arith.addf %div3A_41, %add3A_45 : vector<1000x1xf32>
    %sqrt3A = math.sqrt %add3A_46 : vector<1000x1xf32>
    %div3A_47 = vector.broadcast %sqrt3A : vector<1000x1xf32> to vector<1000x128xf32>
    %div3A_48 = arith.divf %sub3A_43, %div3A_47 : vector<1000x128xf32>
    %broadcast_in_dim3A_49 = vector.shape_cast %get3A_28 : vector<128xf32> to vector<1x128xf32>
    %mul3A = vector.broadcast %broadcast_in_dim3A_49 : vector<1x128xf32> to vector<1000x128xf32>
    %mul3A_50 = arith.mulf %div3A_48, %mul3A : vector<1000x128xf32>
    %broadcast_in_dim3A_51 = vector.shape_cast %get3A_30 : vector<128xf32> to vector<1x128xf32>
    %add3A_52 = vector.broadcast %broadcast_in_dim3A_51 : vector<1x128xf32> to vector<1000x128xf32>
    %add3A_53 = arith.addf %mul3A_50, %add3A_52 : vector<1000x128xf32>
    %ge3A = arith.constant 0.000000e+00 : f32
    %ge3A_54 = vector.broadcast %ge3A : f32 to vector<1000x128xf32>
    %ge3A_55 = arith.cmpf oge, %add3A_53, %ge3A_54 : vector<1000x128xf32>
    %mul3A_56 = arith.constant 2.000000e-01 : f32
    %mul3A_57 = vector.broadcast %mul3A_56 : f32 to vector<1000x128xf32>
    %mul3A_58 = arith.mulf %mul3A_57, %add3A_53 : vector<1000x128xf32>
    %select_n3A = arith.select %ge3A_55, %add3A_53, %mul3A_58 : vector<1000x128xi1>, vector<1000x128xf32>
    %swap3A_59 = arith.constant 0 : index
    %swap3A_60 = arith.constant 0 : index
    %swap3A_61 = vector.load %arg8[%swap3A_59, %swap3A_60] : memref<1000x128xf32, #tpu.memory_space<vmem>>, vector<1000x128xf32>
    tpu.vector_store %arg8[%swap3A_59, %swap3A_60], %select_n3A {strides = array<i32>} : memref<1000x128xf32, #tpu.memory_space<vmem>>, vector<1000x128xf32>,
    return
  }
  func.func @transform_0(%arg0: i32) -> (i32, i32) {
    %c0_i32 = arith.constant 0 : i32
    %c0_i32_0 = arith.constant 0 : i32
    return %arg0, %c0_i32 : i32, i32
  }
  func.func @transform_1(%arg0: i32) -> (i32, i32) {
    %c0_i32 = arith.constant 0 : i32
    %c0_i32_0 = arith.constant 0 : i32
    %c0_i32_1 = arith.constant 0 : i32
    return %c0_i32, %c0_i32_0 : i32, i32
  }
  func.func @transform_2(%arg0: i32) -> (i32, i32) {
    %c0_i32 = arith.constant 0 : i32
    %c0_i32_0 = arith.constant 0 : i32
    %c0_i32_1 = arith.constant 0 : i32
    return %c0_i32, %c0_i32_0 : i32, i32
  }
  func.func @transform_3(%arg0: i32) -> i32 {
    %c0_i32 = arith.constant 0 : i32
    %c0_i32_0 = arith.constant 0 : i32
    return %c0_i32 : i32
  }
  func.func @transform_4(%arg0: i32) -> i32 {
    %c0_i32 = arith.constant 0 : i32
    %c0_i32_0 = arith.constant 0 : i32
    return %c0_i32 : i32
  }
  func.func @transform_5(%arg0: i32) -> i32 {
    %c0_i32 = arith.constant 0 : i32
    %c0_i32_0 = arith.constant 0 : i32
    return %c0_i32 : i32
  }
  func.func @transform_6(%arg0: i32) -> (i32, i32, i32) {
    %c0_i32 = arith.constant 0 : i32
    %c0_i32_0 = arith.constant 0 : i32
    %c0_i32_1 = arith.constant 0 : i32
    return %c0_i32, %arg0, %c0_i32_0 : i32, i32, i32
  }
  func.func @transform_7(%arg0: i32) -> (i32, i32) {
    %c0_i32 = arith.constant 0 : i32
    %c0_i32_0 = arith.constant 0 : i32
    return %arg0, %c0_i32 : i32, i32
  }
}

module attributes {stable_mosaic.version = 14 : i64} {
  func.func @_tc_scale_body(%arg0: i32, %arg1: memref<2x2x1000x80xf32, #tpu.memory_space<vmem>>, %arg2: memref<1000x1xf32, #tpu.memory_space<vmem>>, %arg3: memref<2x1000x80xf32, #tpu.memory_space<vmem>>) attributes {dimension_semantics = [#tpu.dimension_semantics<arbitrary>], iteration_bounds = array<i64: 10>, scalar_prefetch = 0 : i64, scratch_operands = 0 : i64, tpu.core_type = #tpu.core_type<tc>, window_params = [{transform_indices = @transform_0, window_bounds = array<i64: 2, 2, 1000, 80>}, {transform_indices = @transform_1, window_bounds = array<i64: 1000, 1>}, {transform_indices = @transform_2, window_bounds = array<i64: 2, 1000, 80>}]} {
    %get3A = arith.constant 0 : index
    %get3A_0 = arith.constant 0 : index
    %get3A_1 = arith.constant 0 : index
    %get3A_2 = arith.constant 0 : index
    %get3A_3 = vector.load %arg1[%get3A, %get3A_0, %get3A_1, %get3A_2] : memref<2x2x1000x80xf32, #tpu.memory_space<vmem>>, vector<2x2x1000x80xf32>
    %slice3A = vector.extract_strided_slice %get3A_3 {offsets = [0, 0, 0, 0], sizes = [1, 1, 1000, 80], strides = [1, 1, 1, 1]} : vector<2x2x1000x80xf32> to vector<1x1x1000x80xf32>
    %squeeze3A = vector.shape_cast %slice3A : vector<1x1x1000x80xf32> to vector<1000x80xf32>
    %slice3A_4 = vector.extract_strided_slice %get3A_3 {offsets = [1, 0, 0, 0], sizes = [1, 1, 1000, 80], strides = [1, 1, 1, 1]} : vector<2x2x1000x80xf32> to vector<1x1x1000x80xf32>
    %squeeze3A_5 = vector.shape_cast %slice3A_4 : vector<1x1x1000x80xf32> to vector<1000x80xf32>
    %add3A = arith.addf %squeeze3A, %squeeze3A_5 : vector<1000x80xf32>
    %slice3A_6 = vector.extract_strided_slice %get3A_3 {offsets = [0, 1, 0, 0], sizes = [1, 1, 1000, 80], strides = [1, 1, 1, 1]} : vector<2x2x1000x80xf32> to vector<1x1x1000x80xf32>
    %squeeze3A_7 = vector.shape_cast %slice3A_6 : vector<1x1x1000x80xf32> to vector<1000x80xf32>
    %slice3A_8 = vector.extract_strided_slice %get3A_3 {offsets = [1, 1, 0, 0], sizes = [1, 1, 1000, 80], strides = [1, 1, 1, 1]} : vector<2x2x1000x80xf32> to vector<1x1x1000x80xf32>
    %squeeze3A_9 = vector.shape_cast %slice3A_8 : vector<1x1x1000x80xf32> to vector<1000x80xf32>
    %add3A_10 = arith.addf %squeeze3A_7, %squeeze3A_9 : vector<1000x80xf32>
    %slice3A_11 = vector.extract_strided_slice %add3A {offsets = [0, 0], sizes = [1000, 64], strides = [1, 1]} : vector<1000x80xf32> to vector<1000x64xf32>
    %slice3A_12 = vector.extract_strided_slice %add3A_10 {offsets = [0, 0], sizes = [1000, 64], strides = [1, 1]} : vector<1000x80xf32> to vector<1000x64xf32>
    %concatenate3A = tpu.concatenate %slice3A_11, %slice3A_12 in 1 : vector<1000x64xf32>, vector<1000x64xf32> -> vector<1000x128xf32>
    %slice3A_13 = vector.extract_strided_slice %add3A {offsets = [0, 64], sizes = [1000, 1], strides = [1, 1]} : vector<1000x80xf32> to vector<1000x1xf32>
    %gt3A = arith.constant 0.000000e+00 : f32
    %gt3A_14 = vector.broadcast %gt3A : f32 to vector<1000x1xf32>
    %gt3A_15 = arith.cmpf ogt, %slice3A_13, %gt3A_14 : vector<1000x1xf32>
    %gt3A_16 = arith.constant 0.000000e+00 : f32
    %gt3A_17 = vector.broadcast %gt3A_16 : f32 to vector<1000x1xf32>
    %gt3A_18 = arith.cmpf ogt, %slice3A_13, %gt3A_17 : vector<1000x1xf32>
    %jit3A = arith.constant 1.000000e+00 : f32
    %broadcast_in_dim3A = vector.broadcast %jit3A : f32 to vector<1000x1xf32>
    %select_n3A = arith.select %gt3A_18, %slice3A_13, %broadcast_in_dim3A : vector<1000x1xi1>, vector<1000x1xf32>
    %div3A = arith.constant 1.000000e+00 : f32
    %div3A_19 = vector.broadcast %div3A : f32 to vector<1000x1xf32>
    %div3A_20 = arith.divf %div3A_19, %select_n3A : vector<1000x1xf32>
    %jit3A_21 = arith.constant 0.000000e+00 : f32
    %broadcast_in_dim3A_22 = vector.broadcast %jit3A_21 : f32 to vector<1000x1xf32>
    %select_n3A_23 = arith.select %gt3A_15, %div3A_20, %broadcast_in_dim3A_22 : vector<1000x1xi1>, vector<1000x1xf32>
    %mul3A = vector.broadcast %select_n3A_23 : vector<1000x1xf32> to vector<1000x128xf32>
    %mul3A_24 = arith.mulf %mul3A, %concatenate3A : vector<1000x128xf32>
    %get3A_25 = arith.constant 0 : index
    %get3A_26 = arith.constant 0 : index
    %get3A_27 = vector.load %arg2[%get3A_25, %get3A_26] : memref<1000x1xf32, #tpu.memory_space<vmem>>, vector<1000x1xf32>
    %broadcast_in_dim3A_28 = arith.constant 0.000000e+00 : f32
    %broadcast_in_dim3A_29 = vector.broadcast %broadcast_in_dim3A_28 : f32 to vector<1000x15xf32>
    %slice3A_30 = vector.extract_strided_slice %mul3A_24 {offsets = [0, 0], sizes = [1000, 64], strides = [1, 1]} : vector<1000x128xf32> to vector<1000x64xf32>
    %concatenate3A_31 = tpu.concatenate %slice3A_30, %get3A_27, %broadcast_in_dim3A_29 in 1 : vector<1000x64xf32>, vector<1000x1xf32>, vector<1000x15xf32> -> vector<1000x80xf32>
    %slice3A_32 = vector.extract_strided_slice %mul3A_24 {offsets = [0, 64], sizes = [1000, 64], strides = [1, 1]} : vector<1000x128xf32> to vector<1000x64xf32>
    %broadcast_in_dim3A_33 = arith.constant 0.000000e+00 : f32
    %broadcast_in_dim3A_34 = vector.broadcast %broadcast_in_dim3A_33 : f32 to vector<1000x1xf32>
    %concatenate3A_35 = tpu.concatenate %slice3A_32, %broadcast_in_dim3A_34, %broadcast_in_dim3A_29 in 1 : vector<1000x64xf32>, vector<1000x1xf32>, vector<1000x15xf32> -> vector<1000x80xf32>
    %stack3A = vector.shape_cast %concatenate3A_31 : vector<1000x80xf32> to vector<1x1000x80xf32>
    %stack3A_36 = vector.shape_cast %concatenate3A_35 : vector<1000x80xf32> to vector<1x1000x80xf32>
    %stack3A_37 = tpu.concatenate %stack3A, %stack3A_36 in 0 : vector<1x1000x80xf32>, vector<1x1000x80xf32> -> vector<2x1000x80xf32>
    %swap3A = arith.constant 0 : index
    %swap3A_38 = arith.constant 0 : index
    %swap3A_39 = arith.constant 0 : index
    %swap3A_40 = vector.load %arg3[%swap3A, %swap3A_38, %swap3A_39] : memref<2x1000x80xf32, #tpu.memory_space<vmem>>, vector<2x1000x80xf32>
    tpu.vector_store %arg3[%swap3A, %swap3A_38, %swap3A_39], %stack3A_37 {strides = array<i32>} : memref<2x1000x80xf32, #tpu.memory_space<vmem>>, vector<2x1000x80xf32>,
    return
  }
  func.func @transform_0(%arg0: i32) -> (i32, i32, i32, i32) {
    %c0_i32 = arith.constant 0 : i32
    %c0_i32_0 = arith.constant 0 : i32
    %c0_i32_1 = arith.constant 0 : i32
    %c0_i32_2 = arith.constant 0 : i32
    return %c0_i32, %c0_i32_0, %arg0, %c0_i32_1 : i32, i32, i32, i32
  }
  func.func @transform_1(%arg0: i32) -> (i32, i32) {
    %c0_i32 = arith.constant 0 : i32
    %c0_i32_0 = arith.constant 0 : i32
    return %arg0, %c0_i32 : i32, i32
  }
  func.func @transform_2(%arg0: i32) -> (i32, i32, i32) {
    %c0_i32 = arith.constant 0 : i32
    %c0_i32_0 = arith.constant 0 : i32
    %c0_i32_1 = arith.constant 0 : i32
    return %c0_i32, %arg0, %c0_i32_0 : i32, i32, i32
  }
}

module attributes {stable_mosaic.version = 14 : i64} {
  func.func @_tc_z1_body(%arg0: i32, %arg1: memref<2x2x1000x80xf32, #tpu.memory_space<vmem>>, %arg2: memref<128xf32, #tpu.memory_space<vmem>>, %arg3: memref<128xf32, #tpu.memory_space<vmem>>, %arg4: memref<128xf32, #tpu.memory_space<vmem>>, %arg5: memref<128x128xf32, #tpu.memory_space<vmem>>, %arg6: memref<1000x128xf32, #tpu.memory_space<vmem>>, %arg7: memref<2x1000x80xf32, #tpu.memory_space<vmem>>) attributes {dimension_semantics = [#tpu.dimension_semantics<arbitrary>], iteration_bounds = array<i64: 10>, scalar_prefetch = 0 : i64, scratch_operands = 0 : i64, tpu.core_type = #tpu.core_type<tc>, window_params = [{transform_indices = @transform_0, window_bounds = array<i64: 2, 2, 1000, 80>}, {pipeline_mode = #tpu.pipeline_mode<synchronous>, transform_indices = @transform_1, window_bounds = array<i64: 128>}, {pipeline_mode = #tpu.pipeline_mode<synchronous>, transform_indices = @transform_2, window_bounds = array<i64: 128>}, {pipeline_mode = #tpu.pipeline_mode<synchronous>, transform_indices = @transform_3, window_bounds = array<i64: 128>}, {pipeline_mode = #tpu.pipeline_mode<synchronous>, transform_indices = @transform_4, window_bounds = array<i64: 128, 128>}, {transform_indices = @transform_5, window_bounds = array<i64: 1000, 128>}, {transform_indices = @transform_6, window_bounds = array<i64: 2, 1000, 80>}]} {
    %get3A = arith.constant 0 : index
    %get3A_0 = arith.constant 0 : index
    %get3A_1 = arith.constant 0 : index
    %get3A_2 = arith.constant 0 : index
    %get3A_3 = vector.load %arg1[%get3A, %get3A_0, %get3A_1, %get3A_2] : memref<2x2x1000x80xf32, #tpu.memory_space<vmem>>, vector<2x2x1000x80xf32>
    %slice3A = vector.extract_strided_slice %get3A_3 {offsets = [0, 0, 0, 0], sizes = [1, 1, 1000, 80], strides = [1, 1, 1, 1]} : vector<2x2x1000x80xf32> to vector<1x1x1000x80xf32>
    %squeeze3A = vector.shape_cast %slice3A : vector<1x1x1000x80xf32> to vector<1000x80xf32>
    %slice3A_4 = vector.extract_strided_slice %get3A_3 {offsets = [1, 0, 0, 0], sizes = [1, 1, 1000, 80], strides = [1, 1, 1, 1]} : vector<2x2x1000x80xf32> to vector<1x1x1000x80xf32>
    %squeeze3A_5 = vector.shape_cast %slice3A_4 : vector<1x1x1000x80xf32> to vector<1000x80xf32>
    %add3A = arith.addf %squeeze3A, %squeeze3A_5 : vector<1000x80xf32>
    %slice3A_6 = vector.extract_strided_slice %get3A_3 {offsets = [0, 1, 0, 0], sizes = [1, 1, 1000, 80], strides = [1, 1, 1, 1]} : vector<2x2x1000x80xf32> to vector<1x1x1000x80xf32>
    %squeeze3A_7 = vector.shape_cast %slice3A_6 : vector<1x1x1000x80xf32> to vector<1000x80xf32>
    %slice3A_8 = vector.extract_strided_slice %get3A_3 {offsets = [1, 1, 0, 0], sizes = [1, 1, 1000, 80], strides = [1, 1, 1, 1]} : vector<2x2x1000x80xf32> to vector<1x1x1000x80xf32>
    %squeeze3A_9 = vector.shape_cast %slice3A_8 : vector<1x1x1000x80xf32> to vector<1000x80xf32>
    %add3A_10 = arith.addf %squeeze3A_7, %squeeze3A_9 : vector<1000x80xf32>
    %slice3A_11 = vector.extract_strided_slice %add3A {offsets = [0, 0], sizes = [1000, 64], strides = [1, 1]} : vector<1000x80xf32> to vector<1000x64xf32>
    %slice3A_12 = vector.extract_strided_slice %add3A_10 {offsets = [0, 0], sizes = [1000, 64], strides = [1, 1]} : vector<1000x80xf32> to vector<1000x64xf32>
    %concatenate3A = tpu.concatenate %slice3A_11, %slice3A_12 in 1 : vector<1000x64xf32>, vector<1000x64xf32> -> vector<1000x128xf32>
    %slice3A_13 = vector.extract_strided_slice %add3A {offsets = [0, 64], sizes = [1000, 1], strides = [1, 1]} : vector<1000x80xf32> to vector<1000x1xf32>
    %gt3A = arith.constant 0.000000e+00 : f32
    %gt3A_14 = vector.broadcast %gt3A : f32 to vector<1000x1xf32>
    %gt3A_15 = arith.cmpf ogt, %slice3A_13, %gt3A_14 : vector<1000x1xf32>
    %gt3A_16 = arith.constant 0.000000e+00 : f32
    %gt3A_17 = vector.broadcast %gt3A_16 : f32 to vector<1000x1xf32>
    %gt3A_18 = arith.cmpf ogt, %slice3A_13, %gt3A_17 : vector<1000x1xf32>
    %jit3A = arith.constant 1.000000e+00 : f32
    %broadcast_in_dim3A = vector.broadcast %jit3A : f32 to vector<1000x1xf32>
    %select_n3A = arith.select %gt3A_18, %slice3A_13, %broadcast_in_dim3A : vector<1000x1xi1>, vector<1000x1xf32>
    %div3A = arith.constant 1.000000e+00 : f32
    %div3A_19 = vector.broadcast %div3A : f32 to vector<1000x1xf32>
    %div3A_20 = arith.divf %div3A_19, %select_n3A : vector<1000x1xf32>
    %jit3A_21 = arith.constant 0.000000e+00 : f32
    %broadcast_in_dim3A_22 = vector.broadcast %jit3A_21 : f32 to vector<1000x1xf32>
    %select_n3A_23 = arith.select %gt3A_15, %div3A_20, %broadcast_in_dim3A_22 : vector<1000x1xi1>, vector<1000x1xf32>
    %mul3A = vector.broadcast %select_n3A_23 : vector<1000x1xf32> to vector<1000x128xf32>
    %mul3A_24 = arith.mulf %mul3A, %concatenate3A : vector<1000x128xf32>
    %get3A_25 = arith.constant 0 : index
    %get3A_26 = vector.load %arg2[%get3A_25] : memref<128xf32, #tpu.memory_space<vmem>>, vector<128xf32>
    %broadcast_in_dim3A_27 = vector.shape_cast %get3A_26 : vector<128xf32> to vector<1x128xf32>
    %add3A_28 = vector.broadcast %broadcast_in_dim3A_27 : vector<1x128xf32> to vector<1000x128xf32>
    %add3A_29 = arith.addf %mul3A_24, %add3A_28 : vector<1000x128xf32>
    %get3A_30 = arith.constant 0 : index
    %get3A_31 = vector.load %arg3[%get3A_30] : memref<128xf32, #tpu.memory_space<vmem>>, vector<128xf32>
    %get3A_32 = arith.constant 0 : index
    %get3A_33 = vector.load %arg4[%get3A_32] : memref<128xf32, #tpu.memory_space<vmem>>, vector<128xf32>
    %reduce_sum3A = arith.constant dense<0.000000e+00> : vector<1000xf32>
    %reduce_sum3A_34 = vector.multi_reduction <add>, %add3A_29, %reduce_sum3A [1] : vector<1000x128xf32> to vector<1000xf32>
    %broadcast_in_dim3A_35 = vector.shape_cast %reduce_sum3A_34 : vector<1000xf32> to vector<1000x1xf32>
    %div3A_36 = arith.constant 1.280000e+02 : f32
    %div3A_37 = vector.broadcast %div3A_36 : f32 to vector<1000x1xf32>
    %div3A_38 = arith.divf %broadcast_in_dim3A_35, %div3A_37 : vector<1000x1xf32>
    %sub3A = vector.broadcast %div3A_38 : vector<1000x1xf32> to vector<1000x128xf32>
    %sub3A_39 = arith.subf %add3A_29, %sub3A : vector<1000x128xf32>
    %integer_pow3A = arith.mulf %sub3A_39, %sub3A_39 : vector<1000x128xf32>
    %reduce_sum3A_40 = arith.constant dense<0.000000e+00> : vector<1000xf32>
    %reduce_sum3A_41 = vector.multi_reduction <add>, %integer_pow3A, %reduce_sum3A_40 [1] : vector<1000x128xf32> to vector<1000xf32>
    %broadcast_in_dim3A_42 = vector.shape_cast %reduce_sum3A_41 : vector<1000xf32> to vector<1000x1xf32>
    %div3A_43 = arith.constant 1.280000e+02 : f32
    %div3A_44 = vector.broadcast %div3A_43 : f32 to vector<1000x1xf32>
    %div3A_45 = arith.divf %broadcast_in_dim3A_42, %div3A_44 : vector<1000x1xf32>
    %sub3A_46 = vector.broadcast %div3A_38 : vector<1000x1xf32> to vector<1000x128xf32>
    %sub3A_47 = arith.subf %add3A_29, %sub3A_46 : vector<1000x128xf32>
    %add3A_48 = arith.constant 9.99999974E-6 : f32
    %add3A_49 = vector.broadcast %add3A_48 : f32 to vector<1000x1xf32>
    %add3A_50 = arith.addf %div3A_45, %add3A_49 : vector<1000x1xf32>
    %sqrt3A = math.sqrt %add3A_50 : vector<1000x1xf32>
    %div3A_51 = vector.broadcast %sqrt3A : vector<1000x1xf32> to vector<1000x128xf32>
    %div3A_52 = arith.divf %sub3A_47, %div3A_51 : vector<1000x128xf32>
    %broadcast_in_dim3A_53 = vector.shape_cast %get3A_31 : vector<128xf32> to vector<1x128xf32>
    %mul3A_54 = vector.broadcast %broadcast_in_dim3A_53 : vector<1x128xf32> to vector<1000x128xf32>
    %mul3A_55 = arith.mulf %div3A_52, %mul3A_54 : vector<1000x128xf32>
    %broadcast_in_dim3A_56 = vector.shape_cast %get3A_33 : vector<128xf32> to vector<1x128xf32>
    %add3A_57 = vector.broadcast %broadcast_in_dim3A_56 : vector<1x128xf32> to vector<1000x128xf32>
    %add3A_58 = arith.addf %mul3A_55, %add3A_57 : vector<1000x128xf32>
    %ge3A = arith.constant 0.000000e+00 : f32
    %ge3A_59 = vector.broadcast %ge3A : f32 to vector<1000x128xf32>
    %ge3A_60 = arith.cmpf oge, %add3A_58, %ge3A_59 : vector<1000x128xf32>
    %mul3A_61 = arith.constant 2.000000e-01 : f32
    %mul3A_62 = vector.broadcast %mul3A_61 : f32 to vector<1000x128xf32>
    %mul3A_63 = arith.mulf %mul3A_62, %add3A_58 : vector<1000x128xf32>
    %select_n3A_64 = arith.select %ge3A_60, %add3A_58, %mul3A_63 : vector<1000x128xi1>, vector<1000x128xf32>
    %swap3A = arith.constant 0 : index
    %swap3A_65 = arith.constant 0 : index
    %swap3A_66 = vector.load %arg6[%swap3A, %swap3A_65] : memref<1000x128xf32, #tpu.memory_space<vmem>>, vector<1000x128xf32>
    tpu.vector_store %arg6[%swap3A, %swap3A_65], %select_n3A_64 {strides = array<i32>} : memref<1000x128xf32, #tpu.memory_space<vmem>>, vector<1000x128xf32>,
    %get3A_67 = arith.constant 0 : index
    %get3A_68 = arith.constant 0 : index
    %get3A_69 = vector.load %arg5[%get3A_67, %get3A_68] : memref<128x128xf32, #tpu.memory_space<vmem>>, vector<128x128xf32>
    %dot_general3A = arith.constant dense<0.000000e+00> : vector<1000x128xf32>
    %dot_general3A_70 = tpu.matmul %select_n3A_64, %get3A_69, %dot_general3A {dimension_numbers = #tpu.dot_dimension_numbers<[1], [0], [0], [1], [0, 0, 1, 1], [], []>, transpose_lhs_hint = false} : vector<1000x128xf32>, vector<128x128xf32>, vector<1000x128xf32> -> vector<1000x128xf32>
    %broadcast_in_dim3A_71 = arith.constant 1.000000e+00 : f32
    %broadcast_in_dim3A_72 = vector.broadcast %broadcast_in_dim3A_71 : f32 to vector<1000x1xf32>
    %broadcast_in_dim3A_73 = arith.constant 0.000000e+00 : f32
    %broadcast_in_dim3A_74 = vector.broadcast %broadcast_in_dim3A_73 : f32 to vector<1000x15xf32>
    %slice3A_75 = vector.extract_strided_slice %dot_general3A_70 {offsets = [0, 0], sizes = [1000, 64], strides = [1, 1]} : vector<1000x128xf32> to vector<1000x64xf32>
    %concatenate3A_76 = tpu.concatenate %slice3A_75, %broadcast_in_dim3A_72, %broadcast_in_dim3A_74 in 1 : vector<1000x64xf32>, vector<1000x1xf32>, vector<1000x15xf32> -> vector<1000x80xf32>
    %slice3A_77 = vector.extract_strided_slice %dot_general3A_70 {offsets = [0, 64], sizes = [1000, 64], strides = [1, 1]} : vector<1000x128xf32> to vector<1000x64xf32>
    %broadcast_in_dim3A_78 = arith.constant 0.000000e+00 : f32
    %broadcast_in_dim3A_79 = vector.broadcast %broadcast_in_dim3A_78 : f32 to vector<1000x1xf32>
    %concatenate3A_80 = tpu.concatenate %slice3A_77, %broadcast_in_dim3A_79, %broadcast_in_dim3A_74 in 1 : vector<1000x64xf32>, vector<1000x1xf32>, vector<1000x15xf32> -> vector<1000x80xf32>
    %stack3A = vector.shape_cast %concatenate3A_76 : vector<1000x80xf32> to vector<1x1000x80xf32>
    %stack3A_81 = vector.shape_cast %concatenate3A_80 : vector<1000x80xf32> to vector<1x1000x80xf32>
    %stack3A_82 = tpu.concatenate %stack3A, %stack3A_81 in 0 : vector<1x1000x80xf32>, vector<1x1000x80xf32> -> vector<2x1000x80xf32>
    %swap3A_83 = arith.constant 0 : index
    %swap3A_84 = arith.constant 0 : index
    %swap3A_85 = arith.constant 0 : index
    %swap3A_86 = vector.load %arg7[%swap3A_83, %swap3A_84, %swap3A_85] : memref<2x1000x80xf32, #tpu.memory_space<vmem>>, vector<2x1000x80xf32>
    tpu.vector_store %arg7[%swap3A_83, %swap3A_84, %swap3A_85], %stack3A_82 {strides = array<i32>} : memref<2x1000x80xf32, #tpu.memory_space<vmem>>, vector<2x1000x80xf32>,
    return
  }
  func.func @transform_0(%arg0: i32) -> (i32, i32, i32, i32) {
    %c0_i32 = arith.constant 0 : i32
    %c0_i32_0 = arith.constant 0 : i32
    %c0_i32_1 = arith.constant 0 : i32
    %c0_i32_2 = arith.constant 0 : i32
    return %c0_i32, %c0_i32_0, %arg0, %c0_i32_1 : i32, i32, i32, i32
  }
  func.func @transform_1(%arg0: i32) -> i32 {
    %c0_i32 = arith.constant 0 : i32
    %c0_i32_0 = arith.constant 0 : i32
    return %c0_i32 : i32
  }
  func.func @transform_2(%arg0: i32) -> i32 {
    %c0_i32 = arith.constant 0 : i32
    %c0_i32_0 = arith.constant 0 : i32
    return %c0_i32 : i32
  }
  func.func @transform_3(%arg0: i32) -> i32 {
    %c0_i32 = arith.constant 0 : i32
    %c0_i32_0 = arith.constant 0 : i32
    return %c0_i32 : i32
  }
  func.func @transform_4(%arg0: i32) -> (i32, i32) {
    %c0_i32 = arith.constant 0 : i32
    %c0_i32_0 = arith.constant 0 : i32
    %c0_i32_1 = arith.constant 0 : i32
    return %c0_i32, %c0_i32_0 : i32, i32
  }
  func.func @transform_5(%arg0: i32) -> (i32, i32) {
    %c0_i32 = arith.constant 0 : i32
    %c0_i32_0 = arith.constant 0 : i32
    return %arg0, %c0_i32 : i32, i32
  }
  func.func @transform_6(%arg0: i32) -> (i32, i32, i32) {
    %c0_i32 = arith.constant 0 : i32
    %c0_i32_0 = arith.constant 0 : i32
    %c0_i32_1 = arith.constant 0 : i32
    return %c0_i32, %arg0, %c0_i32_0 : i32, i32, i32
  }
}

module attributes {stable_mosaic.version = 14 : i64} {
  func.func @_tc_tail_body(%arg0: i32, %arg1: memref<2x2x1000x80xf32, #tpu.memory_space<vmem>>, %arg2: memref<128xf32, #tpu.memory_space<vmem>>, %arg3: memref<128xf32, #tpu.memory_space<vmem>>, %arg4: memref<128xf32, #tpu.memory_space<vmem>>, %arg5: memref<1000x128xf32, #tpu.memory_space<vmem>>, %arg6: memref<1000x128xf32, #tpu.memory_space<vmem>>, %arg7: memref<256x64xf32, #tpu.memory_space<vmem>>, %arg8: memref<64xf32, #tpu.memory_space<vmem>>, %arg9: memref<64x128xf32, #tpu.memory_space<vmem>>, %arg10: memref<128xf32, #tpu.memory_space<vmem>>, %arg11: memref<128x1xf32, #tpu.memory_space<vmem>>, %arg12: memref<1xf32, #tpu.memory_space<vmem>>, %arg13: memref<1000x1xf32, #tpu.memory_space<vmem>>) attributes {dimension_semantics = [#tpu.dimension_semantics<arbitrary>], iteration_bounds = array<i64: 10>, scalar_prefetch = 0 : i64, scratch_operands = 0 : i64, tpu.core_type = #tpu.core_type<tc>, window_params = [{transform_indices = @transform_0, window_bounds = array<i64: 2, 2, 1000, 80>}, {pipeline_mode = #tpu.pipeline_mode<synchronous>, transform_indices = @transform_1, window_bounds = array<i64: 128>}, {pipeline_mode = #tpu.pipeline_mode<synchronous>, transform_indices = @transform_2, window_bounds = array<i64: 128>}, {pipeline_mode = #tpu.pipeline_mode<synchronous>, transform_indices = @transform_3, window_bounds = array<i64: 128>}, {transform_indices = @transform_4, window_bounds = array<i64: 1000, 128>}, {transform_indices = @transform_5, window_bounds = array<i64: 1000, 128>}, {pipeline_mode = #tpu.pipeline_mode<synchronous>, transform_indices = @transform_6, window_bounds = array<i64: 256, 64>}, {pipeline_mode = #tpu.pipeline_mode<synchronous>, transform_indices = @transform_7, window_bounds = array<i64: 64>}, {pipeline_mode = #tpu.pipeline_mode<synchronous>, transform_indices = @transform_8, window_bounds = array<i64: 64, 128>}, {pipeline_mode = #tpu.pipeline_mode<synchronous>, transform_indices = @transform_9, window_bounds = array<i64: 128>}, {pipeline_mode = #tpu.pipeline_mode<synchronous>, transform_indices = @transform_10, window_bounds = array<i64: 128, 1>}, {pipeline_mode = #tpu.pipeline_mode<synchronous>, transform_indices = @transform_11, window_bounds = array<i64: 1>}, {transform_indices = @transform_12, window_bounds = array<i64: 1000, 1>}]} {
    %get3A = arith.constant 0 : index
    %get3A_0 = arith.constant 0 : index
    %get3A_1 = arith.constant 0 : index
    %get3A_2 = arith.constant 0 : index
    %get3A_3 = vector.load %arg1[%get3A, %get3A_0, %get3A_1, %get3A_2] : memref<2x2x1000x80xf32, #tpu.memory_space<vmem>>, vector<2x2x1000x80xf32>
    %slice3A = vector.extract_strided_slice %get3A_3 {offsets = [0, 0, 0, 0], sizes = [1, 1, 1000, 80], strides = [1, 1, 1, 1]} : vector<2x2x1000x80xf32> to vector<1x1x1000x80xf32>
    %squeeze3A = vector.shape_cast %slice3A : vector<1x1x1000x80xf32> to vector<1000x80xf32>
    %slice3A_4 = vector.extract_strided_slice %get3A_3 {offsets = [1, 0, 0, 0], sizes = [1, 1, 1000, 80], strides = [1, 1, 1, 1]} : vector<2x2x1000x80xf32> to vector<1x1x1000x80xf32>
    %squeeze3A_5 = vector.shape_cast %slice3A_4 : vector<1x1x1000x80xf32> to vector<1000x80xf32>
    %add3A = arith.addf %squeeze3A, %squeeze3A_5 : vector<1000x80xf32>
    %slice3A_6 = vector.extract_strided_slice %get3A_3 {offsets = [0, 1, 0, 0], sizes = [1, 1, 1000, 80], strides = [1, 1, 1, 1]} : vector<2x2x1000x80xf32> to vector<1x1x1000x80xf32>
    %squeeze3A_7 = vector.shape_cast %slice3A_6 : vector<1x1x1000x80xf32> to vector<1000x80xf32>
    %slice3A_8 = vector.extract_strided_slice %get3A_3 {offsets = [1, 1, 0, 0], sizes = [1, 1, 1000, 80], strides = [1, 1, 1, 1]} : vector<2x2x1000x80xf32> to vector<1x1x1000x80xf32>
    %squeeze3A_9 = vector.shape_cast %slice3A_8 : vector<1x1x1000x80xf32> to vector<1000x80xf32>
    %add3A_10 = arith.addf %squeeze3A_7, %squeeze3A_9 : vector<1000x80xf32>
    %slice3A_11 = vector.extract_strided_slice %add3A {offsets = [0, 0], sizes = [1000, 64], strides = [1, 1]} : vector<1000x80xf32> to vector<1000x64xf32>
    %slice3A_12 = vector.extract_strided_slice %add3A_10 {offsets = [0, 0], sizes = [1000, 64], strides = [1, 1]} : vector<1000x80xf32> to vector<1000x64xf32>
    %concatenate3A = tpu.concatenate %slice3A_11, %slice3A_12 in 1 : vector<1000x64xf32>, vector<1000x64xf32> -> vector<1000x128xf32>
    %slice3A_13 = vector.extract_strided_slice %add3A {offsets = [0, 64], sizes = [1000, 1], strides = [1, 1]} : vector<1000x80xf32> to vector<1000x1xf32>
    %gt3A = arith.constant 0.000000e+00 : f32
    %gt3A_14 = vector.broadcast %gt3A : f32 to vector<1000x1xf32>
    %gt3A_15 = arith.cmpf ogt, %slice3A_13, %gt3A_14 : vector<1000x1xf32>
    %gt3A_16 = arith.constant 0.000000e+00 : f32
    %gt3A_17 = vector.broadcast %gt3A_16 : f32 to vector<1000x1xf32>
    %gt3A_18 = arith.cmpf ogt, %slice3A_13, %gt3A_17 : vector<1000x1xf32>
    %jit3A = arith.constant 1.000000e+00 : f32
    %broadcast_in_dim3A = vector.broadcast %jit3A : f32 to vector<1000x1xf32>
    %select_n3A = arith.select %gt3A_18, %slice3A_13, %broadcast_in_dim3A : vector<1000x1xi1>, vector<1000x1xf32>
    %div3A = arith.constant 1.000000e+00 : f32
    %div3A_19 = vector.broadcast %div3A : f32 to vector<1000x1xf32>
    %div3A_20 = arith.divf %div3A_19, %select_n3A : vector<1000x1xf32>
    %jit3A_21 = arith.constant 0.000000e+00 : f32
    %broadcast_in_dim3A_22 = vector.broadcast %jit3A_21 : f32 to vector<1000x1xf32>
    %select_n3A_23 = arith.select %gt3A_15, %div3A_20, %broadcast_in_dim3A_22 : vector<1000x1xi1>, vector<1000x1xf32>
    %mul3A = vector.broadcast %select_n3A_23 : vector<1000x1xf32> to vector<1000x128xf32>
    %mul3A_24 = arith.mulf %mul3A, %concatenate3A : vector<1000x128xf32>
    %get3A_25 = arith.constant 0 : index
    %get3A_26 = vector.load %arg2[%get3A_25] : memref<128xf32, #tpu.memory_space<vmem>>, vector<128xf32>
    %broadcast_in_dim3A_27 = vector.shape_cast %get3A_26 : vector<128xf32> to vector<1x128xf32>
    %add3A_28 = vector.broadcast %broadcast_in_dim3A_27 : vector<1x128xf32> to vector<1000x128xf32>
    %add3A_29 = arith.addf %mul3A_24, %add3A_28 : vector<1000x128xf32>
    %get3A_30 = arith.constant 0 : index
    %get3A_31 = vector.load %arg3[%get3A_30] : memref<128xf32, #tpu.memory_space<vmem>>, vector<128xf32>
    %get3A_32 = arith.constant 0 : index
    %get3A_33 = vector.load %arg4[%get3A_32] : memref<128xf32, #tpu.memory_space<vmem>>, vector<128xf32>
    %reduce_sum3A = arith.constant dense<0.000000e+00> : vector<1000xf32>
    %reduce_sum3A_34 = vector.multi_reduction <add>, %add3A_29, %reduce_sum3A [1] : vector<1000x128xf32> to vector<1000xf32>
    %broadcast_in_dim3A_35 = vector.shape_cast %reduce_sum3A_34 : vector<1000xf32> to vector<1000x1xf32>
    %div3A_36 = arith.constant 1.280000e+02 : f32
    %div3A_37 = vector.broadcast %div3A_36 : f32 to vector<1000x1xf32>
    %div3A_38 = arith.divf %broadcast_in_dim3A_35, %div3A_37 : vector<1000x1xf32>
    %sub3A = vector.broadcast %div3A_38 : vector<1000x1xf32> to vector<1000x128xf32>
    %sub3A_39 = arith.subf %add3A_29, %sub3A : vector<1000x128xf32>
    %integer_pow3A = arith.mulf %sub3A_39, %sub3A_39 : vector<1000x128xf32>
    %reduce_sum3A_40 = arith.constant dense<0.000000e+00> : vector<1000xf32>
    %reduce_sum3A_41 = vector.multi_reduction <add>, %integer_pow3A, %reduce_sum3A_40 [1] : vector<1000x128xf32> to vector<1000xf32>
    %broadcast_in_dim3A_42 = vector.shape_cast %reduce_sum3A_41 : vector<1000xf32> to vector<1000x1xf32>
    %div3A_43 = arith.constant 1.280000e+02 : f32
    %div3A_44 = vector.broadcast %div3A_43 : f32 to vector<1000x1xf32>
    %div3A_45 = arith.divf %broadcast_in_dim3A_42, %div3A_44 : vector<1000x1xf32>
    %sub3A_46 = vector.broadcast %div3A_38 : vector<1000x1xf32> to vector<1000x128xf32>
    %sub3A_47 = arith.subf %add3A_29, %sub3A_46 : vector<1000x128xf32>
    %add3A_48 = arith.constant 9.99999974E-6 : f32
    %add3A_49 = vector.broadcast %add3A_48 : f32 to vector<1000x1xf32>
    %add3A_50 = arith.addf %div3A_45, %add3A_49 : vector<1000x1xf32>
    %sqrt3A = math.sqrt %add3A_50 : vector<1000x1xf32>
    %div3A_51 = vector.broadcast %sqrt3A : vector<1000x1xf32> to vector<1000x128xf32>
    %div3A_52 = arith.divf %sub3A_47, %div3A_51 : vector<1000x128xf32>
    %broadcast_in_dim3A_53 = vector.shape_cast %get3A_31 : vector<128xf32> to vector<1x128xf32>
    %mul3A_54 = vector.broadcast %broadcast_in_dim3A_53 : vector<1x128xf32> to vector<1000x128xf32>
    %mul3A_55 = arith.mulf %div3A_52, %mul3A_54 : vector<1000x128xf32>
    %broadcast_in_dim3A_56 = vector.shape_cast %get3A_33 : vector<128xf32> to vector<1x128xf32>
    %add3A_57 = vector.broadcast %broadcast_in_dim3A_56 : vector<1x128xf32> to vector<1000x128xf32>
    %add3A_58 = arith.addf %mul3A_55, %add3A_57 : vector<1000x128xf32>
    %ge3A = arith.constant 0.000000e+00 : f32
    %ge3A_59 = vector.broadcast %ge3A : f32 to vector<1000x128xf32>
    %ge3A_60 = arith.cmpf oge, %add3A_58, %ge3A_59 : vector<1000x128xf32>
    %mul3A_61 = arith.constant 2.000000e-01 : f32
    %mul3A_62 = vector.broadcast %mul3A_61 : f32 to vector<1000x128xf32>
    %mul3A_63 = arith.mulf %mul3A_62, %add3A_58 : vector<1000x128xf32>
    %select_n3A_64 = arith.select %ge3A_60, %add3A_58, %mul3A_63 : vector<1000x128xi1>, vector<1000x128xf32>
    %get3A_65 = arith.constant 0 : index
    %get3A_66 = arith.constant 0 : index
    %get3A_67 = vector.load %arg5[%get3A_65, %get3A_66] : memref<1000x128xf32, #tpu.memory_space<vmem>>, vector<1000x128xf32>
    %add3A_68 = arith.addf %get3A_67, %select_n3A_64 : vector<1000x128xf32>
    %get3A_69 = arith.constant 0 : index
    %get3A_70 = arith.constant 0 : index
    %get3A_71 = vector.load %arg6[%get3A_69, %get3A_70] : memref<1000x128xf32, #tpu.memory_space<vmem>>, vector<1000x128xf32>
    %concatenate3A_72 = tpu.concatenate %add3A_68, %get3A_71 in 1 : vector<1000x128xf32>, vector<1000x128xf32> -> vector<1000x256xf32>
    %get3A_73 = arith.constant 0 : index
    %get3A_74 = arith.constant 0 : index
    %get3A_75 = vector.load %arg7[%get3A_73, %get3A_74] : memref<256x64xf32, #tpu.memory_space<vmem>>, vector<256x64xf32>
    %dot_general3A = arith.constant dense<0.000000e+00> : vector<1000x64xf32>
    %dot_general3A_76 = tpu.matmul %concatenate3A_72, %get3A_75, %dot_general3A {dimension_numbers = #tpu.dot_dimension_numbers<[1], [0], [0], [1], [0, 0, 1, 1], [], []>, transpose_lhs_hint = false} : vector<1000x256xf32>, vector<256x64xf32>, vector<1000x64xf32> -> vector<1000x64xf32>
    %get3A_77 = arith.constant 0 : index
    %get3A_78 = vector.load %arg8[%get3A_77] : memref<64xf32, #tpu.memory_space<vmem>>, vector<64xf32>
    %broadcast_in_dim3A_79 = vector.shape_cast %get3A_78 : vector<64xf32> to vector<1x64xf32>
    %add3A_80 = vector.broadcast %broadcast_in_dim3A_79 : vector<1x64xf32> to vector<1000x64xf32>
    %add3A_81 = arith.addf %dot_general3A_76, %add3A_80 : vector<1000x64xf32>
    %max3A = arith.constant 0.000000e+00 : f32
    %max3A_82 = vector.broadcast %max3A : f32 to vector<1000x64xf32>
    %max3A_83 = arith.maximumf %add3A_81, %max3A_82 : vector<1000x64xf32>
    %get3A_84 = arith.constant 0 : index
    %get3A_85 = arith.constant 0 : index
    %get3A_86 = vector.load %arg9[%get3A_84, %get3A_85] : memref<64x128xf32, #tpu.memory_space<vmem>>, vector<64x128xf32>
    %dot_general3A_87 = arith.constant dense<0.000000e+00> : vector<1000x128xf32>
    %dot_general3A_88 = tpu.matmul %max3A_83, %get3A_86, %dot_general3A_87 {dimension_numbers = #tpu.dot_dimension_numbers<[1], [0], [0], [1], [0, 0, 1, 1], [], []>, transpose_lhs_hint = false} : vector<1000x64xf32>, vector<64x128xf32>, vector<1000x128xf32> -> vector<1000x128xf32>
    %get3A_89 = arith.constant 0 : index
    %get3A_90 = vector.load %arg10[%get3A_89] : memref<128xf32, #tpu.memory_space<vmem>>, vector<128xf32>
    %broadcast_in_dim3A_91 = vector.shape_cast %get3A_90 : vector<128xf32> to vector<1x128xf32>
    %add3A_92 = vector.broadcast %broadcast_in_dim3A_91 : vector<1x128xf32> to vector<1000x128xf32>
    %add3A_93 = arith.addf %dot_general3A_88, %add3A_92 : vector<1000x128xf32>
    %logistic3A = arith.negf %add3A_93 : vector<1000x128xf32>
    %logistic3A_94 = math.exp %logistic3A : vector<1000x128xf32>
    %logistic3A_95 = arith.constant 1.000000e+00 : f32
    %logistic3A_96 = vector.broadcast %logistic3A_95 : f32 to vector<1000x128xf32>
    %logistic3A_97 = arith.addf %logistic3A_96, %logistic3A_94 : vector<1000x128xf32>
    %logistic3A_98 = arith.divf %logistic3A_96, %logistic3A_97 : vector<1000x128xf32>
    %mul3A_99 = arith.mulf %logistic3A_98, %add3A_68 : vector<1000x128xf32>
    %sub3A_100 = arith.constant 1.000000e+00 : f32
    %sub3A_101 = vector.broadcast %sub3A_100 : f32 to vector<1000x128xf32>
    %sub3A_102 = arith.subf %sub3A_101, %logistic3A_98 : vector<1000x128xf32>
    %mul3A_103 = arith.mulf %sub3A_102, %get3A_71 : vector<1000x128xf32>
    %add3A_104 = arith.addf %mul3A_99, %mul3A_103 : vector<1000x128xf32>
    %get3A_105 = arith.constant 0 : index
    %get3A_106 = arith.constant 0 : index
    %get3A_107 = vector.load %arg11[%get3A_105, %get3A_106] : memref<128x1xf32, #tpu.memory_space<vmem>>, vector<128x1xf32>
    %dot_general3A_108 = arith.constant dense<0.000000e+00> : vector<1000x1xf32>
    %dot_general3A_109 = tpu.matmul %add3A_104, %get3A_107, %dot_general3A_108 {dimension_numbers = #tpu.dot_dimension_numbers<[1], [0], [0], [1], [0, 0, 1, 1], [], []>, transpose_lhs_hint = false} : vector<1000x128xf32>, vector<128x1xf32>, vector<1000x1xf32> -> vector<1000x1xf32>
    %get3A_110 = arith.constant 0 : index
    %get3A_111 = vector.load %arg12[%get3A_110] : memref<1xf32, #tpu.memory_space<vmem>>, vector<1xf32>
    %broadcast_in_dim3A_112 = vector.shape_cast %get3A_111 : vector<1xf32> to vector<1x1xf32>
    %add3A_113 = vector.broadcast %broadcast_in_dim3A_112 : vector<1x1xf32> to vector<1000x1xf32>
    %add3A_114 = arith.addf %dot_general3A_109, %add3A_113 : vector<1000x1xf32>
    %swap3A = arith.constant 0 : index
    %swap3A_115 = arith.constant 0 : index
    %swap3A_116 = vector.load %arg13[%swap3A, %swap3A_115] : memref<1000x1xf32, #tpu.memory_space<vmem>>, vector<1000x1xf32>
    tpu.vector_store %arg13[%swap3A, %swap3A_115], %add3A_114 {strides = array<i32>} : memref<1000x1xf32, #tpu.memory_space<vmem>>, vector<1000x1xf32>,
    return
  }
  func.func @transform_0(%arg0: i32) -> (i32, i32, i32, i32) {
    %c0_i32 = arith.constant 0 : i32
    %c0_i32_0 = arith.constant 0 : i32
    %c0_i32_1 = arith.constant 0 : i32
    %c0_i32_2 = arith.constant 0 : i32
    return %c0_i32, %c0_i32_0, %arg0, %c0_i32_1 : i32, i32, i32, i32
  }
  func.func @transform_1(%arg0: i32) -> i32 {
    %c0_i32 = arith.constant 0 : i32
    %c0_i32_0 = arith.constant 0 : i32
    return %c0_i32 : i32
  }
  func.func @transform_2(%arg0: i32) -> i32 {
    %c0_i32 = arith.constant 0 : i32
    %c0_i32_0 = arith.constant 0 : i32
    return %c0_i32 : i32
  }
  func.func @transform_3(%arg0: i32) -> i32 {
    %c0_i32 = arith.constant 0 : i32
    %c0_i32_0 = arith.constant 0 : i32
    return %c0_i32 : i32
  }
  func.func @transform_4(%arg0: i32) -> (i32, i32) {
    %c0_i32 = arith.constant 0 : i32
    %c0_i32_0 = arith.constant 0 : i32
    return %arg0, %c0_i32 : i32, i32
  }
  func.func @transform_5(%arg0: i32) -> (i32, i32) {
    %c0_i32 = arith.constant 0 : i32
    %c0_i32_0 = arith.constant 0 : i32
    return %arg0, %c0_i32 : i32, i32
  }
  func.func @transform_6(%arg0: i32) -> (i32, i32) {
    %c0_i32 = arith.constant 0 : i32
    %c0_i32_0 = arith.constant 0 : i32
    %c0_i32_1 = arith.constant 0 : i32
    return %c0_i32, %c0_i32_0 : i32, i32
  }
  func.func @transform_7(%arg0: i32) -> i32 {
    %c0_i32 = arith.constant 0 : i32
    %c0_i32_0 = arith.constant 0 : i32
    return %c0_i32 : i32
  }
  func.func @transform_8(%arg0: i32) -> (i32, i32) {
    %c0_i32 = arith.constant 0 : i32
    %c0_i32_0 = arith.constant 0 : i32
    %c0_i32_1 = arith.constant 0 : i32
    return %c0_i32, %c0_i32_0 : i32, i32
  }
  func.func @transform_9(%arg0: i32) -> i32 {
    %c0_i32 = arith.constant 0 : i32
    %c0_i32_0 = arith.constant 0 : i32
    return %c0_i32 : i32
  }
  func.func @transform_10(%arg0: i32) -> (i32, i32) {
    %c0_i32 = arith.constant 0 : i32
    %c0_i32_0 = arith.constant 0 : i32
    %c0_i32_1 = arith.constant 0 : i32
    return %c0_i32, %c0_i32_0 : i32, i32
  }
  func.func @transform_11(%arg0: i32) -> i32 {
    %c0_i32 = arith.constant 0 : i32
    %c0_i32_0 = arith.constant 0 : i32
    return %c0_i32 : i32
  }
  func.func @transform_12(%arg0: i32) -> (i32, i32) {
    %c0_i32 = arith.constant 0 : i32
    %c0_i32_0 = arith.constant 0 : i32
    return %arg0, %c0_i32 : i32, i32
  }
}

</mosaic_0001>

<sc_bundles>
// kernel: kernel.11.cloned.1.call-start
scs
__scs_entry_jumppad:
0x0: {  	(pc) =	sbr.rel $0x88, $3  }
0x1: {  	(tag) =	ssettag $0x0;
	lr =	simm.s32 $0x1  }
0x2: {  	[smem:$0x3F8C] =	sst lr;
	_ =	strace $0xD0000000  }
0x3: {  	_ = 	snop  }
0x4: {  	_ = 	snop  }
0x5: {  	_ = 	snop  }
0x6: {  	_ = 	snop  }
0x7: {  	_ = 	snop  }
__scs_overlays_trampoline_lowered:
0x8: {  	[smem:$0x3F9B] =	sst s0  }
0x9: {  	[smem:$0x3F9C] =	sst s1  }
0xa: {  	[smem:$0x3F9D] =	sst s2  }
0xb: {  	[smem:$0x3F9E] =	sst s3  }
0xc: {  	[smem:$0x3F9F] =	sst s4  }
0xd: {  	[smem:$0x3FA0] =	sst s5  }
0xe: {  	[smem:$0x3FA1] =	sst s6  }
0xf: {  	[smem:$0x3FA2] =	sst s7  }
0x10: {  	[smem:$0x3FA3] =	sst s8  }
0x11: {  	[smem:$0x3FA4] =	sst s9;
	s0 =	simm.s32 @!p0 $0x0  }
0x12: {  	s1 =	sld [smem:$0x3F8A];
	s0 =	simm.s32 @p0 $0x1  }
0x13: {  	[smem:$0x3FA5] =	sst s0;
	s0 =	simm.s32 @!p1 $0x0  }
0x14: {  	s2 =	sld [smem:$0x3F89];
	s0 =	simm.s32 @p1 $0x1  }
0x15: {  	[smem:$0x3FA6] =	sst s0;
	s0 =	simm.s32 @!p2 $0x0  }
0x16: {  	s3 =	sld [smem:$0x3FDB];
	s0 =	simm.s32 @p2 $0x1  }
0x17: {  	s4 =	simm.s32 $0x1BF5;
	[smem:$0x3FA8] =	sst s0  }
0x18: {  	s0 =	sld [smem:$0x3F8B];
	_ =	swait.ge [sflag:s4], $0x0  }
0x19: {  	s7 =	sld [smem:$0x3F8C]  }
0x1a: {  	s8 =	sadd.s32 $0xFFFFE003, lr  }
0x1b: {  	s9 =	sadd.s32 $0xFFFFFEF7, lr;
	s5 =	simm.s32 $0xFFFFFFFF;
	p2 =	slt.u32 s8, $0xFFFFF086  }
0x1c: {  	p1 =	slt.u32 s9, $0xF7A;
	s5 =	simm.s32 @!p2 $0x0  }
0x1d: {  	s5 =	simm.s32 @p1 $0x1;
	p0 =	seq.s32 s7, s2  }
0x1e: {  	s7 =	smul.u32 @!p0 $0xF7A, s2;
	p2 =	seq.s32 @!p0 s5, $0x0  }
0x1f: {  	s9 =	smul.u32 $0xF7A, s1;
	s8 =	simm.s32 @!p0 $0x1BF5;
	p2 =	por !p2, p0  }
0x20: {  	[sflag:s8] =	ssyncset.s32 @!p0 $0xFFFFF086;
	s6 =	sadd.s32 @!p0 s3, s7;
	s7 =	simm.s32 @!p0 $0x108  }
0x21: {  	s3 =	sadd.s32 s3, s9;
	s6 =	sadd.s32 @!p0 $0x88, s6;
	s7 =	simm.s32 @p2 $0x1082  }
0x22: {  	[simem:s7], [sflag:s8] =	dma.local @!p0 [hbm:s6], $0xF7A  }
0x23: {  	s9 =	sor.u32 $0xD0000000, s2;
	s6 =	simm.s32 $0x108;
	_ =	swait.ge @!p0 [sflag:s8], $0x0  }
0x24: {  	s3 =	sadd.s32 $0x88, s3;
	s6 =	simm.s32 @!p1 $0x1082;
	[sflag:s4] =	ssyncset.s32 $0xFFFFF086  }
0x25: {  	[simem:s6], [sflag:s4] =	dma.local [hbm:s3], $0xF7A  }
0x26: {  	[smem:$0x3F8C] =	sst s1;
	(tag) =	ssettag s2;
	_ =	strace s9  }
0x27: {  	s1 =	sld [smem:$0x3F9C]  }
0x28: {  	s2 =	sld [smem:$0x3F9D]  }
0x29: {  	s4 =	sld [smem:$0x3F9F]  }
0x2a: {  	p0 =	seq.s32 s5, $0x0;
	s5 =	sld [smem:$0x3FA0]  }
0x2b: {  	s6 =	sld [smem:$0x3FA1]  }
0x2c: {  	s7 =	sld [smem:$0x3FA2]  }
0x2d: {  	s3 =	simm.s32 $0x108;
	s8 =	sld [smem:$0x3FA3]  }
0x2e: {  	s3 =	simm.s32 @!p0 $0x1082;
	s9 =	sld [smem:$0x3FA4]  }
0x2f: {  	lr =	sadd.s32 s0, s3;
	s0 =	sld [smem:$0x3F9B]  }
0x30: {  	s3 =	sld [smem:$0x3F9E]  }
0x31: {  	[smem:$0x3FA7] =	sst s10  }
0x32: {  	s10 =	sld [smem:$0x3FA5];
	_ =	sdelay $0x3  }
0x33: {  	p0 =	seq.s32 s10, $0x1;
	s10 =	sld [smem:$0x3FA7];
	_ =	sdelay $0x3  }
0x34: {  	[smem:$0x3FA7] =	sst s10  }
0x35: {  	s10 =	sld [smem:$0x3FA6];
	_ =	sdelay $0x3  }
0x36: {  	p1 =	seq.s32 s10, $0x1;
	s10 =	sld [smem:$0x3FA7];
	_ =	sdelay $0x3  }
0x37: {  	[smem:$0x3FA7] =	sst s10  }
0x38: {  	s10 =	sld [smem:$0x3FA8]  }
0x39: {  	_ = 	snop;
	(pc) =	sbr.ind lr, $3  }
0x3a: {  	_ = 	snop  }
0x3b: {  	_ = 	snop  }
0x3c: {  	p2 =	seq.s32 s10, $0x1;
	s10 =	sld [smem:$0x3FA7]  }
0x3d: {  	_ =	shalt  }
0x3e: {  	_ =	shalt  }
0x3f: {  	_ =	shalt  }
0x40: {  	_ =	shalt  }
0x41: {  	_ =	shalt  }
0x42: {  	_ =	shalt  }
0x43: {  	_ =	shalt  }
0x44: {  	_ =	shalt  }
0x45: {  	_ =	shalt  }
0x46: {  	_ =	shalt  }
0x47: {  	_ =	shalt  }
0x48: {  	_ =	shalt  }
0x49: {  	_ =	shalt  }
0x4a: {  	_ =	shalt  }
0x4b: {  	_ =	shalt  }
0x4c: {  	_ =	shalt  }
0x4d: {  	_ =	shalt  }
0x4e: {  	_ =	shalt  }
0x4f: {  	_ =	shalt  }
0x50: {  	_ =	shalt  }
0x51: {  	_ =	shalt  }
0x52: {  	_ =	shalt  }
0x53: {  	_ =	shalt  }
0x54: {  	_ =	shalt  }
0x55: {  	_ =	shalt  }
0x56: {  	_ =	shalt  }
0x57: {  	_ =	shalt  }
0x58: {  	_ =	shalt  }
0x59: {  	_ =	shalt  }
0x5a: {  	_ =	shalt  }
0x5b: {  	_ =	shalt  }
0x5c: {  	_ =	shalt  }
0x5d: {  	_ =	shalt  }
0x5e: {  	_ =	shalt  }
0x5f: {  	_ =	shalt  }
0x60: {  	_ =	shalt  }
0x61: {  	_ =	shalt  }
0x62: {  	_ =	shalt  }
0x63: {  	_ =	shalt  }
0x64: {  	_ =	shalt  }
0x65: {  	_ =	shalt  }
0x66: {  	_ =	shalt  }
0x67: {  	_ =	shalt  }
0x68: {  	_ =	shalt  }
0x69: {  	_ =	shalt  }
0x6a: {  	_ =	shalt  }
0x6b: {  	_ =	shalt  }
0x6c: {  	_ =	shalt  }
0x6d: {  	_ =	shalt  }
0x6e: {  	_ =	shalt  }
0x6f: {  	_ =	shalt  }
0x70: {  	_ =	shalt  }
0x71: {  	_ =	shalt  }
0x72: {  	_ =	shalt  }
0x73: {  	_ =	shalt  }
0x74: {  	_ =	shalt  }
0x75: {  	_ =	shalt  }
0x76: {  	_ =	shalt  }
0x77: {  	_ =	shalt  }
0x78: {  	_ =	shalt  }
0x79: {  	_ =	shalt  }
0x7a: {  	_ =	shalt  }
0x7b: {  	_ =	shalt  }
0x7c: {  	_ =	shalt  }
0x7d: {  	_ =	shalt  }
0x7e: {  	_ =	shalt  }
0x7f: {  	_ =	shalt  }
0x80: {  	_ =	shalt  }
0x81: {  	_ =	shalt  }
0x82: {  	_ =	shalt  }
0x83: {  	_ =	shalt  }
0x84: {  	_ =	shalt  }
0x85: {  	_ =	shalt  }
0x86: {  	_ =	shalt  }
0x87: {  	_ =	shalt  }
.Lfunc_end0:
.L_simem_size_0:
called_computation_lowered:
.L_overlay_start_0:
0x88: {  	s2 =	sld [smem:$0x3FD9]  }
0x89: {  	s3 =	sld [smem:$0x3FFE];
	_ =	sdelay $0x1  }
0x8a: {  	s1 =	srdreg.scid  }
0x8b: {  	s0 =	sand.u32 $0x1, s1  }
0x8c: {  	s16 =	sshll.u32 s0, $0xA;
	s2 =	sadd.s32 s3, s2  }
0x8d: {  	s2 =	sadd.s32 s2, s16  }
0x8e: {  	[smem:$0x3FB3] =	sst s2  }
0x8f: {  	_ = 	snop  }
0x90: {  	(tm) =	ssettm $0x1  }
0x91: {  	s17 =	sld [smem:$0x3FFB];
	_ =	sdelay $0x3  }
0x92: {  	_ =	strace s17  }
0x93: {  	s2 =	sld [smem:$0x3FFC];
	_ =	sdelay $0x3  }
0x94: {  	_ =	strace s2  }
0x95: {  	s2 =	sld [smem:$0x3FFD];
	_ =	sdelay $0x3  }
0x96: {  	_ =	strace s2  }
0x97: {  	_ =	strace $0x8FFFFFFF  }
0x98: {  	s18 =	sld [smem:$0x3FDB];
	_ =	sdelay $0x1  }
0x99: {  	s19 =	simm.s32 $_scs_section_size  }
0x9a: {  	s4 =	simm.s32 $_size__tile_overlayer_lowered;
	s5 =	simm.s32 $_tile_overlayer_lowered  }
0x9b: {  	s22 =	simm.s32 $0x1BFF;
	s21 =	sshll.u32 s5, $0x1;
	s2 =	sadd.s32 s19, s18  }
0x9c: {  	s6 =	simm.s32 $0x0;
	s20 =	sshll.u32 s4, $0x1;
	s4 =	sadd.s32 s21, s2  }
0x9d: {  	[timem:s6], [sflag:s22] =	dma.local [hbm:s4], s20  }
0x9e: {  	_ =	swait.ge [sflag:s22], s20  }
0x9f: {  	s3 =	ssub.s32 $0x0, s20;
	[sflag:s22] =	ssyncset.done $0x0  }
0xa0: {  	[sflag:s22] =	ssyncadd.s32 s3;
	_ =	sdelay $0x1  }
0xa1: {  	s23 =	simm.s32 $0x1B8B  }
0xa2: {  	_ =	swait.ge [sflag:s23], $0x1  }
0xa3: {  	[sflag:s23] =	ssyncset.done $0x0  }
0xa4: {  	s25 =	simm.s32 $0x1B8E;
	s24 =	sld [smem:$0x3FFE];
	[sflag:s23] =	ssyncadd.s32 $0xFFFFFFFF  }
0xa5: {  	s26 =	simm.s32 $execute0_lowered;
	[smem:$0x3FD2] =	sst s25  }
0xa6: {  	s4 =	sshll.u32 s26, $0x1;
	_ =	strace $0x80000046;
	[dreg:$0x1] =	wrdreg $0xFFFFFFFF  }
0xa7: {  	s28 =	simm.s32 $_size_execute0_lowered;
	s2 =	sadd.s32 s2, s4;
	[dreg:$0x0] =	wrdreg $0x0  }
0xa8: {  	s4 =	sshll.u32 s28, $0x1;
	[dreg:$0x2] =	wrdreg s2  }
0xa9: {  	[dreg:$0x3] =	wrdreg s4  }
0xaa: {  	[dreg:$0x4] =	wrdreg $0xC0  }
0xab: {  	_ =	task [dreg:s6], $0x5FFFF  }
0xac: {  	[dreg:$0x1] =	wrdreg $0xFFFFFFFF  }
0xad: {  	[dreg:$0x0] =	wrdreg $0x60  }
0xae: {  	[dreg:$0x2] =	wrdreg s24  }
0xaf: {  	[dreg:$0x3] =	wrdreg $0x78000  }
0xb0: {  	[dreg:$0x4] =	wrdreg $0x13BA00  }
0xb1: {  	[dreg:$0x5] =	wrdreg $0x9  }
0xb2: {  	_ =	task.clear_ibuf [dreg:s6], $0x6FFFF;
	_ =	strace $0x90000046  }
0xb3: {  	s29 =	simm.s32 $0x9;
	_ =	strace $0x80000048  }
0xb4: {  	_ =	swait.ge [sflag:s29], $0x1  }
0xb5: {  	[sflag:s29] =	ssyncadd.s32 $0xFFFFFFFF  }
0xb6: {  	_ =	strace $0x90000048  }
0xb7: {  	_ =	sfence  }
0xb8: {  	s30 =	sld [smem:$0x0];
	_ =	sdelay $0x2  }
0xb9: {  	s31 =	sshll.u32 s1, $0xD;
	s1 =	sshrl.u32 s1, $0x2  }
0xba: {  	s3 =	sand.u32 $0x4000, s31;
	s1 =	sadd.s32 s1, s30  }
0xbb: {  	s0 =	sor.u32 s3, s0;
	s1 =	sshll.u32 s1, $0x11  }
0xbc: {  	s0 =	sor.u32 s1, s0  }
0xbd: {  	s0 =	sadd.s32 $0x8F2B, s0  }
0xbe: {  	[sflag:s0] =	ssyncadd.remote.s32 $0x1  }
0xbf: {  	_ =	sfence.sel $0xFFFF  }
0xc0: {  	[dreg:$0x0] =	wrdreg $0xFFFFFFFF;
	(pc) =	sbr.abs _section_cstart, $3  }
0xc1: {  	[dreg:$0x1] =	wrdreg $0xFFFFFFFF  }
0xc2: {  	_ =	task.clear_ibuf [dreg:s6], $0x2FFFF;
	_ =	strace $0x9FFFFFFF  }
0xc3: {  	(tm) =	ssettm $0x7FFFFFFF  }
tec
execute0_lowered:
.L_overlay_start_1:
0x0: {  	(tag) =	ssettag $0x1  }
0x1: {  	s0 =	rddreg [dreg:$0x0]  }
0x2: {  	s2 =	rddreg [dreg:$0x1]  }
0x3: {  	s3 =	rddreg [dreg:$0x2]  }
0x4: {  	s1 =	stileid.u32;
	s5 =	srdreg.scid  }
0x5: {  	s4 =	simm.s32 $0x0;
	s19 =	simm.s32 $0x1;
	s20 =	simm.s32 $0x2  }
0x6: {  	s28 =	simm.s32 $0x2700;
	s29 =	simm.s32 $0x2780;
	s30 =	simm.s32 $0x0  }
0x7: {  	s8 =	smul.u32 $0xC3A0, s1;
	s6 =	sand.u32 $0x1, s5;
	[smem:$0x7FF] =	sst s4  }
0x8: {  	s14 =	sadd.s32 $0x5C000, s0;
	s15 =	sadd.s32 $0x66000, s0;
	s23 =	sshll.u32 s1, $0x1  }
0x9: {  	s17 =	sshll.u32 s1, $0x6;
	s5 =	smul.u32 $0x187400, s6;
	_ =	strace $0x80000047  }
0xa: {  	s10 =	ssub.s32 $0x2, s6;
	s6 =	sshll.u32 s6, $0x5;
	s7 =	sshrl.u32 s8, $0x3  }
0xb: {  	s22 =	sshrl.u32 s10, $0x1;
	s16 =	sadd.s32 s8, s2;
	s24 =	sor.u32 s23, s6  }
0xc: {  	s18 =	sadd.s32 s8, s3;
	s23 =	simm.s32 $0x80;
	s9 =	sadd.s32 s7, s0  }
0xd: {  	s5 =	sadd.s32 s8, s5;
	s11 =	ssub.s32 s10, s22;
	s7 =	sor.u32 $0x1C01, s17  }
0xe: {  	s13 =	smul.u32 $0x280, s24;
	s16 =	sshrl.u32 s16, $0x3;
	s17 =	sor.u32 $0x1C02, s17  }
0xf: {  	s18 =	sshrl.u32 s18, $0x3;
	s22 =	simm.s32 $0x1400;
	s24 =	simm.s32 $0x2800  }
0x10: {  	s21 =	sshrl.u32 s5, $0x3;
	s5 =	sadd.s32 $0x84000, s0;
	s25 =	sadd.s32 $0x2B000, s9  }
0x11: {  	s9 =	sadd.s32 $0x43740, s9;
	s11 =	smax.u32 s11, $0x1;
	s0 =	sadd.s32 s21, s0  }
0x12: {  	[dreg:$0x4] =	wrdreg s25;
	s31 =	sadd.s32 $0x280, s13;
	s12 =	sadd.s32 s14, s13  }
0x13: {  	s13 =	sadd.s32 s15, s13;
	s21 =	simm.s32 $0x3;
	s25 =	simm.s32 $0x5000  }
0x14: {  	s26 =	sadd.s32 $0x85A00, s0;
	s10 =	sadd.s32 $0x9E140, s0;
	s14 =	sadd.s32 s14, s31  }
0x15: {  	s15 =	sadd.s32 s15, s31;
	[dreg:$0x5] =	wrdreg s26;
	s26 =	simm.s32 $0x1380  }
.LBB2_1:
0x16: {  	s0 =	rddreg [dreg:$0x4]  }
0x17: {  	[spmem:s16], [sflag:s7] =	dma.local [hbm:s0], $0x1874  }
0x18: {  	[spmem:s18], [sflag:s17] =	dma.local [hbm:s5], $0x1874  }
0x19: {  	_ =	swait.ge [sflag:s19], $0x1874  }
0x1a: {  	[sflag:s19] =	ssyncset.done $0x0  }
0x1b: {  	[sflag:s19] =	ssyncadd.s32 $0xFFFFE78C  }
0x1c: {  	_ =	swait.ge [sflag:s20], $0x1874  }
0x1d: {  	[sflag:s20] =	ssyncset.done $0x0  }
0x1e: {  	[sflag:s20] =	ssyncadd.s32 $0xFFFFE78C  }
0x1f: {  	[bflag:$0x0] =	sbarrier.arrive $0xFFFF  }
0x20: {  	[tilespmem:s4], [sflag:$0x3] =	stream.linear.gather [hbm4b:s12+s4], $0x1400, $0x38;
	[tilespmem:$0x1FF40] =	vst v63  }
0x21: {  	_ =	swait.ge [sflag:s21], $0x1400  }
0x22: {  	[sflag:s21] =	ssyncset.done $0x0  }
0x23: {  	[sflag:s21] =	ssyncadd.s32 $0xFFFFEC00  }
0x24: {  	[tilespmem:s22], [sflag:$0x3] =	stream.linear.gather [hbm4b:s13+s4], $0x1400, $0x38;
	[tilespmem:$0x1FF40] =	vst v63  }
0x25: {  	_ =	swait.ge [sflag:s21], $0x1400  }
0x26: {  	[sflag:s21] =	ssyncset.done $0x0  }
0x27: {  	[sflag:s21] =	ssyncadd.s32 $0xFFFFEC00  }
0x28: {  	[tilespmem:s24], [sflag:$0x1] =	stream.indirect.gather [spmem:s2], $0x50, s4, s23, $0xb8;
	[tilespmem:$0x1FF40] =	vst v63  }
0x29: {  	s8 =	simm.s32 $0x80  }
0x2a: {  	[tilespmem:s25], [sflag:$0x2] =	stream.indirect.gather [spmem:s2], $0x50, s8, s23, $0xb8;
	[tilespmem:$0x1FF40] =	vst v63  }
0x2b: {  	_ =	swait.ge [sflag:s19], $0x2800  }
0x2c: {  	[sflag:s19] =	ssyncset.done $0x0  }
0x2d: {  	s1 =	simm.s32 $0x1400;
	[sflag:s19] =	ssyncadd.s32 $0xFFFFD800  }
0x2e: {  	[spmem:s3] =	stream.indirect.scatter.add.f32 [tilespmem:s24], [sflag:$0x3], $0x50, s1, s23, $0xb8;
	[tilespmem:$0x1FF40] =	vst v63  }
0x2f: {  	_ =	swait.ge [sflag:s21], $0x2800  }
0x30: {  	[sflag:s21] =	ssyncset.done $0x0  }
0x31: {  	s6 =	simm.s32 $0x100;
	[sflag:s21] =	ssyncadd.s32 $0xFFFFD800  }
0x32: {  	[tilespmem:s24], [sflag:$0x1] =	stream.indirect.gather [spmem:s2], $0x50, s6, s23, $0xb8;
	[tilespmem:$0x1FF40] =	vst v63  }
0x33: {  	_ =	swait.ge [sflag:s20], $0x2800  }
0x34: {  	[sflag:s20] =	ssyncset.done $0x0  }
0x35: {  	s8 =	simm.s32 $0x1480;
	[sflag:s20] =	ssyncadd.s32 $0xFFFFD800  }
0x36: {  	[spmem:s3] =	stream.indirect.scatter.add.f32 [tilespmem:s25], [sflag:$0x3], $0x50, s8, s23, $0xb8;
	[tilespmem:$0x1FF40] =	vst v63  }
0x37: {  	_ =	swait.ge [sflag:s21], $0x2800  }
0x38: {  	s31 =	simm.s32 $0x100;
	s0 =	simm.s32 $0x800;
	[sflag:s21] =	ssyncset.done $0x0  }
.LBB2_2:
0x39: {  	s1 =	sadd.s32 $0x80, s31  }
0x3a: {  	[sflag:s21] =	ssyncadd.s32 $0xFFFFD800;
	s6 =	smov.u32 s0;
	s8 =	sadd.s32 $0x400, s0  }
0x3b: {  	[tilespmem:s25], [sflag:$0x2] =	stream.indirect.gather [spmem:s2], $0x50, s1, s23, $0xb8;
	[tilespmem:$0x1FF40] =	vst v63  }
0x3c: {  	p0 =	sne.s32 s0, $0x4800;
	_ =	swait.ge [sflag:s19], $0x2800  }
0x3d: {  	[sflag:s19] =	ssyncset.done $0x0  }
0x3e: {  	s0 =	sadd.s32 $0x1400, s31;
	[sflag:s19] =	ssyncadd.s32 $0xFFFFD800  }
0x3f: {  	[spmem:s3] =	stream.indirect.scatter.add.f32 [tilespmem:s24], [sflag:$0x3], $0x50, s0, s23, $0xb8;
	[tilespmem:$0x1FF40] =	vst v63  }
0x40: {  	_ =	swait.ge [sflag:s21], $0x2800  }
0x41: {  	[sflag:s21] =	ssyncset.done $0x0  }
0x42: {  	s0 =	sadd.s32 $0x100, s31;
	[sflag:s21] =	ssyncadd.s32 $0xFFFFD800  }
0x43: {  	[tilespmem:s24], [sflag:$0x1] =	stream.indirect.gather [spmem:s2], $0x50, s0, s23, $0xb8;
	[tilespmem:$0x1FF40] =	vst v63  }
0x44: {  	_ =	swait.ge [sflag:s20], $0x2800  }
.Ltmp0:
0x45: {  	[sflag:s20] =	ssyncset.done $0x0;
	(pc) =	sbr.rel @p0 .LBB2_2-.Ltmp0, $4  }
0x46: {  	s0 =	sadd.s32 $0x1480, s31;
	[sflag:s20] =	ssyncadd.s32 $0xFFFFD800  }
0x47: {  	[spmem:s3] =	stream.indirect.scatter.add.f32 [tilespmem:s25], [sflag:$0x3], $0x50, s0, s23, $0xb8;
	[tilespmem:$0x1FF40] =	vst v63  }
0x48: {  	_ =	swait.ge [sflag:s21], $0x2800  }
0x49: {  	s31 =	sshra.s32 s6, $0x2;
	s0 =	smov.u32 s8;
	[sflag:s21] =	ssyncset.done $0x0  }
0x4a: {  	s0 =	sadd.s32 $0x80, s31;
	[sflag:s21] =	ssyncadd.s32 $0xFFFFD800  }
0x4b: {  	[tilespmem:s25], [sflag:$0x2] =	stream.indirect.gather [spmem:s2], $0x50, s0, s23, $0xb8;
	[tilespmem:$0x1FF40] =	vst v63  }
0x4c: {  	_ =	swait.ge [sflag:s19], $0x2800  }
0x4d: {  	[sflag:s19] =	ssyncset.done $0x0  }
0x4e: {  	s6 =	sadd.s32 $0x1400, s31;
	[sflag:s19] =	ssyncadd.s32 $0xFFFFD800  }
0x4f: {  	[spmem:s3] =	stream.indirect.scatter.add.f32 [tilespmem:s24], [sflag:$0x3], $0x50, s6, s23, $0xb8;
	[tilespmem:$0x1FF40] =	vst v63  }
0x50: {  	_ =	swait.ge [sflag:s21], $0x2800  }
0x51: {  	[sflag:s21] =	ssyncset.done $0x0  }
0x52: {  	s8 =	sadd.s32 $0x100, s31;
	[sflag:s21] =	ssyncadd.s32 $0xFFFFD800  }
0x53: {  	[tilespmem:s24], [sflag:$0x1] =	stream.indirect.gather [spmem:s2], $0x50, s8, s23, $0xb8;
	[tilespmem:$0x1FF40] =	vst v63  }
0x54: {  	_ =	swait.ge [sflag:s20], $0x2800  }
0x55: {  	[sflag:s20] =	ssyncset.done $0x0  }
0x56: {  	s1 =	sadd.s32 $0x1480, s31;
	[sflag:s20] =	ssyncadd.s32 $0xFFFFD800  }
0x57: {  	[spmem:s3] =	stream.indirect.scatter.add.f32 [tilespmem:s25], [sflag:$0x3], $0x50, s1, s23, $0xb8;
	[tilespmem:$0x1FF40] =	vst v63  }
0x58: {  	_ =	swait.ge [sflag:s21], $0x2800  }
0x59: {  	[sflag:s21] =	ssyncset.done $0x0  }
0x5a: {  	[sflag:s21] =	ssyncadd.s32 $0xFFFFD800  }
0x5b: {  	[tilespmem:s25], [sflag:$0x2] =	stream.indirect.gather [spmem:s2], $0x50, s26, s23, $0xb8;
	[tilespmem:$0x1FF40] =	vst v63  }
0x5c: {  	_ =	swait.ge [sflag:s19], $0x2800  }
0x5d: {  	[sflag:s19] =	ssyncset.done $0x0  }
0x5e: {  	[sflag:s19] =	ssyncadd.s32 $0xFFFFD800  }
0x5f: {  	[spmem:s3] =	stream.indirect.scatter.add.f32 [tilespmem:s24], [sflag:$0x3], $0x50, s28, s23, $0xb8;
	[tilespmem:$0x1FF40] =	vst v63  }
0x60: {  	_ =	swait.ge [sflag:s21], $0x2800  }
0x61: {  	[sflag:s21] =	ssyncset.done $0x0  }
0x62: {  	[sflag:s21] =	ssyncadd.s32 $0xFFFFD800  }
0x63: {  	_ =	swait.ge [sflag:s20], $0x2800  }
0x64: {  	[sflag:s20] =	ssyncset.done $0x0  }
0x65: {  	[sflag:s20] =	ssyncadd.s32 $0xFFFFD800  }
0x66: {  	[spmem:s3] =	stream.indirect.scatter.add.f32 [tilespmem:s25], [sflag:$0x3], $0x50, s29, s23, $0xb8;
	[tilespmem:$0x1FF40] =	vst v63  }
0x67: {  	_ =	swait.ge [sflag:s21], $0x2800  }
0x68: {  	[sflag:s21] =	ssyncset.done $0x0  }
0x69: {  	s6 =	simm.s32 $0x0;
	[sflag:s21] =	ssyncadd.s32 $0xFFFFD800  }
0x6a: {  	[tilespmem:s6], [sflag:$0x3] =	stream.linear.gather [hbm4b:s14+s6], $0x1400, $0x38;
	[tilespmem:$0x1FF40] =	vst v63  }
0x6b: {  	_ =	swait.ge [sflag:s21], $0x1400  }
0x6c: {  	[sflag:s21] =	ssyncset.done $0x0  }
0x6d: {  	[sflag:s21] =	ssyncadd.s32 $0xFFFFEC00  }
0x6e: {  	[tilespmem:s22], [sflag:$0x3] =	stream.linear.gather [hbm4b:s15+s6], $0x1400, $0x38;
	[tilespmem:$0x1FF40] =	vst v63  }
0x6f: {  	_ =	swait.ge [sflag:s21], $0x1400  }
0x70: {  	[sflag:s21] =	ssyncset.done $0x0  }
0x71: {  	[sflag:s21] =	ssyncadd.s32 $0xFFFFEC00  }
0x72: {  	[tilespmem:s24], [sflag:$0x1] =	stream.indirect.gather [spmem:s2], $0x50, s6, s23, $0xb8;
	[tilespmem:$0x1FF40] =	vst v63  }
0x73: {  	s8 =	simm.s32 $0x80  }
0x74: {  	[tilespmem:s25], [sflag:$0x2] =	stream.indirect.gather [spmem:s2], $0x50, s8, s23, $0xb8;
	[tilespmem:$0x1FF40] =	vst v63  }
0x75: {  	_ =	swait.ge [sflag:s19], $0x2800  }
0x76: {  	[sflag:s19] =	ssyncset.done $0x0  }
0x77: {  	s1 =	simm.s32 $0x1400;
	[sflag:s19] =	ssyncadd.s32 $0xFFFFD800  }
0x78: {  	[spmem:s3] =	stream.indirect.scatter.add.f32 [tilespmem:s24], [sflag:$0x3], $0x50, s1, s23, $0xb8;
	[tilespmem:$0x1FF40] =	vst v63  }
0x79: {  	_ =	swait.ge [sflag:s21], $0x2800  }
0x7a: {  	[sflag:s21] =	ssyncset.done $0x0  }
0x7b: {  	s6 =	simm.s32 $0x100;
	[sflag:s21] =	ssyncadd.s32 $0xFFFFD800  }
0x7c: {  	[tilespmem:s24], [sflag:$0x1] =	stream.indirect.gather [spmem:s2], $0x50, s6, s23, $0xb8;
	[tilespmem:$0x1FF40] =	vst v63  }
0x7d: {  	_ =	swait.ge [sflag:s20], $0x2800  }
0x7e: {  	[sflag:s20] =	ssyncset.done $0x0  }
0x7f: {  	s8 =	simm.s32 $0x1480;
	[sflag:s20] =	ssyncadd.s32 $0xFFFFD800  }
0x80: {  	[spmem:s3] =	stream.indirect.scatter.add.f32 [tilespmem:s25], [sflag:$0x3], $0x50, s8, s23, $0xb8;
	[tilespmem:$0x1FF40] =	vst v63  }
0x81: {  	_ =	swait.ge [sflag:s21], $0x2800  }
0x82: {  	s31 =	simm.s32 $0x100;
	s0 =	simm.s32 $0x800;
	[sflag:s21] =	ssyncset.done $0x0  }
.LBB2_4:
0x83: {  	s1 =	sadd.s32 $0x80, s31  }
0x84: {  	[sflag:s21] =	ssyncadd.s32 $0xFFFFD800;
	s6 =	smov.u32 s0;
	s8 =	sadd.s32 $0x400, s0  }
0x85: {  	[tilespmem:s25], [sflag:$0x2] =	stream.indirect.gather [spmem:s2], $0x50, s1, s23, $0xb8;
	[tilespmem:$0x1FF40] =	vst v63  }
0x86: {  	p0 =	sne.s32 s0, $0x4800;
	_ =	swait.ge [sflag:s19], $0x2800  }
0x87: {  	[sflag:s19] =	ssyncset.done $0x0  }
0x88: {  	s0 =	sadd.s32 $0x1400, s31;
	[sflag:s19] =	ssyncadd.s32 $0xFFFFD800  }
0x89: {  	[spmem:s3] =	stream.indirect.scatter.add.f32 [tilespmem:s24], [sflag:$0x3], $0x50, s0, s23, $0xb8;
	[tilespmem:$0x1FF40] =	vst v63  }
0x8a: {  	_ =	swait.ge [sflag:s21], $0x2800  }
0x8b: {  	[sflag:s21] =	ssyncset.done $0x0  }
0x8c: {  	s0 =	sadd.s32 $0x100, s31;
	[sflag:s21] =	ssyncadd.s32 $0xFFFFD800  }
0x8d: {  	[tilespmem:s24], [sflag:$0x1] =	stream.indirect.gather [spmem:s2], $0x50, s0, s23, $0xb8;
	[tilespmem:$0x1FF40] =	vst v63  }
0x8e: {  	_ =	swait.ge [sflag:s20], $0x2800  }
.Ltmp1:
0x8f: {  	[sflag:s20] =	ssyncset.done $0x0;
	(pc) =	sbr.rel @p0 .LBB2_4-.Ltmp1, $4  }
0x90: {  	s0 =	sadd.s32 $0x1480, s31;
	[sflag:s20] =	ssyncadd.s32 $0xFFFFD800  }
0x91: {  	[spmem:s3] =	stream.indirect.scatter.add.f32 [tilespmem:s25], [sflag:$0x3], $0x50, s0, s23, $0xb8;
	[tilespmem:$0x1FF40] =	vst v63  }
0x92: {  	_ =	swait.ge [sflag:s21], $0x2800  }
0x93: {  	s31 =	sshra.s32 s6, $0x2;
	s0 =	smov.u32 s8;
	[sflag:s21] =	ssyncset.done $0x0  }
0x94: {  	s0 =	sadd.s32 $0x80, s31;
	[sflag:s21] =	ssyncadd.s32 $0xFFFFD800  }
0x95: {  	[tilespmem:s25], [sflag:$0x2] =	stream.indirect.gather [spmem:s2], $0x50, s0, s23, $0xb8;
	[tilespmem:$0x1FF40] =	vst v63  }
0x96: {  	_ =	swait.ge [sflag:s19], $0x2800  }
0x97: {  	[sflag:s19] =	ssyncset.done $0x0  }
0x98: {  	s1 =	sadd.s32 $0x1400, s31;
	[sflag:s19] =	ssyncadd.s32 $0xFFFFD800  }
0x99: {  	[spmem:s3] =	stream.indirect.scatter.add.f32 [tilespmem:s24], [sflag:$0x3], $0x50, s1, s23, $0xb8;
	[tilespmem:$0x1FF40] =	vst v63  }
0x9a: {  	_ =	swait.ge [sflag:s21], $0x2800  }
0x9b: {  	[sflag:s21] =	ssyncset.done $0x0  }
0x9c: {  	s6 =	sadd.s32 $0x100, s31;
	[sflag:s21] =	ssyncadd.s32 $0xFFFFD800  }
0x9d: {  	[tilespmem:s24], [sflag:$0x1] =	stream.indirect.gather [spmem:s2], $0x50, s6, s23, $0xb8;
	[tilespmem:$0x1FF40] =	vst v63  }
0x9e: {  	_ =	swait.ge [sflag:s20], $0x2800  }
0x9f: {  	[sflag:s20] =	ssyncset.done $0x0  }
0xa0: {  	s8 =	sadd.s32 $0x1480, s31;
	[sflag:s20] =	ssyncadd.s32 $0xFFFFD800  }
0xa1: {  	[spmem:s3] =	stream.indirect.scatter.add.f32 [tilespmem:s25], [sflag:$0x3], $0x50, s8, s23, $0xb8;
	[tilespmem:$0x1FF40] =	vst v63  }
0xa2: {  	_ =	swait.ge [sflag:s21], $0x2800  }
0xa3: {  	[sflag:s21] =	ssyncset.done $0x0  }
0xa4: {  	[sflag:s21] =	ssyncadd.s32 $0xFFFFD800  }
0xa5: {  	[tilespmem:s25], [sflag:$0x2] =	stream.indirect.gather [spmem:s2], $0x50, s26, s23, $0xb8;
	[tilespmem:$0x1FF40] =	vst v63  }
0xa6: {  	_ =	swait.ge [sflag:s19], $0x2800  }
0xa7: {  	[sflag:s19] =	ssyncset.done $0x0  }
0xa8: {  	[sflag:s19] =	ssyncadd.s32 $0xFFFFD800  }
0xa9: {  	[spmem:s3] =	stream.indirect.scatter.add.f32 [tilespmem:s24], [sflag:$0x3], $0x50, s28, s23, $0xb8;
	[tilespmem:$0x1FF40] =	vst v63  }
0xaa: {  	_ =	swait.ge [sflag:s21], $0x2800  }
0xab: {  	[sflag:s21] =	ssyncset.done $0x0  }
0xac: {  	[sflag:s21] =	ssyncadd.s32 $0xFFFFD800  }
0xad: {  	_ =	swait.ge [sflag:s20], $0x2800  }
0xae: {  	[sflag:s20] =	ssyncset.done $0x0  }
0xaf: {  	[sflag:s20] =	ssyncadd.s32 $0xFFFFD800  }
0xb0: {  	[spmem:s3] =	stream.indirect.scatter.add.f32 [tilespmem:s25], [sflag:$0x3], $0x50, s29, s23, $0xb8;
	[tilespmem:$0x1FF40] =	vst v63  }
0xb1: {  	_ =	swait.ge [sflag:s21], $0x2800  }
0xb2: {  	[sflag:s21] =	ssyncset.done $0x0  }
0xb3: {  	[sflag:s21] =	ssyncadd.s32 $0xFFFFD800  }
0xb4: {  	[bflag:$0x0] =	sbarrier.arrive $0xFFFF  }
0xb5: {  	s1 =	rddreg [dreg:$0x5]  }
0xb6: {  	[hbm:s1], [sflag:s7] =	dma.local [spmem:s18], $0x1874  }
0xb7: {  	[spmem:s16], [sflag:s17] =	dma.local [hbm:s9], $0x1874  }
0xb8: {  	_ =	swait.ge [sflag:s19], $0x1874  }
0xb9: {  	[sflag:s19] =	ssyncset.done $0x0  }
0xba: {  	[sflag:s19] =	ssyncadd.s32 $0xFFFFE78C  }
0xbb: {  	[spmem:s18], [sflag:s7] =	dma.local [hbm:s5], $0x1874  }
0xbc: {  	_ =	swait.ge [sflag:s20], $0x1874  }
0xbd: {  	[sflag:s20] =	ssyncset.done $0x0  }
0xbe: {  	[sflag:s20] =	ssyncadd.s32 $0xFFFFE78C  }
0xbf: {  	_ =	swait.ge [sflag:s19], $0x1874  }
0xc0: {  	[sflag:s19] =	ssyncset.done $0x0  }
0xc1: {  	[sflag:s19] =	ssyncadd.s32 $0xFFFFE78C  }
0xc2: {  	s6 =	simm.s32 $0x0;
	[bflag:$0x0] =	sbarrier.arrive $0xFFFF  }
0xc3: {  	[tilespmem:s6], [sflag:$0x3] =	stream.linear.gather [hbm4b:s12+s6], $0x1400, $0x38;
	[tilespmem:$0x1FF40] =	vst v63  }
0xc4: {  	_ =	swait.ge [sflag:s21], $0x1400  }
0xc5: {  	[sflag:s21] =	ssyncset.done $0x0  }
0xc6: {  	[sflag:s21] =	ssyncadd.s32 $0xFFFFEC00  }
0xc7: {  	[tilespmem:s22], [sflag:$0x3] =	stream.linear.gather [hbm4b:s13+s6], $0x1400, $0x38;
	[tilespmem:$0x1FF40] =	vst v63  }
0xc8: {  	_ =	swait.ge [sflag:s21], $0x1400  }
0xc9: {  	[sflag:s21] =	ssyncset.done $0x0  }
0xca: {  	[sflag:s21] =	ssyncadd.s32 $0xFFFFEC00  }
0xcb: {  	[tilespmem:s24], [sflag:$0x1] =	stream.indirect.gather [spmem:s2], $0x50, s6, s23, $0xb8;
	[tilespmem:$0x1FF40] =	vst v63  }
0xcc: {  	s8 =	simm.s32 $0x80  }
0xcd: {  	[tilespmem:s25], [sflag:$0x2] =	stream.indirect.gather [spmem:s2], $0x50, s8, s23, $0xb8;
	[tilespmem:$0x1FF40] =	vst v63  }
0xce: {  	_ =	swait.ge [sflag:s19], $0x2800  }
0xcf: {  	[sflag:s19] =	ssyncset.done $0x0  }
0xd0: {  	s1 =	simm.s32 $0x1400;
	[sflag:s19] =	ssyncadd.s32 $0xFFFFD800  }
0xd1: {  	[spmem:s3] =	stream.indirect.scatter.add.f32 [tilespmem:s24], [sflag:$0x3], $0x50, s1, s23, $0xb8;
	[tilespmem:$0x1FF40] =	vst v63  }
0xd2: {  	_ =	swait.ge [sflag:s21], $0x2800  }
0xd3: {  	[sflag:s21] =	ssyncset.done $0x0  }
0xd4: {  	s6 =	simm.s32 $0x100;
	[sflag:s21] =	ssyncadd.s32 $0xFFFFD800  }
0xd5: {  	[tilespmem:s24], [sflag:$0x1] =	stream.indirect.gather [spmem:s2], $0x50, s6, s23, $0xb8;
	[tilespmem:$0x1FF40] =	vst v63  }
0xd6: {  	_ =	swait.ge [sflag:s20], $0x2800  }
0xd7: {  	[sflag:s20] =	ssyncset.done $0x0  }
0xd8: {  	s8 =	simm.s32 $0x1480;
	[sflag:s20] =	ssyncadd.s32 $0xFFFFD800  }
0xd9: {  	[spmem:s3] =	stream.indirect.scatter.add.f32 [tilespmem:s25], [sflag:$0x3], $0x50, s8, s23, $0xb8;
	[tilespmem:$0x1FF40] =	vst v63  }
0xda: {  	_ =	swait.ge [sflag:s21], $0x2800  }
0xdb: {  	s31 =	simm.s32 $0x100;
	s0 =	simm.s32 $0x800;
	[sflag:s21] =	ssyncset.done $0x0  }
.LBB2_6:
0xdc: {  	s1 =	sadd.s32 $0x80, s31  }
0xdd: {  	[sflag:s21] =	ssyncadd.s32 $0xFFFFD800;
	s6 =	smov.u32 s0;
	s8 =	sadd.s32 $0x400, s0  }
0xde: {  	[tilespmem:s25], [sflag:$0x2] =	stream.indirect.gather [spmem:s2], $0x50, s1, s23, $0xb8;
	[tilespmem:$0x1FF40] =	vst v63  }
0xdf: {  	p0 =	sne.s32 s0, $0x4800;
	_ =	swait.ge [sflag:s19], $0x2800  }
0xe0: {  	[sflag:s19] =	ssyncset.done $0x0  }
0xe1: {  	s0 =	sadd.s32 $0x1400, s31;
	[sflag:s19] =	ssyncadd.s32 $0xFFFFD800  }
0xe2: {  	[spmem:s3] =	stream.indirect.scatter.add.f32 [tilespmem:s24], [sflag:$0x3], $0x50, s0, s23, $0xb8;
	[tilespmem:$0x1FF40] =	vst v63  }
0xe3: {  	_ =	swait.ge [sflag:s21], $0x2800  }
0xe4: {  	[sflag:s21] =	ssyncset.done $0x0  }
0xe5: {  	s0 =	sadd.s32 $0x100, s31;
	[sflag:s21] =	ssyncadd.s32 $0xFFFFD800  }
0xe6: {  	[tilespmem:s24], [sflag:$0x1] =	stream.indirect.gather [spmem:s2], $0x50, s0, s23, $0xb8;
	[tilespmem:$0x1FF40] =	vst v63  }
0xe7: {  	_ =	swait.ge [sflag:s20], $0x2800  }
.Ltmp2:
0xe8: {  	[sflag:s20] =	ssyncset.done $0x0;
	(pc) =	sbr.rel @p0 .LBB2_6-.Ltmp2, $4  }
0xe9: {  	s0 =	sadd.s32 $0x1480, s31;
	[sflag:s20] =	ssyncadd.s32 $0xFFFFD800  }
0xea: {  	[spmem:s3] =	stream.indirect.scatter.add.f32 [tilespmem:s25], [sflag:$0x3], $0x50, s0, s23, $0xb8;
	[tilespmem:$0x1FF40] =	vst v63  }
0xeb: {  	_ =	swait.ge [sflag:s21], $0x2800  }
0xec: {  	s31 =	sshra.s32 s6, $0x2;
	s0 =	smov.u32 s8;
	[sflag:s21] =	ssyncset.done $0x0  }
0xed: {  	s0 =	sadd.s32 $0x80, s31;
	[sflag:s21] =	ssyncadd.s32 $0xFFFFD800  }
0xee: {  	[tilespmem:s25], [sflag:$0x2] =	stream.indirect.gather [spmem:s2], $0x50, s0, s23, $0xb8;
	[tilespmem:$0x1FF40] =	vst v63  }
0xef: {  	_ =	swait.ge [sflag:s19], $0x2800  }
0xf0: {  	[sflag:s19] =	ssyncset.done $0x0  }
0xf1: {  	s6 =	sadd.s32 $0x1400, s31;
	[sflag:s19] =	ssyncadd.s32 $0xFFFFD800  }
0xf2: {  	[spmem:s3] =	stream.indirect.scatter.add.f32 [tilespmem:s24], [sflag:$0x3], $0x50, s6, s23, $0xb8;
	[tilespmem:$0x1FF40] =	vst v63  }
0xf3: {  	_ =	swait.ge [sflag:s21], $0x2800  }
0xf4: {  	[sflag:s21] =	ssyncset.done $0x0  }
0xf5: {  	s8 =	sadd.s32 $0x100, s31;
	[sflag:s21] =	ssyncadd.s32 $0xFFFFD800  }
0xf6: {  	[tilespmem:s24], [sflag:$0x1] =	stream.indirect.gather [spmem:s2], $0x50, s8, s23, $0xb8;
	[tilespmem:$0x1FF40] =	vst v63  }
0xf7: {  	_ =	swait.ge [sflag:s20], $0x2800  }
0xf8: {  	[sflag:s20] =	ssyncset.done $0x0  }
0xf9: {  	s1 =	sadd.s32 $0x1480, s31;
	[sflag:s20] =	ssyncadd.s32 $0xFFFFD800  }
0xfa: {  	[spmem:s3] =	stream.indirect.scatter.add.f32 [tilespmem:s25], [sflag:$0x3], $0x50, s1, s23, $0xb8;
	[tilespmem:$0x1FF40] =	vst v63  }
0xfb: {  	_ =	swait.ge [sflag:s21], $0x2800  }
0xfc: {  	[sflag:s21] =	ssyncset.done $0x0  }
0xfd: {  	[sflag:s21] =	ssyncadd.s32 $0xFFFFD800  }
0xfe: {  	[tilespmem:s25], [sflag:$0x2] =	stream.indirect.gather [spmem:s2], $0x50, s26, s23, $0xb8;
	[tilespmem:$0x1FF40] =	vst v63  }
0xff: {  	_ =	swait.ge [sflag:s19], $0x2800  }
0x100: {  	[sflag:s19] =	ssyncset.done $0x0  }
0x101: {  	[sflag:s19] =	ssyncadd.s32 $0xFFFFD800  }
0x102: {  	[spmem:s3] =	stream.indirect.scatter.add.f32 [tilespmem:s24], [sflag:$0x3], $0x50, s28, s23, $0xb8;
	[tilespmem:$0x1FF40] =	vst v63  }
0x103: {  	_ =	swait.ge [sflag:s21], $0x2800  }
0x104: {  	[sflag:s21] =	ssyncset.done $0x0  }
0x105: {  	[sflag:s21] =	ssyncadd.s32 $0xFFFFD800  }
0x106: {  	_ =	swait.ge [sflag:s20], $0x2800  }
0x107: {  	[sflag:s20] =	ssyncset.done $0x0  }
0x108: {  	[sflag:s20] =	ssyncadd.s32 $0xFFFFD800  }
0x109: {  	[spmem:s3] =	stream.indirect.scatter.add.f32 [tilespmem:s25], [sflag:$0x3], $0x50, s29, s23, $0xb8;
	[tilespmem:$0x1FF40] =	vst v63  }
0x10a: {  	_ =	swait.ge [sflag:s21], $0x2800  }
0x10b: {  	[sflag:s21] =	ssyncset.done $0x0  }
0x10c: {  	s6 =	simm.s32 $0x0;
	[sflag:s21] =	ssyncadd.s32 $0xFFFFD800  }
0x10d: {  	[tilespmem:s6], [sflag:$0x3] =	stream.linear.gather [hbm4b:s14+s6], $0x1400, $0x38;
	[tilespmem:$0x1FF40] =	vst v63  }
0x10e: {  	_ =	swait.ge [sflag:s21], $0x1400  }
0x10f: {  	[sflag:s21] =	ssyncset.done $0x0  }
0x110: {  	[sflag:s21] =	ssyncadd.s32 $0xFFFFEC00  }
0x111: {  	[tilespmem:s22], [sflag:$0x3] =	stream.linear.gather [hbm4b:s15+s6], $0x1400, $0x38;
	[tilespmem:$0x1FF40] =	vst v63  }
0x112: {  	_ =	swait.ge [sflag:s21], $0x1400  }
0x113: {  	[sflag:s21] =	ssyncset.done $0x0  }
0x114: {  	[sflag:s21] =	ssyncadd.s32 $0xFFFFEC00  }
0x115: {  	[tilespmem:s24], [sflag:$0x1] =	stream.indirect.gather [spmem:s2], $0x50, s6, s23, $0xb8;
	[tilespmem:$0x1FF40] =	vst v63  }
0x116: {  	s8 =	simm.s32 $0x80  }
0x117: {  	[tilespmem:s25], [sflag:$0x2] =	stream.indirect.gather [spmem:s2], $0x50, s8, s23, $0xb8;
	[tilespmem:$0x1FF40] =	vst v63  }
0x118: {  	_ =	swait.ge [sflag:s19], $0x2800  }
0x119: {  	[sflag:s19] =	ssyncset.done $0x0  }
0x11a: {  	s1 =	simm.s32 $0x1400;
	[sflag:s19] =	ssyncadd.s32 $0xFFFFD800  }
0x11b: {  	[spmem:s3] =	stream.indirect.scatter.add.f32 [tilespmem:s24], [sflag:$0x3], $0x50, s1, s23, $0xb8;
	[tilespmem:$0x1FF40] =	vst v63  }
0x11c: {  	_ =	swait.ge [sflag:s21], $0x2800  }
0x11d: {  	[sflag:s21] =	ssyncset.done $0x0  }
0x11e: {  	s6 =	simm.s32 $0x100;
	[sflag:s21] =	ssyncadd.s32 $0xFFFFD800  }
0x11f: {  	[tilespmem:s24], [sflag:$0x1] =	stream.indirect.gather [spmem:s2], $0x50, s6, s23, $0xb8;
	[tilespmem:$0x1FF40] =	vst v63  }
0x120: {  	_ =	swait.ge [sflag:s20], $0x2800  }
0x121: {  	[sflag:s20] =	ssyncset.done $0x0  }
0x122: {  	s8 =	simm.s32 $0x1480;
	[sflag:s20] =	ssyncadd.s32 $0xFFFFD800  }
0x123: {  	[spmem:s3] =	stream.indirect.scatter.add.f32 [tilespmem:s25], [sflag:$0x3], $0x50, s8, s23, $0xb8;
	[tilespmem:$0x1FF40] =	vst v63  }
0x124: {  	_ =	swait.ge [sflag:s21], $0x2800  }
0x125: {  	s31 =	simm.s32 $0x100;
	s0 =	simm.s32 $0x800;
	[sflag:s21] =	ssyncset.done $0x0  }
.LBB2_8:
0x126: {  	s1 =	sadd.s32 $0x80, s31  }
0x127: {  	[sflag:s21] =	ssyncadd.s32 $0xFFFFD800;
	s6 =	smov.u32 s0;
	s8 =	sadd.s32 $0x400, s0  }
0x128: {  	[tilespmem:s25], [sflag:$0x2] =	stream.indirect.gather [spmem:s2], $0x50, s1, s23, $0xb8;
	[tilespmem:$0x1FF40] =	vst v63  }
0x129: {  	p0 =	sne.s32 s0, $0x4800;
	_ =	swait.ge [sflag:s19], $0x2800  }
0x12a: {  	[sflag:s19] =	ssyncset.done $0x0  }
0x12b: {  	s0 =	sadd.s32 $0x1400, s31;
	[sflag:s19] =	ssyncadd.s32 $0xFFFFD800  }
0x12c: {  	[spmem:s3] =	stream.indirect.scatter.add.f32 [tilespmem:s24], [sflag:$0x3], $0x50, s0, s23, $0xb8;
	[tilespmem:$0x1FF40] =	vst v63  }
0x12d: {  	_ =	swait.ge [sflag:s21], $0x2800  }
0x12e: {  	[sflag:s21] =	ssyncset.done $0x0  }
0x12f: {  	s0 =	sadd.s32 $0x100, s31;
	[sflag:s21] =	ssyncadd.s32 $0xFFFFD800  }
0x130: {  	[tilespmem:s24], [sflag:$0x1] =	stream.indirect.gather [spmem:s2], $0x50, s0, s23, $0xb8;
	[tilespmem:$0x1FF40] =	vst v63  }
0x131: {  	_ =	swait.ge [sflag:s20], $0x2800  }
.Ltmp3:
0x132: {  	[sflag:s20] =	ssyncset.done $0x0;
	(pc) =	sbr.rel @p0 .LBB2_8-.Ltmp3, $4  }
0x133: {  	s0 =	sadd.s32 $0x1480, s31;
	[sflag:s20] =	ssyncadd.s32 $0xFFFFD800  }
0x134: {  	[spmem:s3] =	stream.indirect.scatter.add.f32 [tilespmem:s25], [sflag:$0x3], $0x50, s0, s23, $0xb8;
	[tilespmem:$0x1FF40] =	vst v63  }
0x135: {  	_ =	swait.ge [sflag:s21], $0x2800  }
0x136: {  	s31 =	sshra.s32 s6, $0x2;
	s0 =	smov.u32 s8;
	[sflag:s21] =	ssyncset.done $0x0  }
0x137: {  	s0 =	sadd.s32 $0x80, s31;
	[sflag:s21] =	ssyncadd.s32 $0xFFFFD800  }
0x138: {  	[tilespmem:s25], [sflag:$0x2] =	stream.indirect.gather [spmem:s2], $0x50, s0, s23, $0xb8;
	[tilespmem:$0x1FF40] =	vst v63  }
0x139: {  	_ =	swait.ge [sflag:s19], $0x2800  }
0x13a: {  	[sflag:s19] =	ssyncset.done $0x0  }
0x13b: {  	s6 =	sadd.s32 $0x1400, s31;
	[sflag:s19] =	ssyncadd.s32 $0xFFFFD800  }
0x13c: {  	[spmem:s3] =	stream.indirect.scatter.add.f32 [tilespmem:s24], [sflag:$0x3], $0x50, s6, s23, $0xb8;
	[tilespmem:$0x1FF40] =	vst v63  }
0x13d: {  	_ =	swait.ge [sflag:s21], $0x2800  }
0x13e: {  	[sflag:s21] =	ssyncset.done $0x0  }
0x13f: {  	s8 =	sadd.s32 $0x100, s31;
	[sflag:s21] =	ssyncadd.s32 $0xFFFFD800  }
0x140: {  	[tilespmem:s24], [sflag:$0x1] =	stream.indirect.gather [spmem:s2], $0x50, s8, s23, $0xb8;
	[tilespmem:$0x1FF40] =	vst v63  }
0x141: {  	_ =	swait.ge [sflag:s20], $0x2800  }
0x142: {  	[sflag:s20] =	ssyncset.done $0x0  }
0x143: {  	s31 =	sadd.s32 $0x1480, s31;
	[sflag:s20] =	ssyncadd.s32 $0xFFFFD800  }
0x144: {  	[spmem:s3] =	stream.indirect.scatter.add.f32 [tilespmem:s25], [sflag:$0x3], $0x50, s31, s23, $0xb8;
	[tilespmem:$0x1FF40] =	vst v63  }
0x145: {  	_ =	swait.ge [sflag:s21], $0x2800  }
0x146: {  	[sflag:s21] =	ssyncset.done $0x0  }
0x147: {  	[sflag:s21] =	ssyncadd.s32 $0xFFFFD800  }
0x148: {  	[tilespmem:s25], [sflag:$0x2] =	stream.indirect.gather [spmem:s2], $0x50, s26, s23, $0xb8;
	[tilespmem:$0x1FF40] =	vst v63  }
0x149: {  	_ =	swait.ge [sflag:s19], $0x2800  }
0x14a: {  	[sflag:s19] =	ssyncset.done $0x0  }
0x14b: {  	[sflag:s19] =	ssyncadd.s32 $0xFFFFD800  }
0x14c: {  	[spmem:s3] =	stream.indirect.scatter.add.f32 [tilespmem:s24], [sflag:$0x3], $0x50, s28, s23, $0xb8;
	[tilespmem:$0x1FF40] =	vst v63  }
0x14d: {  	_ =	swait.ge [sflag:s21], $0x2800  }
0x14e: {  	[sflag:s21] =	ssyncset.done $0x0  }
0x14f: {  	[sflag:s21] =	ssyncadd.s32 $0xFFFFD800  }
0x150: {  	_ =	swait.ge [sflag:s20], $0x2800  }
0x151: {  	[sflag:s20] =	ssyncset.done $0x0  }
0x152: {  	[sflag:s20] =	ssyncadd.s32 $0xFFFFD800  }
0x153: {  	[spmem:s3] =	stream.indirect.scatter.add.f32 [tilespmem:s25], [sflag:$0x3], $0x50, s29, s23, $0xb8;
	[tilespmem:$0x1FF40] =	vst v63  }
0x154: {  	_ =	swait.ge [sflag:s21], $0x2800  }
0x155: {  	s30 =	sadd.s32 $0x1, s30;
	[sflag:s21] =	ssyncset.done $0x0  }
0x156: {  	p0 =	sne.s32 s30, s11;
	[sflag:s21] =	ssyncadd.s32 $0xFFFFD800  }
.Ltmp4:
0x157: {  	[bflag:$0x0] =	sbarrier.arrive $0xFFFF;
	(pc) =	sbr.rel @p0 .LBB2_1-.Ltmp4, $4  }
0x158: {  	[hbm:s10], [sflag:s7] =	dma.local [spmem:s18], $0x1874  }
0x159: {  	_ =	swait.ge [sflag:s19], $0x1874  }
0x15a: {  	[sflag:s19] =	ssyncset.done $0x0  }
0x15b: {  	[sflag:s19] =	ssyncadd.s32 $0xFFFFE78C  }
0x15c: {  	_ =	sfence.sel $0x180000  }
0x15d: {  	[bflag:$0x0] =	sbarrier.arrive $0xFFFF  }
0x15e: {  	_ =	strace $0x90000047  }
0x15f: {  	s0 =	stileid.u32;
	[bflag:$0x2] =	sbarrier.arrive $0xFFFF  }
0x160: {  	p0 =	sne.s32 s0, $0x0;
	s0 =	rddreg [dreg:$0x3]  }
0x161: {  	s0 =	sadd.s32 @!p0 $0x100000, s0  }
0x162: {  	[sflag:s0] =	ssyncadd.tile.s32 @!p0 $0x1;
	_ =	shalt  }
.Lfunc_end2:
_tile_overlayer_lowered:
.L_overlay_start_2:
0x163: {  	(tag) =	ssettag $0x2  }
0x164: {  	s0 =	rddreg [dreg:$0x0];
	s2 =	stileid.u32  }
0x165: {  	s1 =	rddreg [dreg:$0x1];
	p0 =	sne.s32 s2, $0x0  }
0x166: {  	s3 =	rddreg [dreg:$0x2];
	[bflag:$0x3] =	sbarrier.arrive $0xFFFF;
	s2 =	simm.s32 @!p0 $0x1C03  }
0x167: {  	[timem:s3], [sflag:s2] =	dma.local @!p0 [hbm:s0], s1  }
0x168: {  	s0 =	simm.s32 @!p0 $0x3  }
0x169: {  	_ =	swait.ge @!p0 [sflag:s0], s1  }
0x16a: {  	s1 =	ssub.s32 @!p0 $0x0, s1;
	[sflag:s0] =	ssyncset.done @!p0 $0x0  }
0x16b: {  	[sflag:s0] =	ssyncadd.s32 @!p0 s1  }
0x16c: {  	[bflag:$0x3] =	sbarrier.arrive $0xFFFF  }
0x16d: {  	_ =	shalt  }

// kernel: kernel.14.cloned.1.call-start
scs
__scs_entry_jumppad:
0x0: {  	(pc) =	sbr.rel $0x88, $3  }
0x1: {  	(tag) =	ssettag $0x0;
	lr =	simm.s32 $0x1  }
0x2: {  	[smem:$0x3F8C] =	sst lr;
	_ =	strace $0xD0000000  }
0x3: {  	_ = 	snop  }
0x4: {  	_ = 	snop  }
0x5: {  	_ = 	snop  }
0x6: {  	_ = 	snop  }
0x7: {  	_ = 	snop  }
__scs_overlays_trampoline_lowered:
0x8: {  	[smem:$0x3F9B] =	sst s0  }
0x9: {  	[smem:$0x3F9C] =	sst s1  }
0xa: {  	[smem:$0x3F9D] =	sst s2  }
0xb: {  	[smem:$0x3F9E] =	sst s3  }
0xc: {  	[smem:$0x3F9F] =	sst s4  }
0xd: {  	[smem:$0x3FA0] =	sst s5  }
0xe: {  	[smem:$0x3FA1] =	sst s6  }
0xf: {  	[smem:$0x3FA2] =	sst s7  }
0x10: {  	[smem:$0x3FA3] =	sst s8  }
0x11: {  	[smem:$0x3FA4] =	sst s9;
	s0 =	simm.s32 @!p0 $0x0  }
0x12: {  	s1 =	sld [smem:$0x3F8A];
	s0 =	simm.s32 @p0 $0x1  }
0x13: {  	[smem:$0x3FA5] =	sst s0;
	s0 =	simm.s32 @!p1 $0x0  }
0x14: {  	s2 =	sld [smem:$0x3F89];
	s0 =	simm.s32 @p1 $0x1  }
0x15: {  	[smem:$0x3FA6] =	sst s0;
	s0 =	simm.s32 @!p2 $0x0  }
0x16: {  	s3 =	sld [smem:$0x3FDB];
	s0 =	simm.s32 @p2 $0x1  }
0x17: {  	s4 =	simm.s32 $0x1BF5;
	[smem:$0x3FA8] =	sst s0  }
0x18: {  	s0 =	sld [smem:$0x3F8B];
	_ =	swait.ge [sflag:s4], $0x0  }
0x19: {  	s7 =	sld [smem:$0x3F8C]  }
0x1a: {  	s8 =	sadd.s32 $0xFFFFE003, lr  }
0x1b: {  	s9 =	sadd.s32 $0xFFFFFEF7, lr;
	s5 =	simm.s32 $0xFFFFFFFF;
	p2 =	slt.u32 s8, $0xFFFFF086  }
0x1c: {  	p1 =	slt.u32 s9, $0xF7A;
	s5 =	simm.s32 @!p2 $0x0  }
0x1d: {  	s5 =	simm.s32 @p1 $0x1;
	p0 =	seq.s32 s7, s2  }
0x1e: {  	s7 =	smul.u32 @!p0 $0xF7A, s2;
	p2 =	seq.s32 @!p0 s5, $0x0  }
0x1f: {  	s9 =	smul.u32 $0xF7A, s1;
	s8 =	simm.s32 @!p0 $0x1BF5;
	p2 =	por !p2, p0  }
0x20: {  	[sflag:s8] =	ssyncset.s32 @!p0 $0xFFFFF086;
	s6 =	sadd.s32 @!p0 s3, s7;
	s7 =	simm.s32 @!p0 $0x108  }
0x21: {  	s3 =	sadd.s32 s3, s9;
	s6 =	sadd.s32 @!p0 $0x88, s6;
	s7 =	simm.s32 @p2 $0x1082  }
0x22: {  	[simem:s7], [sflag:s8] =	dma.local @!p0 [hbm:s6], $0xF7A  }
0x23: {  	s9 =	sor.u32 $0xD0000000, s2;
	s6 =	simm.s32 $0x108;
	_ =	swait.ge @!p0 [sflag:s8], $0x0  }
0x24: {  	s3 =	sadd.s32 $0x88, s3;
	s6 =	simm.s32 @!p1 $0x1082;
	[sflag:s4] =	ssyncset.s32 $0xFFFFF086  }
0x25: {  	[simem:s6], [sflag:s4] =	dma.local [hbm:s3], $0xF7A  }
0x26: {  	[smem:$0x3F8C] =	sst s1;
	(tag) =	ssettag s2;
	_ =	strace s9  }
0x27: {  	s1 =	sld [smem:$0x3F9C]  }
0x28: {  	s2 =	sld [smem:$0x3F9D]  }
0x29: {  	s4 =	sld [smem:$0x3F9F]  }
0x2a: {  	p0 =	seq.s32 s5, $0x0;
	s5 =	sld [smem:$0x3FA0]  }
0x2b: {  	s6 =	sld [smem:$0x3FA1]  }
0x2c: {  	s7 =	sld [smem:$0x3FA2]  }
0x2d: {  	s3 =	simm.s32 $0x108;
	s8 =	sld [smem:$0x3FA3]  }
0x2e: {  	s3 =	simm.s32 @!p0 $0x1082;
	s9 =	sld [smem:$0x3FA4]  }
0x2f: {  	lr =	sadd.s32 s0, s3;
	s0 =	sld [smem:$0x3F9B]  }
0x30: {  	s3 =	sld [smem:$0x3F9E]  }
0x31: {  	[smem:$0x3FA7] =	sst s10  }
0x32: {  	s10 =	sld [smem:$0x3FA5];
	_ =	sdelay $0x3  }
0x33: {  	p0 =	seq.s32 s10, $0x1;
	s10 =	sld [smem:$0x3FA7];
	_ =	sdelay $0x3  }
0x34: {  	[smem:$0x3FA7] =	sst s10  }
0x35: {  	s10 =	sld [smem:$0x3FA6];
	_ =	sdelay $0x3  }
0x36: {  	p1 =	seq.s32 s10, $0x1;
	s10 =	sld [smem:$0x3FA7];
	_ =	sdelay $0x3  }
0x37: {  	[smem:$0x3FA7] =	sst s10  }
0x38: {  	s10 =	sld [smem:$0x3FA8]  }
0x39: {  	_ = 	snop;
	(pc) =	sbr.ind lr, $3  }
0x3a: {  	_ = 	snop  }
0x3b: {  	_ = 	snop  }
0x3c: {  	p2 =	seq.s32 s10, $0x1;
	s10 =	sld [smem:$0x3FA7]  }
0x3d: {  	_ =	shalt  }
0x3e: {  	_ =	shalt  }
0x3f: {  	_ =	shalt  }
0x40: {  	_ =	shalt  }
0x41: {  	_ =	shalt  }
0x42: {  	_ =	shalt  }
0x43: {  	_ =	shalt  }
0x44: {  	_ =	shalt  }
0x45: {  	_ =	shalt  }
0x46: {  	_ =	shalt  }
0x47: {  	_ =	shalt  }
0x48: {  	_ =	shalt  }
0x49: {  	_ =	shalt  }
0x4a: {  	_ =	shalt  }
0x4b: {  	_ =	shalt  }
0x4c: {  	_ =	shalt  }
0x4d: {  	_ =	shalt  }
0x4e: {  	_ =	shalt  }
0x4f: {  	_ =	shalt  }
0x50: {  	_ =	shalt  }
0x51: {  	_ =	shalt  }
0x52: {  	_ =	shalt  }
0x53: {  	_ =	shalt  }
0x54: {  	_ =	shalt  }
0x55: {  	_ =	shalt  }
0x56: {  	_ =	shalt  }
0x57: {  	_ =	shalt  }
0x58: {  	_ =	shalt  }
0x59: {  	_ =	shalt  }
0x5a: {  	_ =	shalt  }
0x5b: {  	_ =	shalt  }
0x5c: {  	_ =	shalt  }
0x5d: {  	_ =	shalt  }
0x5e: {  	_ =	shalt  }
0x5f: {  	_ =	shalt  }
0x60: {  	_ =	shalt  }
0x61: {  	_ =	shalt  }
0x62: {  	_ =	shalt  }
0x63: {  	_ =	shalt  }
0x64: {  	_ =	shalt  }
0x65: {  	_ =	shalt  }
0x66: {  	_ =	shalt  }
0x67: {  	_ =	shalt  }
0x68: {  	_ =	shalt  }
0x69: {  	_ =	shalt  }
0x6a: {  	_ =	shalt  }
0x6b: {  	_ =	shalt  }
0x6c: {  	_ =	shalt  }
0x6d: {  	_ =	shalt  }
0x6e: {  	_ =	shalt  }
0x6f: {  	_ =	shalt  }
0x70: {  	_ =	shalt  }
0x71: {  	_ =	shalt  }
0x72: {  	_ =	shalt  }
0x73: {  	_ =	shalt  }
0x74: {  	_ =	shalt  }
0x75: {  	_ =	shalt  }
0x76: {  	_ =	shalt  }
0x77: {  	_ =	shalt  }
0x78: {  	_ =	shalt  }
0x79: {  	_ =	shalt  }
0x7a: {  	_ =	shalt  }
0x7b: {  	_ =	shalt  }
0x7c: {  	_ =	shalt  }
0x7d: {  	_ =	shalt  }
0x7e: {  	_ =	shalt  }
0x7f: {  	_ =	shalt  }
0x80: {  	_ =	shalt  }
0x81: {  	_ =	shalt  }
0x82: {  	_ =	shalt  }
0x83: {  	_ =	shalt  }
0x84: {  	_ =	shalt  }
0x85: {  	_ =	shalt  }
0x86: {  	_ =	shalt  }
0x87: {  	_ =	shalt  }
.Lfunc_end0:
.L_simem_size_0:
called_computation.1_lowered:
.L_overlay_start_0:
0x88: {  	s2 =	sld [smem:$0x3FD9]  }
0x89: {  	s3 =	sld [smem:$0x3FFE];
	_ =	sdelay $0x1  }
0x8a: {  	s1 =	srdreg.scid  }
0x8b: {  	s0 =	sand.u32 $0x1, s1  }
0x8c: {  	s16 =	sshll.u32 s0, $0xA;
	s2 =	sadd.s32 s3, s2  }
0x8d: {  	s2 =	sadd.s32 s2, s16  }
0x8e: {  	[smem:$0x3FB3] =	sst s2  }
0x8f: {  	_ = 	snop  }
0x90: {  	(tm) =	ssettm $0x1  }
0x91: {  	s17 =	sld [smem:$0x3FFB];
	_ =	sdelay $0x3  }
0x92: {  	_ =	strace s17  }
0x93: {  	s2 =	sld [smem:$0x3FFC];
	_ =	sdelay $0x3  }
0x94: {  	_ =	strace s2  }
0x95: {  	s2 =	sld [smem:$0x3FFD];
	_ =	sdelay $0x3  }
0x96: {  	_ =	strace s2  }
0x97: {  	_ =	strace $0x8FFFFFFF  }
0x98: {  	s18 =	sld [smem:$0x3FDB];
	_ =	sdelay $0x1  }
0x99: {  	s19 =	simm.s32 $_scs_section_size  }
0x9a: {  	s4 =	simm.s32 $_size__tile_overlayer_lowered;
	s5 =	simm.s32 $_tile_overlayer_lowered  }
0x9b: {  	s22 =	simm.s32 $0x1BFF;
	s21 =	sshll.u32 s5, $0x1;
	s2 =	sadd.s32 s19, s18  }
0x9c: {  	s6 =	simm.s32 $0x0;
	s20 =	sshll.u32 s4, $0x1;
	s4 =	sadd.s32 s21, s2  }
0x9d: {  	[timem:s6], [sflag:s22] =	dma.local [hbm:s4], s20  }
0x9e: {  	_ =	swait.ge [sflag:s22], s20  }
0x9f: {  	s3 =	ssub.s32 $0x0, s20;
	[sflag:s22] =	ssyncset.done $0x0  }
0xa0: {  	[sflag:s22] =	ssyncadd.s32 s3;
	_ =	sdelay $0x1  }
0xa1: {  	s23 =	simm.s32 $0x1B8B  }
0xa2: {  	_ =	swait.ge [sflag:s23], $0x1  }
0xa3: {  	[sflag:s23] =	ssyncset.done $0x0  }
0xa4: {  	s25 =	simm.s32 $0x1B8E;
	s24 =	sld [smem:$0x3FFE];
	[sflag:s23] =	ssyncadd.s32 $0xFFFFFFFF  }
0xa5: {  	s26 =	simm.s32 $execute0_lowered;
	[smem:$0x3FD2] =	sst s25  }
0xa6: {  	s4 =	sshll.u32 s26, $0x1;
	_ =	strace $0x80000049;
	[dreg:$0x1] =	wrdreg $0xFFFFFFFF  }
0xa7: {  	s28 =	simm.s32 $_size_execute0_lowered;
	s2 =	sadd.s32 s2, s4;
	[dreg:$0x0] =	wrdreg $0x0  }
0xa8: {  	s4 =	sshll.u32 s28, $0x1;
	[dreg:$0x2] =	wrdreg s2  }
0xa9: {  	[dreg:$0x3] =	wrdreg s4  }
0xaa: {  	[dreg:$0x4] =	wrdreg $0xC0  }
0xab: {  	_ =	task [dreg:s6], $0x5FFFF  }
0xac: {  	[dreg:$0x1] =	wrdreg $0xFFFFFFFF  }
0xad: {  	[dreg:$0x0] =	wrdreg $0x60  }
0xae: {  	[dreg:$0x2] =	wrdreg s24  }
0xaf: {  	[dreg:$0x3] =	wrdreg $0x78000  }
0xb0: {  	[dreg:$0x4] =	wrdreg $0x13BA00  }
0xb1: {  	[dreg:$0x5] =	wrdreg $0x9  }
0xb2: {  	_ =	task.clear_ibuf [dreg:s6], $0x6FFFF;
	_ =	strace $0x90000049  }
0xb3: {  	s29 =	simm.s32 $0x9;
	_ =	strace $0x8000004B  }
0xb4: {  	_ =	swait.ge [sflag:s29], $0x1  }
0xb5: {  	[sflag:s29] =	ssyncadd.s32 $0xFFFFFFFF  }
0xb6: {  	_ =	strace $0x9000004B  }
0xb7: {  	_ =	sfence  }
0xb8: {  	s30 =	sld [smem:$0x0];
	_ =	sdelay $0x2  }
0xb9: {  	s31 =	sshll.u32 s1, $0xD;
	s1 =	sshrl.u32 s1, $0x2  }
0xba: {  	s3 =	sand.u32 $0x4000, s31;
	s1 =	sadd.s32 s1, s30  }
0xbb: {  	s0 =	sor.u32 s3, s0;
	s1 =	sshll.u32 s1, $0x11  }
0xbc: {  	s0 =	sor.u32 s1, s0  }
0xbd: {  	s0 =	sadd.s32 $0x8F2B, s0  }
0xbe: {  	[sflag:s0] =	ssyncadd.remote.s32 $0x1  }
0xbf: {  	_ =	sfence.sel $0xFFFF  }
0xc0: {  	[dreg:$0x0] =	wrdreg $0xFFFFFFFF;
	(pc) =	sbr.abs _section_cstart, $3  }
0xc1: {  	[dreg:$0x1] =	wrdreg $0xFFFFFFFF  }
0xc2: {  	_ =	task.clear_ibuf [dreg:s6], $0x2FFFF;
	_ =	strace $0x9FFFFFFF  }
0xc3: {  	(tm) =	ssettm $0x7FFFFFFF  }
tec
execute0_lowered:
.L_overlay_start_1:
0x0: {  	(tag) =	ssettag $0x1  }
0x1: {  	s0 =	rddreg [dreg:$0x0]  }
0x2: {  	s2 =	rddreg [dreg:$0x1]  }
0x3: {  	s3 =	rddreg [dreg:$0x2]  }
0x4: {  	s1 =	stileid.u32;
	s5 =	srdreg.scid  }
0x5: {  	s4 =	simm.s32 $0x0;
	s19 =	simm.s32 $0x1;
	s20 =	simm.s32 $0x2  }
0x6: {  	s28 =	simm.s32 $0x2700;
	s29 =	simm.s32 $0x2780;
	s30 =	simm.s32 $0x0  }
0x7: {  	s8 =	smul.u32 $0xC3A0, s1;
	s6 =	sand.u32 $0x1, s5;
	[smem:$0x7FF] =	sst s4  }
0x8: {  	s14 =	sadd.s32 $0x7A000, s0;
	s15 =	sadd.s32 $0x70000, s0;
	s23 =	sshll.u32 s1, $0x1  }
0x9: {  	s17 =	sshll.u32 s1, $0x6;
	s5 =	smul.u32 $0x187400, s6;
	_ =	strace $0x8000004A  }
0xa: {  	s10 =	ssub.s32 $0x2, s6;
	s6 =	sshll.u32 s6, $0x5;
	s7 =	sshrl.u32 s8, $0x3  }
0xb: {  	s22 =	sshrl.u32 s10, $0x1;
	s16 =	sadd.s32 s8, s2;
	s24 =	sor.u32 s23, s6  }
0xc: {  	s18 =	sadd.s32 s8, s3;
	s23 =	simm.s32 $0x80;
	s9 =	sadd.s32 s7, s0  }
0xd: {  	s5 =	sadd.s32 s8, s5;
	s11 =	ssub.s32 s10, s22;
	s7 =	sor.u32 $0x1C01, s17  }
0xe: {  	s13 =	smul.u32 $0x280, s24;
	s16 =	sshrl.u32 s16, $0x3;
	s17 =	sor.u32 $0x1C02, s17  }
0xf: {  	s18 =	sshrl.u32 s18, $0x3;
	s22 =	simm.s32 $0x1400;
	s24 =	simm.s32 $0x2800  }
0x10: {  	s21 =	sshrl.u32 s5, $0x3;
	s5 =	sadd.s32 $0x84000, s0;
	s25 =	sadd.s32 $0x2B000, s9  }
0x11: {  	s9 =	sadd.s32 $0x43740, s9;
	s11 =	smax.u32 s11, $0x1;
	s0 =	sadd.s32 s21, s0  }
0x12: {  	[dreg:$0x4] =	wrdreg s25;
	s31 =	sadd.s32 $0x280, s13;
	s12 =	sadd.s32 s14, s13  }
0x13: {  	s13 =	sadd.s32 s15, s13;
	s21 =	simm.s32 $0x3;
	s25 =	simm.s32 $0x5000  }
0x14: {  	s26 =	sadd.s32 $0x85A00, s0;
	s10 =	sadd.s32 $0x9E140, s0;
	s14 =	sadd.s32 s14, s31  }
0x15: {  	s15 =	sadd.s32 s15, s31;
	[dreg:$0x5] =	wrdreg s26;
	s26 =	simm.s32 $0x1380  }
.LBB2_1:
0x16: {  	s0 =	rddreg [dreg:$0x4]  }
0x17: {  	[spmem:s16], [sflag:s7] =	dma.local [hbm:s0], $0x1874  }
0x18: {  	[spmem:s18], [sflag:s17] =	dma.local [hbm:s5], $0x1874  }
0x19: {  	_ =	swait.ge [sflag:s19], $0x1874  }
0x1a: {  	[sflag:s19] =	ssyncset.done $0x0  }
0x1b: {  	[sflag:s19] =	ssyncadd.s32 $0xFFFFE78C  }
0x1c: {  	_ =	swait.ge [sflag:s20], $0x1874  }
0x1d: {  	[sflag:s20] =	ssyncset.done $0x0  }
0x1e: {  	[sflag:s20] =	ssyncadd.s32 $0xFFFFE78C  }
0x1f: {  	[bflag:$0x0] =	sbarrier.arrive $0xFFFF  }
0x20: {  	[tilespmem:s4], [sflag:$0x3] =	stream.linear.gather [hbm4b:s12+s4], $0x1400, $0x38;
	[tilespmem:$0x1FF40] =	vst v63  }
0x21: {  	_ =	swait.ge [sflag:s21], $0x1400  }
0x22: {  	[sflag:s21] =	ssyncset.done $0x0  }
0x23: {  	[sflag:s21] =	ssyncadd.s32 $0xFFFFEC00  }
0x24: {  	[tilespmem:s22], [sflag:$0x3] =	stream.linear.gather [hbm4b:s13+s4], $0x1400, $0x38;
	[tilespmem:$0x1FF40] =	vst v63  }
0x25: {  	_ =	swait.ge [sflag:s21], $0x1400  }
0x26: {  	[sflag:s21] =	ssyncset.done $0x0  }
0x27: {  	[sflag:s21] =	ssyncadd.s32 $0xFFFFEC00  }
0x28: {  	[tilespmem:s24], [sflag:$0x1] =	stream.indirect.gather [spmem:s2], $0x50, s4, s23, $0xb8;
	[tilespmem:$0x1FF40] =	vst v63  }
0x29: {  	s8 =	simm.s32 $0x80  }
0x2a: {  	[tilespmem:s25], [sflag:$0x2] =	stream.indirect.gather [spmem:s2], $0x50, s8, s23, $0xb8;
	[tilespmem:$0x1FF40] =	vst v63  }
0x2b: {  	_ =	swait.ge [sflag:s19], $0x2800  }
0x2c: {  	[sflag:s19] =	ssyncset.done $0x0  }
0x2d: {  	s1 =	simm.s32 $0x1400;
	[sflag:s19] =	ssyncadd.s32 $0xFFFFD800  }
0x2e: {  	[spmem:s3] =	stream.indirect.scatter.add.f32 [tilespmem:s24], [sflag:$0x3], $0x50, s1, s23, $0xb8;
	[tilespmem:$0x1FF40] =	vst v63  }
0x2f: {  	_ =	swait.ge [sflag:s21], $0x2800  }
0x30: {  	[sflag:s21] =	ssyncset.done $0x0  }
0x31: {  	s6 =	simm.s32 $0x100;
	[sflag:s21] =	ssyncadd.s32 $0xFFFFD800  }
0x32: {  	[tilespmem:s24], [sflag:$0x1] =	stream.indirect.gather [spmem:s2], $0x50, s6, s23, $0xb8;
	[tilespmem:$0x1FF40] =	vst v63  }
0x33: {  	_ =	swait.ge [sflag:s20], $0x2800  }
0x34: {  	[sflag:s20] =	ssyncset.done $0x0  }
0x35: {  	s8 =	simm.s32 $0x1480;
	[sflag:s20] =	ssyncadd.s32 $0xFFFFD800  }
0x36: {  	[spmem:s3] =	stream.indirect.scatter.add.f32 [tilespmem:s25], [sflag:$0x3], $0x50, s8, s23, $0xb8;
	[tilespmem:$0x1FF40] =	vst v63  }
0x37: {  	_ =	swait.ge [sflag:s21], $0x2800  }
0x38: {  	s31 =	simm.s32 $0x100;
	s0 =	simm.s32 $0x800;
	[sflag:s21] =	ssyncset.done $0x0  }
.LBB2_2:
0x39: {  	s1 =	sadd.s32 $0x80, s31  }
0x3a: {  	[sflag:s21] =	ssyncadd.s32 $0xFFFFD800;
	s6 =	smov.u32 s0;
	s8 =	sadd.s32 $0x400, s0  }
0x3b: {  	[tilespmem:s25], [sflag:$0x2] =	stream.indirect.gather [spmem:s2], $0x50, s1, s23, $0xb8;
	[tilespmem:$0x1FF40] =	vst v63  }
0x3c: {  	p0 =	sne.s32 s0, $0x4800;
	_ =	swait.ge [sflag:s19], $0x2800  }
0x3d: {  	[sflag:s19] =	ssyncset.done $0x0  }
0x3e: {  	s0 =	sadd.s32 $0x1400, s31;
	[sflag:s19] =	ssyncadd.s32 $0xFFFFD800  }
0x3f: {  	[spmem:s3] =	stream.indirect.scatter.add.f32 [tilespmem:s24], [sflag:$0x3], $0x50, s0, s23, $0xb8;
	[tilespmem:$0x1FF40] =	vst v63  }
0x40: {  	_ =	swait.ge [sflag:s21], $0x2800  }
0x41: {  	[sflag:s21] =	ssyncset.done $0x0  }
0x42: {  	s0 =	sadd.s32 $0x100, s31;
	[sflag:s21] =	ssyncadd.s32 $0xFFFFD800  }
0x43: {  	[tilespmem:s24], [sflag:$0x1] =	stream.indirect.gather [spmem:s2], $0x50, s0, s23, $0xb8;
	[tilespmem:$0x1FF40] =	vst v63  }
0x44: {  	_ =	swait.ge [sflag:s20], $0x2800  }
.Ltmp0:
0x45: {  	[sflag:s20] =	ssyncset.done $0x0;
	(pc) =	sbr.rel @p0 .LBB2_2-.Ltmp0, $4  }
0x46: {  	s0 =	sadd.s32 $0x1480, s31;
	[sflag:s20] =	ssyncadd.s32 $0xFFFFD800  }
0x47: {  	[spmem:s3] =	stream.indirect.scatter.add.f32 [tilespmem:s25], [sflag:$0x3], $0x50, s0, s23, $0xb8;
	[tilespmem:$0x1FF40] =	vst v63  }
0x48: {  	_ =	swait.ge [sflag:s21], $0x2800  }
0x49: {  	s31 =	sshra.s32 s6, $0x2;
	s0 =	smov.u32 s8;
	[sflag:s21] =	ssyncset.done $0x0  }
0x4a: {  	s0 =	sadd.s32 $0x80, s31;
	[sflag:s21] =	ssyncadd.s32 $0xFFFFD800  }
0x4b: {  	[tilespmem:s25], [sflag:$0x2] =	stream.indirect.gather [spmem:s2], $0x50, s0, s23, $0xb8;
	[tilespmem:$0x1FF40] =	vst v63  }
0x4c: {  	_ =	swait.ge [sflag:s19], $0x2800  }
0x4d: {  	[sflag:s19] =	ssyncset.done $0x0  }
0x4e: {  	s6 =	sadd.s32 $0x1400, s31;
	[sflag:s19] =	ssyncadd.s32 $0xFFFFD800  }
0x4f: {  	[spmem:s3] =	stream.indirect.scatter.add.f32 [tilespmem:s24], [sflag:$0x3], $0x50, s6, s23, $0xb8;
	[tilespmem:$0x1FF40] =	vst v63  }
0x50: {  	_ =	swait.ge [sflag:s21], $0x2800  }
0x51: {  	[sflag:s21] =	ssyncset.done $0x0  }
0x52: {  	s8 =	sadd.s32 $0x100, s31;
	[sflag:s21] =	ssyncadd.s32 $0xFFFFD800  }
0x53: {  	[tilespmem:s24], [sflag:$0x1] =	stream.indirect.gather [spmem:s2], $0x50, s8, s23, $0xb8;
	[tilespmem:$0x1FF40] =	vst v63  }
0x54: {  	_ =	swait.ge [sflag:s20], $0x2800  }
0x55: {  	[sflag:s20] =	ssyncset.done $0x0  }
0x56: {  	s1 =	sadd.s32 $0x1480, s31;
	[sflag:s20] =	ssyncadd.s32 $0xFFFFD800  }
0x57: {  	[spmem:s3] =	stream.indirect.scatter.add.f32 [tilespmem:s25], [sflag:$0x3], $0x50, s1, s23, $0xb8;
	[tilespmem:$0x1FF40] =	vst v63  }
0x58: {  	_ =	swait.ge [sflag:s21], $0x2800  }
0x59: {  	[sflag:s21] =	ssyncset.done $0x0  }
0x5a: {  	[sflag:s21] =	ssyncadd.s32 $0xFFFFD800  }
0x5b: {  	[tilespmem:s25], [sflag:$0x2] =	stream.indirect.gather [spmem:s2], $0x50, s26, s23, $0xb8;
	[tilespmem:$0x1FF40] =	vst v63  }
0x5c: {  	_ =	swait.ge [sflag:s19], $0x2800  }
0x5d: {  	[sflag:s19] =	ssyncset.done $0x0  }
0x5e: {  	[sflag:s19] =	ssyncadd.s32 $0xFFFFD800  }
0x5f: {  	[spmem:s3] =	stream.indirect.scatter.add.f32 [tilespmem:s24], [sflag:$0x3], $0x50, s28, s23, $0xb8;
	[tilespmem:$0x1FF40] =	vst v63  }
0x60: {  	_ =	swait.ge [sflag:s21], $0x2800  }
0x61: {  	[sflag:s21] =	ssyncset.done $0x0  }
0x62: {  	[sflag:s21] =	ssyncadd.s32 $0xFFFFD800  }
0x63: {  	_ =	swait.ge [sflag:s20], $0x2800  }
0x64: {  	[sflag:s20] =	ssyncset.done $0x0  }
0x65: {  	[sflag:s20] =	ssyncadd.s32 $0xFFFFD800  }
0x66: {  	[spmem:s3] =	stream.indirect.scatter.add.f32 [tilespmem:s25], [sflag:$0x3], $0x50, s29, s23, $0xb8;
	[tilespmem:$0x1FF40] =	vst v63  }
0x67: {  	_ =	swait.ge [sflag:s21], $0x2800  }
0x68: {  	[sflag:s21] =	ssyncset.done $0x0  }
0x69: {  	s6 =	simm.s32 $0x0;
	[sflag:s21] =	ssyncadd.s32 $0xFFFFD800  }
0x6a: {  	[tilespmem:s6], [sflag:$0x3] =	stream.linear.gather [hbm4b:s14+s6], $0x1400, $0x38;
	[tilespmem:$0x1FF40] =	vst v63  }
0x6b: {  	_ =	swait.ge [sflag:s21], $0x1400  }
0x6c: {  	[sflag:s21] =	ssyncset.done $0x0  }
0x6d: {  	[sflag:s21] =	ssyncadd.s32 $0xFFFFEC00  }
0x6e: {  	[tilespmem:s22], [sflag:$0x3] =	stream.linear.gather [hbm4b:s15+s6], $0x1400, $0x38;
	[tilespmem:$0x1FF40] =	vst v63  }
0x6f: {  	_ =	swait.ge [sflag:s21], $0x1400  }
0x70: {  	[sflag:s21] =	ssyncset.done $0x0  }
0x71: {  	[sflag:s21] =	ssyncadd.s32 $0xFFFFEC00  }
0x72: {  	[tilespmem:s24], [sflag:$0x1] =	stream.indirect.gather [spmem:s2], $0x50, s6, s23, $0xb8;
	[tilespmem:$0x1FF40] =	vst v63  }
0x73: {  	s8 =	simm.s32 $0x80  }
0x74: {  	[tilespmem:s25], [sflag:$0x2] =	stream.indirect.gather [spmem:s2], $0x50, s8, s23, $0xb8;
	[tilespmem:$0x1FF40] =	vst v63  }
0x75: {  	_ =	swait.ge [sflag:s19], $0x2800  }
0x76: {  	[sflag:s19] =	ssyncset.done $0x0  }
0x77: {  	s1 =	simm.s32 $0x1400;
	[sflag:s19] =	ssyncadd.s32 $0xFFFFD800  }
0x78: {  	[spmem:s3] =	stream.indirect.scatter.add.f32 [tilespmem:s24], [sflag:$0x3], $0x50, s1, s23, $0xb8;
	[tilespmem:$0x1FF40] =	vst v63  }
0x79: {  	_ =	swait.ge [sflag:s21], $0x2800  }
0x7a: {  	[sflag:s21] =	ssyncset.done $0x0  }
0x7b: {  	s6 =	simm.s32 $0x100;
	[sflag:s21] =	ssyncadd.s32 $0xFFFFD800  }
0x7c: {  	[tilespmem:s24], [sflag:$0x1] =	stream.indirect.gather [spmem:s2], $0x50, s6, s23, $0xb8;
	[tilespmem:$0x1FF40] =	vst v63  }
0x7d: {  	_ =	swait.ge [sflag:s20], $0x2800  }
0x7e: {  	[sflag:s20] =	ssyncset.done $0x0  }
0x7f: {  	s8 =	simm.s32 $0x1480;
	[sflag:s20] =	ssyncadd.s32 $0xFFFFD800  }
0x80: {  	[spmem:s3] =	stream.indirect.scatter.add.f32 [tilespmem:s25], [sflag:$0x3], $0x50, s8, s23, $0xb8;
	[tilespmem:$0x1FF40] =	vst v63  }
0x81: {  	_ =	swait.ge [sflag:s21], $0x2800  }
0x82: {  	s31 =	simm.s32 $0x100;
	s0 =	simm.s32 $0x800;
	[sflag:s21] =	ssyncset.done $0x0  }
.LBB2_4:
0x83: {  	s1 =	sadd.s32 $0x80, s31  }
0x84: {  	[sflag:s21] =	ssyncadd.s32 $0xFFFFD800;
	s6 =	smov.u32 s0;
	s8 =	sadd.s32 $0x400, s0  }
0x85: {  	[tilespmem:s25], [sflag:$0x2] =	stream.indirect.gather [spmem:s2], $0x50, s1, s23, $0xb8;
	[tilespmem:$0x1FF40] =	vst v63  }
0x86: {  	p0 =	sne.s32 s0, $0x4800;
	_ =	swait.ge [sflag:s19], $0x2800  }
0x87: {  	[sflag:s19] =	ssyncset.done $0x0  }
0x88: {  	s0 =	sadd.s32 $0x1400, s31;
	[sflag:s19] =	ssyncadd.s32 $0xFFFFD800  }
0x89: {  	[spmem:s3] =	stream.indirect.scatter.add.f32 [tilespmem:s24], [sflag:$0x3], $0x50, s0, s23, $0xb8;
	[tilespmem:$0x1FF40] =	vst v63  }
0x8a: {  	_ =	swait.ge [sflag:s21], $0x2800  }
0x8b: {  	[sflag:s21] =	ssyncset.done $0x0  }
0x8c: {  	s0 =	sadd.s32 $0x100, s31;
	[sflag:s21] =	ssyncadd.s32 $0xFFFFD800  }
0x8d: {  	[tilespmem:s24], [sflag:$0x1] =	stream.indirect.gather [spmem:s2], $0x50, s0, s23, $0xb8;
	[tilespmem:$0x1FF40] =	vst v63  }
0x8e: {  	_ =	swait.ge [sflag:s20], $0x2800  }
.Ltmp1:
0x8f: {  	[sflag:s20] =	ssyncset.done $0x0;
	(pc) =	sbr.rel @p0 .LBB2_4-.Ltmp1, $4  }
0x90: {  	s0 =	sadd.s32 $0x1480, s31;
	[sflag:s20] =	ssyncadd.s32 $0xFFFFD800  }
0x91: {  	[spmem:s3] =	stream.indirect.scatter.add.f32 [tilespmem:s25], [sflag:$0x3], $0x50, s0, s23, $0xb8;
	[tilespmem:$0x1FF40] =	vst v63  }
0x92: {  	_ =	swait.ge [sflag:s21], $0x2800  }
0x93: {  	s31 =	sshra.s32 s6, $0x2;
	s0 =	smov.u32 s8;
	[sflag:s21] =	ssyncset.done $0x0  }
0x94: {  	s0 =	sadd.s32 $0x80, s31;
	[sflag:s21] =	ssyncadd.s32 $0xFFFFD800  }
0x95: {  	[tilespmem:s25], [sflag:$0x2] =	stream.indirect.gather [spmem:s2], $0x50, s0, s23, $0xb8;
	[tilespmem:$0x1FF40] =	vst v63  }
0x96: {  	_ =	swait.ge [sflag:s19], $0x2800  }
0x97: {  	[sflag:s19] =	ssyncset.done $0x0  }
0x98: {  	s1 =	sadd.s32 $0x1400, s31;
	[sflag:s19] =	ssyncadd.s32 $0xFFFFD800  }
0x99: {  	[spmem:s3] =	stream.indirect.scatter.add.f32 [tilespmem:s24], [sflag:$0x3], $0x50, s1, s23, $0xb8;
	[tilespmem:$0x1FF40] =	vst v63  }
0x9a: {  	_ =	swait.ge [sflag:s21], $0x2800  }
0x9b: {  	[sflag:s21] =	ssyncset.done $0x0  }
0x9c: {  	s6 =	sadd.s32 $0x100, s31;
	[sflag:s21] =	ssyncadd.s32 $0xFFFFD800  }
0x9d: {  	[tilespmem:s24], [sflag:$0x1] =	stream.indirect.gather [spmem:s2], $0x50, s6, s23, $0xb8;
	[tilespmem:$0x1FF40] =	vst v63  }
0x9e: {  	_ =	swait.ge [sflag:s20], $0x2800  }
0x9f: {  	[sflag:s20] =	ssyncset.done $0x0  }
0xa0: {  	s8 =	sadd.s32 $0x1480, s31;
	[sflag:s20] =	ssyncadd.s32 $0xFFFFD800  }
0xa1: {  	[spmem:s3] =	stream.indirect.scatter.add.f32 [tilespmem:s25], [sflag:$0x3], $0x50, s8, s23, $0xb8;
	[tilespmem:$0x1FF40] =	vst v63  }
0xa2: {  	_ =	swait.ge [sflag:s21], $0x2800  }
0xa3: {  	[sflag:s21] =	ssyncset.done $0x0  }
0xa4: {  	[sflag:s21] =	ssyncadd.s32 $0xFFFFD800  }
0xa5: {  	[tilespmem:s25], [sflag:$0x2] =	stream.indirect.gather [spmem:s2], $0x50, s26, s23, $0xb8;
	[tilespmem:$0x1FF40] =	vst v63  }
0xa6: {  	_ =	swait.ge [sflag:s19], $0x2800  }
0xa7: {  	[sflag:s19] =	ssyncset.done $0x0  }
0xa8: {  	[sflag:s19] =	ssyncadd.s32 $0xFFFFD800  }
0xa9: {  	[spmem:s3] =	stream.indirect.scatter.add.f32 [tilespmem:s24], [sflag:$0x3], $0x50, s28, s23, $0xb8;
	[tilespmem:$0x1FF40] =	vst v63  }
0xaa: {  	_ =	swait.ge [sflag:s21], $0x2800  }
0xab: {  	[sflag:s21] =	ssyncset.done $0x0  }
0xac: {  	[sflag:s21] =	ssyncadd.s32 $0xFFFFD800  }
0xad: {  	_ =	swait.ge [sflag:s20], $0x2800  }
0xae: {  	[sflag:s20] =	ssyncset.done $0x0  }
0xaf: {  	[sflag:s20] =	ssyncadd.s32 $0xFFFFD800  }
0xb0: {  	[spmem:s3] =	stream.indirect.scatter.add.f32 [tilespmem:s25], [sflag:$0x3], $0x50, s29, s23, $0xb8;
	[tilespmem:$0x1FF40] =	vst v63  }
0xb1: {  	_ =	swait.ge [sflag:s21], $0x2800  }
0xb2: {  	[sflag:s21] =	ssyncset.done $0x0  }
0xb3: {  	[sflag:s21] =	ssyncadd.s32 $0xFFFFD800  }
0xb4: {  	[bflag:$0x0] =	sbarrier.arrive $0xFFFF  }
0xb5: {  	s1 =	rddreg [dreg:$0x5]  }
0xb6: {  	[hbm:s1], [sflag:s7] =	dma.local [spmem:s18], $0x1874  }
0xb7: {  	[spmem:s16], [sflag:s17] =	dma.local [hbm:s9], $0x1874  }
0xb8: {  	_ =	swait.ge [sflag:s19], $0x1874  }
0xb9: {  	[sflag:s19] =	ssyncset.done $0x0  }
0xba: {  	[sflag:s19] =	ssyncadd.s32 $0xFFFFE78C  }
0xbb: {  	[spmem:s18], [sflag:s7] =	dma.local [hbm:s5], $0x1874  }
0xbc: {  	_ =	swait.ge [sflag:s20], $0x1874  }
0xbd: {  	[sflag:s20] =	ssyncset.done $0x0  }
0xbe: {  	[sflag:s20] =	ssyncadd.s32 $0xFFFFE78C  }
0xbf: {  	_ =	swait.ge [sflag:s19], $0x1874  }
0xc0: {  	[sflag:s19] =	ssyncset.done $0x0  }
0xc1: {  	[sflag:s19] =	ssyncadd.s32 $0xFFFFE78C  }
0xc2: {  	s6 =	simm.s32 $0x0;
	[bflag:$0x0] =	sbarrier.arrive $0xFFFF  }
0xc3: {  	[tilespmem:s6], [sflag:$0x3] =	stream.linear.gather [hbm4b:s12+s6], $0x1400, $0x38;
	[tilespmem:$0x1FF40] =	vst v63  }
0xc4: {  	_ =	swait.ge [sflag:s21], $0x1400  }
0xc5: {  	[sflag:s21] =	ssyncset.done $0x0  }
0xc6: {  	[sflag:s21] =	ssyncadd.s32 $0xFFFFEC00  }
0xc7: {  	[tilespmem:s22], [sflag:$0x3] =	stream.linear.gather [hbm4b:s13+s6], $0x1400, $0x38;
	[tilespmem:$0x1FF40] =	vst v63  }
0xc8: {  	_ =	swait.ge [sflag:s21], $0x1400  }
0xc9: {  	[sflag:s21] =	ssyncset.done $0x0  }
0xca: {  	[sflag:s21] =	ssyncadd.s32 $0xFFFFEC00  }
0xcb: {  	[tilespmem:s24], [sflag:$0x1] =	stream.indirect.gather [spmem:s2], $0x50, s6, s23, $0xb8;
	[tilespmem:$0x1FF40] =	vst v63  }
0xcc: {  	s8 =	simm.s32 $0x80  }
0xcd: {  	[tilespmem:s25], [sflag:$0x2] =	stream.indirect.gather [spmem:s2], $0x50, s8, s23, $0xb8;
	[tilespmem:$0x1FF40] =	vst v63  }
0xce: {  	_ =	swait.ge [sflag:s19], $0x2800  }
0xcf: {  	[sflag:s19] =	ssyncset.done $0x0  }
0xd0: {  	s1 =	simm.s32 $0x1400;
	[sflag:s19] =	ssyncadd.s32 $0xFFFFD800  }
0xd1: {  	[spmem:s3] =	stream.indirect.scatter.add.f32 [tilespmem:s24], [sflag:$0x3], $0x50, s1, s23, $0xb8;
	[tilespmem:$0x1FF40] =	vst v63  }
0xd2: {  	_ =	swait.ge [sflag:s21], $0x2800  }
0xd3: {  	[sflag:s21] =	ssyncset.done $0x0  }
0xd4: {  	s6 =	simm.s32 $0x100;
	[sflag:s21] =	ssyncadd.s32 $0xFFFFD800  }
0xd5: {  	[tilespmem:s24], [sflag:$0x1] =	stream.indirect.gather [spmem:s2], $0x50, s6, s23, $0xb8;
	[tilespmem:$0x1FF40] =	vst v63  }
0xd6: {  	_ =	swait.ge [sflag:s20], $0x2800  }
0xd7: {  	[sflag:s20] =	ssyncset.done $0x0  }
0xd8: {  	s8 =	simm.s32 $0x1480;
	[sflag:s20] =	ssyncadd.s32 $0xFFFFD800  }
0xd9: {  	[spmem:s3] =	stream.indirect.scatter.add.f32 [tilespmem:s25], [sflag:$0x3], $0x50, s8, s23, $0xb8;
	[tilespmem:$0x1FF40] =	vst v63  }
0xda: {  	_ =	swait.ge [sflag:s21], $0x2800  }
0xdb: {  	s31 =	simm.s32 $0x100;
	s0 =	simm.s32 $0x800;
	[sflag:s21] =	ssyncset.done $0x0  }
.LBB2_6:
0xdc: {  	s1 =	sadd.s32 $0x80, s31  }
0xdd: {  	[sflag:s21] =	ssyncadd.s32 $0xFFFFD800;
	s6 =	smov.u32 s0;
	s8 =	sadd.s32 $0x400, s0  }
0xde: {  	[tilespmem:s25], [sflag:$0x2] =	stream.indirect.gather [spmem:s2], $0x50, s1, s23, $0xb8;
	[tilespmem:$0x1FF40] =	vst v63  }
0xdf: {  	p0 =	sne.s32 s0, $0x4800;
	_ =	swait.ge [sflag:s19], $0x2800  }
0xe0: {  	[sflag:s19] =	ssyncset.done $0x0  }
0xe1: {  	s0 =	sadd.s32 $0x1400, s31;
	[sflag:s19] =	ssyncadd.s32 $0xFFFFD800  }
0xe2: {  	[spmem:s3] =	stream.indirect.scatter.add.f32 [tilespmem:s24], [sflag:$0x3], $0x50, s0, s23, $0xb8;
	[tilespmem:$0x1FF40] =	vst v63  }
0xe3: {  	_ =	swait.ge [sflag:s21], $0x2800  }
0xe4: {  	[sflag:s21] =	ssyncset.done $0x0  }
0xe5: {  	s0 =	sadd.s32 $0x100, s31;
	[sflag:s21] =	ssyncadd.s32 $0xFFFFD800  }
0xe6: {  	[tilespmem:s24], [sflag:$0x1] =	stream.indirect.gather [spmem:s2], $0x50, s0, s23, $0xb8;
	[tilespmem:$0x1FF40] =	vst v63  }
0xe7: {  	_ =	swait.ge [sflag:s20], $0x2800  }
.Ltmp2:
0xe8: {  	[sflag:s20] =	ssyncset.done $0x0;
	(pc) =	sbr.rel @p0 .LBB2_6-.Ltmp2, $4  }
0xe9: {  	s0 =	sadd.s32 $0x1480, s31;
	[sflag:s20] =	ssyncadd.s32 $0xFFFFD800  }
0xea: {  	[spmem:s3] =	stream.indirect.scatter.add.f32 [tilespmem:s25], [sflag:$0x3], $0x50, s0, s23, $0xb8;
	[tilespmem:$0x1FF40] =	vst v63  }
0xeb: {  	_ =	swait.ge [sflag:s21], $0x2800  }
0xec: {  	s31 =	sshra.s32 s6, $0x2;
	s0 =	smov.u32 s8;
	[sflag:s21] =	ssyncset.done $0x0  }
0xed: {  	s0 =	sadd.s32 $0x80, s31;
	[sflag:s21] =	ssyncadd.s32 $0xFFFFD800  }
0xee: {  	[tilespmem:s25], [sflag:$0x2] =	stream.indirect.gather [spmem:s2], $0x50, s0, s23, $0xb8;
	[tilespmem:$0x1FF40] =	vst v63  }
0xef: {  	_ =	swait.ge [sflag:s19], $0x2800  }
0xf0: {  	[sflag:s19] =	ssyncset.done $0x0  }
0xf1: {  	s6 =	sadd.s32 $0x1400, s31;
	[sflag:s19] =	ssyncadd.s32 $0xFFFFD800  }
0xf2: {  	[spmem:s3] =	stream.indirect.scatter.add.f32 [tilespmem:s24], [sflag:$0x3], $0x50, s6, s23, $0xb8;
	[tilespmem:$0x1FF40] =	vst v63  }
0xf3: {  	_ =	swait.ge [sflag:s21], $0x2800  }
0xf4: {  	[sflag:s21] =	ssyncset.done $0x0  }
0xf5: {  	s8 =	sadd.s32 $0x100, s31;
	[sflag:s21] =	ssyncadd.s32 $0xFFFFD800  }
0xf6: {  	[tilespmem:s24], [sflag:$0x1] =	stream.indirect.gather [spmem:s2], $0x50, s8, s23, $0xb8;
	[tilespmem:$0x1FF40] =	vst v63  }
0xf7: {  	_ =	swait.ge [sflag:s20], $0x2800  }
0xf8: {  	[sflag:s20] =	ssyncset.done $0x0  }
0xf9: {  	s1 =	sadd.s32 $0x1480, s31;
	[sflag:s20] =	ssyncadd.s32 $0xFFFFD800  }
0xfa: {  	[spmem:s3] =	stream.indirect.scatter.add.f32 [tilespmem:s25], [sflag:$0x3], $0x50, s1, s23, $0xb8;
	[tilespmem:$0x1FF40] =	vst v63  }
0xfb: {  	_ =	swait.ge [sflag:s21], $0x2800  }
0xfc: {  	[sflag:s21] =	ssyncset.done $0x0  }
0xfd: {  	[sflag:s21] =	ssyncadd.s32 $0xFFFFD800  }
0xfe: {  	[tilespmem:s25], [sflag:$0x2] =	stream.indirect.gather [spmem:s2], $0x50, s26, s23, $0xb8;
	[tilespmem:$0x1FF40] =	vst v63  }
0xff: {  	_ =	swait.ge [sflag:s19], $0x2800  }
0x100: {  	[sflag:s19] =	ssyncset.done $0x0  }
0x101: {  	[sflag:s19] =	ssyncadd.s32 $0xFFFFD800  }
0x102: {  	[spmem:s3] =	stream.indirect.scatter.add.f32 [tilespmem:s24], [sflag:$0x3], $0x50, s28, s23, $0xb8;
	[tilespmem:$0x1FF40] =	vst v63  }
0x103: {  	_ =	swait.ge [sflag:s21], $0x2800  }
0x104: {  	[sflag:s21] =	ssyncset.done $0x0  }
0x105: {  	[sflag:s21] =	ssyncadd.s32 $0xFFFFD800  }
0x106: {  	_ =	swait.ge [sflag:s20], $0x2800  }
0x107: {  	[sflag:s20] =	ssyncset.done $0x0  }
0x108: {  	[sflag:s20] =	ssyncadd.s32 $0xFFFFD800  }
0x109: {  	[spmem:s3] =	stream.indirect.scatter.add.f32 [tilespmem:s25], [sflag:$0x3], $0x50, s29, s23, $0xb8;
	[tilespmem:$0x1FF40] =	vst v63  }
0x10a: {  	_ =	swait.ge [sflag:s21], $0x2800  }
0x10b: {  	[sflag:s21] =	ssyncset.done $0x0  }
0x10c: {  	s6 =	simm.s32 $0x0;
	[sflag:s21] =	ssyncadd.s32 $0xFFFFD800  }
0x10d: {  	[tilespmem:s6], [sflag:$0x3] =	stream.linear.gather [hbm4b:s14+s6], $0x1400, $0x38;
	[tilespmem:$0x1FF40] =	vst v63  }
0x10e: {  	_ =	swait.ge [sflag:s21], $0x1400  }
0x10f: {  	[sflag:s21] =	ssyncset.done $0x0  }
0x110: {  	[sflag:s21] =	ssyncadd.s32 $0xFFFFEC00  }
0x111: {  	[tilespmem:s22], [sflag:$0x3] =	stream.linear.gather [hbm4b:s15+s6], $0x1400, $0x38;
	[tilespmem:$0x1FF40] =	vst v63  }
0x112: {  	_ =	swait.ge [sflag:s21], $0x1400  }
0x113: {  	[sflag:s21] =	ssyncset.done $0x0  }
0x114: {  	[sflag:s21] =	ssyncadd.s32 $0xFFFFEC00  }
0x115: {  	[tilespmem:s24], [sflag:$0x1] =	stream.indirect.gather [spmem:s2], $0x50, s6, s23, $0xb8;
	[tilespmem:$0x1FF40] =	vst v63  }
0x116: {  	s8 =	simm.s32 $0x80  }
0x117: {  	[tilespmem:s25], [sflag:$0x2] =	stream.indirect.gather [spmem:s2], $0x50, s8, s23, $0xb8;
	[tilespmem:$0x1FF40] =	vst v63  }
0x118: {  	_ =	swait.ge [sflag:s19], $0x2800  }
0x119: {  	[sflag:s19] =	ssyncset.done $0x0  }
0x11a: {  	s1 =	simm.s32 $0x1400;
	[sflag:s19] =	ssyncadd.s32 $0xFFFFD800  }
0x11b: {  	[spmem:s3] =	stream.indirect.scatter.add.f32 [tilespmem:s24], [sflag:$0x3], $0x50, s1, s23, $0xb8;
	[tilespmem:$0x1FF40] =	vst v63  }
0x11c: {  	_ =	swait.ge [sflag:s21], $0x2800  }
0x11d: {  	[sflag:s21] =	ssyncset.done $0x0  }
0x11e: {  	s6 =	simm.s32 $0x100;
	[sflag:s21] =	ssyncadd.s32 $0xFFFFD800  }
0x11f: {  	[tilespmem:s24], [sflag:$0x1] =	stream.indirect.gather [spmem:s2], $0x50, s6, s23, $0xb8;
	[tilespmem:$0x1FF40] =	vst v63  }
0x120: {  	_ =	swait.ge [sflag:s20], $0x2800  }
0x121: {  	[sflag:s20] =	ssyncset.done $0x0  }
0x122: {  	s8 =	simm.s32 $0x1480;
	[sflag:s20] =	ssyncadd.s32 $0xFFFFD800  }
0x123: {  	[spmem:s3] =	stream.indirect.scatter.add.f32 [tilespmem:s25], [sflag:$0x3], $0x50, s8, s23, $0xb8;
	[tilespmem:$0x1FF40] =	vst v63  }
0x124: {  	_ =	swait.ge [sflag:s21], $0x2800  }
0x125: {  	s31 =	simm.s32 $0x100;
	s0 =	simm.s32 $0x800;
	[sflag:s21] =	ssyncset.done $0x0  }
.LBB2_8:
0x126: {  	s1 =	sadd.s32 $0x80, s31  }
0x127: {  	[sflag:s21] =	ssyncadd.s32 $0xFFFFD800;
	s6 =	smov.u32 s0;
	s8 =	sadd.s32 $0x400, s0  }
0x128: {  	[tilespmem:s25], [sflag:$0x2] =	stream.indirect.gather [spmem:s2], $0x50, s1, s23, $0xb8;
	[tilespmem:$0x1FF40] =	vst v63  }
0x129: {  	p0 =	sne.s32 s0, $0x4800;
	_ =	swait.ge [sflag:s19], $0x2800  }
0x12a: {  	[sflag:s19] =	ssyncset.done $0x0  }
0x12b: {  	s0 =	sadd.s32 $0x1400, s31;
	[sflag:s19] =	ssyncadd.s32 $0xFFFFD800  }
0x12c: {  	[spmem:s3] =	stream.indirect.scatter.add.f32 [tilespmem:s24], [sflag:$0x3], $0x50, s0, s23, $0xb8;
	[tilespmem:$0x1FF40] =	vst v63  }
0x12d: {  	_ =	swait.ge [sflag:s21], $0x2800  }
0x12e: {  	[sflag:s21] =	ssyncset.done $0x0  }
0x12f: {  	s0 =	sadd.s32 $0x100, s31;
	[sflag:s21] =	ssyncadd.s32 $0xFFFFD800  }
0x130: {  	[tilespmem:s24], [sflag:$0x1] =	stream.indirect.gather [spmem:s2], $0x50, s0, s23, $0xb8;
	[tilespmem:$0x1FF40] =	vst v63  }
0x131: {  	_ =	swait.ge [sflag:s20], $0x2800  }
.Ltmp3:
0x132: {  	[sflag:s20] =	ssyncset.done $0x0;
	(pc) =	sbr.rel @p0 .LBB2_8-.Ltmp3, $4  }
0x133: {  	s0 =	sadd.s32 $0x1480, s31;
	[sflag:s20] =	ssyncadd.s32 $0xFFFFD800  }
0x134: {  	[spmem:s3] =	stream.indirect.scatter.add.f32 [tilespmem:s25], [sflag:$0x3], $0x50, s0, s23, $0xb8;
	[tilespmem:$0x1FF40] =	vst v63  }
0x135: {  	_ =	swait.ge [sflag:s21], $0x2800  }
0x136: {  	s31 =	sshra.s32 s6, $0x2;
	s0 =	smov.u32 s8;
	[sflag:s21] =	ssyncset.done $0x0  }
0x137: {  	s0 =	sadd.s32 $0x80, s31;
	[sflag:s21] =	ssyncadd.s32 $0xFFFFD800  }
0x138: {  	[tilespmem:s25], [sflag:$0x2] =	stream.indirect.gather [spmem:s2], $0x50, s0, s23, $0xb8;
	[tilespmem:$0x1FF40] =	vst v63  }
0x139: {  	_ =	swait.ge [sflag:s19], $0x2800  }
0x13a: {  	[sflag:s19] =	ssyncset.done $0x0  }
0x13b: {  	s6 =	sadd.s32 $0x1400, s31;
	[sflag:s19] =	ssyncadd.s32 $0xFFFFD800  }
0x13c: {  	[spmem:s3] =	stream.indirect.scatter.add.f32 [tilespmem:s24], [sflag:$0x3], $0x50, s6, s23, $0xb8;
	[tilespmem:$0x1FF40] =	vst v63  }
0x13d: {  	_ =	swait.ge [sflag:s21], $0x2800  }
0x13e: {  	[sflag:s21] =	ssyncset.done $0x0  }
0x13f: {  	s8 =	sadd.s32 $0x100, s31;
	[sflag:s21] =	ssyncadd.s32 $0xFFFFD800  }
0x140: {  	[tilespmem:s24], [sflag:$0x1] =	stream.indirect.gather [spmem:s2], $0x50, s8, s23, $0xb8;
	[tilespmem:$0x1FF40] =	vst v63  }
0x141: {  	_ =	swait.ge [sflag:s20], $0x2800  }
0x142: {  	[sflag:s20] =	ssyncset.done $0x0  }
0x143: {  	s31 =	sadd.s32 $0x1480, s31;
	[sflag:s20] =	ssyncadd.s32 $0xFFFFD800  }
0x144: {  	[spmem:s3] =	stream.indirect.scatter.add.f32 [tilespmem:s25], [sflag:$0x3], $0x50, s31, s23, $0xb8;
	[tilespmem:$0x1FF40] =	vst v63  }
0x145: {  	_ =	swait.ge [sflag:s21], $0x2800  }
0x146: {  	[sflag:s21] =	ssyncset.done $0x0  }
0x147: {  	[sflag:s21] =	ssyncadd.s32 $0xFFFFD800  }
0x148: {  	[tilespmem:s25], [sflag:$0x2] =	stream.indirect.gather [spmem:s2], $0x50, s26, s23, $0xb8;
	[tilespmem:$0x1FF40] =	vst v63  }
0x149: {  	_ =	swait.ge [sflag:s19], $0x2800  }
0x14a: {  	[sflag:s19] =	ssyncset.done $0x0  }
0x14b: {  	[sflag:s19] =	ssyncadd.s32 $0xFFFFD800  }
0x14c: {  	[spmem:s3] =	stream.indirect.scatter.add.f32 [tilespmem:s24], [sflag:$0x3], $0x50, s28, s23, $0xb8;
	[tilespmem:$0x1FF40] =	vst v63  }
0x14d: {  	_ =	swait.ge [sflag:s21], $0x2800  }
0x14e: {  	[sflag:s21] =	ssyncset.done $0x0  }
0x14f: {  	[sflag:s21] =	ssyncadd.s32 $0xFFFFD800  }
0x150: {  	_ =	swait.ge [sflag:s20], $0x2800  }
0x151: {  	[sflag:s20] =	ssyncset.done $0x0  }
0x152: {  	[sflag:s20] =	ssyncadd.s32 $0xFFFFD800  }
0x153: {  	[spmem:s3] =	stream.indirect.scatter.add.f32 [tilespmem:s25], [sflag:$0x3], $0x50, s29, s23, $0xb8;
	[tilespmem:$0x1FF40] =	vst v63  }
0x154: {  	_ =	swait.ge [sflag:s21], $0x2800  }
0x155: {  	s30 =	sadd.s32 $0x1, s30;
	[sflag:s21] =	ssyncset.done $0x0  }
0x156: {  	p0 =	sne.s32 s30, s11;
	[sflag:s21] =	ssyncadd.s32 $0xFFFFD800  }
.Ltmp4:
0x157: {  	[bflag:$0x0] =	sbarrier.arrive $0xFFFF;
	(pc) =	sbr.rel @p0 .LBB2_1-.Ltmp4, $4  }
0x158: {  	[hbm:s10], [sflag:s7] =	dma.local [spmem:s18], $0x1874  }
0x159: {  	_ =	swait.ge [sflag:s19], $0x1874  }
0x15a: {  	[sflag:s19] =	ssyncset.done $0x0  }
0x15b: {  	[sflag:s19] =	ssyncadd.s32 $0xFFFFE78C  }
0x15c: {  	_ =	sfence.sel $0x180000  }
0x15d: {  	[bflag:$0x0] =	sbarrier.arrive $0xFFFF  }
0x15e: {  	_ =	strace $0x9000004A  }
0x15f: {  	s0 =	stileid.u32;
	[bflag:$0x2] =	sbarrier.arrive $0xFFFF  }
0x160: {  	p0 =	sne.s32 s0, $0x0;
	s0 =	rddreg [dreg:$0x3]  }
0x161: {  	s0 =	sadd.s32 @!p0 $0x100000, s0  }
0x162: {  	[sflag:s0] =	ssyncadd.tile.s32 @!p0 $0x1;
	_ =	shalt  }
.Lfunc_end2:
_tile_overlayer_lowered:
.L_overlay_start_2:
0x163: {  	(tag) =	ssettag $0x2  }
0x164: {  	s0 =	rddreg [dreg:$0x0];
	s2 =	stileid.u32  }
0x165: {  	s1 =	rddreg [dreg:$0x1];
	p0 =	sne.s32 s2, $0x0  }
0x166: {  	s3 =	rddreg [dreg:$0x2];
	[bflag:$0x3] =	sbarrier.arrive $0xFFFF;
	s2 =	simm.s32 @!p0 $0x1C03  }
0x167: {  	[timem:s3], [sflag:s2] =	dma.local @!p0 [hbm:s0], s1  }
0x168: {  	s0 =	simm.s32 @!p0 $0x3  }
0x169: {  	_ =	swait.ge @!p0 [sflag:s0], s1  }
0x16a: {  	s1 =	ssub.s32 @!p0 $0x0, s1;
	[sflag:s0] =	ssyncset.done @!p0 $0x0  }
0x16b: {  	[sflag:s0] =	ssyncadd.s32 @!p0 s1  }
0x16c: {  	[bflag:$0x3] =	sbarrier.arrive $0xFFFF  }
0x16d: {  	_ =	shalt  }

// kernel: kernel.17.cloned.1.call-start
scs
__scs_entry_jumppad:
0x0: {  	(pc) =	sbr.rel $0x88, $3  }
0x1: {  	(tag) =	ssettag $0x0;
	lr =	simm.s32 $0x1  }
0x2: {  	[smem:$0x3F8C] =	sst lr;
	_ =	strace $0xD0000000  }
0x3: {  	_ = 	snop  }
0x4: {  	_ = 	snop  }
0x5: {  	_ = 	snop  }
0x6: {  	_ = 	snop  }
0x7: {  	_ = 	snop  }
__scs_overlays_trampoline_lowered:
0x8: {  	[smem:$0x3F9B] =	sst s0  }
0x9: {  	[smem:$0x3F9C] =	sst s1  }
0xa: {  	[smem:$0x3F9D] =	sst s2  }
0xb: {  	[smem:$0x3F9E] =	sst s3  }
0xc: {  	[smem:$0x3F9F] =	sst s4  }
0xd: {  	[smem:$0x3FA0] =	sst s5  }
0xe: {  	[smem:$0x3FA1] =	sst s6  }
0xf: {  	[smem:$0x3FA2] =	sst s7  }
0x10: {  	[smem:$0x3FA3] =	sst s8  }
0x11: {  	[smem:$0x3FA4] =	sst s9;
	s0 =	simm.s32 @!p0 $0x0  }
0x12: {  	s1 =	sld [smem:$0x3F8A];
	s0 =	simm.s32 @p0 $0x1  }
0x13: {  	[smem:$0x3FA5] =	sst s0;
	s0 =	simm.s32 @!p1 $0x0  }
0x14: {  	s2 =	sld [smem:$0x3F89];
	s0 =	simm.s32 @p1 $0x1  }
0x15: {  	[smem:$0x3FA6] =	sst s0;
	s0 =	simm.s32 @!p2 $0x0  }
0x16: {  	s3 =	sld [smem:$0x3FDB];
	s0 =	simm.s32 @p2 $0x1  }
0x17: {  	s4 =	simm.s32 $0x1BF5;
	[smem:$0x3FA8] =	sst s0  }
0x18: {  	s0 =	sld [smem:$0x3F8B];
	_ =	swait.ge [sflag:s4], $0x0  }
0x19: {  	s7 =	sld [smem:$0x3F8C]  }
0x1a: {  	s8 =	sadd.s32 $0xFFFFE003, lr  }
0x1b: {  	s9 =	sadd.s32 $0xFFFFFEF7, lr;
	s5 =	simm.s32 $0xFFFFFFFF;
	p2 =	slt.u32 s8, $0xFFFFF086  }
0x1c: {  	p1 =	slt.u32 s9, $0xF7A;
	s5 =	simm.s32 @!p2 $0x0  }
0x1d: {  	s5 =	simm.s32 @p1 $0x1;
	p0 =	seq.s32 s7, s2  }
0x1e: {  	s7 =	smul.u32 @!p0 $0xF7A, s2;
	p2 =	seq.s32 @!p0 s5, $0x0  }
0x1f: {  	s9 =	smul.u32 $0xF7A, s1;
	s8 =	simm.s32 @!p0 $0x1BF5;
	p2 =	por !p2, p0  }
0x20: {  	[sflag:s8] =	ssyncset.s32 @!p0 $0xFFFFF086;
	s6 =	sadd.s32 @!p0 s3, s7;
	s7 =	simm.s32 @!p0 $0x108  }
0x21: {  	s3 =	sadd.s32 s3, s9;
	s6 =	sadd.s32 @!p0 $0x88, s6;
	s7 =	simm.s32 @p2 $0x1082  }
0x22: {  	[simem:s7], [sflag:s8] =	dma.local @!p0 [hbm:s6], $0xF7A  }
0x23: {  	s9 =	sor.u32 $0xD0000000, s2;
	s6 =	simm.s32 $0x108;
	_ =	swait.ge @!p0 [sflag:s8], $0x0  }
0x24: {  	s3 =	sadd.s32 $0x88, s3;
	s6 =	simm.s32 @!p1 $0x1082;
	[sflag:s4] =	ssyncset.s32 $0xFFFFF086  }
0x25: {  	[simem:s6], [sflag:s4] =	dma.local [hbm:s3], $0xF7A  }
0x26: {  	[smem:$0x3F8C] =	sst s1;
	(tag) =	ssettag s2;
	_ =	strace s9  }
0x27: {  	s1 =	sld [smem:$0x3F9C]  }
0x28: {  	s2 =	sld [smem:$0x3F9D]  }
0x29: {  	s4 =	sld [smem:$0x3F9F]  }
0x2a: {  	p0 =	seq.s32 s5, $0x0;
	s5 =	sld [smem:$0x3FA0]  }
0x2b: {  	s6 =	sld [smem:$0x3FA1]  }
0x2c: {  	s7 =	sld [smem:$0x3FA2]  }
0x2d: {  	s3 =	simm.s32 $0x108;
	s8 =	sld [smem:$0x3FA3]  }
0x2e: {  	s3 =	simm.s32 @!p0 $0x1082;
	s9 =	sld [smem:$0x3FA4]  }
0x2f: {  	lr =	sadd.s32 s0, s3;
	s0 =	sld [smem:$0x3F9B]  }
0x30: {  	s3 =	sld [smem:$0x3F9E]  }
0x31: {  	[smem:$0x3FA7] =	sst s10  }
0x32: {  	s10 =	sld [smem:$0x3FA5];
	_ =	sdelay $0x3  }
0x33: {  	p0 =	seq.s32 s10, $0x1;
	s10 =	sld [smem:$0x3FA7];
	_ =	sdelay $0x3  }
0x34: {  	[smem:$0x3FA7] =	sst s10  }
0x35: {  	s10 =	sld [smem:$0x3FA6];
	_ =	sdelay $0x3  }
0x36: {  	p1 =	seq.s32 s10, $0x1;
	s10 =	sld [smem:$0x3FA7];
	_ =	sdelay $0x3  }
0x37: {  	[smem:$0x3FA7] =	sst s10  }
0x38: {  	s10 =	sld [smem:$0x3FA8]  }
0x39: {  	_ = 	snop;
	(pc) =	sbr.ind lr, $3  }
0x3a: {  	_ = 	snop  }
0x3b: {  	_ = 	snop  }
0x3c: {  	p2 =	seq.s32 s10, $0x1;
	s10 =	sld [smem:$0x3FA7]  }
0x3d: {  	_ =	shalt  }
0x3e: {  	_ =	shalt  }
0x3f: {  	_ =	shalt  }
0x40: {  	_ =	shalt  }
0x41: {  	_ =	shalt  }
0x42: {  	_ =	shalt  }
0x43: {  	_ =	shalt  }
0x44: {  	_ =	shalt  }
0x45: {  	_ =	shalt  }
0x46: {  	_ =	shalt  }
0x47: {  	_ =	shalt  }
0x48: {  	_ =	shalt  }
0x49: {  	_ =	shalt  }
0x4a: {  	_ =	shalt  }
0x4b: {  	_ =	shalt  }
0x4c: {  	_ =	shalt  }
0x4d: {  	_ =	shalt  }
0x4e: {  	_ =	shalt  }
0x4f: {  	_ =	shalt  }
0x50: {  	_ =	shalt  }
0x51: {  	_ =	shalt  }
0x52: {  	_ =	shalt  }
0x53: {  	_ =	shalt  }
0x54: {  	_ =	shalt  }
0x55: {  	_ =	shalt  }
0x56: {  	_ =	shalt  }
0x57: {  	_ =	shalt  }
0x58: {  	_ =	shalt  }
0x59: {  	_ =	shalt  }
0x5a: {  	_ =	shalt  }
0x5b: {  	_ =	shalt  }
0x5c: {  	_ =	shalt  }
0x5d: {  	_ =	shalt  }
0x5e: {  	_ =	shalt  }
0x5f: {  	_ =	shalt  }
0x60: {  	_ =	shalt  }
0x61: {  	_ =	shalt  }
0x62: {  	_ =	shalt  }
0x63: {  	_ =	shalt  }
0x64: {  	_ =	shalt  }
0x65: {  	_ =	shalt  }
0x66: {  	_ =	shalt  }
0x67: {  	_ =	shalt  }
0x68: {  	_ =	shalt  }
0x69: {  	_ =	shalt  }
0x6a: {  	_ =	shalt  }
0x6b: {  	_ =	shalt  }
0x6c: {  	_ =	shalt  }
0x6d: {  	_ =	shalt  }
0x6e: {  	_ =	shalt  }
0x6f: {  	_ =	shalt  }
0x70: {  	_ =	shalt  }
0x71: {  	_ =	shalt  }
0x72: {  	_ =	shalt  }
0x73: {  	_ =	shalt  }
0x74: {  	_ =	shalt  }
0x75: {  	_ =	shalt  }
0x76: {  	_ =	shalt  }
0x77: {  	_ =	shalt  }
0x78: {  	_ =	shalt  }
0x79: {  	_ =	shalt  }
0x7a: {  	_ =	shalt  }
0x7b: {  	_ =	shalt  }
0x7c: {  	_ =	shalt  }
0x7d: {  	_ =	shalt  }
0x7e: {  	_ =	shalt  }
0x7f: {  	_ =	shalt  }
0x80: {  	_ =	shalt  }
0x81: {  	_ =	shalt  }
0x82: {  	_ =	shalt  }
0x83: {  	_ =	shalt  }
0x84: {  	_ =	shalt  }
0x85: {  	_ =	shalt  }
0x86: {  	_ =	shalt  }
0x87: {  	_ =	shalt  }
.Lfunc_end0:
.L_simem_size_0:
called_computation.2_lowered:
.L_overlay_start_0:
0x88: {  	s2 =	sld [smem:$0x3FD9]  }
0x89: {  	s3 =	sld [smem:$0x3FFE];
	_ =	sdelay $0x1  }
0x8a: {  	s1 =	srdreg.scid  }
0x8b: {  	s0 =	sand.u32 $0x1, s1  }
0x8c: {  	s16 =	sshll.u32 s0, $0xA;
	s2 =	sadd.s32 s3, s2  }
0x8d: {  	s2 =	sadd.s32 s2, s16  }
0x8e: {  	[smem:$0x3FB3] =	sst s2  }
0x8f: {  	_ = 	snop  }
0x90: {  	(tm) =	ssettm $0x1  }
0x91: {  	s17 =	sld [smem:$0x3FFB];
	_ =	sdelay $0x3  }
0x92: {  	_ =	strace s17  }
0x93: {  	s2 =	sld [smem:$0x3FFC];
	_ =	sdelay $0x3  }
0x94: {  	_ =	strace s2  }
0x95: {  	s2 =	sld [smem:$0x3FFD];
	_ =	sdelay $0x3  }
0x96: {  	_ =	strace s2  }
0x97: {  	_ =	strace $0x8FFFFFFF  }
0x98: {  	s18 =	sld [smem:$0x3FDB];
	_ =	sdelay $0x1  }
0x99: {  	s19 =	simm.s32 $_scs_section_size  }
0x9a: {  	s4 =	simm.s32 $_size__tile_overlayer_lowered;
	s5 =	simm.s32 $_tile_overlayer_lowered  }
0x9b: {  	s22 =	simm.s32 $0x1BFF;
	s21 =	sshll.u32 s5, $0x1;
	s2 =	sadd.s32 s19, s18  }
0x9c: {  	s6 =	simm.s32 $0x0;
	s20 =	sshll.u32 s4, $0x1;
	s4 =	sadd.s32 s21, s2  }
0x9d: {  	[timem:s6], [sflag:s22] =	dma.local [hbm:s4], s20  }
0x9e: {  	_ =	swait.ge [sflag:s22], s20  }
0x9f: {  	s3 =	ssub.s32 $0x0, s20;
	[sflag:s22] =	ssyncset.done $0x0  }
0xa0: {  	[sflag:s22] =	ssyncadd.s32 s3;
	_ =	sdelay $0x1  }
0xa1: {  	s23 =	simm.s32 $0x1B8B  }
0xa2: {  	_ =	swait.ge [sflag:s23], $0x1  }
0xa3: {  	[sflag:s23] =	ssyncset.done $0x0  }
0xa4: {  	s25 =	simm.s32 $0x1B8E;
	s24 =	sld [smem:$0x3FFE];
	[sflag:s23] =	ssyncadd.s32 $0xFFFFFFFF  }
0xa5: {  	s26 =	simm.s32 $execute0_lowered;
	[smem:$0x3FD2] =	sst s25  }
0xa6: {  	s4 =	sshll.u32 s26, $0x1;
	_ =	strace $0x8000004C;
	[dreg:$0x1] =	wrdreg $0xFFFFFFFF  }
0xa7: {  	s28 =	simm.s32 $_size_execute0_lowered;
	s2 =	sadd.s32 s2, s4;
	[dreg:$0x0] =	wrdreg $0x0  }
0xa8: {  	s4 =	sshll.u32 s28, $0x1;
	[dreg:$0x2] =	wrdreg s2  }
0xa9: {  	[dreg:$0x3] =	wrdreg s4  }
0xaa: {  	[dreg:$0x4] =	wrdreg $0xC0  }
0xab: {  	_ =	task [dreg:s6], $0x5FFFF  }
0xac: {  	[dreg:$0x1] =	wrdreg $0xFFFFFFFF  }
0xad: {  	[dreg:$0x0] =	wrdreg $0x60  }
0xae: {  	[dreg:$0x2] =	wrdreg s24  }
0xaf: {  	[dreg:$0x3] =	wrdreg $0x78000  }
0xb0: {  	[dreg:$0x4] =	wrdreg $0x13BA00  }
0xb1: {  	[dreg:$0x5] =	wrdreg $0x9  }
0xb2: {  	_ =	task.clear_ibuf [dreg:s6], $0x6FFFF;
	_ =	strace $0x9000004C  }
0xb3: {  	s29 =	simm.s32 $0x9;
	_ =	strace $0x8000004E  }
0xb4: {  	_ =	swait.ge [sflag:s29], $0x1  }
0xb5: {  	[sflag:s29] =	ssyncadd.s32 $0xFFFFFFFF  }
0xb6: {  	_ =	strace $0x9000004E  }
0xb7: {  	_ =	sfence  }
0xb8: {  	s30 =	sld [smem:$0x0];
	_ =	sdelay $0x2  }
0xb9: {  	s31 =	sshll.u32 s1, $0xD;
	s1 =	sshrl.u32 s1, $0x2  }
0xba: {  	s3 =	sand.u32 $0x4000, s31;
	s1 =	sadd.s32 s1, s30  }
0xbb: {  	s0 =	sor.u32 s3, s0;
	s1 =	sshll.u32 s1, $0x11  }
0xbc: {  	s0 =	sor.u32 s1, s0  }
0xbd: {  	s0 =	sadd.s32 $0x8F2B, s0  }
0xbe: {  	[sflag:s0] =	ssyncadd.remote.s32 $0x1  }
0xbf: {  	_ =	sfence.sel $0xFFFF  }
0xc0: {  	[dreg:$0x0] =	wrdreg $0xFFFFFFFF;
	(pc) =	sbr.abs _section_cstart, $3  }
0xc1: {  	[dreg:$0x1] =	wrdreg $0xFFFFFFFF  }
0xc2: {  	_ =	task.clear_ibuf [dreg:s6], $0x2FFFF;
	_ =	strace $0x9FFFFFFF  }
0xc3: {  	(tm) =	ssettm $0x7FFFFFFF  }
tec
execute0_lowered:
.L_overlay_start_1:
0x0: {  	(tag) =	ssettag $0x1  }
0x1: {  	s0 =	rddreg [dreg:$0x0]  }
0x2: {  	s2 =	rddreg [dreg:$0x1]  }
0x3: {  	s3 =	rddreg [dreg:$0x2]  }
0x4: {  	s1 =	stileid.u32;
	s5 =	srdreg.scid  }
0x5: {  	s4 =	simm.s32 $0x0;
	s19 =	simm.s32 $0x1;
	s20 =	simm.s32 $0x2  }
0x6: {  	s28 =	simm.s32 $0x2700;
	s29 =	simm.s32 $0x2780;
	s30 =	simm.s32 $0x0  }
0x7: {  	s8 =	smul.u32 $0xC3A0, s1;
	s6 =	sand.u32 $0x1, s5;
	[smem:$0x7FF] =	sst s4  }
0x8: {  	s14 =	sadd.s32 $0x5C000, s0;
	s15 =	sadd.s32 $0x66000, s0;
	s23 =	sshll.u32 s1, $0x1  }
0x9: {  	s17 =	sshll.u32 s1, $0x6;
	s5 =	smul.u32 $0x187400, s6;
	_ =	strace $0x8000004D  }
0xa: {  	s10 =	ssub.s32 $0x2, s6;
	s6 =	sshll.u32 s6, $0x5;
	s7 =	sshrl.u32 s8, $0x3  }
0xb: {  	s22 =	sshrl.u32 s10, $0x1;
	s16 =	sadd.s32 s8, s2;
	s24 =	sor.u32 s23, s6  }
0xc: {  	s18 =	sadd.s32 s8, s3;
	s23 =	simm.s32 $0x80;
	s9 =	sadd.s32 s7, s0  }
0xd: {  	s5 =	sadd.s32 s8, s5;
	s11 =	ssub.s32 s10, s22;
	s7 =	sor.u32 $0x1C01, s17  }
0xe: {  	s13 =	smul.u32 $0x280, s24;
	s16 =	sshrl.u32 s16, $0x3;
	s17 =	sor.u32 $0x1C02, s17  }
0xf: {  	s18 =	sshrl.u32 s18, $0x3;
	s22 =	simm.s32 $0x1400;
	s24 =	simm.s32 $0x2800  }
0x10: {  	s21 =	sshrl.u32 s5, $0x3;
	s5 =	sadd.s32 $0x84000, s0;
	s25 =	sadd.s32 $0x2B000, s9  }
0x11: {  	s9 =	sadd.s32 $0x43740, s9;
	s11 =	smax.u32 s11, $0x1;
	s0 =	sadd.s32 s21, s0  }
0x12: {  	[dreg:$0x4] =	wrdreg s25;
	s31 =	sadd.s32 $0x280, s13;
	s12 =	sadd.s32 s14, s13  }
0x13: {  	s13 =	sadd.s32 s15, s13;
	s21 =	simm.s32 $0x3;
	s25 =	simm.s32 $0x5000  }
0x14: {  	s26 =	sadd.s32 $0x85A00, s0;
	s10 =	sadd.s32 $0x9E140, s0;
	s14 =	sadd.s32 s14, s31  }
0x15: {  	s15 =	sadd.s32 s15, s31;
	[dreg:$0x5] =	wrdreg s26;
	s26 =	simm.s32 $0x1380  }
.LBB2_1:
0x16: {  	s0 =	rddreg [dreg:$0x4]  }
0x17: {  	[spmem:s16], [sflag:s7] =	dma.local [hbm:s0], $0x1874  }
0x18: {  	[spmem:s18], [sflag:s17] =	dma.local [hbm:s5], $0x1874  }
0x19: {  	_ =	swait.ge [sflag:s19], $0x1874  }
0x1a: {  	[sflag:s19] =	ssyncset.done $0x0  }
0x1b: {  	[sflag:s19] =	ssyncadd.s32 $0xFFFFE78C  }
0x1c: {  	_ =	swait.ge [sflag:s20], $0x1874  }
0x1d: {  	[sflag:s20] =	ssyncset.done $0x0  }
0x1e: {  	[sflag:s20] =	ssyncadd.s32 $0xFFFFE78C  }
0x1f: {  	[bflag:$0x0] =	sbarrier.arrive $0xFFFF  }
0x20: {  	[tilespmem:s4], [sflag:$0x3] =	stream.linear.gather [hbm4b:s12+s4], $0x1400, $0x38;
	[tilespmem:$0x1FF40] =	vst v63  }
0x21: {  	_ =	swait.ge [sflag:s21], $0x1400  }
0x22: {  	[sflag:s21] =	ssyncset.done $0x0  }
0x23: {  	[sflag:s21] =	ssyncadd.s32 $0xFFFFEC00  }
0x24: {  	[tilespmem:s22], [sflag:$0x3] =	stream.linear.gather [hbm4b:s13+s4], $0x1400, $0x38;
	[tilespmem:$0x1FF40] =	vst v63  }
0x25: {  	_ =	swait.ge [sflag:s21], $0x1400  }
0x26: {  	[sflag:s21] =	ssyncset.done $0x0  }
0x27: {  	[sflag:s21] =	ssyncadd.s32 $0xFFFFEC00  }
0x28: {  	[tilespmem:s24], [sflag:$0x1] =	stream.indirect.gather [spmem:s2], $0x50, s4, s23, $0xb8;
	[tilespmem:$0x1FF40] =	vst v63  }
0x29: {  	s8 =	simm.s32 $0x80  }
0x2a: {  	[tilespmem:s25], [sflag:$0x2] =	stream.indirect.gather [spmem:s2], $0x50, s8, s23, $0xb8;
	[tilespmem:$0x1FF40] =	vst v63  }
0x2b: {  	_ =	swait.ge [sflag:s19], $0x2800  }
0x2c: {  	[sflag:s19] =	ssyncset.done $0x0  }
0x2d: {  	s1 =	simm.s32 $0x1400;
	[sflag:s19] =	ssyncadd.s32 $0xFFFFD800  }
0x2e: {  	[spmem:s3] =	stream.indirect.scatter.add.f32 [tilespmem:s24], [sflag:$0x3], $0x50, s1, s23, $0xb8;
	[tilespmem:$0x1FF40] =	vst v63  }
0x2f: {  	_ =	swait.ge [sflag:s21], $0x2800  }
0x30: {  	[sflag:s21] =	ssyncset.done $0x0  }
0x31: {  	s6 =	simm.s32 $0x100;
	[sflag:s21] =	ssyncadd.s32 $0xFFFFD800  }
0x32: {  	[tilespmem:s24], [sflag:$0x1] =	stream.indirect.gather [spmem:s2], $0x50, s6, s23, $0xb8;
	[tilespmem:$0x1FF40] =	vst v63  }
0x33: {  	_ =	swait.ge [sflag:s20], $0x2800  }
0x34: {  	[sflag:s20] =	ssyncset.done $0x0  }
0x35: {  	s8 =	simm.s32 $0x1480;
	[sflag:s20] =	ssyncadd.s32 $0xFFFFD800  }
0x36: {  	[spmem:s3] =	stream.indirect.scatter.add.f32 [tilespmem:s25], [sflag:$0x3], $0x50, s8, s23, $0xb8;
	[tilespmem:$0x1FF40] =	vst v63  }
0x37: {  	_ =	swait.ge [sflag:s21], $0x2800  }
0x38: {  	s31 =	simm.s32 $0x100;
	s0 =	simm.s32 $0x800;
	[sflag:s21] =	ssyncset.done $0x0  }
.LBB2_2:
0x39: {  	s1 =	sadd.s32 $0x80, s31  }
0x3a: {  	[sflag:s21] =	ssyncadd.s32 $0xFFFFD800;
	s6 =	smov.u32 s0;
	s8 =	sadd.s32 $0x400, s0  }
0x3b: {  	[tilespmem:s25], [sflag:$0x2] =	stream.indirect.gather [spmem:s2], $0x50, s1, s23, $0xb8;
	[tilespmem:$0x1FF40] =	vst v63  }
0x3c: {  	p0 =	sne.s32 s0, $0x4800;
	_ =	swait.ge [sflag:s19], $0x2800  }
0x3d: {  	[sflag:s19] =	ssyncset.done $0x0  }
0x3e: {  	s0 =	sadd.s32 $0x1400, s31;
	[sflag:s19] =	ssyncadd.s32 $0xFFFFD800  }
0x3f: {  	[spmem:s3] =	stream.indirect.scatter.add.f32 [tilespmem:s24], [sflag:$0x3], $0x50, s0, s23, $0xb8;
	[tilespmem:$0x1FF40] =	vst v63  }
0x40: {  	_ =	swait.ge [sflag:s21], $0x2800  }
0x41: {  	[sflag:s21] =	ssyncset.done $0x0  }
0x42: {  	s0 =	sadd.s32 $0x100, s31;
	[sflag:s21] =	ssyncadd.s32 $0xFFFFD800  }
0x43: {  	[tilespmem:s24], [sflag:$0x1] =	stream.indirect.gather [spmem:s2], $0x50, s0, s23, $0xb8;
	[tilespmem:$0x1FF40] =	vst v63  }
0x44: {  	_ =	swait.ge [sflag:s20], $0x2800  }
.Ltmp0:
0x45: {  	[sflag:s20] =	ssyncset.done $0x0;
	(pc) =	sbr.rel @p0 .LBB2_2-.Ltmp0, $4  }
0x46: {  	s0 =	sadd.s32 $0x1480, s31;
	[sflag:s20] =	ssyncadd.s32 $0xFFFFD800  }
0x47: {  	[spmem:s3] =	stream.indirect.scatter.add.f32 [tilespmem:s25], [sflag:$0x3], $0x50, s0, s23, $0xb8;
	[tilespmem:$0x1FF40] =	vst v63  }
0x48: {  	_ =	swait.ge [sflag:s21], $0x2800  }
0x49: {  	s31 =	sshra.s32 s6, $0x2;
	s0 =	smov.u32 s8;
	[sflag:s21] =	ssyncset.done $0x0  }
0x4a: {  	s0 =	sadd.s32 $0x80, s31;
	[sflag:s21] =	ssyncadd.s32 $0xFFFFD800  }
0x4b: {  	[tilespmem:s25], [sflag:$0x2] =	stream.indirect.gather [spmem:s2], $0x50, s0, s23, $0xb8;
	[tilespmem:$0x1FF40] =	vst v63  }
0x4c: {  	_ =	swait.ge [sflag:s19], $0x2800  }
0x4d: {  	[sflag:s19] =	ssyncset.done $0x0  }
0x4e: {  	s6 =	sadd.s32 $0x1400, s31;
	[sflag:s19] =	ssyncadd.s32 $0xFFFFD800  }
0x4f: {  	[spmem:s3] =	stream.indirect.scatter.add.f32 [tilespmem:s24], [sflag:$0x3], $0x50, s6, s23, $0xb8;
	[tilespmem:$0x1FF40] =	vst v63  }
0x50: {  	_ =	swait.ge [sflag:s21], $0x2800  }
0x51: {  	[sflag:s21] =	ssyncset.done $0x0  }
0x52: {  	s8 =	sadd.s32 $0x100, s31;
	[sflag:s21] =	ssyncadd.s32 $0xFFFFD800  }
0x53: {  	[tilespmem:s24], [sflag:$0x1] =	stream.indirect.gather [spmem:s2], $0x50, s8, s23, $0xb8;
	[tilespmem:$0x1FF40] =	vst v63  }
0x54: {  	_ =	swait.ge [sflag:s20], $0x2800  }
0x55: {  	[sflag:s20] =	ssyncset.done $0x0  }
0x56: {  	s1 =	sadd.s32 $0x1480, s31;
	[sflag:s20] =	ssyncadd.s32 $0xFFFFD800  }
0x57: {  	[spmem:s3] =	stream.indirect.scatter.add.f32 [tilespmem:s25], [sflag:$0x3], $0x50, s1, s23, $0xb8;
	[tilespmem:$0x1FF40] =	vst v63  }
0x58: {  	_ =	swait.ge [sflag:s21], $0x2800  }
0x59: {  	[sflag:s21] =	ssyncset.done $0x0  }
0x5a: {  	[sflag:s21] =	ssyncadd.s32 $0xFFFFD800  }
0x5b: {  	[tilespmem:s25], [sflag:$0x2] =	stream.indirect.gather [spmem:s2], $0x50, s26, s23, $0xb8;
	[tilespmem:$0x1FF40] =	vst v63  }
0x5c: {  	_ =	swait.ge [sflag:s19], $0x2800  }
0x5d: {  	[sflag:s19] =	ssyncset.done $0x0  }
0x5e: {  	[sflag:s19] =	ssyncadd.s32 $0xFFFFD800  }
0x5f: {  	[spmem:s3] =	stream.indirect.scatter.add.f32 [tilespmem:s24], [sflag:$0x3], $0x50, s28, s23, $0xb8;
	[tilespmem:$0x1FF40] =	vst v63  }
0x60: {  	_ =	swait.ge [sflag:s21], $0x2800  }
0x61: {  	[sflag:s21] =	ssyncset.done $0x0  }
0x62: {  	[sflag:s21] =	ssyncadd.s32 $0xFFFFD800  }
0x63: {  	_ =	swait.ge [sflag:s20], $0x2800  }
0x64: {  	[sflag:s20] =	ssyncset.done $0x0  }
0x65: {  	[sflag:s20] =	ssyncadd.s32 $0xFFFFD800  }
0x66: {  	[spmem:s3] =	stream.indirect.scatter.add.f32 [tilespmem:s25], [sflag:$0x3], $0x50, s29, s23, $0xb8;
	[tilespmem:$0x1FF40] =	vst v63  }
0x67: {  	_ =	swait.ge [sflag:s21], $0x2800  }
0x68: {  	[sflag:s21] =	ssyncset.done $0x0  }
0x69: {  	s6 =	simm.s32 $0x0;
	[sflag:s21] =	ssyncadd.s32 $0xFFFFD800  }
0x6a: {  	[tilespmem:s6], [sflag:$0x3] =	stream.linear.gather [hbm4b:s14+s6], $0x1400, $0x38;
	[tilespmem:$0x1FF40] =	vst v63  }
0x6b: {  	_ =	swait.ge [sflag:s21], $0x1400  }
0x6c: {  	[sflag:s21] =	ssyncset.done $0x0  }
0x6d: {  	[sflag:s21] =	ssyncadd.s32 $0xFFFFEC00  }
0x6e: {  	[tilespmem:s22], [sflag:$0x3] =	stream.linear.gather [hbm4b:s15+s6], $0x1400, $0x38;
	[tilespmem:$0x1FF40] =	vst v63  }
0x6f: {  	_ =	swait.ge [sflag:s21], $0x1400  }
0x70: {  	[sflag:s21] =	ssyncset.done $0x0  }
0x71: {  	[sflag:s21] =	ssyncadd.s32 $0xFFFFEC00  }
0x72: {  	[tilespmem:s24], [sflag:$0x1] =	stream.indirect.gather [spmem:s2], $0x50, s6, s23, $0xb8;
	[tilespmem:$0x1FF40] =	vst v63  }
0x73: {  	s8 =	simm.s32 $0x80  }
0x74: {  	[tilespmem:s25], [sflag:$0x2] =	stream.indirect.gather [spmem:s2], $0x50, s8, s23, $0xb8;
	[tilespmem:$0x1FF40] =	vst v63  }
0x75: {  	_ =	swait.ge [sflag:s19], $0x2800  }
0x76: {  	[sflag:s19] =	ssyncset.done $0x0  }
0x77: {  	s1 =	simm.s32 $0x1400;
	[sflag:s19] =	ssyncadd.s32 $0xFFFFD800  }
0x78: {  	[spmem:s3] =	stream.indirect.scatter.add.f32 [tilespmem:s24], [sflag:$0x3], $0x50, s1, s23, $0xb8;
	[tilespmem:$0x1FF40] =	vst v63  }
0x79: {  	_ =	swait.ge [sflag:s21], $0x2800  }
0x7a: {  	[sflag:s21] =	ssyncset.done $0x0  }
0x7b: {  	s6 =	simm.s32 $0x100;
	[sflag:s21] =	ssyncadd.s32 $0xFFFFD800  }
0x7c: {  	[tilespmem:s24], [sflag:$0x1] =	stream.indirect.gather [spmem:s2], $0x50, s6, s23, $0xb8;
	[tilespmem:$0x1FF40] =	vst v63  }
0x7d: {  	_ =	swait.ge [sflag:s20], $0x2800  }
0x7e: {  	[sflag:s20] =	ssyncset.done $0x0  }
0x7f: {  	s8 =	simm.s32 $0x1480;
	[sflag:s20] =	ssyncadd.s32 $0xFFFFD800  }
0x80: {  	[spmem:s3] =	stream.indirect.scatter.add.f32 [tilespmem:s25], [sflag:$0x3], $0x50, s8, s23, $0xb8;
	[tilespmem:$0x1FF40] =	vst v63  }
0x81: {  	_ =	swait.ge [sflag:s21], $0x2800  }
0x82: {  	s31 =	simm.s32 $0x100;
	s0 =	simm.s32 $0x800;
	[sflag:s21] =	ssyncset.done $0x0  }
.LBB2_4:
0x83: {  	s1 =	sadd.s32 $0x80, s31  }
0x84: {  	[sflag:s21] =	ssyncadd.s32 $0xFFFFD800;
	s6 =	smov.u32 s0;
	s8 =	sadd.s32 $0x400, s0  }
0x85: {  	[tilespmem:s25], [sflag:$0x2] =	stream.indirect.gather [spmem:s2], $0x50, s1, s23, $0xb8;
	[tilespmem:$0x1FF40] =	vst v63  }
0x86: {  	p0 =	sne.s32 s0, $0x4800;
	_ =	swait.ge [sflag:s19], $0x2800  }
0x87: {  	[sflag:s19] =	ssyncset.done $0x0  }
0x88: {  	s0 =	sadd.s32 $0x1400, s31;
	[sflag:s19] =	ssyncadd.s32 $0xFFFFD800  }
0x89: {  	[spmem:s3] =	stream.indirect.scatter.add.f32 [tilespmem:s24], [sflag:$0x3], $0x50, s0, s23, $0xb8;
	[tilespmem:$0x1FF40] =	vst v63  }
0x8a: {  	_ =	swait.ge [sflag:s21], $0x2800  }
0x8b: {  	[sflag:s21] =	ssyncset.done $0x0  }
0x8c: {  	s0 =	sadd.s32 $0x100, s31;
	[sflag:s21] =	ssyncadd.s32 $0xFFFFD800  }
0x8d: {  	[tilespmem:s24], [sflag:$0x1] =	stream.indirect.gather [spmem:s2], $0x50, s0, s23, $0xb8;
	[tilespmem:$0x1FF40] =	vst v63  }
0x8e: {  	_ =	swait.ge [sflag:s20], $0x2800  }
.Ltmp1:
0x8f: {  	[sflag:s20] =	ssyncset.done $0x0;
	(pc) =	sbr.rel @p0 .LBB2_4-.Ltmp1, $4  }
0x90: {  	s0 =	sadd.s32 $0x1480, s31;
	[sflag:s20] =	ssyncadd.s32 $0xFFFFD800  }
0x91: {  	[spmem:s3] =	stream.indirect.scatter.add.f32 [tilespmem:s25], [sflag:$0x3], $0x50, s0, s23, $0xb8;
	[tilespmem:$0x1FF40] =	vst v63  }
0x92: {  	_ =	swait.ge [sflag:s21], $0x2800  }
0x93: {  	s31 =	sshra.s32 s6, $0x2;
	s0 =	smov.u32 s8;
	[sflag:s21] =	ssyncset.done $0x0  }
0x94: {  	s0 =	sadd.s32 $0x80, s31;
	[sflag:s21] =	ssyncadd.s32 $0xFFFFD800  }
0x95: {  	[tilespmem:s25], [sflag:$0x2] =	stream.indirect.gather [spmem:s2], $0x50, s0, s23, $0xb8;
	[tilespmem:$0x1FF40] =	vst v63  }
0x96: {  	_ =	swait.ge [sflag:s19], $0x2800  }
0x97: {  	[sflag:s19] =	ssyncset.done $0x0  }
0x98: {  	s1 =	sadd.s32 $0x1400, s31;
	[sflag:s19] =	ssyncadd.s32 $0xFFFFD800  }
0x99: {  	[spmem:s3] =	stream.indirect.scatter.add.f32 [tilespmem:s24], [sflag:$0x3], $0x50, s1, s23, $0xb8;
	[tilespmem:$0x1FF40] =	vst v63  }
0x9a: {  	_ =	swait.ge [sflag:s21], $0x2800  }
0x9b: {  	[sflag:s21] =	ssyncset.done $0x0  }
0x9c: {  	s6 =	sadd.s32 $0x100, s31;
	[sflag:s21] =	ssyncadd.s32 $0xFFFFD800  }
0x9d: {  	[tilespmem:s24], [sflag:$0x1] =	stream.indirect.gather [spmem:s2], $0x50, s6, s23, $0xb8;
	[tilespmem:$0x1FF40] =	vst v63  }
0x9e: {  	_ =	swait.ge [sflag:s20], $0x2800  }
0x9f: {  	[sflag:s20] =	ssyncset.done $0x0  }
0xa0: {  	s8 =	sadd.s32 $0x1480, s31;
	[sflag:s20] =	ssyncadd.s32 $0xFFFFD800  }
0xa1: {  	[spmem:s3] =	stream.indirect.scatter.add.f32 [tilespmem:s25], [sflag:$0x3], $0x50, s8, s23, $0xb8;
	[tilespmem:$0x1FF40] =	vst v63  }
0xa2: {  	_ =	swait.ge [sflag:s21], $0x2800  }
0xa3: {  	[sflag:s21] =	ssyncset.done $0x0  }
0xa4: {  	[sflag:s21] =	ssyncadd.s32 $0xFFFFD800  }
0xa5: {  	[tilespmem:s25], [sflag:$0x2] =	stream.indirect.gather [spmem:s2], $0x50, s26, s23, $0xb8;
	[tilespmem:$0x1FF40] =	vst v63  }
0xa6: {  	_ =	swait.ge [sflag:s19], $0x2800  }
0xa7: {  	[sflag:s19] =	ssyncset.done $0x0  }
0xa8: {  	[sflag:s19] =	ssyncadd.s32 $0xFFFFD800  }
0xa9: {  	[spmem:s3] =	stream.indirect.scatter.add.f32 [tilespmem:s24], [sflag:$0x3], $0x50, s28, s23, $0xb8;
	[tilespmem:$0x1FF40] =	vst v63  }
0xaa: {  	_ =	swait.ge [sflag:s21], $0x2800  }
0xab: {  	[sflag:s21] =	ssyncset.done $0x0  }
0xac: {  	[sflag:s21] =	ssyncadd.s32 $0xFFFFD800  }
0xad: {  	_ =	swait.ge [sflag:s20], $0x2800  }
0xae: {  	[sflag:s20] =	ssyncset.done $0x0  }
0xaf: {  	[sflag:s20] =	ssyncadd.s32 $0xFFFFD800  }
0xb0: {  	[spmem:s3] =	stream.indirect.scatter.add.f32 [tilespmem:s25], [sflag:$0x3], $0x50, s29, s23, $0xb8;
	[tilespmem:$0x1FF40] =	vst v63  }
0xb1: {  	_ =	swait.ge [sflag:s21], $0x2800  }
0xb2: {  	[sflag:s21] =	ssyncset.done $0x0  }
0xb3: {  	[sflag:s21] =	ssyncadd.s32 $0xFFFFD800  }
0xb4: {  	[bflag:$0x0] =	sbarrier.arrive $0xFFFF  }
0xb5: {  	s1 =	rddreg [dreg:$0x5]  }
0xb6: {  	[hbm:s1], [sflag:s7] =	dma.local [spmem:s18], $0x1874  }
0xb7: {  	[spmem:s16], [sflag:s17] =	dma.local [hbm:s9], $0x1874  }
0xb8: {  	_ =	swait.ge [sflag:s19], $0x1874  }
0xb9: {  	[sflag:s19] =	ssyncset.done $0x0  }
0xba: {  	[sflag:s19] =	ssyncadd.s32 $0xFFFFE78C  }
0xbb: {  	[spmem:s18], [sflag:s7] =	dma.local [hbm:s5], $0x1874  }
0xbc: {  	_ =	swait.ge [sflag:s20], $0x1874  }
0xbd: {  	[sflag:s20] =	ssyncset.done $0x0  }
0xbe: {  	[sflag:s20] =	ssyncadd.s32 $0xFFFFE78C  }
0xbf: {  	_ =	swait.ge [sflag:s19], $0x1874  }
0xc0: {  	[sflag:s19] =	ssyncset.done $0x0  }
0xc1: {  	[sflag:s19] =	ssyncadd.s32 $0xFFFFE78C  }
0xc2: {  	s6 =	simm.s32 $0x0;
	[bflag:$0x0] =	sbarrier.arrive $0xFFFF  }
0xc3: {  	[tilespmem:s6], [sflag:$0x3] =	stream.linear.gather [hbm4b:s12+s6], $0x1400, $0x38;
	[tilespmem:$0x1FF40] =	vst v63  }
0xc4: {  	_ =	swait.ge [sflag:s21], $0x1400  }
0xc5: {  	[sflag:s21] =	ssyncset.done $0x0  }
0xc6: {  	[sflag:s21] =	ssyncadd.s32 $0xFFFFEC00  }
0xc7: {  	[tilespmem:s22], [sflag:$0x3] =	stream.linear.gather [hbm4b:s13+s6], $0x1400, $0x38;
	[tilespmem:$0x1FF40] =	vst v63  }
0xc8: {  	_ =	swait.ge [sflag:s21], $0x1400  }
0xc9: {  	[sflag:s21] =	ssyncset.done $0x0  }
0xca: {  	[sflag:s21] =	ssyncadd.s32 $0xFFFFEC00  }
0xcb: {  	[tilespmem:s24], [sflag:$0x1] =	stream.indirect.gather [spmem:s2], $0x50, s6, s23, $0xb8;
	[tilespmem:$0x1FF40] =	vst v63  }
0xcc: {  	s8 =	simm.s32 $0x80  }
0xcd: {  	[tilespmem:s25], [sflag:$0x2] =	stream.indirect.gather [spmem:s2], $0x50, s8, s23, $0xb8;
	[tilespmem:$0x1FF40] =	vst v63  }
0xce: {  	_ =	swait.ge [sflag:s19], $0x2800  }
0xcf: {  	[sflag:s19] =	ssyncset.done $0x0  }
0xd0: {  	s1 =	simm.s32 $0x1400;
	[sflag:s19] =	ssyncadd.s32 $0xFFFFD800  }
0xd1: {  	[spmem:s3] =	stream.indirect.scatter.add.f32 [tilespmem:s24], [sflag:$0x3], $0x50, s1, s23, $0xb8;
	[tilespmem:$0x1FF40] =	vst v63  }
0xd2: {  	_ =	swait.ge [sflag:s21], $0x2800  }
0xd3: {  	[sflag:s21] =	ssyncset.done $0x0  }
0xd4: {  	s6 =	simm.s32 $0x100;
	[sflag:s21] =	ssyncadd.s32 $0xFFFFD800  }
0xd5: {  	[tilespmem:s24], [sflag:$0x1] =	stream.indirect.gather [spmem:s2], $0x50, s6, s23, $0xb8;
	[tilespmem:$0x1FF40] =	vst v63  }
0xd6: {  	_ =	swait.ge [sflag:s20], $0x2800  }
0xd7: {  	[sflag:s20] =	ssyncset.done $0x0  }
0xd8: {  	s8 =	simm.s32 $0x1480;
	[sflag:s20] =	ssyncadd.s32 $0xFFFFD800  }
0xd9: {  	[spmem:s3] =	stream.indirect.scatter.add.f32 [tilespmem:s25], [sflag:$0x3], $0x50, s8, s23, $0xb8;
	[tilespmem:$0x1FF40] =	vst v63  }
0xda: {  	_ =	swait.ge [sflag:s21], $0x2800  }
0xdb: {  	s31 =	simm.s32 $0x100;
	s0 =	simm.s32 $0x800;
	[sflag:s21] =	ssyncset.done $0x0  }
.LBB2_6:
0xdc: {  	s1 =	sadd.s32 $0x80, s31  }
0xdd: {  	[sflag:s21] =	ssyncadd.s32 $0xFFFFD800;
	s6 =	smov.u32 s0;
	s8 =	sadd.s32 $0x400, s0  }
0xde: {  	[tilespmem:s25], [sflag:$0x2] =	stream.indirect.gather [spmem:s2], $0x50, s1, s23, $0xb8;
	[tilespmem:$0x1FF40] =	vst v63  }
0xdf: {  	p0 =	sne.s32 s0, $0x4800;
	_ =	swait.ge [sflag:s19], $0x2800  }
0xe0: {  	[sflag:s19] =	ssyncset.done $0x0  }
0xe1: {  	s0 =	sadd.s32 $0x1400, s31;
	[sflag:s19] =	ssyncadd.s32 $0xFFFFD800  }
0xe2: {  	[spmem:s3] =	stream.indirect.scatter.add.f32 [tilespmem:s24], [sflag:$0x3], $0x50, s0, s23, $0xb8;
	[tilespmem:$0x1FF40] =	vst v63  }
0xe3: {  	_ =	swait.ge [sflag:s21], $0x2800  }
0xe4: {  	[sflag:s21] =	ssyncset.done $0x0  }
0xe5: {  	s0 =	sadd.s32 $0x100, s31;
	[sflag:s21] =	ssyncadd.s32 $0xFFFFD800  }
0xe6: {  	[tilespmem:s24], [sflag:$0x1] =	stream.indirect.gather [spmem:s2], $0x50, s0, s23, $0xb8;
	[tilespmem:$0x1FF40] =	vst v63  }
0xe7: {  	_ =	swait.ge [sflag:s20], $0x2800  }
.Ltmp2:
0xe8: {  	[sflag:s20] =	ssyncset.done $0x0;
	(pc) =	sbr.rel @p0 .LBB2_6-.Ltmp2, $4  }
0xe9: {  	s0 =	sadd.s32 $0x1480, s31;
	[sflag:s20] =	ssyncadd.s32 $0xFFFFD800  }
0xea: {  	[spmem:s3] =	stream.indirect.scatter.add.f32 [tilespmem:s25], [sflag:$0x3], $0x50, s0, s23, $0xb8;
	[tilespmem:$0x1FF40] =	vst v63  }
0xeb: {  	_ =	swait.ge [sflag:s21], $0x2800  }
0xec: {  	s31 =	sshra.s32 s6, $0x2;
	s0 =	smov.u32 s8;
	[sflag:s21] =	ssyncset.done $0x0  }
0xed: {  	s0 =	sadd.s32 $0x80, s31;
	[sflag:s21] =	ssyncadd.s32 $0xFFFFD800  }
0xee: {  	[tilespmem:s25], [sflag:$0x2] =	stream.indirect.gather [spmem:s2], $0x50, s0, s23, $0xb8;
	[tilespmem:$0x1FF40] =	vst v63  }
0xef: {  	_ =	swait.ge [sflag:s19], $0x2800  }
0xf0: {  	[sflag:s19] =	ssyncset.done $0x0  }
0xf1: {  	s6 =	sadd.s32 $0x1400, s31;
	[sflag:s19] =	ssyncadd.s32 $0xFFFFD800  }
0xf2: {  	[spmem:s3] =	stream.indirect.scatter.add.f32 [tilespmem:s24], [sflag:$0x3], $0x50, s6, s23, $0xb8;
	[tilespmem:$0x1FF40] =	vst v63  }
0xf3: {  	_ =	swait.ge [sflag:s21], $0x2800  }
0xf4: {  	[sflag:s21] =	ssyncset.done $0x0  }
0xf5: {  	s8 =	sadd.s32 $0x100, s31;
	[sflag:s21] =	ssyncadd.s32 $0xFFFFD800  }
0xf6: {  	[tilespmem:s24], [sflag:$0x1] =	stream.indirect.gather [spmem:s2], $0x50, s8, s23, $0xb8;
	[tilespmem:$0x1FF40] =	vst v63  }
0xf7: {  	_ =	swait.ge [sflag:s20], $0x2800  }
0xf8: {  	[sflag:s20] =	ssyncset.done $0x0  }
0xf9: {  	s1 =	sadd.s32 $0x1480, s31;
	[sflag:s20] =	ssyncadd.s32 $0xFFFFD800  }
0xfa: {  	[spmem:s3] =	stream.indirect.scatter.add.f32 [tilespmem:s25], [sflag:$0x3], $0x50, s1, s23, $0xb8;
	[tilespmem:$0x1FF40] =	vst v63  }
0xfb: {  	_ =	swait.ge [sflag:s21], $0x2800  }
0xfc: {  	[sflag:s21] =	ssyncset.done $0x0  }
0xfd: {  	[sflag:s21] =	ssyncadd.s32 $0xFFFFD800  }
0xfe: {  	[tilespmem:s25], [sflag:$0x2] =	stream.indirect.gather [spmem:s2], $0x50, s26, s23, $0xb8;
	[tilespmem:$0x1FF40] =	vst v63  }
0xff: {  	_ =	swait.ge [sflag:s19], $0x2800  }
0x100: {  	[sflag:s19] =	ssyncset.done $0x0  }
0x101: {  	[sflag:s19] =	ssyncadd.s32 $0xFFFFD800  }
0x102: {  	[spmem:s3] =	stream.indirect.scatter.add.f32 [tilespmem:s24], [sflag:$0x3], $0x50, s28, s23, $0xb8;
	[tilespmem:$0x1FF40] =	vst v63  }
0x103: {  	_ =	swait.ge [sflag:s21], $0x2800  }
0x104: {  	[sflag:s21] =	ssyncset.done $0x0  }
0x105: {  	[sflag:s21] =	ssyncadd.s32 $0xFFFFD800  }
0x106: {  	_ =	swait.ge [sflag:s20], $0x2800  }
0x107: {  	[sflag:s20] =	ssyncset.done $0x0  }
0x108: {  	[sflag:s20] =	ssyncadd.s32 $0xFFFFD800  }
0x109: {  	[spmem:s3] =	stream.indirect.scatter.add.f32 [tilespmem:s25], [sflag:$0x3], $0x50, s29, s23, $0xb8;
	[tilespmem:$0x1FF40] =	vst v63  }
0x10a: {  	_ =	swait.ge [sflag:s21], $0x2800  }
0x10b: {  	[sflag:s21] =	ssyncset.done $0x0  }
0x10c: {  	s6 =	simm.s32 $0x0;
	[sflag:s21] =	ssyncadd.s32 $0xFFFFD800  }
0x10d: {  	[tilespmem:s6], [sflag:$0x3] =	stream.linear.gather [hbm4b:s14+s6], $0x1400, $0x38;
	[tilespmem:$0x1FF40] =	vst v63  }
0x10e: {  	_ =	swait.ge [sflag:s21], $0x1400  }
0x10f: {  	[sflag:s21] =	ssyncset.done $0x0  }
0x110: {  	[sflag:s21] =	ssyncadd.s32 $0xFFFFEC00  }
0x111: {  	[tilespmem:s22], [sflag:$0x3] =	stream.linear.gather [hbm4b:s15+s6], $0x1400, $0x38;
	[tilespmem:$0x1FF40] =	vst v63  }
0x112: {  	_ =	swait.ge [sflag:s21], $0x1400  }
0x113: {  	[sflag:s21] =	ssyncset.done $0x0  }
0x114: {  	[sflag:s21] =	ssyncadd.s32 $0xFFFFEC00  }
0x115: {  	[tilespmem:s24], [sflag:$0x1] =	stream.indirect.gather [spmem:s2], $0x50, s6, s23, $0xb8;
	[tilespmem:$0x1FF40] =	vst v63  }
0x116: {  	s8 =	simm.s32 $0x80  }
0x117: {  	[tilespmem:s25], [sflag:$0x2] =	stream.indirect.gather [spmem:s2], $0x50, s8, s23, $0xb8;
	[tilespmem:$0x1FF40] =	vst v63  }
0x118: {  	_ =	swait.ge [sflag:s19], $0x2800  }
0x119: {  	[sflag:s19] =	ssyncset.done $0x0  }
0x11a: {  	s1 =	simm.s32 $0x1400;
	[sflag:s19] =	ssyncadd.s32 $0xFFFFD800  }
0x11b: {  	[spmem:s3] =	stream.indirect.scatter.add.f32 [tilespmem:s24], [sflag:$0x3], $0x50, s1, s23, $0xb8;
	[tilespmem:$0x1FF40] =	vst v63  }
0x11c: {  	_ =	swait.ge [sflag:s21], $0x2800  }
0x11d: {  	[sflag:s21] =	ssyncset.done $0x0  }
0x11e: {  	s6 =	simm.s32 $0x100;
	[sflag:s21] =	ssyncadd.s32 $0xFFFFD800  }
0x11f: {  	[tilespmem:s24], [sflag:$0x1] =	stream.indirect.gather [spmem:s2], $0x50, s6, s23, $0xb8;
	[tilespmem:$0x1FF40] =	vst v63  }
0x120: {  	_ =	swait.ge [sflag:s20], $0x2800  }
0x121: {  	[sflag:s20] =	ssyncset.done $0x0  }
0x122: {  	s8 =	simm.s32 $0x1480;
	[sflag:s20] =	ssyncadd.s32 $0xFFFFD800  }
0x123: {  	[spmem:s3] =	stream.indirect.scatter.add.f32 [tilespmem:s25], [sflag:$0x3], $0x50, s8, s23, $0xb8;
	[tilespmem:$0x1FF40] =	vst v63  }
0x124: {  	_ =	swait.ge [sflag:s21], $0x2800  }
0x125: {  	s31 =	simm.s32 $0x100;
	s0 =	simm.s32 $0x800;
	[sflag:s21] =	ssyncset.done $0x0  }
.LBB2_8:
0x126: {  	s1 =	sadd.s32 $0x80, s31  }
0x127: {  	[sflag:s21] =	ssyncadd.s32 $0xFFFFD800;
	s6 =	smov.u32 s0;
	s8 =	sadd.s32 $0x400, s0  }
0x128: {  	[tilespmem:s25], [sflag:$0x2] =	stream.indirect.gather [spmem:s2], $0x50, s1, s23, $0xb8;
	[tilespmem:$0x1FF40] =	vst v63  }
0x129: {  	p0 =	sne.s32 s0, $0x4800;
	_ =	swait.ge [sflag:s19], $0x2800  }
0x12a: {  	[sflag:s19] =	ssyncset.done $0x0  }
0x12b: {  	s0 =	sadd.s32 $0x1400, s31;
	[sflag:s19] =	ssyncadd.s32 $0xFFFFD800  }
0x12c: {  	[spmem:s3] =	stream.indirect.scatter.add.f32 [tilespmem:s24], [sflag:$0x3], $0x50, s0, s23, $0xb8;
	[tilespmem:$0x1FF40] =	vst v63  }
0x12d: {  	_ =	swait.ge [sflag:s21], $0x2800  }
0x12e: {  	[sflag:s21] =	ssyncset.done $0x0  }
0x12f: {  	s0 =	sadd.s32 $0x100, s31;
	[sflag:s21] =	ssyncadd.s32 $0xFFFFD800  }
0x130: {  	[tilespmem:s24], [sflag:$0x1] =	stream.indirect.gather [spmem:s2], $0x50, s0, s23, $0xb8;
	[tilespmem:$0x1FF40] =	vst v63  }
0x131: {  	_ =	swait.ge [sflag:s20], $0x2800  }
.Ltmp3:
0x132: {  	[sflag:s20] =	ssyncset.done $0x0;
	(pc) =	sbr.rel @p0 .LBB2_8-.Ltmp3, $4  }
0x133: {  	s0 =	sadd.s32 $0x1480, s31;
	[sflag:s20] =	ssyncadd.s32 $0xFFFFD800  }
0x134: {  	[spmem:s3] =	stream.indirect.scatter.add.f32 [tilespmem:s25], [sflag:$0x3], $0x50, s0, s23, $0xb8;
	[tilespmem:$0x1FF40] =	vst v63  }
0x135: {  	_ =	swait.ge [sflag:s21], $0x2800  }
0x136: {  	s31 =	sshra.s32 s6, $0x2;
	s0 =	smov.u32 s8;
	[sflag:s21] =	ssyncset.done $0x0  }
0x137: {  	s0 =	sadd.s32 $0x80, s31;
	[sflag:s21] =	ssyncadd.s32 $0xFFFFD800  }
0x138: {  	[tilespmem:s25], [sflag:$0x2] =	stream.indirect.gather [spmem:s2], $0x50, s0, s23, $0xb8;
	[tilespmem:$0x1FF40] =	vst v63  }
0x139: {  	_ =	swait.ge [sflag:s19], $0x2800  }
0x13a: {  	[sflag:s19] =	ssyncset.done $0x0  }
0x13b: {  	s6 =	sadd.s32 $0x1400, s31;
	[sflag:s19] =	ssyncadd.s32 $0xFFFFD800  }
0x13c: {  	[spmem:s3] =	stream.indirect.scatter.add.f32 [tilespmem:s24], [sflag:$0x3], $0x50, s6, s23, $0xb8;
	[tilespmem:$0x1FF40] =	vst v63  }
0x13d: {  	_ =	swait.ge [sflag:s21], $0x2800  }
0x13e: {  	[sflag:s21] =	ssyncset.done $0x0  }
0x13f: {  	s8 =	sadd.s32 $0x100, s31;
	[sflag:s21] =	ssyncadd.s32 $0xFFFFD800  }
0x140: {  	[tilespmem:s24], [sflag:$0x1] =	stream.indirect.gather [spmem:s2], $0x50, s8, s23, $0xb8;
	[tilespmem:$0x1FF40] =	vst v63  }
0x141: {  	_ =	swait.ge [sflag:s20], $0x2800  }
0x142: {  	[sflag:s20] =	ssyncset.done $0x0  }
0x143: {  	s31 =	sadd.s32 $0x1480, s31;
	[sflag:s20] =	ssyncadd.s32 $0xFFFFD800  }
0x144: {  	[spmem:s3] =	stream.indirect.scatter.add.f32 [tilespmem:s25], [sflag:$0x3], $0x50, s31, s23, $0xb8;
	[tilespmem:$0x1FF40] =	vst v63  }
0x145: {  	_ =	swait.ge [sflag:s21], $0x2800  }
0x146: {  	[sflag:s21] =	ssyncset.done $0x0  }
0x147: {  	[sflag:s21] =	ssyncadd.s32 $0xFFFFD800  }
0x148: {  	[tilespmem:s25], [sflag:$0x2] =	stream.indirect.gather [spmem:s2], $0x50, s26, s23, $0xb8;
	[tilespmem:$0x1FF40] =	vst v63  }
0x149: {  	_ =	swait.ge [sflag:s19], $0x2800  }
0x14a: {  	[sflag:s19] =	ssyncset.done $0x0  }
0x14b: {  	[sflag:s19] =	ssyncadd.s32 $0xFFFFD800  }
0x14c: {  	[spmem:s3] =	stream.indirect.scatter.add.f32 [tilespmem:s24], [sflag:$0x3], $0x50, s28, s23, $0xb8;
	[tilespmem:$0x1FF40] =	vst v63  }
0x14d: {  	_ =	swait.ge [sflag:s21], $0x2800  }
0x14e: {  	[sflag:s21] =	ssyncset.done $0x0  }
0x14f: {  	[sflag:s21] =	ssyncadd.s32 $0xFFFFD800  }
0x150: {  	_ =	swait.ge [sflag:s20], $0x2800  }
0x151: {  	[sflag:s20] =	ssyncset.done $0x0  }
0x152: {  	[sflag:s20] =	ssyncadd.s32 $0xFFFFD800  }
0x153: {  	[spmem:s3] =	stream.indirect.scatter.add.f32 [tilespmem:s25], [sflag:$0x3], $0x50, s29, s23, $0xb8;
	[tilespmem:$0x1FF40] =	vst v63  }
0x154: {  	_ =	swait.ge [sflag:s21], $0x2800  }
0x155: {  	s30 =	sadd.s32 $0x1, s30;
	[sflag:s21] =	ssyncset.done $0x0  }
0x156: {  	p0 =	sne.s32 s30, s11;
	[sflag:s21] =	ssyncadd.s32 $0xFFFFD800  }
.Ltmp4:
0x157: {  	[bflag:$0x0] =	sbarrier.arrive $0xFFFF;
	(pc) =	sbr.rel @p0 .LBB2_1-.Ltmp4, $4  }
0x158: {  	[hbm:s10], [sflag:s7] =	dma.local [spmem:s18], $0x1874  }
0x159: {  	_ =	swait.ge [sflag:s19], $0x1874  }
0x15a: {  	[sflag:s19] =	ssyncset.done $0x0  }
0x15b: {  	[sflag:s19] =	ssyncadd.s32 $0xFFFFE78C  }
0x15c: {  	_ =	sfence.sel $0x180000  }
0x15d: {  	[bflag:$0x0] =	sbarrier.arrive $0xFFFF  }
0x15e: {  	_ =	strace $0x9000004D  }
0x15f: {  	s0 =	stileid.u32;
	[bflag:$0x2] =	sbarrier.arrive $0xFFFF  }
0x160: {  	p0 =	sne.s32 s0, $0x0;
	s0 =	rddreg [dreg:$0x3]  }
0x161: {  	s0 =	sadd.s32 @!p0 $0x100000, s0  }
0x162: {  	[sflag:s0] =	ssyncadd.tile.s32 @!p0 $0x1;
	_ =	shalt  }
.Lfunc_end2:
_tile_overlayer_lowered:
.L_overlay_start_2:
0x163: {  	(tag) =	ssettag $0x2  }
0x164: {  	s0 =	rddreg [dreg:$0x0];
	s2 =	stileid.u32  }
0x165: {  	s1 =	rddreg [dreg:$0x1];
	p0 =	sne.s32 s2, $0x0  }
0x166: {  	s3 =	rddreg [dreg:$0x2];
	[bflag:$0x3] =	sbarrier.arrive $0xFFFF;
	s2 =	simm.s32 @!p0 $0x1C03  }
0x167: {  	[timem:s3], [sflag:s2] =	dma.local @!p0 [hbm:s0], s1  }
0x168: {  	s0 =	simm.s32 @!p0 $0x3  }
0x169: {  	_ =	swait.ge @!p0 [sflag:s0], s1  }
0x16a: {  	s1 =	ssub.s32 @!p0 $0x0, s1;
	[sflag:s0] =	ssyncset.done @!p0 $0x0  }
0x16b: {  	[sflag:s0] =	ssyncadd.s32 @!p0 s1  }
0x16c: {  	[bflag:$0x3] =	sbarrier.arrive $0xFFFF  }
0x16d: {  	_ =	shalt  }

// kernel: kernel.20.cloned.1.call-start
scs
__scs_entry_jumppad:
0x0: {  	(pc) =	sbr.rel $0x88, $3  }
0x1: {  	(tag) =	ssettag $0x0;
	lr =	simm.s32 $0x1  }
0x2: {  	[smem:$0x3F8C] =	sst lr;
	_ =	strace $0xD0000000  }
0x3: {  	_ = 	snop  }
0x4: {  	_ = 	snop  }
0x5: {  	_ = 	snop  }
0x6: {  	_ = 	snop  }
0x7: {  	_ = 	snop  }
__scs_overlays_trampoline_lowered:
0x8: {  	[smem:$0x3F9B] =	sst s0  }
0x9: {  	[smem:$0x3F9C] =	sst s1  }
0xa: {  	[smem:$0x3F9D] =	sst s2  }
0xb: {  	[smem:$0x3F9E] =	sst s3  }
0xc: {  	[smem:$0x3F9F] =	sst s4  }
0xd: {  	[smem:$0x3FA0] =	sst s5  }
0xe: {  	[smem:$0x3FA1] =	sst s6  }
0xf: {  	[smem:$0x3FA2] =	sst s7  }
0x10: {  	[smem:$0x3FA3] =	sst s8  }
0x11: {  	[smem:$0x3FA4] =	sst s9;
	s0 =	simm.s32 @!p0 $0x0  }
0x12: {  	s1 =	sld [smem:$0x3F8A];
	s0 =	simm.s32 @p0 $0x1  }
0x13: {  	[smem:$0x3FA5] =	sst s0;
	s0 =	simm.s32 @!p1 $0x0  }
0x14: {  	s2 =	sld [smem:$0x3F89];
	s0 =	simm.s32 @p1 $0x1  }
0x15: {  	[smem:$0x3FA6] =	sst s0;
	s0 =	simm.s32 @!p2 $0x0  }
0x16: {  	s3 =	sld [smem:$0x3FDB];
	s0 =	simm.s32 @p2 $0x1  }
0x17: {  	s4 =	simm.s32 $0x1BF5;
	[smem:$0x3FA8] =	sst s0  }
0x18: {  	s0 =	sld [smem:$0x3F8B];
	_ =	swait.ge [sflag:s4], $0x0  }
0x19: {  	s7 =	sld [smem:$0x3F8C]  }
0x1a: {  	s8 =	sadd.s32 $0xFFFFE003, lr  }
0x1b: {  	s9 =	sadd.s32 $0xFFFFFEF7, lr;
	s5 =	simm.s32 $0xFFFFFFFF;
	p2 =	slt.u32 s8, $0xFFFFF086  }
0x1c: {  	p1 =	slt.u32 s9, $0xF7A;
	s5 =	simm.s32 @!p2 $0x0  }
0x1d: {  	s5 =	simm.s32 @p1 $0x1;
	p0 =	seq.s32 s7, s2  }
0x1e: {  	s7 =	smul.u32 @!p0 $0xF7A, s2;
	p2 =	seq.s32 @!p0 s5, $0x0  }
0x1f: {  	s9 =	smul.u32 $0xF7A, s1;
	s8 =	simm.s32 @!p0 $0x1BF5;
	p2 =	por !p2, p0  }
0x20: {  	[sflag:s8] =	ssyncset.s32 @!p0 $0xFFFFF086;
	s6 =	sadd.s32 @!p0 s3, s7;
	s7 =	simm.s32 @!p0 $0x108  }
0x21: {  	s3 =	sadd.s32 s3, s9;
	s6 =	sadd.s32 @!p0 $0x88, s6;
	s7 =	simm.s32 @p2 $0x1082  }
0x22: {  	[simem:s7], [sflag:s8] =	dma.local @!p0 [hbm:s6], $0xF7A  }
0x23: {  	s9 =	sor.u32 $0xD0000000, s2;
	s6 =	simm.s32 $0x108;
	_ =	swait.ge @!p0 [sflag:s8], $0x0  }
0x24: {  	s3 =	sadd.s32 $0x88, s3;
	s6 =	simm.s32 @!p1 $0x1082;
	[sflag:s4] =	ssyncset.s32 $0xFFFFF086  }
0x25: {  	[simem:s6], [sflag:s4] =	dma.local [hbm:s3], $0xF7A  }
0x26: {  	[smem:$0x3F8C] =	sst s1;
	(tag) =	ssettag s2;
	_ =	strace s9  }
0x27: {  	s1 =	sld [smem:$0x3F9C]  }
0x28: {  	s2 =	sld [smem:$0x3F9D]  }
0x29: {  	s4 =	sld [smem:$0x3F9F]  }
0x2a: {  	p0 =	seq.s32 s5, $0x0;
	s5 =	sld [smem:$0x3FA0]  }
0x2b: {  	s6 =	sld [smem:$0x3FA1]  }
0x2c: {  	s7 =	sld [smem:$0x3FA2]  }
0x2d: {  	s3 =	simm.s32 $0x108;
	s8 =	sld [smem:$0x3FA3]  }
0x2e: {  	s3 =	simm.s32 @!p0 $0x1082;
	s9 =	sld [smem:$0x3FA4]  }
0x2f: {  	lr =	sadd.s32 s0, s3;
	s0 =	sld [smem:$0x3F9B]  }
0x30: {  	s3 =	sld [smem:$0x3F9E]  }
0x31: {  	[smem:$0x3FA7] =	sst s10  }
0x32: {  	s10 =	sld [smem:$0x3FA5];
	_ =	sdelay $0x3  }
0x33: {  	p0 =	seq.s32 s10, $0x1;
	s10 =	sld [smem:$0x3FA7];
	_ =	sdelay $0x3  }
0x34: {  	[smem:$0x3FA7] =	sst s10  }
0x35: {  	s10 =	sld [smem:$0x3FA6];
	_ =	sdelay $0x3  }
0x36: {  	p1 =	seq.s32 s10, $0x1;
	s10 =	sld [smem:$0x3FA7];
	_ =	sdelay $0x3  }
0x37: {  	[smem:$0x3FA7] =	sst s10  }
0x38: {  	s10 =	sld [smem:$0x3FA8]  }
0x39: {  	_ = 	snop;
	(pc) =	sbr.ind lr, $3  }
0x3a: {  	_ = 	snop  }
0x3b: {  	_ = 	snop  }
0x3c: {  	p2 =	seq.s32 s10, $0x1;
	s10 =	sld [smem:$0x3FA7]  }
0x3d: {  	_ =	shalt  }
0x3e: {  	_ =	shalt  }
0x3f: {  	_ =	shalt  }
0x40: {  	_ =	shalt  }
0x41: {  	_ =	shalt  }
0x42: {  	_ =	shalt  }
0x43: {  	_ =	shalt  }
0x44: {  	_ =	shalt  }
0x45: {  	_ =	shalt  }
0x46: {  	_ =	shalt  }
0x47: {  	_ =	shalt  }
0x48: {  	_ =	shalt  }
0x49: {  	_ =	shalt  }
0x4a: {  	_ =	shalt  }
0x4b: {  	_ =	shalt  }
0x4c: {  	_ =	shalt  }
0x4d: {  	_ =	shalt  }
0x4e: {  	_ =	shalt  }
0x4f: {  	_ =	shalt  }
0x50: {  	_ =	shalt  }
0x51: {  	_ =	shalt  }
0x52: {  	_ =	shalt  }
0x53: {  	_ =	shalt  }
0x54: {  	_ =	shalt  }
0x55: {  	_ =	shalt  }
0x56: {  	_ =	shalt  }
0x57: {  	_ =	shalt  }
0x58: {  	_ =	shalt  }
0x59: {  	_ =	shalt  }
0x5a: {  	_ =	shalt  }
0x5b: {  	_ =	shalt  }
0x5c: {  	_ =	shalt  }
0x5d: {  	_ =	shalt  }
0x5e: {  	_ =	shalt  }
0x5f: {  	_ =	shalt  }
0x60: {  	_ =	shalt  }
0x61: {  	_ =	shalt  }
0x62: {  	_ =	shalt  }
0x63: {  	_ =	shalt  }
0x64: {  	_ =	shalt  }
0x65: {  	_ =	shalt  }
0x66: {  	_ =	shalt  }
0x67: {  	_ =	shalt  }
0x68: {  	_ =	shalt  }
0x69: {  	_ =	shalt  }
0x6a: {  	_ =	shalt  }
0x6b: {  	_ =	shalt  }
0x6c: {  	_ =	shalt  }
0x6d: {  	_ =	shalt  }
0x6e: {  	_ =	shalt  }
0x6f: {  	_ =	shalt  }
0x70: {  	_ =	shalt  }
0x71: {  	_ =	shalt  }
0x72: {  	_ =	shalt  }
0x73: {  	_ =	shalt  }
0x74: {  	_ =	shalt  }
0x75: {  	_ =	shalt  }
0x76: {  	_ =	shalt  }
0x77: {  	_ =	shalt  }
0x78: {  	_ =	shalt  }
0x79: {  	_ =	shalt  }
0x7a: {  	_ =	shalt  }
0x7b: {  	_ =	shalt  }
0x7c: {  	_ =	shalt  }
0x7d: {  	_ =	shalt  }
0x7e: {  	_ =	shalt  }
0x7f: {  	_ =	shalt  }
0x80: {  	_ =	shalt  }
0x81: {  	_ =	shalt  }
0x82: {  	_ =	shalt  }
0x83: {  	_ =	shalt  }
0x84: {  	_ =	shalt  }
0x85: {  	_ =	shalt  }
0x86: {  	_ =	shalt  }
0x87: {  	_ =	shalt  }
.Lfunc_end0:
.L_simem_size_0:
called_computation.3_lowered:
.L_overlay_start_0:
0x88: {  	s2 =	sld [smem:$0x3FD9]  }
0x89: {  	s3 =	sld [smem:$0x3FFE];
	_ =	sdelay $0x1  }
0x8a: {  	s1 =	srdreg.scid  }
0x8b: {  	s0 =	sand.u32 $0x1, s1  }
0x8c: {  	s16 =	sshll.u32 s0, $0xA;
	s2 =	sadd.s32 s3, s2  }
0x8d: {  	s2 =	sadd.s32 s2, s16  }
0x8e: {  	[smem:$0x3FB3] =	sst s2  }
0x8f: {  	_ = 	snop  }
0x90: {  	(tm) =	ssettm $0x1  }
0x91: {  	s17 =	sld [smem:$0x3FFB];
	_ =	sdelay $0x3  }
0x92: {  	_ =	strace s17  }
0x93: {  	s2 =	sld [smem:$0x3FFC];
	_ =	sdelay $0x3  }
0x94: {  	_ =	strace s2  }
0x95: {  	s2 =	sld [smem:$0x3FFD];
	_ =	sdelay $0x3  }
0x96: {  	_ =	strace s2  }
0x97: {  	_ =	strace $0x8FFFFFFF  }
0x98: {  	s18 =	sld [smem:$0x3FDB];
	_ =	sdelay $0x1  }
0x99: {  	s19 =	simm.s32 $_scs_section_size  }
0x9a: {  	s4 =	simm.s32 $_size__tile_overlayer_lowered;
	s5 =	simm.s32 $_tile_overlayer_lowered  }
0x9b: {  	s22 =	simm.s32 $0x1BFF;
	s21 =	sshll.u32 s5, $0x1;
	s2 =	sadd.s32 s19, s18  }
0x9c: {  	s6 =	simm.s32 $0x0;
	s20 =	sshll.u32 s4, $0x1;
	s4 =	sadd.s32 s21, s2  }
0x9d: {  	[timem:s6], [sflag:s22] =	dma.local [hbm:s4], s20  }
0x9e: {  	_ =	swait.ge [sflag:s22], s20  }
0x9f: {  	s3 =	ssub.s32 $0x0, s20;
	[sflag:s22] =	ssyncset.done $0x0  }
0xa0: {  	[sflag:s22] =	ssyncadd.s32 s3;
	_ =	sdelay $0x1  }
0xa1: {  	s23 =	simm.s32 $0x1B8B  }
0xa2: {  	_ =	swait.ge [sflag:s23], $0x1  }
0xa3: {  	[sflag:s23] =	ssyncset.done $0x0  }
0xa4: {  	s25 =	simm.s32 $0x1B8E;
	s24 =	sld [smem:$0x3FFE];
	[sflag:s23] =	ssyncadd.s32 $0xFFFFFFFF  }
0xa5: {  	s26 =	simm.s32 $execute0_lowered;
	[smem:$0x3FD2] =	sst s25  }
0xa6: {  	s4 =	sshll.u32 s26, $0x1;
	_ =	strace $0x8000004F;
	[dreg:$0x1] =	wrdreg $0xFFFFFFFF  }
0xa7: {  	s28 =	simm.s32 $_size_execute0_lowered;
	s2 =	sadd.s32 s2, s4;
	[dreg:$0x0] =	wrdreg $0x0  }
0xa8: {  	s4 =	sshll.u32 s28, $0x1;
	[dreg:$0x2] =	wrdreg s2  }
0xa9: {  	[dreg:$0x3] =	wrdreg s4  }
0xaa: {  	[dreg:$0x4] =	wrdreg $0xC0  }
0xab: {  	_ =	task [dreg:s6], $0x5FFFF  }
0xac: {  	[dreg:$0x1] =	wrdreg $0xFFFFFFFF  }
0xad: {  	[dreg:$0x0] =	wrdreg $0x60  }
0xae: {  	[dreg:$0x2] =	wrdreg s24  }
0xaf: {  	[dreg:$0x3] =	wrdreg $0x78000  }
0xb0: {  	[dreg:$0x4] =	wrdreg $0x13BA00  }
0xb1: {  	[dreg:$0x5] =	wrdreg $0x9  }
0xb2: {  	_ =	task.clear_ibuf [dreg:s6], $0x6FFFF;
	_ =	strace $0x9000004F  }
0xb3: {  	s29 =	simm.s32 $0x9;
	_ =	strace $0x80000051  }
0xb4: {  	_ =	swait.ge [sflag:s29], $0x1  }
0xb5: {  	[sflag:s29] =	ssyncadd.s32 $0xFFFFFFFF  }
0xb6: {  	_ =	strace $0x90000051  }
0xb7: {  	_ =	sfence  }
0xb8: {  	s30 =	sld [smem:$0x0];
	_ =	sdelay $0x2  }
0xb9: {  	s31 =	sshll.u32 s1, $0xD;
	s1 =	sshrl.u32 s1, $0x2  }
0xba: {  	s3 =	sand.u32 $0x4000, s31;
	s1 =	sadd.s32 s1, s30  }
0xbb: {  	s0 =	sor.u32 s3, s0;
	s1 =	sshll.u32 s1, $0x11  }
0xbc: {  	s0 =	sor.u32 s1, s0  }
0xbd: {  	s0 =	sadd.s32 $0x8F2B, s0  }
0xbe: {  	[sflag:s0] =	ssyncadd.remote.s32 $0x1  }
0xbf: {  	_ =	sfence.sel $0xFFFF  }
0xc0: {  	[dreg:$0x0] =	wrdreg $0xFFFFFFFF;
	(pc) =	sbr.abs _section_cstart, $3  }
0xc1: {  	[dreg:$0x1] =	wrdreg $0xFFFFFFFF  }
0xc2: {  	_ =	task.clear_ibuf [dreg:s6], $0x2FFFF;
	_ =	strace $0x9FFFFFFF  }
0xc3: {  	(tm) =	ssettm $0x7FFFFFFF  }
tec
execute0_lowered:
.L_overlay_start_1:
0x0: {  	(tag) =	ssettag $0x1  }
0x1: {  	s0 =	rddreg [dreg:$0x0]  }
0x2: {  	s2 =	rddreg [dreg:$0x1]  }
0x3: {  	s3 =	rddreg [dreg:$0x2]  }
0x4: {  	s1 =	stileid.u32;
	s5 =	srdreg.scid  }
0x5: {  	s4 =	simm.s32 $0x0;
	s19 =	simm.s32 $0x1;
	s20 =	simm.s32 $0x2  }
0x6: {  	s28 =	simm.s32 $0x2700;
	s29 =	simm.s32 $0x2780;
	s30 =	simm.s32 $0x0  }
0x7: {  	s8 =	smul.u32 $0xC3A0, s1;
	s6 =	sand.u32 $0x1, s5;
	[smem:$0x7FF] =	sst s4  }
0x8: {  	s14 =	sadd.s32 $0x7A000, s0;
	s15 =	sadd.s32 $0x70000, s0;
	s23 =	sshll.u32 s1, $0x1  }
0x9: {  	s17 =	sshll.u32 s1, $0x6;
	s5 =	smul.u32 $0x187400, s6;
	_ =	strace $0x80000050  }
0xa: {  	s10 =	ssub.s32 $0x2, s6;
	s6 =	sshll.u32 s6, $0x5;
	s7 =	sshrl.u32 s8, $0x3  }
0xb: {  	s22 =	sshrl.u32 s10, $0x1;
	s16 =	sadd.s32 s8, s2;
	s24 =	sor.u32 s23, s6  }
0xc: {  	s18 =	sadd.s32 s8, s3;
	s23 =	simm.s32 $0x80;
	s9 =	sadd.s32 s7, s0  }
0xd: {  	s5 =	sadd.s32 s8, s5;
	s11 =	ssub.s32 s10, s22;
	s7 =	sor.u32 $0x1C01, s17  }
0xe: {  	s13 =	smul.u32 $0x280, s24;
	s16 =	sshrl.u32 s16, $0x3;
	s17 =	sor.u32 $0x1C02, s17  }
0xf: {  	s18 =	sshrl.u32 s18, $0x3;
	s22 =	simm.s32 $0x1400;
	s24 =	simm.s32 $0x2800  }
0x10: {  	s21 =	sshrl.u32 s5, $0x3;
	s5 =	sadd.s32 $0x84000, s0;
	s25 =	sadd.s32 $0x2B000, s9  }
0x11: {  	s9 =	sadd.s32 $0x43740, s9;
	s11 =	smax.u32 s11, $0x1;
	s0 =	sadd.s32 s21, s0  }
0x12: {  	[dreg:$0x4] =	wrdreg s25;
	s31 =	sadd.s32 $0x280, s13;
	s12 =	sadd.s32 s14, s13  }
0x13: {  	s13 =	sadd.s32 s15, s13;
	s21 =	simm.s32 $0x3;
	s25 =	simm.s32 $0x5000  }
0x14: {  	s26 =	sadd.s32 $0x85A00, s0;
	s10 =	sadd.s32 $0x9E140, s0;
	s14 =	sadd.s32 s14, s31  }
0x15: {  	s15 =	sadd.s32 s15, s31;
	[dreg:$0x5] =	wrdreg s26;
	s26 =	simm.s32 $0x1380  }
.LBB2_1:
0x16: {  	s0 =	rddreg [dreg:$0x4]  }
0x17: {  	[spmem:s16], [sflag:s7] =	dma.local [hbm:s0], $0x1874  }
0x18: {  	[spmem:s18], [sflag:s17] =	dma.local [hbm:s5], $0x1874  }
0x19: {  	_ =	swait.ge [sflag:s19], $0x1874  }
0x1a: {  	[sflag:s19] =	ssyncset.done $0x0  }
0x1b: {  	[sflag:s19] =	ssyncadd.s32 $0xFFFFE78C  }
0x1c: {  	_ =	swait.ge [sflag:s20], $0x1874  }
0x1d: {  	[sflag:s20] =	ssyncset.done $0x0  }
0x1e: {  	[sflag:s20] =	ssyncadd.s32 $0xFFFFE78C  }
0x1f: {  	[bflag:$0x0] =	sbarrier.arrive $0xFFFF  }
0x20: {  	[tilespmem:s4], [sflag:$0x3] =	stream.linear.gather [hbm4b:s12+s4], $0x1400, $0x38;
	[tilespmem:$0x1FF40] =	vst v63  }
0x21: {  	_ =	swait.ge [sflag:s21], $0x1400  }
0x22: {  	[sflag:s21] =	ssyncset.done $0x0  }
0x23: {  	[sflag:s21] =	ssyncadd.s32 $0xFFFFEC00  }
0x24: {  	[tilespmem:s22], [sflag:$0x3] =	stream.linear.gather [hbm4b:s13+s4], $0x1400, $0x38;
	[tilespmem:$0x1FF40] =	vst v63  }
0x25: {  	_ =	swait.ge [sflag:s21], $0x1400  }
0x26: {  	[sflag:s21] =	ssyncset.done $0x0  }
0x27: {  	[sflag:s21] =	ssyncadd.s32 $0xFFFFEC00  }
0x28: {  	[tilespmem:s24], [sflag:$0x1] =	stream.indirect.gather [spmem:s2], $0x50, s4, s23, $0xb8;
	[tilespmem:$0x1FF40] =	vst v63  }
0x29: {  	s8 =	simm.s32 $0x80  }
0x2a: {  	[tilespmem:s25], [sflag:$0x2] =	stream.indirect.gather [spmem:s2], $0x50, s8, s23, $0xb8;
	[tilespmem:$0x1FF40] =	vst v63  }
0x2b: {  	_ =	swait.ge [sflag:s19], $0x2800  }
0x2c: {  	[sflag:s19] =	ssyncset.done $0x0  }
0x2d: {  	s1 =	simm.s32 $0x1400;
	[sflag:s19] =	ssyncadd.s32 $0xFFFFD800  }
0x2e: {  	[spmem:s3] =	stream.indirect.scatter.add.f32 [tilespmem:s24], [sflag:$0x3], $0x50, s1, s23, $0xb8;
	[tilespmem:$0x1FF40] =	vst v63  }
0x2f: {  	_ =	swait.ge [sflag:s21], $0x2800  }
0x30: {  	[sflag:s21] =	ssyncset.done $0x0  }
0x31: {  	s6 =	simm.s32 $0x100;
	[sflag:s21] =	ssyncadd.s32 $0xFFFFD800  }
0x32: {  	[tilespmem:s24], [sflag:$0x1] =	stream.indirect.gather [spmem:s2], $0x50, s6, s23, $0xb8;
	[tilespmem:$0x1FF40] =	vst v63  }
0x33: {  	_ =	swait.ge [sflag:s20], $0x2800  }
0x34: {  	[sflag:s20] =	ssyncset.done $0x0  }
0x35: {  	s8 =	simm.s32 $0x1480;
	[sflag:s20] =	ssyncadd.s32 $0xFFFFD800  }
0x36: {  	[spmem:s3] =	stream.indirect.scatter.add.f32 [tilespmem:s25], [sflag:$0x3], $0x50, s8, s23, $0xb8;
	[tilespmem:$0x1FF40] =	vst v63  }
0x37: {  	_ =	swait.ge [sflag:s21], $0x2800  }
0x38: {  	s31 =	simm.s32 $0x100;
	s0 =	simm.s32 $0x800;
	[sflag:s21] =	ssyncset.done $0x0  }
.LBB2_2:
0x39: {  	s1 =	sadd.s32 $0x80, s31  }
0x3a: {  	[sflag:s21] =	ssyncadd.s32 $0xFFFFD800;
	s6 =	smov.u32 s0;
	s8 =	sadd.s32 $0x400, s0  }
0x3b: {  	[tilespmem:s25], [sflag:$0x2] =	stream.indirect.gather [spmem:s2], $0x50, s1, s23, $0xb8;
	[tilespmem:$0x1FF40] =	vst v63  }
0x3c: {  	p0 =	sne.s32 s0, $0x4800;
	_ =	swait.ge [sflag:s19], $0x2800  }
0x3d: {  	[sflag:s19] =	ssyncset.done $0x0  }
0x3e: {  	s0 =	sadd.s32 $0x1400, s31;
	[sflag:s19] =	ssyncadd.s32 $0xFFFFD800  }
0x3f: {  	[spmem:s3] =	stream.indirect.scatter.add.f32 [tilespmem:s24], [sflag:$0x3], $0x50, s0, s23, $0xb8;
	[tilespmem:$0x1FF40] =	vst v63  }
0x40: {  	_ =	swait.ge [sflag:s21], $0x2800  }
0x41: {  	[sflag:s21] =	ssyncset.done $0x0  }
0x42: {  	s0 =	sadd.s32 $0x100, s31;
	[sflag:s21] =	ssyncadd.s32 $0xFFFFD800  }
0x43: {  	[tilespmem:s24], [sflag:$0x1] =	stream.indirect.gather [spmem:s2], $0x50, s0, s23, $0xb8;
	[tilespmem:$0x1FF40] =	vst v63  }
0x44: {  	_ =	swait.ge [sflag:s20], $0x2800  }
.Ltmp0:
0x45: {  	[sflag:s20] =	ssyncset.done $0x0;
	(pc) =	sbr.rel @p0 .LBB2_2-.Ltmp0, $4  }
0x46: {  	s0 =	sadd.s32 $0x1480, s31;
	[sflag:s20] =	ssyncadd.s32 $0xFFFFD800  }
0x47: {  	[spmem:s3] =	stream.indirect.scatter.add.f32 [tilespmem:s25], [sflag:$0x3], $0x50, s0, s23, $0xb8;
	[tilespmem:$0x1FF40] =	vst v63  }
0x48: {  	_ =	swait.ge [sflag:s21], $0x2800  }
0x49: {  	s31 =	sshra.s32 s6, $0x2;
	s0 =	smov.u32 s8;
	[sflag:s21] =	ssyncset.done $0x0  }
0x4a: {  	s0 =	sadd.s32 $0x80, s31;
	[sflag:s21] =	ssyncadd.s32 $0xFFFFD800  }
0x4b: {  	[tilespmem:s25], [sflag:$0x2] =	stream.indirect.gather [spmem:s2], $0x50, s0, s23, $0xb8;
	[tilespmem:$0x1FF40] =	vst v63  }
0x4c: {  	_ =	swait.ge [sflag:s19], $0x2800  }
0x4d: {  	[sflag:s19] =	ssyncset.done $0x0  }
0x4e: {  	s6 =	sadd.s32 $0x1400, s31;
	[sflag:s19] =	ssyncadd.s32 $0xFFFFD800  }
0x4f: {  	[spmem:s3] =	stream.indirect.scatter.add.f32 [tilespmem:s24], [sflag:$0x3], $0x50, s6, s23, $0xb8;
	[tilespmem:$0x1FF40] =	vst v63  }
0x50: {  	_ =	swait.ge [sflag:s21], $0x2800  }
0x51: {  	[sflag:s21] =	ssyncset.done $0x0  }
0x52: {  	s8 =	sadd.s32 $0x100, s31;
	[sflag:s21] =	ssyncadd.s32 $0xFFFFD800  }
0x53: {  	[tilespmem:s24], [sflag:$0x1] =	stream.indirect.gather [spmem:s2], $0x50, s8, s23, $0xb8;
	[tilespmem:$0x1FF40] =	vst v63  }
0x54: {  	_ =	swait.ge [sflag:s20], $0x2800  }
0x55: {  	[sflag:s20] =	ssyncset.done $0x0  }
0x56: {  	s1 =	sadd.s32 $0x1480, s31;
	[sflag:s20] =	ssyncadd.s32 $0xFFFFD800  }
0x57: {  	[spmem:s3] =	stream.indirect.scatter.add.f32 [tilespmem:s25], [sflag:$0x3], $0x50, s1, s23, $0xb8;
	[tilespmem:$0x1FF40] =	vst v63  }
0x58: {  	_ =	swait.ge [sflag:s21], $0x2800  }
0x59: {  	[sflag:s21] =	ssyncset.done $0x0  }
0x5a: {  	[sflag:s21] =	ssyncadd.s32 $0xFFFFD800  }
0x5b: {  	[tilespmem:s25], [sflag:$0x2] =	stream.indirect.gather [spmem:s2], $0x50, s26, s23, $0xb8;
	[tilespmem:$0x1FF40] =	vst v63  }
0x5c: {  	_ =	swait.ge [sflag:s19], $0x2800  }
0x5d: {  	[sflag:s19] =	ssyncset.done $0x0  }
0x5e: {  	[sflag:s19] =	ssyncadd.s32 $0xFFFFD800  }
0x5f: {  	[spmem:s3] =	stream.indirect.scatter.add.f32 [tilespmem:s24], [sflag:$0x3], $0x50, s28, s23, $0xb8;
	[tilespmem:$0x1FF40] =	vst v63  }
0x60: {  	_ =	swait.ge [sflag:s21], $0x2800  }
0x61: {  	[sflag:s21] =	ssyncset.done $0x0  }
0x62: {  	[sflag:s21] =	ssyncadd.s32 $0xFFFFD800  }
0x63: {  	_ =	swait.ge [sflag:s20], $0x2800  }
0x64: {  	[sflag:s20] =	ssyncset.done $0x0  }
0x65: {  	[sflag:s20] =	ssyncadd.s32 $0xFFFFD800  }
0x66: {  	[spmem:s3] =	stream.indirect.scatter.add.f32 [tilespmem:s25], [sflag:$0x3], $0x50, s29, s23, $0xb8;
	[tilespmem:$0x1FF40] =	vst v63  }
0x67: {  	_ =	swait.ge [sflag:s21], $0x2800  }
0x68: {  	[sflag:s21] =	ssyncset.done $0x0  }
0x69: {  	s6 =	simm.s32 $0x0;
	[sflag:s21] =	ssyncadd.s32 $0xFFFFD800  }
0x6a: {  	[tilespmem:s6], [sflag:$0x3] =	stream.linear.gather [hbm4b:s14+s6], $0x1400, $0x38;
	[tilespmem:$0x1FF40] =	vst v63  }
0x6b: {  	_ =	swait.ge [sflag:s21], $0x1400  }
0x6c: {  	[sflag:s21] =	ssyncset.done $0x0  }
0x6d: {  	[sflag:s21] =	ssyncadd.s32 $0xFFFFEC00  }
0x6e: {  	[tilespmem:s22], [sflag:$0x3] =	stream.linear.gather [hbm4b:s15+s6], $0x1400, $0x38;
	[tilespmem:$0x1FF40] =	vst v63  }
0x6f: {  	_ =	swait.ge [sflag:s21], $0x1400  }
0x70: {  	[sflag:s21] =	ssyncset.done $0x0  }
0x71: {  	[sflag:s21] =	ssyncadd.s32 $0xFFFFEC00  }
0x72: {  	[tilespmem:s24], [sflag:$0x1] =	stream.indirect.gather [spmem:s2], $0x50, s6, s23, $0xb8;
	[tilespmem:$0x1FF40] =	vst v63  }
0x73: {  	s8 =	simm.s32 $0x80  }
0x74: {  	[tilespmem:s25], [sflag:$0x2] =	stream.indirect.gather [spmem:s2], $0x50, s8, s23, $0xb8;
	[tilespmem:$0x1FF40] =	vst v63  }
0x75: {  	_ =	swait.ge [sflag:s19], $0x2800  }
0x76: {  	[sflag:s19] =	ssyncset.done $0x0  }
0x77: {  	s1 =	simm.s32 $0x1400;
	[sflag:s19] =	ssyncadd.s32 $0xFFFFD800  }
0x78: {  	[spmem:s3] =	stream.indirect.scatter.add.f32 [tilespmem:s24], [sflag:$0x3], $0x50, s1, s23, $0xb8;
	[tilespmem:$0x1FF40] =	vst v63  }
0x79: {  	_ =	swait.ge [sflag:s21], $0x2800  }
0x7a: {  	[sflag:s21] =	ssyncset.done $0x0  }
0x7b: {  	s6 =	simm.s32 $0x100;
	[sflag:s21] =	ssyncadd.s32 $0xFFFFD800  }
0x7c: {  	[tilespmem:s24], [sflag:$0x1] =	stream.indirect.gather [spmem:s2], $0x50, s6, s23, $0xb8;
	[tilespmem:$0x1FF40] =	vst v63  }
0x7d: {  	_ =	swait.ge [sflag:s20], $0x2800  }
0x7e: {  	[sflag:s20] =	ssyncset.done $0x0  }
0x7f: {  	s8 =	simm.s32 $0x1480;
	[sflag:s20] =	ssyncadd.s32 $0xFFFFD800  }
0x80: {  	[spmem:s3] =	stream.indirect.scatter.add.f32 [tilespmem:s25], [sflag:$0x3], $0x50, s8, s23, $0xb8;
	[tilespmem:$0x1FF40] =	vst v63  }
0x81: {  	_ =	swait.ge [sflag:s21], $0x2800  }
0x82: {  	s31 =	simm.s32 $0x100;
	s0 =	simm.s32 $0x800;
	[sflag:s21] =	ssyncset.done $0x0  }
.LBB2_4:
0x83: {  	s1 =	sadd.s32 $0x80, s31  }
0x84: {  	[sflag:s21] =	ssyncadd.s32 $0xFFFFD800;
	s6 =	smov.u32 s0;
	s8 =	sadd.s32 $0x400, s0  }
0x85: {  	[tilespmem:s25], [sflag:$0x2] =	stream.indirect.gather [spmem:s2], $0x50, s1, s23, $0xb8;
	[tilespmem:$0x1FF40] =	vst v63  }
0x86: {  	p0 =	sne.s32 s0, $0x4800;
	_ =	swait.ge [sflag:s19], $0x2800  }
0x87: {  	[sflag:s19] =	ssyncset.done $0x0  }
0x88: {  	s0 =	sadd.s32 $0x1400, s31;
	[sflag:s19] =	ssyncadd.s32 $0xFFFFD800  }
0x89: {  	[spmem:s3] =	stream.indirect.scatter.add.f32 [tilespmem:s24], [sflag:$0x3], $0x50, s0, s23, $0xb8;
	[tilespmem:$0x1FF40] =	vst v63  }
0x8a: {  	_ =	swait.ge [sflag:s21], $0x2800  }
0x8b: {  	[sflag:s21] =	ssyncset.done $0x0  }
0x8c: {  	s0 =	sadd.s32 $0x100, s31;
	[sflag:s21] =	ssyncadd.s32 $0xFFFFD800  }
0x8d: {  	[tilespmem:s24], [sflag:$0x1] =	stream.indirect.gather [spmem:s2], $0x50, s0, s23, $0xb8;
	[tilespmem:$0x1FF40] =	vst v63  }
0x8e: {  	_ =	swait.ge [sflag:s20], $0x2800  }
.Ltmp1:
0x8f: {  	[sflag:s20] =	ssyncset.done $0x0;
	(pc) =	sbr.rel @p0 .LBB2_4-.Ltmp1, $4  }
0x90: {  	s0 =	sadd.s32 $0x1480, s31;
	[sflag:s20] =	ssyncadd.s32 $0xFFFFD800  }
0x91: {  	[spmem:s3] =	stream.indirect.scatter.add.f32 [tilespmem:s25], [sflag:$0x3], $0x50, s0, s23, $0xb8;
	[tilespmem:$0x1FF40] =	vst v63  }
0x92: {  	_ =	swait.ge [sflag:s21], $0x2800  }
0x93: {  	s31 =	sshra.s32 s6, $0x2;
	s0 =	smov.u32 s8;
	[sflag:s21] =	ssyncset.done $0x0  }
0x94: {  	s0 =	sadd.s32 $0x80, s31;
	[sflag:s21] =	ssyncadd.s32 $0xFFFFD800  }
0x95: {  	[tilespmem:s25], [sflag:$0x2] =	stream.indirect.gather [spmem:s2], $0x50, s0, s23, $0xb8;
	[tilespmem:$0x1FF40] =	vst v63  }
0x96: {  	_ =	swait.ge [sflag:s19], $0x2800  }
0x97: {  	[sflag:s19] =	ssyncset.done $0x0  }
0x98: {  	s1 =	sadd.s32 $0x1400, s31;
	[sflag:s19] =	ssyncadd.s32 $0xFFFFD800  }
0x99: {  	[spmem:s3] =	stream.indirect.scatter.add.f32 [tilespmem:s24], [sflag:$0x3], $0x50, s1, s23, $0xb8;
	[tilespmem:$0x1FF40] =	vst v63  }
0x9a: {  	_ =	swait.ge [sflag:s21], $0x2800  }
0x9b: {  	[sflag:s21] =	ssyncset.done $0x0  }
0x9c: {  	s6 =	sadd.s32 $0x100, s31;
	[sflag:s21] =	ssyncadd.s32 $0xFFFFD800  }
0x9d: {  	[tilespmem:s24], [sflag:$0x1] =	stream.indirect.gather [spmem:s2], $0x50, s6, s23, $0xb8;
	[tilespmem:$0x1FF40] =	vst v63  }
0x9e: {  	_ =	swait.ge [sflag:s20], $0x2800  }
0x9f: {  	[sflag:s20] =	ssyncset.done $0x0  }
0xa0: {  	s8 =	sadd.s32 $0x1480, s31;
	[sflag:s20] =	ssyncadd.s32 $0xFFFFD800  }
0xa1: {  	[spmem:s3] =	stream.indirect.scatter.add.f32 [tilespmem:s25], [sflag:$0x3], $0x50, s8, s23, $0xb8;
	[tilespmem:$0x1FF40] =	vst v63  }
0xa2: {  	_ =	swait.ge [sflag:s21], $0x2800  }
0xa3: {  	[sflag:s21] =	ssyncset.done $0x0  }
0xa4: {  	[sflag:s21] =	ssyncadd.s32 $0xFFFFD800  }
0xa5: {  	[tilespmem:s25], [sflag:$0x2] =	stream.indirect.gather [spmem:s2], $0x50, s26, s23, $0xb8;
	[tilespmem:$0x1FF40] =	vst v63  }
0xa6: {  	_ =	swait.ge [sflag:s19], $0x2800  }
0xa7: {  	[sflag:s19] =	ssyncset.done $0x0  }
0xa8: {  	[sflag:s19] =	ssyncadd.s32 $0xFFFFD800  }
0xa9: {  	[spmem:s3] =	stream.indirect.scatter.add.f32 [tilespmem:s24], [sflag:$0x3], $0x50, s28, s23, $0xb8;
	[tilespmem:$0x1FF40] =	vst v63  }
0xaa: {  	_ =	swait.ge [sflag:s21], $0x2800  }
0xab: {  	[sflag:s21] =	ssyncset.done $0x0  }
0xac: {  	[sflag:s21] =	ssyncadd.s32 $0xFFFFD800  }
0xad: {  	_ =	swait.ge [sflag:s20], $0x2800  }
0xae: {  	[sflag:s20] =	ssyncset.done $0x0  }
0xaf: {  	[sflag:s20] =	ssyncadd.s32 $0xFFFFD800  }
0xb0: {  	[spmem:s3] =	stream.indirect.scatter.add.f32 [tilespmem:s25], [sflag:$0x3], $0x50, s29, s23, $0xb8;
	[tilespmem:$0x1FF40] =	vst v63  }
0xb1: {  	_ =	swait.ge [sflag:s21], $0x2800  }
0xb2: {  	[sflag:s21] =	ssyncset.done $0x0  }
0xb3: {  	[sflag:s21] =	ssyncadd.s32 $0xFFFFD800  }
0xb4: {  	[bflag:$0x0] =	sbarrier.arrive $0xFFFF  }
0xb5: {  	s1 =	rddreg [dreg:$0x5]  }
0xb6: {  	[hbm:s1], [sflag:s7] =	dma.local [spmem:s18], $0x1874  }
0xb7: {  	[spmem:s16], [sflag:s17] =	dma.local [hbm:s9], $0x1874  }
0xb8: {  	_ =	swait.ge [sflag:s19], $0x1874  }
0xb9: {  	[sflag:s19] =	ssyncset.done $0x0  }
0xba: {  	[sflag:s19] =	ssyncadd.s32 $0xFFFFE78C  }
0xbb: {  	[spmem:s18], [sflag:s7] =	dma.local [hbm:s5], $0x1874  }
0xbc: {  	_ =	swait.ge [sflag:s20], $0x1874  }
0xbd: {  	[sflag:s20] =	ssyncset.done $0x0  }
0xbe: {  	[sflag:s20] =	ssyncadd.s32 $0xFFFFE78C  }
0xbf: {  	_ =	swait.ge [sflag:s19], $0x1874  }
0xc0: {  	[sflag:s19] =	ssyncset.done $0x0  }
0xc1: {  	[sflag:s19] =	ssyncadd.s32 $0xFFFFE78C  }
0xc2: {  	s6 =	simm.s32 $0x0;
	[bflag:$0x0] =	sbarrier.arrive $0xFFFF  }
0xc3: {  	[tilespmem:s6], [sflag:$0x3] =	stream.linear.gather [hbm4b:s12+s6], $0x1400, $0x38;
	[tilespmem:$0x1FF40] =	vst v63  }
0xc4: {  	_ =	swait.ge [sflag:s21], $0x1400  }
0xc5: {  	[sflag:s21] =	ssyncset.done $0x0  }
0xc6: {  	[sflag:s21] =	ssyncadd.s32 $0xFFFFEC00  }
0xc7: {  	[tilespmem:s22], [sflag:$0x3] =	stream.linear.gather [hbm4b:s13+s6], $0x1400, $0x38;
	[tilespmem:$0x1FF40] =	vst v63  }
0xc8: {  	_ =	swait.ge [sflag:s21], $0x1400  }
0xc9: {  	[sflag:s21] =	ssyncset.done $0x0  }
0xca: {  	[sflag:s21] =	ssyncadd.s32 $0xFFFFEC00  }
0xcb: {  	[tilespmem:s24], [sflag:$0x1] =	stream.indirect.gather [spmem:s2], $0x50, s6, s23, $0xb8;
	[tilespmem:$0x1FF40] =	vst v63  }
0xcc: {  	s8 =	simm.s32 $0x80  }
0xcd: {  	[tilespmem:s25], [sflag:$0x2] =	stream.indirect.gather [spmem:s2], $0x50, s8, s23, $0xb8;
	[tilespmem:$0x1FF40] =	vst v63  }
0xce: {  	_ =	swait.ge [sflag:s19], $0x2800  }
0xcf: {  	[sflag:s19] =	ssyncset.done $0x0  }
0xd0: {  	s1 =	simm.s32 $0x1400;
	[sflag:s19] =	ssyncadd.s32 $0xFFFFD800  }
0xd1: {  	[spmem:s3] =	stream.indirect.scatter.add.f32 [tilespmem:s24], [sflag:$0x3], $0x50, s1, s23, $0xb8;
	[tilespmem:$0x1FF40] =	vst v63  }
0xd2: {  	_ =	swait.ge [sflag:s21], $0x2800  }
0xd3: {  	[sflag:s21] =	ssyncset.done $0x0  }
0xd4: {  	s6 =	simm.s32 $0x100;
	[sflag:s21] =	ssyncadd.s32 $0xFFFFD800  }
0xd5: {  	[tilespmem:s24], [sflag:$0x1] =	stream.indirect.gather [spmem:s2], $0x50, s6, s23, $0xb8;
	[tilespmem:$0x1FF40] =	vst v63  }
0xd6: {  	_ =	swait.ge [sflag:s20], $0x2800  }
0xd7: {  	[sflag:s20] =	ssyncset.done $0x0  }
0xd8: {  	s8 =	simm.s32 $0x1480;
	[sflag:s20] =	ssyncadd.s32 $0xFFFFD800  }
0xd9: {  	[spmem:s3] =	stream.indirect.scatter.add.f32 [tilespmem:s25], [sflag:$0x3], $0x50, s8, s23, $0xb8;
	[tilespmem:$0x1FF40] =	vst v63  }
0xda: {  	_ =	swait.ge [sflag:s21], $0x2800  }
0xdb: {  	s31 =	simm.s32 $0x100;
	s0 =	simm.s32 $0x800;
	[sflag:s21] =	ssyncset.done $0x0  }
.LBB2_6:
0xdc: {  	s1 =	sadd.s32 $0x80, s31  }
0xdd: {  	[sflag:s21] =	ssyncadd.s32 $0xFFFFD800;
	s6 =	smov.u32 s0;
	s8 =	sadd.s32 $0x400, s0  }
0xde: {  	[tilespmem:s25], [sflag:$0x2] =	stream.indirect.gather [spmem:s2], $0x50, s1, s23, $0xb8;
	[tilespmem:$0x1FF40] =	vst v63  }
0xdf: {  	p0 =	sne.s32 s0, $0x4800;
	_ =	swait.ge [sflag:s19], $0x2800  }
0xe0: {  	[sflag:s19] =	ssyncset.done $0x0  }
0xe1: {  	s0 =	sadd.s32 $0x1400, s31;
	[sflag:s19] =	ssyncadd.s32 $0xFFFFD800  }
0xe2: {  	[spmem:s3] =	stream.indirect.scatter.add.f32 [tilespmem:s24], [sflag:$0x3], $0x50, s0, s23, $0xb8;
	[tilespmem:$0x1FF40] =	vst v63  }
0xe3: {  	_ =	swait.ge [sflag:s21], $0x2800  }
0xe4: {  	[sflag:s21] =	ssyncset.done $0x0  }
0xe5: {  	s0 =	sadd.s32 $0x100, s31;
	[sflag:s21] =	ssyncadd.s32 $0xFFFFD800  }
0xe6: {  	[tilespmem:s24], [sflag:$0x1] =	stream.indirect.gather [spmem:s2], $0x50, s0, s23, $0xb8;
	[tilespmem:$0x1FF40] =	vst v63  }
0xe7: {  	_ =	swait.ge [sflag:s20], $0x2800  }
.Ltmp2:
0xe8: {  	[sflag:s20] =	ssyncset.done $0x0;
	(pc) =	sbr.rel @p0 .LBB2_6-.Ltmp2, $4  }
0xe9: {  	s0 =	sadd.s32 $0x1480, s31;
	[sflag:s20] =	ssyncadd.s32 $0xFFFFD800  }
0xea: {  	[spmem:s3] =	stream.indirect.scatter.add.f32 [tilespmem:s25], [sflag:$0x3], $0x50, s0, s23, $0xb8;
	[tilespmem:$0x1FF40] =	vst v63  }
0xeb: {  	_ =	swait.ge [sflag:s21], $0x2800  }
0xec: {  	s31 =	sshra.s32 s6, $0x2;
	s0 =	smov.u32 s8;
	[sflag:s21] =	ssyncset.done $0x0  }
0xed: {  	s0 =	sadd.s32 $0x80, s31;
	[sflag:s21] =	ssyncadd.s32 $0xFFFFD800  }
0xee: {  	[tilespmem:s25], [sflag:$0x2] =	stream.indirect.gather [spmem:s2], $0x50, s0, s23, $0xb8;
	[tilespmem:$0x1FF40] =	vst v63  }
0xef: {  	_ =	swait.ge [sflag:s19], $0x2800  }
0xf0: {  	[sflag:s19] =	ssyncset.done $0x0  }
0xf1: {  	s6 =	sadd.s32 $0x1400, s31;
	[sflag:s19] =	ssyncadd.s32 $0xFFFFD800  }
0xf2: {  	[spmem:s3] =	stream.indirect.scatter.add.f32 [tilespmem:s24], [sflag:$0x3], $0x50, s6, s23, $0xb8;
	[tilespmem:$0x1FF40] =	vst v63  }
0xf3: {  	_ =	swait.ge [sflag:s21], $0x2800  }
0xf4: {  	[sflag:s21] =	ssyncset.done $0x0  }
0xf5: {  	s8 =	sadd.s32 $0x100, s31;
	[sflag:s21] =	ssyncadd.s32 $0xFFFFD800  }
0xf6: {  	[tilespmem:s24], [sflag:$0x1] =	stream.indirect.gather [spmem:s2], $0x50, s8, s23, $0xb8;
	[tilespmem:$0x1FF40] =	vst v63  }
0xf7: {  	_ =	swait.ge [sflag:s20], $0x2800  }
0xf8: {  	[sflag:s20] =	ssyncset.done $0x0  }
0xf9: {  	s1 =	sadd.s32 $0x1480, s31;
	[sflag:s20] =	ssyncadd.s32 $0xFFFFD800  }
0xfa: {  	[spmem:s3] =	stream.indirect.scatter.add.f32 [tilespmem:s25], [sflag:$0x3], $0x50, s1, s23, $0xb8;
	[tilespmem:$0x1FF40] =	vst v63  }
0xfb: {  	_ =	swait.ge [sflag:s21], $0x2800  }
0xfc: {  	[sflag:s21] =	ssyncset.done $0x0  }
0xfd: {  	[sflag:s21] =	ssyncadd.s32 $0xFFFFD800  }
0xfe: {  	[tilespmem:s25], [sflag:$0x2] =	stream.indirect.gather [spmem:s2], $0x50, s26, s23, $0xb8;
	[tilespmem:$0x1FF40] =	vst v63  }
0xff: {  	_ =	swait.ge [sflag:s19], $0x2800  }
0x100: {  	[sflag:s19] =	ssyncset.done $0x0  }
0x101: {  	[sflag:s19] =	ssyncadd.s32 $0xFFFFD800  }
0x102: {  	[spmem:s3] =	stream.indirect.scatter.add.f32 [tilespmem:s24], [sflag:$0x3], $0x50, s28, s23, $0xb8;
	[tilespmem:$0x1FF40] =	vst v63  }
0x103: {  	_ =	swait.ge [sflag:s21], $0x2800  }
0x104: {  	[sflag:s21] =	ssyncset.done $0x0  }
0x105: {  	[sflag:s21] =	ssyncadd.s32 $0xFFFFD800  }
0x106: {  	_ =	swait.ge [sflag:s20], $0x2800  }
0x107: {  	[sflag:s20] =	ssyncset.done $0x0  }
0x108: {  	[sflag:s20] =	ssyncadd.s32 $0xFFFFD800  }
0x109: {  	[spmem:s3] =	stream.indirect.scatter.add.f32 [tilespmem:s25], [sflag:$0x3], $0x50, s29, s23, $0xb8;
	[tilespmem:$0x1FF40] =	vst v63  }
0x10a: {  	_ =	swait.ge [sflag:s21], $0x2800  }
0x10b: {  	[sflag:s21] =	ssyncset.done $0x0  }
0x10c: {  	s6 =	simm.s32 $0x0;
	[sflag:s21] =	ssyncadd.s32 $0xFFFFD800  }
0x10d: {  	[tilespmem:s6], [sflag:$0x3] =	stream.linear.gather [hbm4b:s14+s6], $0x1400, $0x38;
	[tilespmem:$0x1FF40] =	vst v63  }
0x10e: {  	_ =	swait.ge [sflag:s21], $0x1400  }
0x10f: {  	[sflag:s21] =	ssyncset.done $0x0  }
0x110: {  	[sflag:s21] =	ssyncadd.s32 $0xFFFFEC00  }
0x111: {  	[tilespmem:s22], [sflag:$0x3] =	stream.linear.gather [hbm4b:s15+s6], $0x1400, $0x38;
	[tilespmem:$0x1FF40] =	vst v63  }
0x112: {  	_ =	swait.ge [sflag:s21], $0x1400  }
0x113: {  	[sflag:s21] =	ssyncset.done $0x0  }
0x114: {  	[sflag:s21] =	ssyncadd.s32 $0xFFFFEC00  }
0x115: {  	[tilespmem:s24], [sflag:$0x1] =	stream.indirect.gather [spmem:s2], $0x50, s6, s23, $0xb8;
	[tilespmem:$0x1FF40] =	vst v63  }
0x116: {  	s8 =	simm.s32 $0x80  }
0x117: {  	[tilespmem:s25], [sflag:$0x2] =	stream.indirect.gather [spmem:s2], $0x50, s8, s23, $0xb8;
	[tilespmem:$0x1FF40] =	vst v63  }
0x118: {  	_ =	swait.ge [sflag:s19], $0x2800  }
0x119: {  	[sflag:s19] =	ssyncset.done $0x0  }
0x11a: {  	s1 =	simm.s32 $0x1400;
	[sflag:s19] =	ssyncadd.s32 $0xFFFFD800  }
0x11b: {  	[spmem:s3] =	stream.indirect.scatter.add.f32 [tilespmem:s24], [sflag:$0x3], $0x50, s1, s23, $0xb8;
	[tilespmem:$0x1FF40] =	vst v63  }
0x11c: {  	_ =	swait.ge [sflag:s21], $0x2800  }
0x11d: {  	[sflag:s21] =	ssyncset.done $0x0  }
0x11e: {  	s6 =	simm.s32 $0x100;
	[sflag:s21] =	ssyncadd.s32 $0xFFFFD800  }
0x11f: {  	[tilespmem:s24], [sflag:$0x1] =	stream.indirect.gather [spmem:s2], $0x50, s6, s23, $0xb8;
	[tilespmem:$0x1FF40] =	vst v63  }
0x120: {  	_ =	swait.ge [sflag:s20], $0x2800  }
0x121: {  	[sflag:s20] =	ssyncset.done $0x0  }
0x122: {  	s8 =	simm.s32 $0x1480;
	[sflag:s20] =	ssyncadd.s32 $0xFFFFD800  }
0x123: {  	[spmem:s3] =	stream.indirect.scatter.add.f32 [tilespmem:s25], [sflag:$0x3], $0x50, s8, s23, $0xb8;
	[tilespmem:$0x1FF40] =	vst v63  }
0x124: {  	_ =	swait.ge [sflag:s21], $0x2800  }
0x125: {  	s31 =	simm.s32 $0x100;
	s0 =	simm.s32 $0x800;
	[sflag:s21] =	ssyncset.done $0x0  }
.LBB2_8:
0x126: {  	s1 =	sadd.s32 $0x80, s31  }
0x127: {  	[sflag:s21] =	ssyncadd.s32 $0xFFFFD800;
	s6 =	smov.u32 s0;
	s8 =	sadd.s32 $0x400, s0  }
0x128: {  	[tilespmem:s25], [sflag:$0x2] =	stream.indirect.gather [spmem:s2], $0x50, s1, s23, $0xb8;
	[tilespmem:$0x1FF40] =	vst v63  }
0x129: {  	p0 =	sne.s32 s0, $0x4800;
	_ =	swait.ge [sflag:s19], $0x2800  }
0x12a: {  	[sflag:s19] =	ssyncset.done $0x0  }
0x12b: {  	s0 =	sadd.s32 $0x1400, s31;
	[sflag:s19] =	ssyncadd.s32 $0xFFFFD800  }
0x12c: {  	[spmem:s3] =	stream.indirect.scatter.add.f32 [tilespmem:s24], [sflag:$0x3], $0x50, s0, s23, $0xb8;
	[tilespmem:$0x1FF40] =	vst v63  }
0x12d: {  	_ =	swait.ge [sflag:s21], $0x2800  }
0x12e: {  	[sflag:s21] =	ssyncset.done $0x0  }
0x12f: {  	s0 =	sadd.s32 $0x100, s31;
	[sflag:s21] =	ssyncadd.s32 $0xFFFFD800  }
0x130: {  	[tilespmem:s24], [sflag:$0x1] =	stream.indirect.gather [spmem:s2], $0x50, s0, s23, $0xb8;
	[tilespmem:$0x1FF40] =	vst v63  }
0x131: {  	_ =	swait.ge [sflag:s20], $0x2800  }
.Ltmp3:
0x132: {  	[sflag:s20] =	ssyncset.done $0x0;
	(pc) =	sbr.rel @p0 .LBB2_8-.Ltmp3, $4  }
0x133: {  	s0 =	sadd.s32 $0x1480, s31;
	[sflag:s20] =	ssyncadd.s32 $0xFFFFD800  }
0x134: {  	[spmem:s3] =	stream.indirect.scatter.add.f32 [tilespmem:s25], [sflag:$0x3], $0x50, s0, s23, $0xb8;
	[tilespmem:$0x1FF40] =	vst v63  }
0x135: {  	_ =	swait.ge [sflag:s21], $0x2800  }
0x136: {  	s31 =	sshra.s32 s6, $0x2;
	s0 =	smov.u32 s8;
	[sflag:s21] =	ssyncset.done $0x0  }
0x137: {  	s0 =	sadd.s32 $0x80, s31;
	[sflag:s21] =	ssyncadd.s32 $0xFFFFD800  }
0x138: {  	[tilespmem:s25], [sflag:$0x2] =	stream.indirect.gather [spmem:s2], $0x50, s0, s23, $0xb8;
	[tilespmem:$0x1FF40] =	vst v63  }
0x139: {  	_ =	swait.ge [sflag:s19], $0x2800  }
0x13a: {  	[sflag:s19] =	ssyncset.done $0x0  }
0x13b: {  	s6 =	sadd.s32 $0x1400, s31;
	[sflag:s19] =	ssyncadd.s32 $0xFFFFD800  }
0x13c: {  	[spmem:s3] =	stream.indirect.scatter.add.f32 [tilespmem:s24], [sflag:$0x3], $0x50, s6, s23, $0xb8;
	[tilespmem:$0x1FF40] =	vst v63  }
0x13d: {  	_ =	swait.ge [sflag:s21], $0x2800  }
0x13e: {  	[sflag:s21] =	ssyncset.done $0x0  }
0x13f: {  	s8 =	sadd.s32 $0x100, s31;
	[sflag:s21] =	ssyncadd.s32 $0xFFFFD800  }
0x140: {  	[tilespmem:s24], [sflag:$0x1] =	stream.indirect.gather [spmem:s2], $0x50, s8, s23, $0xb8;
	[tilespmem:$0x1FF40] =	vst v63  }
0x141: {  	_ =	swait.ge [sflag:s20], $0x2800  }
0x142: {  	[sflag:s20] =	ssyncset.done $0x0  }
0x143: {  	s31 =	sadd.s32 $0x1480, s31;
	[sflag:s20] =	ssyncadd.s32 $0xFFFFD800  }
0x144: {  	[spmem:s3] =	stream.indirect.scatter.add.f32 [tilespmem:s25], [sflag:$0x3], $0x50, s31, s23, $0xb8;
	[tilespmem:$0x1FF40] =	vst v63  }
0x145: {  	_ =	swait.ge [sflag:s21], $0x2800  }
0x146: {  	[sflag:s21] =	ssyncset.done $0x0  }
0x147: {  	[sflag:s21] =	ssyncadd.s32 $0xFFFFD800  }
0x148: {  	[tilespmem:s25], [sflag:$0x2] =	stream.indirect.gather [spmem:s2], $0x50, s26, s23, $0xb8;
	[tilespmem:$0x1FF40] =	vst v63  }
0x149: {  	_ =	swait.ge [sflag:s19], $0x2800  }
0x14a: {  	[sflag:s19] =	ssyncset.done $0x0  }
0x14b: {  	[sflag:s19] =	ssyncadd.s32 $0xFFFFD800  }
0x14c: {  	[spmem:s3] =	stream.indirect.scatter.add.f32 [tilespmem:s24], [sflag:$0x3], $0x50, s28, s23, $0xb8;
	[tilespmem:$0x1FF40] =	vst v63  }
0x14d: {  	_ =	swait.ge [sflag:s21], $0x2800  }
0x14e: {  	[sflag:s21] =	ssyncset.done $0x0  }
0x14f: {  	[sflag:s21] =	ssyncadd.s32 $0xFFFFD800  }
0x150: {  	_ =	swait.ge [sflag:s20], $0x2800  }
0x151: {  	[sflag:s20] =	ssyncset.done $0x0  }
0x152: {  	[sflag:s20] =	ssyncadd.s32 $0xFFFFD800  }
0x153: {  	[spmem:s3] =	stream.indirect.scatter.add.f32 [tilespmem:s25], [sflag:$0x3], $0x50, s29, s23, $0xb8;
	[tilespmem:$0x1FF40] =	vst v63  }
0x154: {  	_ =	swait.ge [sflag:s21], $0x2800  }
0x155: {  	s30 =	sadd.s32 $0x1, s30;
	[sflag:s21] =	ssyncset.done $0x0  }
0x156: {  	p0 =	sne.s32 s30, s11;
	[sflag:s21] =	ssyncadd.s32 $0xFFFFD800  }
.Ltmp4:
0x157: {  	[bflag:$0x0] =	sbarrier.arrive $0xFFFF;
	(pc) =	sbr.rel @p0 .LBB2_1-.Ltmp4, $4  }
0x158: {  	[hbm:s10], [sflag:s7] =	dma.local [spmem:s18], $0x1874  }
0x159: {  	_ =	swait.ge [sflag:s19], $0x1874  }
0x15a: {  	[sflag:s19] =	ssyncset.done $0x0  }
0x15b: {  	[sflag:s19] =	ssyncadd.s32 $0xFFFFE78C  }
0x15c: {  	_ =	sfence.sel $0x180000  }
0x15d: {  	[bflag:$0x0] =	sbarrier.arrive $0xFFFF  }
0x15e: {  	_ =	strace $0x90000050  }
0x15f: {  	s0 =	stileid.u32;
	[bflag:$0x2] =	sbarrier.arrive $0xFFFF  }
0x160: {  	p0 =	sne.s32 s0, $0x0;
	s0 =	rddreg [dreg:$0x3]  }
0x161: {  	s0 =	sadd.s32 @!p0 $0x100000, s0  }
0x162: {  	[sflag:s0] =	ssyncadd.tile.s32 @!p0 $0x1;
	_ =	shalt  }
.Lfunc_end2:
_tile_overlayer_lowered:
.L_overlay_start_2:
0x163: {  	(tag) =	ssettag $0x2  }
0x164: {  	s0 =	rddreg [dreg:$0x0];
	s2 =	stileid.u32  }
0x165: {  	s1 =	rddreg [dreg:$0x1];
	p0 =	sne.s32 s2, $0x0  }
0x166: {  	s3 =	rddreg [dreg:$0x2];
	[bflag:$0x3] =	sbarrier.arrive $0xFFFF;
	s2 =	simm.s32 @!p0 $0x1C03  }
0x167: {  	[timem:s3], [sflag:s2] =	dma.local @!p0 [hbm:s0], s1  }
0x168: {  	s0 =	simm.s32 @!p0 $0x3  }
0x169: {  	_ =	swait.ge @!p0 [sflag:s0], s1  }
0x16a: {  	s1 =	ssub.s32 @!p0 $0x0, s1;
	[sflag:s0] =	ssyncset.done @!p0 $0x0  }
0x16b: {  	[sflag:s0] =	ssyncadd.s32 @!p0 s1  }
0x16c: {  	[bflag:$0x3] =	sbarrier.arrive $0xFFFF  }
0x16d: {  	_ =	shalt  }

</sc_bundles>
